<compile_context>
chip_gen: v7x
topology: tpu7x:2x2x1
jax: 0.10.2.dev20260603
libtpu: 0.0.44.dev20260713+nightly
codegen_flags: <defaults>
</compile_context>

<pallas_src>
import functools

import jax
import jax.numpy as jnp
from jax import lax
from jax.experimental import pallas as pl
from jax.experimental.pallas import tpu as pltpu
from jax.experimental.pallas import tpu_sc as plsc

N_NODES = 10000
NP = 10240
E = 160000
NC, NS = 2, 16
NW = NC * NS
E_PAD = 163840
PER_W = E_PAD // NW
CHUNK = 128
NCHUNK = PER_W // CHUNK
H = 32
DP = 128
ZROWS = NP // NS


@functools.cache
def _sc_kernels():
    mesh = plsc.VectorSubcoreMesh(core_axis_name="c", subcore_axis_name="s",
                                  num_cores=NC)

    @functools.partial(
        pl.kernel, mesh=mesh,
        out_type=jax.ShapeDtypeStruct((E_PAD, DP), jnp.float32),
        scratch_types=[pltpu.VMEM((NCHUNK, CHUNK), jnp.int32),
                       pltpu.VMEM((CHUNK, DP), jnp.float32),
                       pltpu.VMEM((CHUNK, DP), jnp.float32),
                       pltpu.VMEM_SHARED((NP, DP), jnp.float32),
                       pltpu.SemaphoreType.DMA,
                       pltpu.SemaphoreType.DMA],
    )
    def gather1(h_hbm, src_hbm, xs_hbm, idx_v, rows0, rows1, htab, sem0, sem1):
        wid = lax.axis_index("s") * NC + lax.axis_index("c")
        s = lax.axis_index("s")
        base = wid * PER_W
        pltpu.sync_copy(h_hbm.at[pl.ds(s * ZROWS, ZROWS)],
                        htab.at[pl.ds(s * ZROWS, ZROWS)])
        pltpu.sync_copy(src_hbm.at[pl.ds(wid * NCHUNK, NCHUNK)], idx_v)
        plsc.subcore_barrier()
        bufs = ((rows0, sem0), (rows1, sem1))

        def fire(j, b):
            rows, sem = bufs[b]
            pltpu.async_copy(htab.at[idx_v.at[j]], rows, sem)

        def drain_wb(j, b):
            rows, sem = bufs[b]
            pltpu.make_async_copy(htab.at[idx_v.at[j]], rows, sem).wait()
            pltpu.sync_copy(rows, xs_hbm.at[pl.ds(base + j * CHUNK, CHUNK)])

        fire(0, 0)
        fire(1, 1)

        def body(g, carry):
            j = 2 * g
            drain_wb(j, 0)
            fire(j + 2, 0)
            drain_wb(j + 1, 1)
            fire(j + 3, 1)
            return carry

        lax.fori_loop(0, NCHUNK // 2 - 1, body, 0)
        drain_wb(NCHUNK - 2, 0)
        drain_wb(NCHUNK - 1, 1)

    @functools.partial(
        pl.kernel, mesh=mesh,
        out_type=jax.ShapeDtypeStruct((NC, NP, DP), jnp.float32),
        scratch_types=[pltpu.VMEM((NCHUNK, CHUNK), jnp.int32),
                       pltpu.VMEM((CHUNK, DP), jnp.float32),
                       pltpu.VMEM((CHUNK, DP), jnp.float32),
                       pltpu.VMEM_SHARED((NP, DP), jnp.float32),
                       pltpu.SemaphoreType.DMA,
                       pltpu.SemaphoreType.DMA],
    )
    def scatter(m_hbm, dst_hbm, z_hbm, out_hbm, idx_v, rows0, rows1, acc,
                sem0, sem1):
        c = lax.axis_index("c")
        s = lax.axis_index("s")
        wid = s * NC + c
        base = wid * PER_W
        pltpu.sync_copy(dst_hbm.at[pl.ds(wid * NCHUNK, NCHUNK)], idx_v)
        pltpu.sync_copy(z_hbm, acc.at[pl.ds(s * ZROWS, ZROWS)])
        plsc.subcore_barrier()
        bufs = ((rows0, sem0), (rows1, sem1))

        def fire(j, b):
            rows, sem = bufs[b]
            pltpu.async_copy(m_hbm.at[pl.ds(base + j * CHUNK, CHUNK)], rows,
                             sem)

        def drain_add(j, b):
            rows, sem = bufs[b]
            pltpu.make_async_copy(
                m_hbm.at[pl.ds(base + j * CHUNK, CHUNK)], rows, sem).wait()
            pltpu.sync_copy(rows, acc.at[idx_v.at[j]], add=True)

        fire(0, 0)
        fire(1, 1)

        def body(g, carry):
            j = 2 * g
            drain_add(j, 0)
            fire(j + 2, 0)
            drain_add(j + 1, 1)
            fire(j + 3, 1)
            return carry

        lax.fori_loop(0, NCHUNK // 2 - 1, body, 0)
        drain_add(NCHUNK - 2, 0)
        drain_add(NCHUNK - 1, 1)
        plsc.subcore_barrier()
        pltpu.sync_copy(acc.at[pl.ds(s * ZROWS, ZROWS)],
                        out_hbm.at[c, pl.ds(s * ZROWS, ZROWS)])

    return gather1, scatter



def _embed_body(pos_ref, w_ref, b_ref, o_ref):
    h = (jnp.dot(pos_ref[...], w_ref[...],
                 preferred_element_type=jnp.float32) + b_ref[...])
    o_ref[...] = jnp.pad(h, ((0, 0), (0, DP - H)))


def _embed(pos_p, W_emb, b_emb):
    bn = 2048
    return pl.pallas_call(
        _embed_body,
        grid=(NP // bn,),
        in_specs=[pl.BlockSpec((bn, 128), lambda i: (i, 0)),
                  pl.BlockSpec((128, H), lambda i: (0, 0)),
                  pl.BlockSpec((1, H), lambda i: (0, 0))],
        out_specs=pl.BlockSpec((bn, DP), lambda i: (i, 0)),
        out_shape=jax.ShapeDtypeStruct((NP, DP), jnp.float32),
    )(pos_p, W_emb, b_emb.reshape(1, H))


def _edgefeat_body(xs_ref, xd_ref, wt_ref, bt_ref, wp_ref, bp_ref,
                   we1_ref, be1_ref, aT_ref):
    xs = xs_ref[:, :H]
    xd = xd_ref[:, :H]
    he = jnp.dot(xd - xs, wt_ref[...], preferred_element_type=jnp.float32)
    he = he + jnp.dot(xs, wp_ref[...], preferred_element_type=jnp.float32)
    he = jnp.maximum(he + bt_ref[...] + bp_ref[...], 0.0)
    a = jnp.maximum(jnp.dot(he, we1_ref[...],
                            preferred_element_type=jnp.float32) + be1_ref[...],
                    0.0)
    aT_ref[...] = a.T.astype(jnp.bfloat16)


def _edgefeat(xs, xd, W_theta, b_theta, W_phi, b_phi, W_e1, b_e1):
    be = 2048
    return pl.pallas_call(
        _edgefeat_body,
        grid=(E_PAD // be,),
        in_specs=[pl.BlockSpec((be, DP), lambda i: (i, 0)),
                  pl.BlockSpec((be, DP), lambda i: (i, 0)),
                  pl.BlockSpec((H, H), lambda i: (0, 0)),
                  pl.BlockSpec((1, H), lambda i: (0, 0)),
                  pl.BlockSpec((H, H), lambda i: (0, 0)),
                  pl.BlockSpec((1, H), lambda i: (0, 0)),
                  pl.BlockSpec((H, 64), lambda i: (0, 0)),
                  pl.BlockSpec((1, 64), lambda i: (0, 0))],
        out_specs=pl.BlockSpec((64, be), lambda i: (0, i)),
        out_shape=jax.ShapeDtypeStruct((64, E_PAD), jnp.bfloat16),
    )(xs, xd, W_theta, b_theta.reshape(1, H), W_phi, b_phi.reshape(1, H),
      W_e1, b_e1.reshape(1, 64))


def _edgemsg_body(xs_ref, xd_ref, wt_ref, bt_ref, wp_ref, bp_ref,
                  we1_ref, be1_ref, w2T_ref, b2_ref, aT_ref, m_ref):
    be = xs_ref.shape[0]
    xs = xs_ref[:, :H]
    xd = xd_ref[:, :H]
    he = jnp.dot(xd - xs, wt_ref[...], preferred_element_type=jnp.float32)
    he = he + jnp.dot(xs, wp_ref[...], preferred_element_type=jnp.float32)
    he = jnp.maximum(he + bt_ref[...] + bp_ref[...], 0.0)
    a = jnp.maximum(jnp.dot(he, we1_ref[...],
                            preferred_element_type=jnp.float32) + be1_ref[...],
                    0.0)
    aTb = a.T.astype(jnp.bfloat16)
    aT_ref[...] = aTb
    weT = jnp.dot(w2T_ref[...], aTb,
                  preferred_element_type=jnp.float32) + b2_ref[...]
    weT = weT.astype(jnp.bfloat16).astype(jnp.float32)
    xT = xs.T.astype(jnp.bfloat16).astype(jnp.float32)
    v = weT.reshape(H, H, be) * xT[None, :, :]
    mT = v.sum(axis=1)
    m_ref[...] = jnp.pad(mT.T, ((0, 0), (0, DP - H)))


def _edgemsg(xs, xd, W_theta, b_theta, W_phi, b_phi, W_e1, b_e1, W_e2T,
             b_e2col):
    be = 1024
    return pl.pallas_call(
        _edgemsg_body,
        grid=(E_PAD // be,),
        in_specs=[pl.BlockSpec((be, DP), lambda i: (i, 0)),
                  pl.BlockSpec((be, DP), lambda i: (i, 0)),
                  pl.BlockSpec((H, H), lambda i: (0, 0)),
                  pl.BlockSpec((1, H), lambda i: (0, 0)),
                  pl.BlockSpec((H, H), lambda i: (0, 0)),
                  pl.BlockSpec((1, H), lambda i: (0, 0)),
                  pl.BlockSpec((H, 64), lambda i: (0, 0)),
                  pl.BlockSpec((1, 64), lambda i: (0, 0)),
                  pl.BlockSpec((H * H, 64), lambda i: (0, 0)),
                  pl.BlockSpec((H * H, 1), lambda i: (0, 0))],
        out_specs=[pl.BlockSpec((64, be), lambda i: (0, i)),
                   pl.BlockSpec((be, DP), lambda i: (i, 0))],
        out_shape=[jax.ShapeDtypeStruct((64, E_PAD), jnp.bfloat16),
                   jax.ShapeDtypeStruct((E_PAD, DP), jnp.float32)],
    )(xs, xd, W_theta, b_theta.reshape(1, H), W_phi, b_phi.reshape(1, H),
      W_e1, b_e1.reshape(1, 64), W_e2T, b_e2col)


def _msg_body(aT_ref, xs_ref, w2T_ref, b2_ref, m_ref):
    be = xs_ref.shape[0]
    weT = jnp.dot(w2T_ref[...], aT_ref[...],
                  preferred_element_type=jnp.float32) + b2_ref[...]
    weT = weT.astype(jnp.bfloat16).astype(jnp.float32)
    xT = xs_ref[:, :H].T
    xT = xT.astype(jnp.bfloat16).astype(jnp.float32)
    v = weT.reshape(H, H, be) * xT[None, :, :]
    mT = v.sum(axis=1)
    m_ref[...] = jnp.pad(mT.T, ((0, 0), (0, DP - H)))


def _msg(aT, xs, W_e2T, b_e2col):
    be = 1024
    return pl.pallas_call(
        _msg_body,
        grid=(E_PAD // be,),
        in_specs=[pl.BlockSpec((64, be), lambda i: (0, i)),
                  pl.BlockSpec((be, DP), lambda i: (i, 0)),
                  pl.BlockSpec((H * H, 64), lambda i: (0, 0)),
                  pl.BlockSpec((H * H, 1), lambda i: (0, 0))],
        out_specs=pl.BlockSpec((be, DP), lambda i: (i, 0)),
        out_shape=jax.ShapeDtypeStruct((E_PAD, DP), jnp.float32),
    )(aT, xs, W_e2T, b_e2col)


def _gru_body(p0_ref, p1_ref, h_ref, wih_ref, bih_ref, whh_ref, bhh_ref,
              ho_ref):
    m = p0_ref[:, :H] + p1_ref[:, :H]
    gi = jnp.dot(m, wih_ref[...], preferred_element_type=jnp.float32) \
        + bih_ref[...]
    h = h_ref[:, :H]
    gh = jnp.dot(h, whh_ref[...], preferred_element_type=jnp.float32) \
        + bhh_ref[...]
    r = jax.nn.sigmoid(gi[:, :H] + gh[:, :H])
    z = jax.nn.sigmoid(gi[:, H:2 * H] + gh[:, H:2 * H])
    n = jnp.tanh(gi[:, 2 * H:] + r * gh[:, 2 * H:])
    hn = (1.0 - z) * n + z * h
    ho_ref[...] = jnp.pad(hn, ((0, 0), (0, DP - H)))


def _gru(parts, h, W_ih, b_ih, W_hh, b_hh):
    bn = 2048
    return pl.pallas_call(
        _gru_body,
        grid=(NP // bn,),
        in_specs=[pl.BlockSpec((bn, DP), lambda i: (i, 0)),
                  pl.BlockSpec((bn, DP), lambda i: (i, 0)),
                  pl.BlockSpec((bn, DP), lambda i: (i, 0)),
                  pl.BlockSpec((H, 3 * H), lambda i: (0, 0)),
                  pl.BlockSpec((1, 3 * H), lambda i: (0, 0)),
                  pl.BlockSpec((H, 3 * H), lambda i: (0, 0)),
                  pl.BlockSpec((1, 3 * H), lambda i: (0, 0))],
        out_specs=pl.BlockSpec((bn, DP), lambda i: (i, 0)),
        out_shape=jax.ShapeDtypeStruct((NP, DP), jnp.float32),
    )(parts[0], parts[1], h, W_ih, b_ih.reshape(1, 3 * H),
      W_hh, b_hh.reshape(1, 3 * H))


def _gru_proj_body(p0_ref, p1_ref, h_ref, wih_ref, bih_ref, whh_ref,
                   bhh_ref, wout_ref, bout_ref, o_ref):
    m = p0_ref[:, :H] + p1_ref[:, :H]
    gi = jnp.dot(m, wih_ref[...], preferred_element_type=jnp.float32) \
        + bih_ref[...]
    h = h_ref[:, :H]
    gh = jnp.dot(h, whh_ref[...], preferred_element_type=jnp.float32) \
        + bhh_ref[...]
    r = jax.nn.sigmoid(gi[:, :H] + gh[:, :H])
    z = jax.nn.sigmoid(gi[:, H:2 * H] + gh[:, H:2 * H])
    n = jnp.tanh(gi[:, 2 * H:] + r * gh[:, 2 * H:])
    hn = (1.0 - z) * n + z * h
    o_ref[...] = (jnp.dot(hn, wout_ref[...],
                          preferred_element_type=jnp.float32) + bout_ref[...])


def _gru_proj(parts, h, W_ih, b_ih, W_hh, b_hh, W_out, b_out):
    bn = 2048
    return pl.pallas_call(
        _gru_proj_body,
        grid=(NP // bn,),
        in_specs=[pl.BlockSpec((bn, DP), lambda i: (i, 0)),
                  pl.BlockSpec((bn, DP), lambda i: (i, 0)),
                  pl.BlockSpec((bn, DP), lambda i: (i, 0)),
                  pl.BlockSpec((H, 3 * H), lambda i: (0, 0)),
                  pl.BlockSpec((1, 3 * H), lambda i: (0, 0)),
                  pl.BlockSpec((H, 3 * H), lambda i: (0, 0)),
                  pl.BlockSpec((1, 3 * H), lambda i: (0, 0)),
                  pl.BlockSpec((H, H), lambda i: (0, 0)),
                  pl.BlockSpec((1, H), lambda i: (0, 0))],
        out_specs=pl.BlockSpec((bn, H), lambda i: (i, 0)),
        out_shape=jax.ShapeDtypeStruct((NP, H), jnp.float32),
    )(parts[0], parts[1], h, W_ih, b_ih.reshape(1, 3 * H),
      W_hh, b_hh.reshape(1, 3 * H), W_out, b_out.reshape(1, H))


def _proj_body(h_ref, w_ref, b_ref, o_ref):
    o_ref[...] = (jnp.dot(h_ref[:, :H], w_ref[...],
                          preferred_element_type=jnp.float32) + b_ref[...])


def _proj(h, W_out, b_out):
    bn = 2048
    return pl.pallas_call(
        _proj_body,
        grid=(NP // bn,),
        in_specs=[pl.BlockSpec((bn, DP), lambda i: (i, 0)),
                  pl.BlockSpec((H, H), lambda i: (0, 0)),
                  pl.BlockSpec((1, H), lambda i: (0, 0))],
        out_specs=pl.BlockSpec((bn, H), lambda i: (i, 0)),
        out_shape=jax.ShapeDtypeStruct((NP, H), jnp.float32),
    )(h, W_out, b_out.reshape(1, H))



def kernel(pos, edge_index, W_emb, b_emb, W_theta, b_theta, W_phi, b_phi,
           W_e1, b_e1, W_e2, b_e2, W_ih, b_ih, W_hh, b_hh, W_out, b_out):
    src = edge_index[0]
    dst = edge_index[1]
    pad = E_PAD - E
    src_p = jnp.concatenate([src, jnp.zeros((pad,), jnp.int32)])
    dst_p = jnp.concatenate([dst, jnp.full((pad,), N_NODES, jnp.int32)])
    src_2d = src_p.reshape(E_PAD // CHUNK, CHUNK)
    dst_2d = dst_p.reshape(E_PAD // CHUNK, CHUNK)
    pos_p = jnp.concatenate(
        [pos, jnp.zeros((NP - N_NODES, pos.shape[1]), jnp.float32)])
    W_e2T = W_e2.T.astype(jnp.bfloat16)
    b_e2col = b_e2.reshape(H * H, 1)
    zstripe = jnp.zeros((ZROWS, DP), jnp.float32)

    sc_gather1, sc_scatter = _sc_kernels()

    h = _embed(pos_p, W_emb, b_emb)
    xs = sc_gather1(h, src_2d)
    xd = sc_gather1(h, dst_2d)
    aT, m_e = _edgemsg(xs, xd, W_theta, b_theta, W_phi, b_phi, W_e1, b_e1,
                       W_e2T, b_e2col)

    for step in range(3):
        if step > 0:
            xs = sc_gather1(h, src_2d)
            m_e = _msg(aT, xs, W_e2T, b_e2col)
        parts = sc_scatter(m_e, dst_2d, zstripe)
        if step < 2:
            h = _gru(parts, h, W_ih, b_ih, W_hh, b_hh)

    return _gru_proj(parts, h, W_ih, b_ih, W_hh, b_hh,
                     W_out, b_out)[:N_NODES]

# --- scband reference (transcript-rebuilt; emitter-appended) ---
"""Pipeline reference for scband-gnn-gru-83519934038653 (READ-ONLY COPY).

The authoritative reference and input builder live on the scoring server;
editing this copy changes nothing except your own understanding.
"""

import jax, jax.numpy as jnp
import numpy as np

N = 10000
E = 160000
IN_DIM = 128
H = 32
OUT = 32


def setup_inputs(seed: int = 0) -> dict:
    key = jax.random.key(seed)
    ks = jax.random.split(key, 20)

    def w(k, shape, fan_in):
        return (jax.random.normal(k, shape, dtype=jnp.float32) / np.sqrt(fan_in)).astype(jnp.float32)

    inp = {}
    inp['pos'] = jax.random.normal(ks[0], (N, IN_DIM), dtype=jnp.float32)
    inp['edge_index'] = jax.random.randint(ks[1], (2, E), 0, N, dtype=jnp.int32)
    # node embedding: Linear(in_dim, hidden)
    inp['W_emb'] = w(ks[2], (IN_DIM, H), IN_DIM)
    inp['b_emb'] = jnp.zeros((H,), dtype=jnp.float32)
    # EdgeConv-style edge embedding: relu(theta(h_dst - h_src) + phi(h_src))
    inp['W_theta'] = w(ks[3], (H, H), H)
    inp['b_theta'] = jnp.zeros((H,), dtype=jnp.float32)
    inp['W_phi'] = w(ks[4], (H, H), H)
    inp['b_phi'] = jnp.zeros((H,), dtype=jnp.float32)
    # edge_func: Linear(H,64) -> ReLU -> Linear(64, H*H)
    inp['W_e1'] = w(ks[5], (H, 64), H)
    inp['b_e1'] = jnp.zeros((64,), dtype=jnp.float32)
    inp['W_e2'] = w(ks[6], (64, H * H), 64)
    inp['b_e2'] = jnp.zeros((H * H,), dtype=jnp.float32)
    # GRU cell weights (3 gates: r, z, n)
    inp['W_ih'] = w(ks[7], (H, 3 * H), H)
    inp['b_ih'] = jnp.zeros((3 * H,), dtype=jnp.float32)
    inp['W_hh'] = w(ks[8], (H, 3 * H), H)
    inp['b_hh'] = jnp.zeros((3 * H,), dtype=jnp.float32)
    # output projection hidden -> out
    inp['W_out'] = w(ks[9], (H, OUT), H)
    inp['b_out'] = jnp.zeros((OUT,), dtype=jnp.float32)
    return inp


def reference(pos, edge_index, W_emb, b_emb, W_theta, b_theta, W_phi, b_phi,
              W_e1, b_e1, W_e2, b_e2, W_ih, b_ih, W_hh, b_hh, W_out, b_out):
    n_nodes = pos.shape[0]
    src = edge_index[0]
    dst = edge_index[1]

    # node embedding
    h = pos @ W_emb + b_emb

    # edge embedding (EdgeConv-style, per-edge features)
    h_src = h[src]
    h_dst = h[dst]
    he = jax.nn.relu((h_dst - h_src) @ W_theta + b_theta + h_src @ W_phi + b_phi)

    # edge-conditioned weight matrices (NNConv / MPNN edge network)
    We = jax.nn.relu(he @ W_e1 + b_e1) @ W_e2 + b_e2
    We = We.reshape(-1, H, H)

    # 3 gated (GRU) message-passing steps
    for _ in range(3):
        m_e = jnp.einsum('eoi,ei->eo', We, h[src])
        m = jax.ops.segment_sum(m_e, dst, num_segments=n_nodes)
        gi = m @ W_ih + b_ih
        gh = h @ W_hh + b_hh
        i_r, i_z, i_n = jnp.split(gi, 3, axis=-1)
        h_r, h_z, h_n = jnp.split(gh, 3, axis=-1)
        r = jax.nn.sigmoid(i_r + h_r)
        z = jax.nn.sigmoid(i_z + h_z)
        n = jnp.tanh(i_n + r * h_n)
        h = (1.0 - z) * n + z * h

    # output projection (dropout omitted: eval mode)
    out = h @ W_out + b_out
    return out

if __name__ == "__main__":
    import jax
    _d = setup_inputs()
    print(jax.jit(kernel)(*tuple(_d.values())))

</pallas_src>

<mosaic_0001>
#map = affine_map<(d0, d1) -> (0, 0)>
module attributes {stable_mosaic.version = 14 : i64} {
  func.func @gather1(%arg0: i32, %arg1: i32, %arg2: memref<10240x128xf32, #tpu.memory_space<hbm>>, %arg3: memref<1280x128xi32, #tpu.memory_space<hbm>>, %arg4: memref<163840x128xf32, #tpu.memory_space<hbm>>, %arg5: memref<40x128xi32, #tpu.memory_space<vmem>>, %arg6: memref<128x128xf32, #tpu.memory_space<vmem>>, %arg7: memref<128x128xf32, #tpu.memory_space<vmem>>, %arg8: memref<10240x128xf32, #tpu.memory_space<vmem_shared>>, %arg9: memref<!tpu.dma_semaphore, #tpu.memory_space<semaphore_mem>>, %arg10: memref<!tpu.dma_semaphore, #tpu.memory_space<semaphore_mem>>) attributes {dimension_semantics = [#tpu.dimension_semantics<core_parallel>, #tpu.dimension_semantics<subcore_parallel>], iteration_bounds = array<i64: 2, 16>, scalar_prefetch = 0 : i64, scratch_operands = 6 : i64, tpu.core_type = #tpu.core_type<sc_vector_subcore>, window_params = [{transform_indices = #map}, {transform_indices = #map}, {transform_indices = #map}]} {
    %mul3A = arith.constant 2 : i32
    %mul3A_0 = arith.muli %arg1, %mul3A : i32
    %add3A = arith.addi %mul3A_0, %arg0 : i32
    %mul3A_1 = arith.constant 5120 : i32
    %mul3A_2 = arith.muli %add3A, %mul3A_1 : i32
    %mul3A_3 = arith.constant 640 : i32
    %mul3A_4 = arith.muli %arg1, %mul3A_3 : i32
    %mul3A_5 = arith.constant 640 : i32
    %mul3A_6 = arith.muli %arg1, %mul3A_5 : i32
    "tpu.region"() ({
      %run_scoped3A = tpu.sem_alloc : memref<!tpu.dma_semaphore, #tpu.memory_space<semaphore_mem>>
      %dma_start3A_44 = arith.constant 0 : i32
      %dma_start3A_45 = tpu.memref_slice %arg8[%mul3A_6, %dma_start3A_44] : memref<10240x128xf32, #tpu.memory_space<vmem_shared>> -> memref<640x128xf32, #tpu.memory_space<vmem_shared>>
      %dma_start3A_46 = arith.constant 0 : i32
      %dma_start3A_47 = tpu.memref_slice %arg2[%mul3A_4, %dma_start3A_46] : memref<10240x128xf32, #tpu.memory_space<hbm>> -> memref<640x128xf32, #tpu.memory_space<hbm>>
      tpu.enqueue_dma source(%dma_start3A_47 : memref<640x128xf32, #tpu.memory_space<hbm>>) target(%dma_start3A_45 : memref<640x128xf32, #tpu.memory_space<vmem_shared>>) target_semaphore(%run_scoped3A : memref<!tpu.dma_semaphore, #tpu.memory_space<semaphore_mem>>)
      %dma_wait3A_48 = arith.constant 0 : i32
      %dma_wait3A_49 = tpu.memref_slice %arg8[%mul3A_6, %dma_wait3A_48] : memref<10240x128xf32, #tpu.memory_space<vmem_shared>> -> memref<640x128xf32, #tpu.memory_space<vmem_shared>>
      %dma_wait3A_50 = arith.constant 0 : i32
      %dma_wait3A_51 = tpu.memref_slice %arg2[%mul3A_4, %dma_wait3A_50] : memref<10240x128xf32, #tpu.memory_space<hbm>> -> memref<640x128xf32, #tpu.memory_space<hbm>>
      tpu.wait_dma2 semaphore(%run_scoped3A : memref<!tpu.dma_semaphore, #tpu.memory_space<semaphore_mem>>) src(%dma_wait3A_51 : memref<640x128xf32, #tpu.memory_space<hbm>>) dst(%dma_wait3A_49 : memref<640x128xf32, #tpu.memory_space<vmem_shared>>)
      tpu.yield
    }) : () -> ()
    %mul3A_7 = arith.constant 40 : i32
    %mul3A_8 = arith.muli %add3A, %mul3A_7 : i32
    "tpu.region"() ({
      %run_scoped3A = tpu.sem_alloc : memref<!tpu.dma_semaphore, #tpu.memory_space<semaphore_mem>>
      %dma_start3A_44 = arith.constant 0 : i32
      %dma_start3A_45 = tpu.memref_slice %arg3[%mul3A_8, %dma_start3A_44] : memref<1280x128xi32, #tpu.memory_space<hbm>> -> memref<40x128xi32, #tpu.memory_space<hbm>>
      %dma_start3A_46 = arith.constant 0 : i32
      %dma_start3A_47 = tpu.memref_slice %arg3[%mul3A_8, %dma_start3A_46] : memref<1280x128xi32, #tpu.memory_space<hbm>> -> memref<40x128xi32, #tpu.memory_space<hbm>>
      tpu.enqueue_dma source(%dma_start3A_47 : memref<40x128xi32, #tpu.memory_space<hbm>>) target(%arg5 : memref<40x128xi32, #tpu.memory_space<vmem>>) target_semaphore(%run_scoped3A : memref<!tpu.dma_semaphore, #tpu.memory_space<semaphore_mem>>)
      %dma_wait3A_48 = arith.constant 0 : i32
      %dma_wait3A_49 = tpu.memref_slice %arg3[%mul3A_8, %dma_wait3A_48] : memref<1280x128xi32, #tpu.memory_space<hbm>> -> memref<40x128xi32, #tpu.memory_space<hbm>>
      %dma_wait3A_50 = arith.constant 0 : i32
      %dma_wait3A_51 = tpu.memref_slice %arg3[%mul3A_8, %dma_wait3A_50] : memref<1280x128xi32, #tpu.memory_space<hbm>> -> memref<40x128xi32, #tpu.memory_space<hbm>>
      tpu.wait_dma2 semaphore(%run_scoped3A : memref<!tpu.dma_semaphore, #tpu.memory_space<semaphore_mem>>) src(%dma_wait3A_51 : memref<40x128xi32, #tpu.memory_space<hbm>>) dst(%arg5 : memref<40x128xi32, #tpu.memory_space<vmem>>)
      tpu.yield
    }) : () -> ()
    %barrier3A = arith.constant 0 : index
    tpu.barrier barrier_id(%barrier3A)
    %dma_start3A = arith.constant 0 : i32
    %dma_start3A_9 = arith.constant 0 : i32
    %dma_start3A_10 = tpu.memref_slice %arg5[%dma_start3A, %dma_start3A_9] : memref<40x128xi32, #tpu.memory_space<vmem>> -> memref<1x128xi32, #tpu.memory_space<vmem>>
    %dma_start3A_11 = tpu.memref_squeeze %dma_start3A_10 : memref<1x128xi32, #tpu.memory_space<vmem>> -> memref<128xi32, #tpu.memory_space<vmem>>
    %dma_start3A_12 = arith.constant 0 : i32
    %dma_start3A_13 = arith.constant 0 : i32
    %dma_start3A_14 = tpu.memref_slice %arg8[%dma_start3A_12, %dma_start3A_13] : memref<10240x128xf32, #tpu.memory_space<vmem_shared>> -> memref<10240x128xf32, #tpu.memory_space<vmem_shared>>
    tpu.enqueue_indirect_dma source(%dma_start3A_14 : memref<10240x128xf32, #tpu.memory_space<vmem_shared>>) target(%arg6 : memref<128x128xf32, #tpu.memory_space<vmem>>) offsets(%dma_start3A_11 : memref<128xi32, #tpu.memory_space<vmem>>) semaphore(%arg9 : memref<!tpu.dma_semaphore, #tpu.memory_space<semaphore_mem>>)
    %dma_start3A_15 = arith.constant 1 : i32
    %dma_start3A_16 = arith.constant 0 : i32
    %dma_start3A_17 = tpu.memref_slice %arg5[%dma_start3A_15, %dma_start3A_16] : memref<40x128xi32, #tpu.memory_space<vmem>> -> memref<1x128xi32, #tpu.memory_space<vmem>>
    %dma_start3A_18 = tpu.memref_squeeze %dma_start3A_17 : memref<1x128xi32, #tpu.memory_space<vmem>> -> memref<128xi32, #tpu.memory_space<vmem>>
    %dma_start3A_19 = arith.constant 0 : i32
    %dma_start3A_20 = arith.constant 0 : i32
    %dma_start3A_21 = tpu.memref_slice %arg8[%dma_start3A_19, %dma_start3A_20] : memref<10240x128xf32, #tpu.memory_space<vmem_shared>> -> memref<10240x128xf32, #tpu.memory_space<vmem_shared>>
    tpu.enqueue_indirect_dma source(%dma_start3A_21 : memref<10240x128xf32, #tpu.memory_space<vmem_shared>>) target(%arg7 : memref<128x128xf32, #tpu.memory_space<vmem>>) offsets(%dma_start3A_18 : memref<128xi32, #tpu.memory_space<vmem>>) semaphore(%arg10 : memref<!tpu.dma_semaphore, #tpu.memory_space<semaphore_mem>>)
    %scan3A = arith.constant 0 : i32
    %scan3A_22 = arith.constant 0 : i32
    %scan3A_23 = arith.constant 19 : i32
    %scan3A_24 = arith.addi %scan3A_22, %scan3A_23 : i32
    %scan3A_25 = arith.constant 1 : i32
    scf.for %scan3A_44 = %scan3A_22 to %scan3A_24 step %scan3A_25  : i32 {
      %mul3A_45 = arith.constant 2 : i32
      %mul3A_46 = arith.muli %mul3A_45, %scan3A_44 : i32
      %dma_wait3A_47 = arith.constant 0 : i32
      %dma_wait3A_48 = tpu.memref_slice %arg5[%mul3A_46, %dma_wait3A_47] : memref<40x128xi32, #tpu.memory_space<vmem>> -> memref<1x128xi32, #tpu.memory_space<vmem>>
      %dma_wait3A_49 = tpu.memref_squeeze %dma_wait3A_48 : memref<1x128xi32, #tpu.memory_space<vmem>> -> memref<128xi32, #tpu.memory_space<vmem>>
      %dma_wait3A_50 = arith.constant 0 : i32
      %dma_wait3A_51 = arith.constant 0 : i32
      %dma_wait3A_52 = tpu.memref_slice %arg8[%dma_wait3A_50, %dma_wait3A_51] : memref<10240x128xf32, #tpu.memory_space<vmem_shared>> -> memref<10240x128xf32, #tpu.memory_space<vmem_shared>>
      tpu.wait_indirect_dma semaphore(%arg9 : memref<!tpu.dma_semaphore, #tpu.memory_space<semaphore_mem>>) src(%dma_wait3A_52 : memref<10240x128xf32, #tpu.memory_space<vmem_shared>>) dst(%arg6 : memref<128x128xf32, #tpu.memory_space<vmem>>)
      %mul3A_53 = arith.constant 128 : i32
      %mul3A_54 = arith.muli %mul3A_46, %mul3A_53 : i32
      %add3A_55 = arith.addi %mul3A_2, %mul3A_54 : i32
      "tpu.region"() ({
        %run_scoped3A = tpu.sem_alloc : memref<!tpu.dma_semaphore, #tpu.memory_space<semaphore_mem>>
        %dma_start3A_83 = arith.constant 0 : i32
        %dma_start3A_84 = tpu.memref_slice %arg4[%add3A_55, %dma_start3A_83] : memref<163840x128xf32, #tpu.memory_space<hbm>> -> memref<128x128xf32, #tpu.memory_space<hbm>>
        %dma_start3A_85 = arith.constant 0 : i32
        %dma_start3A_86 = tpu.memref_slice %arg4[%add3A_55, %dma_start3A_85] : memref<163840x128xf32, #tpu.memory_space<hbm>> -> memref<128x128xf32, #tpu.memory_space<hbm>>
        tpu.enqueue_dma source(%arg6 : memref<128x128xf32, #tpu.memory_space<vmem>>) target(%dma_start3A_86 : memref<128x128xf32, #tpu.memory_space<hbm>>) target_semaphore(%run_scoped3A : memref<!tpu.dma_semaphore, #tpu.memory_space<semaphore_mem>>)
        %dma_wait3A_87 = arith.constant 0 : i32
        %dma_wait3A_88 = tpu.memref_slice %arg4[%add3A_55, %dma_wait3A_87] : memref<163840x128xf32, #tpu.memory_space<hbm>> -> memref<128x128xf32, #tpu.memory_space<hbm>>
        %dma_wait3A_89 = arith.constant 0 : i32
        %dma_wait3A_90 = tpu.memref_slice %arg4[%add3A_55, %dma_wait3A_89] : memref<163840x128xf32, #tpu.memory_space<hbm>> -> memref<128x128xf32, #tpu.memory_space<hbm>>
        tpu.wait_dma2 semaphore(%run_scoped3A : memref<!tpu.dma_semaphore, #tpu.memory_space<semaphore_mem>>) src(%arg6 : memref<128x128xf32, #tpu.memory_space<vmem>>) dst(%dma_wait3A_90 : memref<128x128xf32, #tpu.memory_space<hbm>>)
        tpu.yield
      }) : () -> ()
      %add3A_56 = arith.constant 2 : i32
      %add3A_57 = arith.addi %mul3A_46, %add3A_56 : i32
      %dma_start3A_58 = arith.constant 0 : i32
      %dma_start3A_59 = tpu.memref_slice %arg5[%add3A_57, %dma_start3A_58] : memref<40x128xi32, #tpu.memory_space<vmem>> -> memref<1x128xi32, #tpu.memory_space<vmem>>
      %dma_start3A_60 = tpu.memref_squeeze %dma_start3A_59 : memref<1x128xi32, #tpu.memory_space<vmem>> -> memref<128xi32, #tpu.memory_space<vmem>>
      %dma_start3A_61 = arith.constant 0 : i32
      %dma_start3A_62 = arith.constant 0 : i32
      %dma_start3A_63 = tpu.memref_slice %arg8[%dma_start3A_61, %dma_start3A_62] : memref<10240x128xf32, #tpu.memory_space<vmem_shared>> -> memref<10240x128xf32, #tpu.memory_space<vmem_shared>>
      tpu.enqueue_indirect_dma source(%dma_start3A_63 : memref<10240x128xf32, #tpu.memory_space<vmem_shared>>) target(%arg6 : memref<128x128xf32, #tpu.memory_space<vmem>>) offsets(%dma_start3A_60 : memref<128xi32, #tpu.memory_space<vmem>>) semaphore(%arg9 : memref<!tpu.dma_semaphore, #tpu.memory_space<semaphore_mem>>)
      %add3A_64 = arith.constant 1 : i32
      %add3A_65 = arith.addi %mul3A_46, %add3A_64 : i32
      %dma_wait3A_66 = arith.constant 0 : i32
      %dma_wait3A_67 = tpu.memref_slice %arg5[%add3A_65, %dma_wait3A_66] : memref<40x128xi32, #tpu.memory_space<vmem>> -> memref<1x128xi32, #tpu.memory_space<vmem>>
      %dma_wait3A_68 = tpu.memref_squeeze %dma_wait3A_67 : memref<1x128xi32, #tpu.memory_space<vmem>> -> memref<128xi32, #tpu.memory_space<vmem>>
      %dma_wait3A_69 = arith.constant 0 : i32
      %dma_wait3A_70 = arith.constant 0 : i32
      %dma_wait3A_71 = tpu.memref_slice %arg8[%dma_wait3A_69, %dma_wait3A_70] : memref<10240x128xf32, #tpu.memory_space<vmem_shared>> -> memref<10240x128xf32, #tpu.memory_space<vmem_shared>>
      tpu.wait_indirect_dma semaphore(%arg10 : memref<!tpu.dma_semaphore, #tpu.memory_space<semaphore_mem>>) src(%dma_wait3A_71 : memref<10240x128xf32, #tpu.memory_space<vmem_shared>>) dst(%arg7 : memref<128x128xf32, #tpu.memory_space<vmem>>)
      %mul3A_72 = arith.constant 128 : i32
      %mul3A_73 = arith.muli %add3A_65, %mul3A_72 : i32
      %add3A_74 = arith.addi %mul3A_2, %mul3A_73 : i32
      "tpu.region"() ({
        %run_scoped3A = tpu.sem_alloc : memref<!tpu.dma_semaphore, #tpu.memory_space<semaphore_mem>>
        %dma_start3A_83 = arith.constant 0 : i32
        %dma_start3A_84 = tpu.memref_slice %arg4[%add3A_74, %dma_start3A_83] : memref<163840x128xf32, #tpu.memory_space<hbm>> -> memref<128x128xf32, #tpu.memory_space<hbm>>
        %dma_start3A_85 = arith.constant 0 : i32
        %dma_start3A_86 = tpu.memref_slice %arg4[%add3A_74, %dma_start3A_85] : memref<163840x128xf32, #tpu.memory_space<hbm>> -> memref<128x128xf32, #tpu.memory_space<hbm>>
        tpu.enqueue_dma source(%arg7 : memref<128x128xf32, #tpu.memory_space<vmem>>) target(%dma_start3A_86 : memref<128x128xf32, #tpu.memory_space<hbm>>) target_semaphore(%run_scoped3A : memref<!tpu.dma_semaphore, #tpu.memory_space<semaphore_mem>>)
        %dma_wait3A_87 = arith.constant 0 : i32
        %dma_wait3A_88 = tpu.memref_slice %arg4[%add3A_74, %dma_wait3A_87] : memref<163840x128xf32, #tpu.memory_space<hbm>> -> memref<128x128xf32, #tpu.memory_space<hbm>>
        %dma_wait3A_89 = arith.constant 0 : i32
        %dma_wait3A_90 = tpu.memref_slice %arg4[%add3A_74, %dma_wait3A_89] : memref<163840x128xf32, #tpu.memory_space<hbm>> -> memref<128x128xf32, #tpu.memory_space<hbm>>
        tpu.wait_dma2 semaphore(%run_scoped3A : memref<!tpu.dma_semaphore, #tpu.memory_space<semaphore_mem>>) src(%arg7 : memref<128x128xf32, #tpu.memory_space<vmem>>) dst(%dma_wait3A_90 : memref<128x128xf32, #tpu.memory_space<hbm>>)
        tpu.yield
      }) : () -> ()
      %add3A_75 = arith.constant 3 : i32
      %add3A_76 = arith.addi %mul3A_46, %add3A_75 : i32
      %dma_start3A_77 = arith.constant 0 : i32
      %dma_start3A_78 = tpu.memref_slice %arg5[%add3A_76, %dma_start3A_77] : memref<40x128xi32, #tpu.memory_space<vmem>> -> memref<1x128xi32, #tpu.memory_space<vmem>>
      %dma_start3A_79 = tpu.memref_squeeze %dma_start3A_78 : memref<1x128xi32, #tpu.memory_space<vmem>> -> memref<128xi32, #tpu.memory_space<vmem>>
      %dma_start3A_80 = arith.constant 0 : i32
      %dma_start3A_81 = arith.constant 0 : i32
      %dma_start3A_82 = tpu.memref_slice %arg8[%dma_start3A_80, %dma_start3A_81] : memref<10240x128xf32, #tpu.memory_space<vmem_shared>> -> memref<10240x128xf32, #tpu.memory_space<vmem_shared>>
      tpu.enqueue_indirect_dma source(%dma_start3A_82 : memref<10240x128xf32, #tpu.memory_space<vmem_shared>>) target(%arg7 : memref<128x128xf32, #tpu.memory_space<vmem>>) offsets(%dma_start3A_79 : memref<128xi32, #tpu.memory_space<vmem>>) semaphore(%arg10 : memref<!tpu.dma_semaphore, #tpu.memory_space<semaphore_mem>>)
    }
    %scan3A_26 = arith.constant 19 : i32
    %dma_wait3A = arith.constant 38 : i32
    %dma_wait3A_27 = arith.constant 0 : i32
    %dma_wait3A_28 = tpu.memref_slice %arg5[%dma_wait3A, %dma_wait3A_27] : memref<40x128xi32, #tpu.memory_space<vmem>> -> memref<1x128xi32, #tpu.memory_space<vmem>>
    %dma_wait3A_29 = tpu.memref_squeeze %dma_wait3A_28 : memref<1x128xi32, #tpu.memory_space<vmem>> -> memref<128xi32, #tpu.memory_space<vmem>>
    %dma_wait3A_30 = arith.constant 0 : i32
    %dma_wait3A_31 = arith.constant 0 : i32
    %dma_wait3A_32 = tpu.memref_slice %arg8[%dma_wait3A_30, %dma_wait3A_31] : memref<10240x128xf32, #tpu.memory_space<vmem_shared>> -> memref<10240x128xf32, #tpu.memory_space<vmem_shared>>
    tpu.wait_indirect_dma semaphore(%arg9 : memref<!tpu.dma_semaphore, #tpu.memory_space<semaphore_mem>>) src(%dma_wait3A_32 : memref<10240x128xf32, #tpu.memory_space<vmem_shared>>) dst(%arg6 : memref<128x128xf32, #tpu.memory_space<vmem>>)
    %add3A_33 = arith.constant 4864 : i32
    %add3A_34 = arith.addi %mul3A_2, %add3A_33 : i32
    "tpu.region"() ({
      %run_scoped3A = tpu.sem_alloc : memref<!tpu.dma_semaphore, #tpu.memory_space<semaphore_mem>>
      %dma_start3A_44 = arith.constant 0 : i32
      %dma_start3A_45 = tpu.memref_slice %arg4[%add3A_34, %dma_start3A_44] : memref<163840x128xf32, #tpu.memory_space<hbm>> -> memref<128x128xf32, #tpu.memory_space<hbm>>
      %dma_start3A_46 = arith.constant 0 : i32
      %dma_start3A_47 = tpu.memref_slice %arg4[%add3A_34, %dma_start3A_46] : memref<163840x128xf32, #tpu.memory_space<hbm>> -> memref<128x128xf32, #tpu.memory_space<hbm>>
      tpu.enqueue_dma source(%arg6 : memref<128x128xf32, #tpu.memory_space<vmem>>) target(%dma_start3A_47 : memref<128x128xf32, #tpu.memory_space<hbm>>) target_semaphore(%run_scoped3A : memref<!tpu.dma_semaphore, #tpu.memory_space<semaphore_mem>>)
      %dma_wait3A_48 = arith.constant 0 : i32
      %dma_wait3A_49 = tpu.memref_slice %arg4[%add3A_34, %dma_wait3A_48] : memref<163840x128xf32, #tpu.memory_space<hbm>> -> memref<128x128xf32, #tpu.memory_space<hbm>>
      %dma_wait3A_50 = arith.constant 0 : i32
      %dma_wait3A_51 = tpu.memref_slice %arg4[%add3A_34, %dma_wait3A_50] : memref<163840x128xf32, #tpu.memory_space<hbm>> -> memref<128x128xf32, #tpu.memory_space<hbm>>
      tpu.wait_dma2 semaphore(%run_scoped3A : memref<!tpu.dma_semaphore, #tpu.memory_space<semaphore_mem>>) src(%arg6 : memref<128x128xf32, #tpu.memory_space<vmem>>) dst(%dma_wait3A_51 : memref<128x128xf32, #tpu.memory_space<hbm>>)
      tpu.yield
    }) : () -> ()
    %dma_wait3A_35 = arith.constant 39 : i32
    %dma_wait3A_36 = arith.constant 0 : i32
    %dma_wait3A_37 = tpu.memref_slice %arg5[%dma_wait3A_35, %dma_wait3A_36] : memref<40x128xi32, #tpu.memory_space<vmem>> -> memref<1x128xi32, #tpu.memory_space<vmem>>
    %dma_wait3A_38 = tpu.memref_squeeze %dma_wait3A_37 : memref<1x128xi32, #tpu.memory_space<vmem>> -> memref<128xi32, #tpu.memory_space<vmem>>
    %dma_wait3A_39 = arith.constant 0 : i32
    %dma_wait3A_40 = arith.constant 0 : i32
    %dma_wait3A_41 = tpu.memref_slice %arg8[%dma_wait3A_39, %dma_wait3A_40] : memref<10240x128xf32, #tpu.memory_space<vmem_shared>> -> memref<10240x128xf32, #tpu.memory_space<vmem_shared>>
    tpu.wait_indirect_dma semaphore(%arg10 : memref<!tpu.dma_semaphore, #tpu.memory_space<semaphore_mem>>) src(%dma_wait3A_41 : memref<10240x128xf32, #tpu.memory_space<vmem_shared>>) dst(%arg7 : memref<128x128xf32, #tpu.memory_space<vmem>>)
    %add3A_42 = arith.constant 4992 : i32
    %add3A_43 = arith.addi %mul3A_2, %add3A_42 : i32
    "tpu.region"() ({
      %run_scoped3A = tpu.sem_alloc : memref<!tpu.dma_semaphore, #tpu.memory_space<semaphore_mem>>
      %dma_start3A_44 = arith.constant 0 : i32
      %dma_start3A_45 = tpu.memref_slice %arg4[%add3A_43, %dma_start3A_44] : memref<163840x128xf32, #tpu.memory_space<hbm>> -> memref<128x128xf32, #tpu.memory_space<hbm>>
      %dma_start3A_46 = arith.constant 0 : i32
      %dma_start3A_47 = tpu.memref_slice %arg4[%add3A_43, %dma_start3A_46] : memref<163840x128xf32, #tpu.memory_space<hbm>> -> memref<128x128xf32, #tpu.memory_space<hbm>>
      tpu.enqueue_dma source(%arg7 : memref<128x128xf32, #tpu.memory_space<vmem>>) target(%dma_start3A_47 : memref<128x128xf32, #tpu.memory_space<hbm>>) target_semaphore(%run_scoped3A : memref<!tpu.dma_semaphore, #tpu.memory_space<semaphore_mem>>)
      %dma_wait3A_48 = arith.constant 0 : i32
      %dma_wait3A_49 = tpu.memref_slice %arg4[%add3A_43, %dma_wait3A_48] : memref<163840x128xf32, #tpu.memory_space<hbm>> -> memref<128x128xf32, #tpu.memory_space<hbm>>
      %dma_wait3A_50 = arith.constant 0 : i32
      %dma_wait3A_51 = tpu.memref_slice %arg4[%add3A_43, %dma_wait3A_50] : memref<163840x128xf32, #tpu.memory_space<hbm>> -> memref<128x128xf32, #tpu.memory_space<hbm>>
      tpu.wait_dma2 semaphore(%run_scoped3A : memref<!tpu.dma_semaphore, #tpu.memory_space<semaphore_mem>>) src(%arg7 : memref<128x128xf32, #tpu.memory_space<vmem>>) dst(%dma_wait3A_51 : memref<128x128xf32, #tpu.memory_space<hbm>>)
      tpu.yield
    }) : () -> ()
    return
  }
}

#map = affine_map<(d0, d1) -> (0, 0)>
module attributes {stable_mosaic.version = 14 : i64} {
  func.func @gather1(%arg0: i32, %arg1: i32, %arg2: memref<10240x128xf32, #tpu.memory_space<hbm>>, %arg3: memref<1280x128xi32, #tpu.memory_space<hbm>>, %arg4: memref<163840x128xf32, #tpu.memory_space<hbm>>, %arg5: memref<40x128xi32, #tpu.memory_space<vmem>>, %arg6: memref<128x128xf32, #tpu.memory_space<vmem>>, %arg7: memref<128x128xf32, #tpu.memory_space<vmem>>, %arg8: memref<10240x128xf32, #tpu.memory_space<vmem_shared>>, %arg9: memref<!tpu.dma_semaphore, #tpu.memory_space<semaphore_mem>>, %arg10: memref<!tpu.dma_semaphore, #tpu.memory_space<semaphore_mem>>) attributes {dimension_semantics = [#tpu.dimension_semantics<core_parallel>, #tpu.dimension_semantics<subcore_parallel>], iteration_bounds = array<i64: 2, 16>, scalar_prefetch = 0 : i64, scratch_operands = 6 : i64, tpu.core_type = #tpu.core_type<sc_vector_subcore>, window_params = [{transform_indices = #map}, {transform_indices = #map}, {transform_indices = #map}]} {
    %mul3A = arith.constant 2 : i32
    %mul3A_0 = arith.muli %arg1, %mul3A : i32
    %add3A = arith.addi %mul3A_0, %arg0 : i32
    %mul3A_1 = arith.constant 5120 : i32
    %mul3A_2 = arith.muli %add3A, %mul3A_1 : i32
    %mul3A_3 = arith.constant 640 : i32
    %mul3A_4 = arith.muli %arg1, %mul3A_3 : i32
    %mul3A_5 = arith.constant 640 : i32
    %mul3A_6 = arith.muli %arg1, %mul3A_5 : i32
    "tpu.region"() ({
      %run_scoped3A = tpu.sem_alloc : memref<!tpu.dma_semaphore, #tpu.memory_space<semaphore_mem>>
      %dma_start3A_44 = arith.constant 0 : i32
      %dma_start3A_45 = tpu.memref_slice %arg8[%mul3A_6, %dma_start3A_44] : memref<10240x128xf32, #tpu.memory_space<vmem_shared>> -> memref<640x128xf32, #tpu.memory_space<vmem_shared>>
      %dma_start3A_46 = arith.constant 0 : i32
      %dma_start3A_47 = tpu.memref_slice %arg2[%mul3A_4, %dma_start3A_46] : memref<10240x128xf32, #tpu.memory_space<hbm>> -> memref<640x128xf32, #tpu.memory_space<hbm>>
      tpu.enqueue_dma source(%dma_start3A_47 : memref<640x128xf32, #tpu.memory_space<hbm>>) target(%dma_start3A_45 : memref<640x128xf32, #tpu.memory_space<vmem_shared>>) target_semaphore(%run_scoped3A : memref<!tpu.dma_semaphore, #tpu.memory_space<semaphore_mem>>)
      %dma_wait3A_48 = arith.constant 0 : i32
      %dma_wait3A_49 = tpu.memref_slice %arg8[%mul3A_6, %dma_wait3A_48] : memref<10240x128xf32, #tpu.memory_space<vmem_shared>> -> memref<640x128xf32, #tpu.memory_space<vmem_shared>>
      %dma_wait3A_50 = arith.constant 0 : i32
      %dma_wait3A_51 = tpu.memref_slice %arg2[%mul3A_4, %dma_wait3A_50] : memref<10240x128xf32, #tpu.memory_space<hbm>> -> memref<640x128xf32, #tpu.memory_space<hbm>>
      tpu.wait_dma2 semaphore(%run_scoped3A : memref<!tpu.dma_semaphore, #tpu.memory_space<semaphore_mem>>) src(%dma_wait3A_51 : memref<640x128xf32, #tpu.memory_space<hbm>>) dst(%dma_wait3A_49 : memref<640x128xf32, #tpu.memory_space<vmem_shared>>)
      tpu.yield
    }) : () -> ()
    %mul3A_7 = arith.constant 40 : i32
    %mul3A_8 = arith.muli %add3A, %mul3A_7 : i32
    "tpu.region"() ({
      %run_scoped3A = tpu.sem_alloc : memref<!tpu.dma_semaphore, #tpu.memory_space<semaphore_mem>>
      %dma_start3A_44 = arith.constant 0 : i32
      %dma_start3A_45 = tpu.memref_slice %arg3[%mul3A_8, %dma_start3A_44] : memref<1280x128xi32, #tpu.memory_space<hbm>> -> memref<40x128xi32, #tpu.memory_space<hbm>>
      %dma_start3A_46 = arith.constant 0 : i32
      %dma_start3A_47 = tpu.memref_slice %arg3[%mul3A_8, %dma_start3A_46] : memref<1280x128xi32, #tpu.memory_space<hbm>> -> memref<40x128xi32, #tpu.memory_space<hbm>>
      tpu.enqueue_dma source(%dma_start3A_47 : memref<40x128xi32, #tpu.memory_space<hbm>>) target(%arg5 : memref<40x128xi32, #tpu.memory_space<vmem>>) target_semaphore(%run_scoped3A : memref<!tpu.dma_semaphore, #tpu.memory_space<semaphore_mem>>)
      %dma_wait3A_48 = arith.constant 0 : i32
      %dma_wait3A_49 = tpu.memref_slice %arg3[%mul3A_8, %dma_wait3A_48] : memref<1280x128xi32, #tpu.memory_space<hbm>> -> memref<40x128xi32, #tpu.memory_space<hbm>>
      %dma_wait3A_50 = arith.constant 0 : i32
      %dma_wait3A_51 = tpu.memref_slice %arg3[%mul3A_8, %dma_wait3A_50] : memref<1280x128xi32, #tpu.memory_space<hbm>> -> memref<40x128xi32, #tpu.memory_space<hbm>>
      tpu.wait_dma2 semaphore(%run_scoped3A : memref<!tpu.dma_semaphore, #tpu.memory_space<semaphore_mem>>) src(%dma_wait3A_51 : memref<40x128xi32, #tpu.memory_space<hbm>>) dst(%arg5 : memref<40x128xi32, #tpu.memory_space<vmem>>)
      tpu.yield
    }) : () -> ()
    %barrier3A = arith.constant 0 : index
    tpu.barrier barrier_id(%barrier3A)
    %dma_start3A = arith.constant 0 : i32
    %dma_start3A_9 = arith.constant 0 : i32
    %dma_start3A_10 = tpu.memref_slice %arg5[%dma_start3A, %dma_start3A_9] : memref<40x128xi32, #tpu.memory_space<vmem>> -> memref<1x128xi32, #tpu.memory_space<vmem>>
    %dma_start3A_11 = tpu.memref_squeeze %dma_start3A_10 : memref<1x128xi32, #tpu.memory_space<vmem>> -> memref<128xi32, #tpu.memory_space<vmem>>
    %dma_start3A_12 = arith.constant 0 : i32
    %dma_start3A_13 = arith.constant 0 : i32
    %dma_start3A_14 = tpu.memref_slice %arg8[%dma_start3A_12, %dma_start3A_13] : memref<10240x128xf32, #tpu.memory_space<vmem_shared>> -> memref<10240x128xf32, #tpu.memory_space<vmem_shared>>
    tpu.enqueue_indirect_dma source(%dma_start3A_14 : memref<10240x128xf32, #tpu.memory_space<vmem_shared>>) target(%arg6 : memref<128x128xf32, #tpu.memory_space<vmem>>) offsets(%dma_start3A_11 : memref<128xi32, #tpu.memory_space<vmem>>) semaphore(%arg9 : memref<!tpu.dma_semaphore, #tpu.memory_space<semaphore_mem>>)
    %dma_start3A_15 = arith.constant 1 : i32
    %dma_start3A_16 = arith.constant 0 : i32
    %dma_start3A_17 = tpu.memref_slice %arg5[%dma_start3A_15, %dma_start3A_16] : memref<40x128xi32, #tpu.memory_space<vmem>> -> memref<1x128xi32, #tpu.memory_space<vmem>>
    %dma_start3A_18 = tpu.memref_squeeze %dma_start3A_17 : memref<1x128xi32, #tpu.memory_space<vmem>> -> memref<128xi32, #tpu.memory_space<vmem>>
    %dma_start3A_19 = arith.constant 0 : i32
    %dma_start3A_20 = arith.constant 0 : i32
    %dma_start3A_21 = tpu.memref_slice %arg8[%dma_start3A_19, %dma_start3A_20] : memref<10240x128xf32, #tpu.memory_space<vmem_shared>> -> memref<10240x128xf32, #tpu.memory_space<vmem_shared>>
    tpu.enqueue_indirect_dma source(%dma_start3A_21 : memref<10240x128xf32, #tpu.memory_space<vmem_shared>>) target(%arg7 : memref<128x128xf32, #tpu.memory_space<vmem>>) offsets(%dma_start3A_18 : memref<128xi32, #tpu.memory_space<vmem>>) semaphore(%arg10 : memref<!tpu.dma_semaphore, #tpu.memory_space<semaphore_mem>>)
    %scan3A = arith.constant 0 : i32
    %scan3A_22 = arith.constant 0 : i32
    %scan3A_23 = arith.constant 19 : i32
    %scan3A_24 = arith.addi %scan3A_22, %scan3A_23 : i32
    %scan3A_25 = arith.constant 1 : i32
    scf.for %scan3A_44 = %scan3A_22 to %scan3A_24 step %scan3A_25  : i32 {
      %mul3A_45 = arith.constant 2 : i32
      %mul3A_46 = arith.muli %mul3A_45, %scan3A_44 : i32
      %dma_wait3A_47 = arith.constant 0 : i32
      %dma_wait3A_48 = tpu.memref_slice %arg5[%mul3A_46, %dma_wait3A_47] : memref<40x128xi32, #tpu.memory_space<vmem>> -> memref<1x128xi32, #tpu.memory_space<vmem>>
      %dma_wait3A_49 = tpu.memref_squeeze %dma_wait3A_48 : memref<1x128xi32, #tpu.memory_space<vmem>> -> memref<128xi32, #tpu.memory_space<vmem>>
      %dma_wait3A_50 = arith.constant 0 : i32
      %dma_wait3A_51 = arith.constant 0 : i32
      %dma_wait3A_52 = tpu.memref_slice %arg8[%dma_wait3A_50, %dma_wait3A_51] : memref<10240x128xf32, #tpu.memory_space<vmem_shared>> -> memref<10240x128xf32, #tpu.memory_space<vmem_shared>>
      tpu.wait_indirect_dma semaphore(%arg9 : memref<!tpu.dma_semaphore, #tpu.memory_space<semaphore_mem>>) src(%dma_wait3A_52 : memref<10240x128xf32, #tpu.memory_space<vmem_shared>>) dst(%arg6 : memref<128x128xf32, #tpu.memory_space<vmem>>)
      %mul3A_53 = arith.constant 128 : i32
      %mul3A_54 = arith.muli %mul3A_46, %mul3A_53 : i32
      %add3A_55 = arith.addi %mul3A_2, %mul3A_54 : i32
      "tpu.region"() ({
        %run_scoped3A = tpu.sem_alloc : memref<!tpu.dma_semaphore, #tpu.memory_space<semaphore_mem>>
        %dma_start3A_83 = arith.constant 0 : i32
        %dma_start3A_84 = tpu.memref_slice %arg4[%add3A_55, %dma_start3A_83] : memref<163840x128xf32, #tpu.memory_space<hbm>> -> memref<128x128xf32, #tpu.memory_space<hbm>>
        %dma_start3A_85 = arith.constant 0 : i32
        %dma_start3A_86 = tpu.memref_slice %arg4[%add3A_55, %dma_start3A_85] : memref<163840x128xf32, #tpu.memory_space<hbm>> -> memref<128x128xf32, #tpu.memory_space<hbm>>
        tpu.enqueue_dma source(%arg6 : memref<128x128xf32, #tpu.memory_space<vmem>>) target(%dma_start3A_86 : memref<128x128xf32, #tpu.memory_space<hbm>>) target_semaphore(%run_scoped3A : memref<!tpu.dma_semaphore, #tpu.memory_space<semaphore_mem>>)
        %dma_wait3A_87 = arith.constant 0 : i32
        %dma_wait3A_88 = tpu.memref_slice %arg4[%add3A_55, %dma_wait3A_87] : memref<163840x128xf32, #tpu.memory_space<hbm>> -> memref<128x128xf32, #tpu.memory_space<hbm>>
        %dma_wait3A_89 = arith.constant 0 : i32
        %dma_wait3A_90 = tpu.memref_slice %arg4[%add3A_55, %dma_wait3A_89] : memref<163840x128xf32, #tpu.memory_space<hbm>> -> memref<128x128xf32, #tpu.memory_space<hbm>>
        tpu.wait_dma2 semaphore(%run_scoped3A : memref<!tpu.dma_semaphore, #tpu.memory_space<semaphore_mem>>) src(%arg6 : memref<128x128xf32, #tpu.memory_space<vmem>>) dst(%dma_wait3A_90 : memref<128x128xf32, #tpu.memory_space<hbm>>)
        tpu.yield
      }) : () -> ()
      %add3A_56 = arith.constant 2 : i32
      %add3A_57 = arith.addi %mul3A_46, %add3A_56 : i32
      %dma_start3A_58 = arith.constant 0 : i32
      %dma_start3A_59 = tpu.memref_slice %arg5[%add3A_57, %dma_start3A_58] : memref<40x128xi32, #tpu.memory_space<vmem>> -> memref<1x128xi32, #tpu.memory_space<vmem>>
      %dma_start3A_60 = tpu.memref_squeeze %dma_start3A_59 : memref<1x128xi32, #tpu.memory_space<vmem>> -> memref<128xi32, #tpu.memory_space<vmem>>
      %dma_start3A_61 = arith.constant 0 : i32
      %dma_start3A_62 = arith.constant 0 : i32
      %dma_start3A_63 = tpu.memref_slice %arg8[%dma_start3A_61, %dma_start3A_62] : memref<10240x128xf32, #tpu.memory_space<vmem_shared>> -> memref<10240x128xf32, #tpu.memory_space<vmem_shared>>
      tpu.enqueue_indirect_dma source(%dma_start3A_63 : memref<10240x128xf32, #tpu.memory_space<vmem_shared>>) target(%arg6 : memref<128x128xf32, #tpu.memory_space<vmem>>) offsets(%dma_start3A_60 : memref<128xi32, #tpu.memory_space<vmem>>) semaphore(%arg9 : memref<!tpu.dma_semaphore, #tpu.memory_space<semaphore_mem>>)
      %add3A_64 = arith.constant 1 : i32
      %add3A_65 = arith.addi %mul3A_46, %add3A_64 : i32
      %dma_wait3A_66 = arith.constant 0 : i32
      %dma_wait3A_67 = tpu.memref_slice %arg5[%add3A_65, %dma_wait3A_66] : memref<40x128xi32, #tpu.memory_space<vmem>> -> memref<1x128xi32, #tpu.memory_space<vmem>>
      %dma_wait3A_68 = tpu.memref_squeeze %dma_wait3A_67 : memref<1x128xi32, #tpu.memory_space<vmem>> -> memref<128xi32, #tpu.memory_space<vmem>>
      %dma_wait3A_69 = arith.constant 0 : i32
      %dma_wait3A_70 = arith.constant 0 : i32
      %dma_wait3A_71 = tpu.memref_slice %arg8[%dma_wait3A_69, %dma_wait3A_70] : memref<10240x128xf32, #tpu.memory_space<vmem_shared>> -> memref<10240x128xf32, #tpu.memory_space<vmem_shared>>
      tpu.wait_indirect_dma semaphore(%arg10 : memref<!tpu.dma_semaphore, #tpu.memory_space<semaphore_mem>>) src(%dma_wait3A_71 : memref<10240x128xf32, #tpu.memory_space<vmem_shared>>) dst(%arg7 : memref<128x128xf32, #tpu.memory_space<vmem>>)
      %mul3A_72 = arith.constant 128 : i32
      %mul3A_73 = arith.muli %add3A_65, %mul3A_72 : i32
      %add3A_74 = arith.addi %mul3A_2, %mul3A_73 : i32
      "tpu.region"() ({
        %run_scoped3A = tpu.sem_alloc : memref<!tpu.dma_semaphore, #tpu.memory_space<semaphore_mem>>
        %dma_start3A_83 = arith.constant 0 : i32
        %dma_start3A_84 = tpu.memref_slice %arg4[%add3A_74, %dma_start3A_83] : memref<163840x128xf32, #tpu.memory_space<hbm>> -> memref<128x128xf32, #tpu.memory_space<hbm>>
        %dma_start3A_85 = arith.constant 0 : i32
        %dma_start3A_86 = tpu.memref_slice %arg4[%add3A_74, %dma_start3A_85] : memref<163840x128xf32, #tpu.memory_space<hbm>> -> memref<128x128xf32, #tpu.memory_space<hbm>>
        tpu.enqueue_dma source(%arg7 : memref<128x128xf32, #tpu.memory_space<vmem>>) target(%dma_start3A_86 : memref<128x128xf32, #tpu.memory_space<hbm>>) target_semaphore(%run_scoped3A : memref<!tpu.dma_semaphore, #tpu.memory_space<semaphore_mem>>)
        %dma_wait3A_87 = arith.constant 0 : i32
        %dma_wait3A_88 = tpu.memref_slice %arg4[%add3A_74, %dma_wait3A_87] : memref<163840x128xf32, #tpu.memory_space<hbm>> -> memref<128x128xf32, #tpu.memory_space<hbm>>
        %dma_wait3A_89 = arith.constant 0 : i32
        %dma_wait3A_90 = tpu.memref_slice %arg4[%add3A_74, %dma_wait3A_89] : memref<163840x128xf32, #tpu.memory_space<hbm>> -> memref<128x128xf32, #tpu.memory_space<hbm>>
        tpu.wait_dma2 semaphore(%run_scoped3A : memref<!tpu.dma_semaphore, #tpu.memory_space<semaphore_mem>>) src(%arg7 : memref<128x128xf32, #tpu.memory_space<vmem>>) dst(%dma_wait3A_90 : memref<128x128xf32, #tpu.memory_space<hbm>>)
        tpu.yield
      }) : () -> ()
      %add3A_75 = arith.constant 3 : i32
      %add3A_76 = arith.addi %mul3A_46, %add3A_75 : i32
      %dma_start3A_77 = arith.constant 0 : i32
      %dma_start3A_78 = tpu.memref_slice %arg5[%add3A_76, %dma_start3A_77] : memref<40x128xi32, #tpu.memory_space<vmem>> -> memref<1x128xi32, #tpu.memory_space<vmem>>
      %dma_start3A_79 = tpu.memref_squeeze %dma_start3A_78 : memref<1x128xi32, #tpu.memory_space<vmem>> -> memref<128xi32, #tpu.memory_space<vmem>>
      %dma_start3A_80 = arith.constant 0 : i32
      %dma_start3A_81 = arith.constant 0 : i32
      %dma_start3A_82 = tpu.memref_slice %arg8[%dma_start3A_80, %dma_start3A_81] : memref<10240x128xf32, #tpu.memory_space<vmem_shared>> -> memref<10240x128xf32, #tpu.memory_space<vmem_shared>>
      tpu.enqueue_indirect_dma source(%dma_start3A_82 : memref<10240x128xf32, #tpu.memory_space<vmem_shared>>) target(%arg7 : memref<128x128xf32, #tpu.memory_space<vmem>>) offsets(%dma_start3A_79 : memref<128xi32, #tpu.memory_space<vmem>>) semaphore(%arg10 : memref<!tpu.dma_semaphore, #tpu.memory_space<semaphore_mem>>)
    }
    %scan3A_26 = arith.constant 19 : i32
    %dma_wait3A = arith.constant 38 : i32
    %dma_wait3A_27 = arith.constant 0 : i32
    %dma_wait3A_28 = tpu.memref_slice %arg5[%dma_wait3A, %dma_wait3A_27] : memref<40x128xi32, #tpu.memory_space<vmem>> -> memref<1x128xi32, #tpu.memory_space<vmem>>
    %dma_wait3A_29 = tpu.memref_squeeze %dma_wait3A_28 : memref<1x128xi32, #tpu.memory_space<vmem>> -> memref<128xi32, #tpu.memory_space<vmem>>
    %dma_wait3A_30 = arith.constant 0 : i32
    %dma_wait3A_31 = arith.constant 0 : i32
    %dma_wait3A_32 = tpu.memref_slice %arg8[%dma_wait3A_30, %dma_wait3A_31] : memref<10240x128xf32, #tpu.memory_space<vmem_shared>> -> memref<10240x128xf32, #tpu.memory_space<vmem_shared>>
    tpu.wait_indirect_dma semaphore(%arg9 : memref<!tpu.dma_semaphore, #tpu.memory_space<semaphore_mem>>) src(%dma_wait3A_32 : memref<10240x128xf32, #tpu.memory_space<vmem_shared>>) dst(%arg6 : memref<128x128xf32, #tpu.memory_space<vmem>>)
    %add3A_33 = arith.constant 4864 : i32
    %add3A_34 = arith.addi %mul3A_2, %add3A_33 : i32
    "tpu.region"() ({
      %run_scoped3A = tpu.sem_alloc : memref<!tpu.dma_semaphore, #tpu.memory_space<semaphore_mem>>
      %dma_start3A_44 = arith.constant 0 : i32
      %dma_start3A_45 = tpu.memref_slice %arg4[%add3A_34, %dma_start3A_44] : memref<163840x128xf32, #tpu.memory_space<hbm>> -> memref<128x128xf32, #tpu.memory_space<hbm>>
      %dma_start3A_46 = arith.constant 0 : i32
      %dma_start3A_47 = tpu.memref_slice %arg4[%add3A_34, %dma_start3A_46] : memref<163840x128xf32, #tpu.memory_space<hbm>> -> memref<128x128xf32, #tpu.memory_space<hbm>>
      tpu.enqueue_dma source(%arg6 : memref<128x128xf32, #tpu.memory_space<vmem>>) target(%dma_start3A_47 : memref<128x128xf32, #tpu.memory_space<hbm>>) target_semaphore(%run_scoped3A : memref<!tpu.dma_semaphore, #tpu.memory_space<semaphore_mem>>)
      %dma_wait3A_48 = arith.constant 0 : i32
      %dma_wait3A_49 = tpu.memref_slice %arg4[%add3A_34, %dma_wait3A_48] : memref<163840x128xf32, #tpu.memory_space<hbm>> -> memref<128x128xf32, #tpu.memory_space<hbm>>
      %dma_wait3A_50 = arith.constant 0 : i32
      %dma_wait3A_51 = tpu.memref_slice %arg4[%add3A_34, %dma_wait3A_50] : memref<163840x128xf32, #tpu.memory_space<hbm>> -> memref<128x128xf32, #tpu.memory_space<hbm>>
      tpu.wait_dma2 semaphore(%run_scoped3A : memref<!tpu.dma_semaphore, #tpu.memory_space<semaphore_mem>>) src(%arg6 : memref<128x128xf32, #tpu.memory_space<vmem>>) dst(%dma_wait3A_51 : memref<128x128xf32, #tpu.memory_space<hbm>>)
      tpu.yield
    }) : () -> ()
    %dma_wait3A_35 = arith.constant 39 : i32
    %dma_wait3A_36 = arith.constant 0 : i32
    %dma_wait3A_37 = tpu.memref_slice %arg5[%dma_wait3A_35, %dma_wait3A_36] : memref<40x128xi32, #tpu.memory_space<vmem>> -> memref<1x128xi32, #tpu.memory_space<vmem>>
    %dma_wait3A_38 = tpu.memref_squeeze %dma_wait3A_37 : memref<1x128xi32, #tpu.memory_space<vmem>> -> memref<128xi32, #tpu.memory_space<vmem>>
    %dma_wait3A_39 = arith.constant 0 : i32
    %dma_wait3A_40 = arith.constant 0 : i32
    %dma_wait3A_41 = tpu.memref_slice %arg8[%dma_wait3A_39, %dma_wait3A_40] : memref<10240x128xf32, #tpu.memory_space<vmem_shared>> -> memref<10240x128xf32, #tpu.memory_space<vmem_shared>>
    tpu.wait_indirect_dma semaphore(%arg10 : memref<!tpu.dma_semaphore, #tpu.memory_space<semaphore_mem>>) src(%dma_wait3A_41 : memref<10240x128xf32, #tpu.memory_space<vmem_shared>>) dst(%arg7 : memref<128x128xf32, #tpu.memory_space<vmem>>)
    %add3A_42 = arith.constant 4992 : i32
    %add3A_43 = arith.addi %mul3A_2, %add3A_42 : i32
    "tpu.region"() ({
      %run_scoped3A = tpu.sem_alloc : memref<!tpu.dma_semaphore, #tpu.memory_space<semaphore_mem>>
      %dma_start3A_44 = arith.constant 0 : i32
      %dma_start3A_45 = tpu.memref_slice %arg4[%add3A_43, %dma_start3A_44] : memref<163840x128xf32, #tpu.memory_space<hbm>> -> memref<128x128xf32, #tpu.memory_space<hbm>>
      %dma_start3A_46 = arith.constant 0 : i32
      %dma_start3A_47 = tpu.memref_slice %arg4[%add3A_43, %dma_start3A_46] : memref<163840x128xf32, #tpu.memory_space<hbm>> -> memref<128x128xf32, #tpu.memory_space<hbm>>
      tpu.enqueue_dma source(%arg7 : memref<128x128xf32, #tpu.memory_space<vmem>>) target(%dma_start3A_47 : memref<128x128xf32, #tpu.memory_space<hbm>>) target_semaphore(%run_scoped3A : memref<!tpu.dma_semaphore, #tpu.memory_space<semaphore_mem>>)
      %dma_wait3A_48 = arith.constant 0 : i32
      %dma_wait3A_49 = tpu.memref_slice %arg4[%add3A_43, %dma_wait3A_48] : memref<163840x128xf32, #tpu.memory_space<hbm>> -> memref<128x128xf32, #tpu.memory_space<hbm>>
      %dma_wait3A_50 = arith.constant 0 : i32
      %dma_wait3A_51 = tpu.memref_slice %arg4[%add3A_43, %dma_wait3A_50] : memref<163840x128xf32, #tpu.memory_space<hbm>> -> memref<128x128xf32, #tpu.memory_space<hbm>>
      tpu.wait_dma2 semaphore(%run_scoped3A : memref<!tpu.dma_semaphore, #tpu.memory_space<semaphore_mem>>) src(%arg7 : memref<128x128xf32, #tpu.memory_space<vmem>>) dst(%dma_wait3A_51 : memref<128x128xf32, #tpu.memory_space<hbm>>)
      tpu.yield
    }) : () -> ()
    return
  }
}

#map = affine_map<(d0, d1) -> (0, 0)>
#map1 = affine_map<(d0, d1) -> (0, 0, 0)>
module attributes {stable_mosaic.version = 14 : i64} {
  func.func @scatter(%arg0: i32, %arg1: i32, %arg2: memref<163840x128xf32, #tpu.memory_space<hbm>>, %arg3: memref<1280x128xi32, #tpu.memory_space<hbm>>, %arg4: memref<640x128xf32, #tpu.memory_space<hbm>>, %arg5: memref<2x10240x128xf32, #tpu.memory_space<hbm>>, %arg6: memref<40x128xi32, #tpu.memory_space<vmem>>, %arg7: memref<128x128xf32, #tpu.memory_space<vmem>>, %arg8: memref<128x128xf32, #tpu.memory_space<vmem>>, %arg9: memref<10240x128xf32, #tpu.memory_space<vmem_shared>>, %arg10: memref<!tpu.dma_semaphore, #tpu.memory_space<semaphore_mem>>, %arg11: memref<!tpu.dma_semaphore, #tpu.memory_space<semaphore_mem>>) attributes {dimension_semantics = [#tpu.dimension_semantics<core_parallel>, #tpu.dimension_semantics<subcore_parallel>], iteration_bounds = array<i64: 2, 16>, scalar_prefetch = 0 : i64, scratch_operands = 6 : i64, tpu.core_type = #tpu.core_type<sc_vector_subcore>, window_params = [{transform_indices = #map}, {transform_indices = #map}, {transform_indices = #map}, {transform_indices = #map1}]} {
    %mul3A = arith.constant 2 : i32
    %mul3A_0 = arith.muli %arg1, %mul3A : i32
    %add3A = arith.addi %mul3A_0, %arg0 : i32
    %mul3A_1 = arith.constant 5120 : i32
    %mul3A_2 = arith.muli %add3A, %mul3A_1 : i32
    %mul3A_3 = arith.constant 40 : i32
    %mul3A_4 = arith.muli %add3A, %mul3A_3 : i32
    "tpu.region"() ({
      %run_scoped3A_40 = tpu.sem_alloc : memref<!tpu.dma_semaphore, #tpu.memory_space<semaphore_mem>>
      %dma_start3A_41 = arith.constant 0 : i32
      %dma_start3A_42 = tpu.memref_slice %arg3[%mul3A_4, %dma_start3A_41] : memref<1280x128xi32, #tpu.memory_space<hbm>> -> memref<40x128xi32, #tpu.memory_space<hbm>>
      %dma_start3A_43 = arith.constant 0 : i32
      %dma_start3A_44 = tpu.memref_slice %arg3[%mul3A_4, %dma_start3A_43] : memref<1280x128xi32, #tpu.memory_space<hbm>> -> memref<40x128xi32, #tpu.memory_space<hbm>>
      tpu.enqueue_dma source(%dma_start3A_44 : memref<40x128xi32, #tpu.memory_space<hbm>>) target(%arg6 : memref<40x128xi32, #tpu.memory_space<vmem>>) target_semaphore(%run_scoped3A_40 : memref<!tpu.dma_semaphore, #tpu.memory_space<semaphore_mem>>)
      %dma_wait3A_45 = arith.constant 0 : i32
      %dma_wait3A_46 = tpu.memref_slice %arg3[%mul3A_4, %dma_wait3A_45] : memref<1280x128xi32, #tpu.memory_space<hbm>> -> memref<40x128xi32, #tpu.memory_space<hbm>>
      %dma_wait3A_47 = arith.constant 0 : i32
      %dma_wait3A_48 = tpu.memref_slice %arg3[%mul3A_4, %dma_wait3A_47] : memref<1280x128xi32, #tpu.memory_space<hbm>> -> memref<40x128xi32, #tpu.memory_space<hbm>>
      tpu.wait_dma2 semaphore(%run_scoped3A_40 : memref<!tpu.dma_semaphore, #tpu.memory_space<semaphore_mem>>) src(%dma_wait3A_48 : memref<40x128xi32, #tpu.memory_space<hbm>>) dst(%arg6 : memref<40x128xi32, #tpu.memory_space<vmem>>)
      tpu.yield
    }) : () -> ()
    %mul3A_5 = arith.constant 640 : i32
    %mul3A_6 = arith.muli %arg1, %mul3A_5 : i32
    "tpu.region"() ({
      %run_scoped3A_40 = tpu.sem_alloc : memref<!tpu.dma_semaphore, #tpu.memory_space<semaphore_mem>>
      %dma_start3A_41 = arith.constant 0 : i32
      %dma_start3A_42 = tpu.memref_slice %arg9[%mul3A_6, %dma_start3A_41] : memref<10240x128xf32, #tpu.memory_space<vmem_shared>> -> memref<640x128xf32, #tpu.memory_space<vmem_shared>>
      tpu.enqueue_dma source(%arg4 : memref<640x128xf32, #tpu.memory_space<hbm>>) target(%dma_start3A_42 : memref<640x128xf32, #tpu.memory_space<vmem_shared>>) target_semaphore(%run_scoped3A_40 : memref<!tpu.dma_semaphore, #tpu.memory_space<semaphore_mem>>)
      %dma_wait3A_43 = arith.constant 0 : i32
      %dma_wait3A_44 = tpu.memref_slice %arg9[%mul3A_6, %dma_wait3A_43] : memref<10240x128xf32, #tpu.memory_space<vmem_shared>> -> memref<640x128xf32, #tpu.memory_space<vmem_shared>>
      tpu.wait_dma2 semaphore(%run_scoped3A_40 : memref<!tpu.dma_semaphore, #tpu.memory_space<semaphore_mem>>) src(%arg4 : memref<640x128xf32, #tpu.memory_space<hbm>>) dst(%dma_wait3A_44 : memref<640x128xf32, #tpu.memory_space<vmem_shared>>)
      tpu.yield
    }) : () -> ()
    %barrier3A = arith.constant 0 : index
    tpu.barrier barrier_id(%barrier3A)
    %add3A_7 = arith.constant 0 : i32
    %add3A_8 = arith.addi %mul3A_2, %add3A_7 : i32
    %dma_start3A = arith.constant 0 : i32
    %dma_start3A_9 = tpu.memref_slice %arg2[%add3A_8, %dma_start3A] : memref<163840x128xf32, #tpu.memory_space<hbm>> -> memref<128x128xf32, #tpu.memory_space<hbm>>
    %dma_start3A_10 = arith.constant 0 : i32
    %dma_start3A_11 = tpu.memref_slice %arg2[%add3A_8, %dma_start3A_10] : memref<163840x128xf32, #tpu.memory_space<hbm>> -> memref<128x128xf32, #tpu.memory_space<hbm>>
    tpu.enqueue_dma source(%dma_start3A_11 : memref<128x128xf32, #tpu.memory_space<hbm>>) target(%arg7 : memref<128x128xf32, #tpu.memory_space<vmem>>) target_semaphore(%arg10 : memref<!tpu.dma_semaphore, #tpu.memory_space<semaphore_mem>>)
    %add3A_12 = arith.constant 128 : i32
    %add3A_13 = arith.addi %mul3A_2, %add3A_12 : i32
    %dma_start3A_14 = arith.constant 0 : i32
    %dma_start3A_15 = tpu.memref_slice %arg2[%add3A_13, %dma_start3A_14] : memref<163840x128xf32, #tpu.memory_space<hbm>> -> memref<128x128xf32, #tpu.memory_space<hbm>>
    %dma_start3A_16 = arith.constant 0 : i32
    %dma_start3A_17 = tpu.memref_slice %arg2[%add3A_13, %dma_start3A_16] : memref<163840x128xf32, #tpu.memory_space<hbm>> -> memref<128x128xf32, #tpu.memory_space<hbm>>
    tpu.enqueue_dma source(%dma_start3A_17 : memref<128x128xf32, #tpu.memory_space<hbm>>) target(%arg8 : memref<128x128xf32, #tpu.memory_space<vmem>>) target_semaphore(%arg11 : memref<!tpu.dma_semaphore, #tpu.memory_space<semaphore_mem>>)
    %scan3A = arith.constant 0 : i32
    %scan3A_18 = arith.constant 0 : i32
    %scan3A_19 = arith.constant 19 : i32
    %scan3A_20 = arith.addi %scan3A_18, %scan3A_19 : i32
    %scan3A_21 = arith.constant 1 : i32
    scf.for %scan3A_40 = %scan3A_18 to %scan3A_20 step %scan3A_21  : i32 {
      %mul3A_41 = arith.constant 2 : i32
      %mul3A_42 = arith.muli %mul3A_41, %scan3A_40 : i32
      %mul3A_43 = arith.constant 128 : i32
      %mul3A_44 = arith.muli %mul3A_42, %mul3A_43 : i32
      %add3A_45 = arith.addi %mul3A_2, %mul3A_44 : i32
      %dma_wait3A_46 = arith.constant 0 : i32
      %dma_wait3A_47 = tpu.memref_slice %arg2[%add3A_45, %dma_wait3A_46] : memref<163840x128xf32, #tpu.memory_space<hbm>> -> memref<128x128xf32, #tpu.memory_space<hbm>>
      %dma_wait3A_48 = arith.constant 0 : i32
      %dma_wait3A_49 = tpu.memref_slice %arg2[%add3A_45, %dma_wait3A_48] : memref<163840x128xf32, #tpu.memory_space<hbm>> -> memref<128x128xf32, #tpu.memory_space<hbm>>
      tpu.wait_dma2 semaphore(%arg10 : memref<!tpu.dma_semaphore, #tpu.memory_space<semaphore_mem>>) src(%dma_wait3A_49 : memref<128x128xf32, #tpu.memory_space<hbm>>) dst(%arg7 : memref<128x128xf32, #tpu.memory_space<vmem>>)
      "tpu.region"() ({
        %run_scoped3A_77 = tpu.sem_alloc : memref<!tpu.dma_semaphore, #tpu.memory_space<semaphore_mem>>
        %dma_start3A_78 = arith.constant 0 : i32
        %dma_start3A_79 = tpu.memref_slice %arg6[%mul3A_42, %dma_start3A_78] : memref<40x128xi32, #tpu.memory_space<vmem>> -> memref<1x128xi32, #tpu.memory_space<vmem>>
        %dma_start3A_80 = tpu.memref_squeeze %dma_start3A_79 : memref<1x128xi32, #tpu.memory_space<vmem>> -> memref<128xi32, #tpu.memory_space<vmem>>
        %dma_start3A_81 = arith.constant 0 : i32
        %dma_start3A_82 = arith.constant 0 : i32
        %dma_start3A_83 = tpu.memref_slice %arg9[%dma_start3A_81, %dma_start3A_82] : memref<10240x128xf32, #tpu.memory_space<vmem_shared>> -> memref<10240x128xf32, #tpu.memory_space<vmem_shared>>
        tpu.enqueue_indirect_dma source(%arg7 : memref<128x128xf32, #tpu.memory_space<vmem>>) target(%dma_start3A_83 : memref<10240x128xf32, #tpu.memory_space<vmem_shared>>) offsets(%dma_start3A_80 : memref<128xi32, #tpu.memory_space<vmem>>) semaphore(%run_scoped3A_77 : memref<!tpu.dma_semaphore, #tpu.memory_space<semaphore_mem>>) {add = true}
        %dma_wait3A_84 = arith.constant 0 : i32
        %dma_wait3A_85 = tpu.memref_slice %arg6[%mul3A_42, %dma_wait3A_84] : memref<40x128xi32, #tpu.memory_space<vmem>> -> memref<1x128xi32, #tpu.memory_space<vmem>>
        %dma_wait3A_86 = tpu.memref_squeeze %dma_wait3A_85 : memref<1x128xi32, #tpu.memory_space<vmem>> -> memref<128xi32, #tpu.memory_space<vmem>>
        %dma_wait3A_87 = arith.constant 0 : i32
        %dma_wait3A_88 = arith.constant 0 : i32
        %dma_wait3A_89 = tpu.memref_slice %arg9[%dma_wait3A_87, %dma_wait3A_88] : memref<10240x128xf32, #tpu.memory_space<vmem_shared>> -> memref<10240x128xf32, #tpu.memory_space<vmem_shared>>
        tpu.wait_indirect_dma semaphore(%run_scoped3A_77 : memref<!tpu.dma_semaphore, #tpu.memory_space<semaphore_mem>>) src(%arg7 : memref<128x128xf32, #tpu.memory_space<vmem>>) dst(%dma_wait3A_89 : memref<10240x128xf32, #tpu.memory_space<vmem_shared>>)
        tpu.yield
      }) : () -> ()
      %add3A_50 = arith.constant 2 : i32
      %add3A_51 = arith.addi %mul3A_42, %add3A_50 : i32
      %mul3A_52 = arith.constant 128 : i32
      %mul3A_53 = arith.muli %add3A_51, %mul3A_52 : i32
      %add3A_54 = arith.addi %mul3A_2, %mul3A_53 : i32
      %dma_start3A_55 = arith.constant 0 : i32
      %dma_start3A_56 = tpu.memref_slice %arg2[%add3A_54, %dma_start3A_55] : memref<163840x128xf32, #tpu.memory_space<hbm>> -> memref<128x128xf32, #tpu.memory_space<hbm>>
      %dma_start3A_57 = arith.constant 0 : i32
      %dma_start3A_58 = tpu.memref_slice %arg2[%add3A_54, %dma_start3A_57] : memref<163840x128xf32, #tpu.memory_space<hbm>> -> memref<128x128xf32, #tpu.memory_space<hbm>>
      tpu.enqueue_dma source(%dma_start3A_58 : memref<128x128xf32, #tpu.memory_space<hbm>>) target(%arg7 : memref<128x128xf32, #tpu.memory_space<vmem>>) target_semaphore(%arg10 : memref<!tpu.dma_semaphore, #tpu.memory_space<semaphore_mem>>)
      %add3A_59 = arith.constant 1 : i32
      %add3A_60 = arith.addi %mul3A_42, %add3A_59 : i32
      %mul3A_61 = arith.constant 128 : i32
      %mul3A_62 = arith.muli %add3A_60, %mul3A_61 : i32
      %add3A_63 = arith.addi %mul3A_2, %mul3A_62 : i32
      %dma_wait3A_64 = arith.constant 0 : i32
      %dma_wait3A_65 = tpu.memref_slice %arg2[%add3A_63, %dma_wait3A_64] : memref<163840x128xf32, #tpu.memory_space<hbm>> -> memref<128x128xf32, #tpu.memory_space<hbm>>
      %dma_wait3A_66 = arith.constant 0 : i32
      %dma_wait3A_67 = tpu.memref_slice %arg2[%add3A_63, %dma_wait3A_66] : memref<163840x128xf32, #tpu.memory_space<hbm>> -> memref<128x128xf32, #tpu.memory_space<hbm>>
      tpu.wait_dma2 semaphore(%arg11 : memref<!tpu.dma_semaphore, #tpu.memory_space<semaphore_mem>>) src(%dma_wait3A_67 : memref<128x128xf32, #tpu.memory_space<hbm>>) dst(%arg8 : memref<128x128xf32, #tpu.memory_space<vmem>>)
      "tpu.region"() ({
        %run_scoped3A_77 = tpu.sem_alloc : memref<!tpu.dma_semaphore, #tpu.memory_space<semaphore_mem>>
        %dma_start3A_78 = arith.constant 0 : i32
        %dma_start3A_79 = tpu.memref_slice %arg6[%add3A_60, %dma_start3A_78] : memref<40x128xi32, #tpu.memory_space<vmem>> -> memref<1x128xi32, #tpu.memory_space<vmem>>
        %dma_start3A_80 = tpu.memref_squeeze %dma_start3A_79 : memref<1x128xi32, #tpu.memory_space<vmem>> -> memref<128xi32, #tpu.memory_space<vmem>>
        %dma_start3A_81 = arith.constant 0 : i32
        %dma_start3A_82 = arith.constant 0 : i32
        %dma_start3A_83 = tpu.memref_slice %arg9[%dma_start3A_81, %dma_start3A_82] : memref<10240x128xf32, #tpu.memory_space<vmem_shared>> -> memref<10240x128xf32, #tpu.memory_space<vmem_shared>>
        tpu.enqueue_indirect_dma source(%arg8 : memref<128x128xf32, #tpu.memory_space<vmem>>) target(%dma_start3A_83 : memref<10240x128xf32, #tpu.memory_space<vmem_shared>>) offsets(%dma_start3A_80 : memref<128xi32, #tpu.memory_space<vmem>>) semaphore(%run_scoped3A_77 : memref<!tpu.dma_semaphore, #tpu.memory_space<semaphore_mem>>) {add = true}
        %dma_wait3A_84 = arith.constant 0 : i32
        %dma_wait3A_85 = tpu.memref_slice %arg6[%add3A_60, %dma_wait3A_84] : memref<40x128xi32, #tpu.memory_space<vmem>> -> memref<1x128xi32, #tpu.memory_space<vmem>>
        %dma_wait3A_86 = tpu.memref_squeeze %dma_wait3A_85 : memref<1x128xi32, #tpu.memory_space<vmem>> -> memref<128xi32, #tpu.memory_space<vmem>>
        %dma_wait3A_87 = arith.constant 0 : i32
        %dma_wait3A_88 = arith.constant 0 : i32
        %dma_wait3A_89 = tpu.memref_slice %arg9[%dma_wait3A_87, %dma_wait3A_88] : memref<10240x128xf32, #tpu.memory_space<vmem_shared>> -> memref<10240x128xf32, #tpu.memory_space<vmem_shared>>
        tpu.wait_indirect_dma semaphore(%run_scoped3A_77 : memref<!tpu.dma_semaphore, #tpu.memory_space<semaphore_mem>>) src(%arg8 : memref<128x128xf32, #tpu.memory_space<vmem>>) dst(%dma_wait3A_89 : memref<10240x128xf32, #tpu.memory_space<vmem_shared>>)
        tpu.yield
      }) : () -> ()
      %add3A_68 = arith.constant 3 : i32
      %add3A_69 = arith.addi %mul3A_42, %add3A_68 : i32
      %mul3A_70 = arith.constant 128 : i32
      %mul3A_71 = arith.muli %add3A_69, %mul3A_70 : i32
      %add3A_72 = arith.addi %mul3A_2, %mul3A_71 : i32
      %dma_start3A_73 = arith.constant 0 : i32
      %dma_start3A_74 = tpu.memref_slice %arg2[%add3A_72, %dma_start3A_73] : memref<163840x128xf32, #tpu.memory_space<hbm>> -> memref<128x128xf32, #tpu.memory_space<hbm>>
      %dma_start3A_75 = arith.constant 0 : i32
      %dma_start3A_76 = tpu.memref_slice %arg2[%add3A_72, %dma_start3A_75] : memref<163840x128xf32, #tpu.memory_space<hbm>> -> memref<128x128xf32, #tpu.memory_space<hbm>>
      tpu.enqueue_dma source(%dma_start3A_76 : memref<128x128xf32, #tpu.memory_space<hbm>>) target(%arg8 : memref<128x128xf32, #tpu.memory_space<vmem>>) target_semaphore(%arg11 : memref<!tpu.dma_semaphore, #tpu.memory_space<semaphore_mem>>)
    }
    %scan3A_22 = arith.constant 19 : i32
    %add3A_23 = arith.constant 4864 : i32
    %add3A_24 = arith.addi %mul3A_2, %add3A_23 : i32
    %dma_wait3A = arith.constant 0 : i32
    %dma_wait3A_25 = tpu.memref_slice %arg2[%add3A_24, %dma_wait3A] : memref<163840x128xf32, #tpu.memory_space<hbm>> -> memref<128x128xf32, #tpu.memory_space<hbm>>
    %dma_wait3A_26 = arith.constant 0 : i32
    %dma_wait3A_27 = tpu.memref_slice %arg2[%add3A_24, %dma_wait3A_26] : memref<163840x128xf32, #tpu.memory_space<hbm>> -> memref<128x128xf32, #tpu.memory_space<hbm>>
    tpu.wait_dma2 semaphore(%arg10 : memref<!tpu.dma_semaphore, #tpu.memory_space<semaphore_mem>>) src(%dma_wait3A_27 : memref<128x128xf32, #tpu.memory_space<hbm>>) dst(%arg7 : memref<128x128xf32, #tpu.memory_space<vmem>>)
    %run_scoped3A = arith.constant 38 : i32
    "tpu.region"() ({
      %run_scoped3A_40 = tpu.sem_alloc : memref<!tpu.dma_semaphore, #tpu.memory_space<semaphore_mem>>
      %dma_start3A_41 = arith.constant 0 : i32
      %dma_start3A_42 = tpu.memref_slice %arg6[%run_scoped3A, %dma_start3A_41] : memref<40x128xi32, #tpu.memory_space<vmem>> -> memref<1x128xi32, #tpu.memory_space<vmem>>
      %dma_start3A_43 = tpu.memref_squeeze %dma_start3A_42 : memref<1x128xi32, #tpu.memory_space<vmem>> -> memref<128xi32, #tpu.memory_space<vmem>>
      %dma_start3A_44 = arith.constant 0 : i32
      %dma_start3A_45 = arith.constant 0 : i32
      %dma_start3A_46 = tpu.memref_slice %arg9[%dma_start3A_44, %dma_start3A_45] : memref<10240x128xf32, #tpu.memory_space<vmem_shared>> -> memref<10240x128xf32, #tpu.memory_space<vmem_shared>>
      tpu.enqueue_indirect_dma source(%arg7 : memref<128x128xf32, #tpu.memory_space<vmem>>) target(%dma_start3A_46 : memref<10240x128xf32, #tpu.memory_space<vmem_shared>>) offsets(%dma_start3A_43 : memref<128xi32, #tpu.memory_space<vmem>>) semaphore(%run_scoped3A_40 : memref<!tpu.dma_semaphore, #tpu.memory_space<semaphore_mem>>) {add = true}
      %dma_wait3A_47 = arith.constant 0 : i32
      %dma_wait3A_48 = tpu.memref_slice %arg6[%run_scoped3A, %dma_wait3A_47] : memref<40x128xi32, #tpu.memory_space<vmem>> -> memref<1x128xi32, #tpu.memory_space<vmem>>
      %dma_wait3A_49 = tpu.memref_squeeze %dma_wait3A_48 : memref<1x128xi32, #tpu.memory_space<vmem>> -> memref<128xi32, #tpu.memory_space<vmem>>
      %dma_wait3A_50 = arith.constant 0 : i32
      %dma_wait3A_51 = arith.constant 0 : i32
      %dma_wait3A_52 = tpu.memref_slice %arg9[%dma_wait3A_50, %dma_wait3A_51] : memref<10240x128xf32, #tpu.memory_space<vmem_shared>> -> memref<10240x128xf32, #tpu.memory_space<vmem_shared>>
      tpu.wait_indirect_dma semaphore(%run_scoped3A_40 : memref<!tpu.dma_semaphore, #tpu.memory_space<semaphore_mem>>) src(%arg7 : memref<128x128xf32, #tpu.memory_space<vmem>>) dst(%dma_wait3A_52 : memref<10240x128xf32, #tpu.memory_space<vmem_shared>>)
      tpu.yield
    }) : () -> ()
    %add3A_28 = arith.constant 4992 : i32
    %add3A_29 = arith.addi %mul3A_2, %add3A_28 : i32
    %dma_wait3A_30 = arith.constant 0 : i32
    %dma_wait3A_31 = tpu.memref_slice %arg2[%add3A_29, %dma_wait3A_30] : memref<163840x128xf32, #tpu.memory_space<hbm>> -> memref<128x128xf32, #tpu.memory_space<hbm>>
    %dma_wait3A_32 = arith.constant 0 : i32
    %dma_wait3A_33 = tpu.memref_slice %arg2[%add3A_29, %dma_wait3A_32] : memref<163840x128xf32, #tpu.memory_space<hbm>> -> memref<128x128xf32, #tpu.memory_space<hbm>>
    tpu.wait_dma2 semaphore(%arg11 : memref<!tpu.dma_semaphore, #tpu.memory_space<semaphore_mem>>) src(%dma_wait3A_33 : memref<128x128xf32, #tpu.memory_space<hbm>>) dst(%arg8 : memref<128x128xf32, #tpu.memory_space<vmem>>)
    %run_scoped3A_34 = arith.constant 39 : i32
    "tpu.region"() ({
      %run_scoped3A_40 = tpu.sem_alloc : memref<!tpu.dma_semaphore, #tpu.memory_space<semaphore_mem>>
      %dma_start3A_41 = arith.constant 0 : i32
      %dma_start3A_42 = tpu.memref_slice %arg6[%run_scoped3A_34, %dma_start3A_41] : memref<40x128xi32, #tpu.memory_space<vmem>> -> memref<1x128xi32, #tpu.memory_space<vmem>>
      %dma_start3A_43 = tpu.memref_squeeze %dma_start3A_42 : memref<1x128xi32, #tpu.memory_space<vmem>> -> memref<128xi32, #tpu.memory_space<vmem>>
      %dma_start3A_44 = arith.constant 0 : i32
      %dma_start3A_45 = arith.constant 0 : i32
      %dma_start3A_46 = tpu.memref_slice %arg9[%dma_start3A_44, %dma_start3A_45] : memref<10240x128xf32, #tpu.memory_space<vmem_shared>> -> memref<10240x128xf32, #tpu.memory_space<vmem_shared>>
      tpu.enqueue_indirect_dma source(%arg8 : memref<128x128xf32, #tpu.memory_space<vmem>>) target(%dma_start3A_46 : memref<10240x128xf32, #tpu.memory_space<vmem_shared>>) offsets(%dma_start3A_43 : memref<128xi32, #tpu.memory_space<vmem>>) semaphore(%run_scoped3A_40 : memref<!tpu.dma_semaphore, #tpu.memory_space<semaphore_mem>>) {add = true}
      %dma_wait3A_47 = arith.constant 0 : i32
      %dma_wait3A_48 = tpu.memref_slice %arg6[%run_scoped3A_34, %dma_wait3A_47] : memref<40x128xi32, #tpu.memory_space<vmem>> -> memref<1x128xi32, #tpu.memory_space<vmem>>
      %dma_wait3A_49 = tpu.memref_squeeze %dma_wait3A_48 : memref<1x128xi32, #tpu.memory_space<vmem>> -> memref<128xi32, #tpu.memory_space<vmem>>
      %dma_wait3A_50 = arith.constant 0 : i32
      %dma_wait3A_51 = arith.constant 0 : i32
      %dma_wait3A_52 = tpu.memref_slice %arg9[%dma_wait3A_50, %dma_wait3A_51] : memref<10240x128xf32, #tpu.memory_space<vmem_shared>> -> memref<10240x128xf32, #tpu.memory_space<vmem_shared>>
      tpu.wait_indirect_dma semaphore(%run_scoped3A_40 : memref<!tpu.dma_semaphore, #tpu.memory_space<semaphore_mem>>) src(%arg8 : memref<128x128xf32, #tpu.memory_space<vmem>>) dst(%dma_wait3A_52 : memref<10240x128xf32, #tpu.memory_space<vmem_shared>>)
      tpu.yield
    }) : () -> ()
    %barrier3A_35 = arith.constant 0 : index
    tpu.barrier barrier_id(%barrier3A_35)
    %mul3A_36 = arith.constant 640 : i32
    %mul3A_37 = arith.muli %arg1, %mul3A_36 : i32
    %mul3A_38 = arith.constant 640 : i32
    %mul3A_39 = arith.muli %arg1, %mul3A_38 : i32
    "tpu.region"() ({
      %run_scoped3A_40 = tpu.sem_alloc : memref<!tpu.dma_semaphore, #tpu.memory_space<semaphore_mem>>
      %dma_start3A_41 = arith.constant 0 : i32
      %dma_start3A_42 = tpu.memref_slice %arg5[%arg0, %mul3A_39, %dma_start3A_41] : memref<2x10240x128xf32, #tpu.memory_space<hbm>> -> memref<1x640x128xf32, #tpu.memory_space<hbm>>
      %dma_start3A_43 = tpu.memref_squeeze %dma_start3A_42 : memref<1x640x128xf32, #tpu.memory_space<hbm>> -> memref<640x128xf32, #tpu.memory_space<hbm>>
      %dma_start3A_44 = arith.constant 0 : i32
      %dma_start3A_45 = tpu.memref_slice %arg9[%mul3A_37, %dma_start3A_44] : memref<10240x128xf32, #tpu.memory_space<vmem_shared>> -> memref<640x128xf32, #tpu.memory_space<vmem_shared>>
      tpu.enqueue_dma source(%dma_start3A_45 : memref<640x128xf32, #tpu.memory_space<vmem_shared>>) target(%dma_start3A_43 : memref<640x128xf32, #tpu.memory_space<hbm>>) target_semaphore(%run_scoped3A_40 : memref<!tpu.dma_semaphore, #tpu.memory_space<semaphore_mem>>)
      %dma_wait3A_46 = arith.constant 0 : i32
      %dma_wait3A_47 = tpu.memref_slice %arg5[%arg0, %mul3A_39, %dma_wait3A_46] : memref<2x10240x128xf32, #tpu.memory_space<hbm>> -> memref<1x640x128xf32, #tpu.memory_space<hbm>>
      %dma_wait3A_48 = tpu.memref_squeeze %dma_wait3A_47 : memref<1x640x128xf32, #tpu.memory_space<hbm>> -> memref<640x128xf32, #tpu.memory_space<hbm>>
      %dma_wait3A_49 = arith.constant 0 : i32
      %dma_wait3A_50 = tpu.memref_slice %arg9[%mul3A_37, %dma_wait3A_49] : memref<10240x128xf32, #tpu.memory_space<vmem_shared>> -> memref<640x128xf32, #tpu.memory_space<vmem_shared>>
      tpu.wait_dma2 semaphore(%run_scoped3A_40 : memref<!tpu.dma_semaphore, #tpu.memory_space<semaphore_mem>>) src(%dma_wait3A_50 : memref<640x128xf32, #tpu.memory_space<vmem_shared>>) dst(%dma_wait3A_48 : memref<640x128xf32, #tpu.memory_space<hbm>>)
      tpu.yield
    }) : () -> ()
    return
  }
}

#map = affine_map<(d0, d1) -> (0, 0)>
module attributes {stable_mosaic.version = 14 : i64} {
  func.func @gather1(%arg0: i32, %arg1: i32, %arg2: memref<10240x128xf32, #tpu.memory_space<hbm>>, %arg3: memref<1280x128xi32, #tpu.memory_space<hbm>>, %arg4: memref<163840x128xf32, #tpu.memory_space<hbm>>, %arg5: memref<40x128xi32, #tpu.memory_space<vmem>>, %arg6: memref<128x128xf32, #tpu.memory_space<vmem>>, %arg7: memref<128x128xf32, #tpu.memory_space<vmem>>, %arg8: memref<10240x128xf32, #tpu.memory_space<vmem_shared>>, %arg9: memref<!tpu.dma_semaphore, #tpu.memory_space<semaphore_mem>>, %arg10: memref<!tpu.dma_semaphore, #tpu.memory_space<semaphore_mem>>) attributes {dimension_semantics = [#tpu.dimension_semantics<core_parallel>, #tpu.dimension_semantics<subcore_parallel>], iteration_bounds = array<i64: 2, 16>, scalar_prefetch = 0 : i64, scratch_operands = 6 : i64, tpu.core_type = #tpu.core_type<sc_vector_subcore>, window_params = [{transform_indices = #map}, {transform_indices = #map}, {transform_indices = #map}]} {
    %mul3A = arith.constant 2 : i32
    %mul3A_0 = arith.muli %arg1, %mul3A : i32
    %add3A = arith.addi %mul3A_0, %arg0 : i32
    %mul3A_1 = arith.constant 5120 : i32
    %mul3A_2 = arith.muli %add3A, %mul3A_1 : i32
    %mul3A_3 = arith.constant 640 : i32
    %mul3A_4 = arith.muli %arg1, %mul3A_3 : i32
    %mul3A_5 = arith.constant 640 : i32
    %mul3A_6 = arith.muli %arg1, %mul3A_5 : i32
    "tpu.region"() ({
      %run_scoped3A = tpu.sem_alloc : memref<!tpu.dma_semaphore, #tpu.memory_space<semaphore_mem>>
      %dma_start3A_44 = arith.constant 0 : i32
      %dma_start3A_45 = tpu.memref_slice %arg8[%mul3A_6, %dma_start3A_44] : memref<10240x128xf32, #tpu.memory_space<vmem_shared>> -> memref<640x128xf32, #tpu.memory_space<vmem_shared>>
      %dma_start3A_46 = arith.constant 0 : i32
      %dma_start3A_47 = tpu.memref_slice %arg2[%mul3A_4, %dma_start3A_46] : memref<10240x128xf32, #tpu.memory_space<hbm>> -> memref<640x128xf32, #tpu.memory_space<hbm>>
      tpu.enqueue_dma source(%dma_start3A_47 : memref<640x128xf32, #tpu.memory_space<hbm>>) target(%dma_start3A_45 : memref<640x128xf32, #tpu.memory_space<vmem_shared>>) target_semaphore(%run_scoped3A : memref<!tpu.dma_semaphore, #tpu.memory_space<semaphore_mem>>)
      %dma_wait3A_48 = arith.constant 0 : i32
      %dma_wait3A_49 = tpu.memref_slice %arg8[%mul3A_6, %dma_wait3A_48] : memref<10240x128xf32, #tpu.memory_space<vmem_shared>> -> memref<640x128xf32, #tpu.memory_space<vmem_shared>>
      %dma_wait3A_50 = arith.constant 0 : i32
      %dma_wait3A_51 = tpu.memref_slice %arg2[%mul3A_4, %dma_wait3A_50] : memref<10240x128xf32, #tpu.memory_space<hbm>> -> memref<640x128xf32, #tpu.memory_space<hbm>>
      tpu.wait_dma2 semaphore(%run_scoped3A : memref<!tpu.dma_semaphore, #tpu.memory_space<semaphore_mem>>) src(%dma_wait3A_51 : memref<640x128xf32, #tpu.memory_space<hbm>>) dst(%dma_wait3A_49 : memref<640x128xf32, #tpu.memory_space<vmem_shared>>)
      tpu.yield
    }) : () -> ()
    %mul3A_7 = arith.constant 40 : i32
    %mul3A_8 = arith.muli %add3A, %mul3A_7 : i32
    "tpu.region"() ({
      %run_scoped3A = tpu.sem_alloc : memref<!tpu.dma_semaphore, #tpu.memory_space<semaphore_mem>>
      %dma_start3A_44 = arith.constant 0 : i32
      %dma_start3A_45 = tpu.memref_slice %arg3[%mul3A_8, %dma_start3A_44] : memref<1280x128xi32, #tpu.memory_space<hbm>> -> memref<40x128xi32, #tpu.memory_space<hbm>>
      %dma_start3A_46 = arith.constant 0 : i32
      %dma_start3A_47 = tpu.memref_slice %arg3[%mul3A_8, %dma_start3A_46] : memref<1280x128xi32, #tpu.memory_space<hbm>> -> memref<40x128xi32, #tpu.memory_space<hbm>>
      tpu.enqueue_dma source(%dma_start3A_47 : memref<40x128xi32, #tpu.memory_space<hbm>>) target(%arg5 : memref<40x128xi32, #tpu.memory_space<vmem>>) target_semaphore(%run_scoped3A : memref<!tpu.dma_semaphore, #tpu.memory_space<semaphore_mem>>)
      %dma_wait3A_48 = arith.constant 0 : i32
      %dma_wait3A_49 = tpu.memref_slice %arg3[%mul3A_8, %dma_wait3A_48] : memref<1280x128xi32, #tpu.memory_space<hbm>> -> memref<40x128xi32, #tpu.memory_space<hbm>>
      %dma_wait3A_50 = arith.constant 0 : i32
      %dma_wait3A_51 = tpu.memref_slice %arg3[%mul3A_8, %dma_wait3A_50] : memref<1280x128xi32, #tpu.memory_space<hbm>> -> memref<40x128xi32, #tpu.memory_space<hbm>>
      tpu.wait_dma2 semaphore(%run_scoped3A : memref<!tpu.dma_semaphore, #tpu.memory_space<semaphore_mem>>) src(%dma_wait3A_51 : memref<40x128xi32, #tpu.memory_space<hbm>>) dst(%arg5 : memref<40x128xi32, #tpu.memory_space<vmem>>)
      tpu.yield
    }) : () -> ()
    %barrier3A = arith.constant 0 : index
    tpu.barrier barrier_id(%barrier3A)
    %dma_start3A = arith.constant 0 : i32
    %dma_start3A_9 = arith.constant 0 : i32
    %dma_start3A_10 = tpu.memref_slice %arg5[%dma_start3A, %dma_start3A_9] : memref<40x128xi32, #tpu.memory_space<vmem>> -> memref<1x128xi32, #tpu.memory_space<vmem>>
    %dma_start3A_11 = tpu.memref_squeeze %dma_start3A_10 : memref<1x128xi32, #tpu.memory_space<vmem>> -> memref<128xi32, #tpu.memory_space<vmem>>
    %dma_start3A_12 = arith.constant 0 : i32
    %dma_start3A_13 = arith.constant 0 : i32
    %dma_start3A_14 = tpu.memref_slice %arg8[%dma_start3A_12, %dma_start3A_13] : memref<10240x128xf32, #tpu.memory_space<vmem_shared>> -> memref<10240x128xf32, #tpu.memory_space<vmem_shared>>
    tpu.enqueue_indirect_dma source(%dma_start3A_14 : memref<10240x128xf32, #tpu.memory_space<vmem_shared>>) target(%arg6 : memref<128x128xf32, #tpu.memory_space<vmem>>) offsets(%dma_start3A_11 : memref<128xi32, #tpu.memory_space<vmem>>) semaphore(%arg9 : memref<!tpu.dma_semaphore, #tpu.memory_space<semaphore_mem>>)
    %dma_start3A_15 = arith.constant 1 : i32
    %dma_start3A_16 = arith.constant 0 : i32
    %dma_start3A_17 = tpu.memref_slice %arg5[%dma_start3A_15, %dma_start3A_16] : memref<40x128xi32, #tpu.memory_space<vmem>> -> memref<1x128xi32, #tpu.memory_space<vmem>>
    %dma_start3A_18 = tpu.memref_squeeze %dma_start3A_17 : memref<1x128xi32, #tpu.memory_space<vmem>> -> memref<128xi32, #tpu.memory_space<vmem>>
    %dma_start3A_19 = arith.constant 0 : i32
    %dma_start3A_20 = arith.constant 0 : i32
    %dma_start3A_21 = tpu.memref_slice %arg8[%dma_start3A_19, %dma_start3A_20] : memref<10240x128xf32, #tpu.memory_space<vmem_shared>> -> memref<10240x128xf32, #tpu.memory_space<vmem_shared>>
    tpu.enqueue_indirect_dma source(%dma_start3A_21 : memref<10240x128xf32, #tpu.memory_space<vmem_shared>>) target(%arg7 : memref<128x128xf32, #tpu.memory_space<vmem>>) offsets(%dma_start3A_18 : memref<128xi32, #tpu.memory_space<vmem>>) semaphore(%arg10 : memref<!tpu.dma_semaphore, #tpu.memory_space<semaphore_mem>>)
    %scan3A = arith.constant 0 : i32
    %scan3A_22 = arith.constant 0 : i32
    %scan3A_23 = arith.constant 19 : i32
    %scan3A_24 = arith.addi %scan3A_22, %scan3A_23 : i32
    %scan3A_25 = arith.constant 1 : i32
    scf.for %scan3A_44 = %scan3A_22 to %scan3A_24 step %scan3A_25  : i32 {
      %mul3A_45 = arith.constant 2 : i32
      %mul3A_46 = arith.muli %mul3A_45, %scan3A_44 : i32
      %dma_wait3A_47 = arith.constant 0 : i32
      %dma_wait3A_48 = tpu.memref_slice %arg5[%mul3A_46, %dma_wait3A_47] : memref<40x128xi32, #tpu.memory_space<vmem>> -> memref<1x128xi32, #tpu.memory_space<vmem>>
      %dma_wait3A_49 = tpu.memref_squeeze %dma_wait3A_48 : memref<1x128xi32, #tpu.memory_space<vmem>> -> memref<128xi32, #tpu.memory_space<vmem>>
      %dma_wait3A_50 = arith.constant 0 : i32
      %dma_wait3A_51 = arith.constant 0 : i32
      %dma_wait3A_52 = tpu.memref_slice %arg8[%dma_wait3A_50, %dma_wait3A_51] : memref<10240x128xf32, #tpu.memory_space<vmem_shared>> -> memref<10240x128xf32, #tpu.memory_space<vmem_shared>>
      tpu.wait_indirect_dma semaphore(%arg9 : memref<!tpu.dma_semaphore, #tpu.memory_space<semaphore_mem>>) src(%dma_wait3A_52 : memref<10240x128xf32, #tpu.memory_space<vmem_shared>>) dst(%arg6 : memref<128x128xf32, #tpu.memory_space<vmem>>)
      %mul3A_53 = arith.constant 128 : i32
      %mul3A_54 = arith.muli %mul3A_46, %mul3A_53 : i32
      %add3A_55 = arith.addi %mul3A_2, %mul3A_54 : i32
      "tpu.region"() ({
        %run_scoped3A = tpu.sem_alloc : memref<!tpu.dma_semaphore, #tpu.memory_space<semaphore_mem>>
        %dma_start3A_83 = arith.constant 0 : i32
        %dma_start3A_84 = tpu.memref_slice %arg4[%add3A_55, %dma_start3A_83] : memref<163840x128xf32, #tpu.memory_space<hbm>> -> memref<128x128xf32, #tpu.memory_space<hbm>>
        %dma_start3A_85 = arith.constant 0 : i32
        %dma_start3A_86 = tpu.memref_slice %arg4[%add3A_55, %dma_start3A_85] : memref<163840x128xf32, #tpu.memory_space<hbm>> -> memref<128x128xf32, #tpu.memory_space<hbm>>
        tpu.enqueue_dma source(%arg6 : memref<128x128xf32, #tpu.memory_space<vmem>>) target(%dma_start3A_86 : memref<128x128xf32, #tpu.memory_space<hbm>>) target_semaphore(%run_scoped3A : memref<!tpu.dma_semaphore, #tpu.memory_space<semaphore_mem>>)
        %dma_wait3A_87 = arith.constant 0 : i32
        %dma_wait3A_88 = tpu.memref_slice %arg4[%add3A_55, %dma_wait3A_87] : memref<163840x128xf32, #tpu.memory_space<hbm>> -> memref<128x128xf32, #tpu.memory_space<hbm>>
        %dma_wait3A_89 = arith.constant 0 : i32
        %dma_wait3A_90 = tpu.memref_slice %arg4[%add3A_55, %dma_wait3A_89] : memref<163840x128xf32, #tpu.memory_space<hbm>> -> memref<128x128xf32, #tpu.memory_space<hbm>>
        tpu.wait_dma2 semaphore(%run_scoped3A : memref<!tpu.dma_semaphore, #tpu.memory_space<semaphore_mem>>) src(%arg6 : memref<128x128xf32, #tpu.memory_space<vmem>>) dst(%dma_wait3A_90 : memref<128x128xf32, #tpu.memory_space<hbm>>)
        tpu.yield
      }) : () -> ()
      %add3A_56 = arith.constant 2 : i32
      %add3A_57 = arith.addi %mul3A_46, %add3A_56 : i32
      %dma_start3A_58 = arith.constant 0 : i32
      %dma_start3A_59 = tpu.memref_slice %arg5[%add3A_57, %dma_start3A_58] : memref<40x128xi32, #tpu.memory_space<vmem>> -> memref<1x128xi32, #tpu.memory_space<vmem>>
      %dma_start3A_60 = tpu.memref_squeeze %dma_start3A_59 : memref<1x128xi32, #tpu.memory_space<vmem>> -> memref<128xi32, #tpu.memory_space<vmem>>
      %dma_start3A_61 = arith.constant 0 : i32
      %dma_start3A_62 = arith.constant 0 : i32
      %dma_start3A_63 = tpu.memref_slice %arg8[%dma_start3A_61, %dma_start3A_62] : memref<10240x128xf32, #tpu.memory_space<vmem_shared>> -> memref<10240x128xf32, #tpu.memory_space<vmem_shared>>
      tpu.enqueue_indirect_dma source(%dma_start3A_63 : memref<10240x128xf32, #tpu.memory_space<vmem_shared>>) target(%arg6 : memref<128x128xf32, #tpu.memory_space<vmem>>) offsets(%dma_start3A_60 : memref<128xi32, #tpu.memory_space<vmem>>) semaphore(%arg9 : memref<!tpu.dma_semaphore, #tpu.memory_space<semaphore_mem>>)
      %add3A_64 = arith.constant 1 : i32
      %add3A_65 = arith.addi %mul3A_46, %add3A_64 : i32
      %dma_wait3A_66 = arith.constant 0 : i32
      %dma_wait3A_67 = tpu.memref_slice %arg5[%add3A_65, %dma_wait3A_66] : memref<40x128xi32, #tpu.memory_space<vmem>> -> memref<1x128xi32, #tpu.memory_space<vmem>>
      %dma_wait3A_68 = tpu.memref_squeeze %dma_wait3A_67 : memref<1x128xi32, #tpu.memory_space<vmem>> -> memref<128xi32, #tpu.memory_space<vmem>>
      %dma_wait3A_69 = arith.constant 0 : i32
      %dma_wait3A_70 = arith.constant 0 : i32
      %dma_wait3A_71 = tpu.memref_slice %arg8[%dma_wait3A_69, %dma_wait3A_70] : memref<10240x128xf32, #tpu.memory_space<vmem_shared>> -> memref<10240x128xf32, #tpu.memory_space<vmem_shared>>
      tpu.wait_indirect_dma semaphore(%arg10 : memref<!tpu.dma_semaphore, #tpu.memory_space<semaphore_mem>>) src(%dma_wait3A_71 : memref<10240x128xf32, #tpu.memory_space<vmem_shared>>) dst(%arg7 : memref<128x128xf32, #tpu.memory_space<vmem>>)
      %mul3A_72 = arith.constant 128 : i32
      %mul3A_73 = arith.muli %add3A_65, %mul3A_72 : i32
      %add3A_74 = arith.addi %mul3A_2, %mul3A_73 : i32
      "tpu.region"() ({
        %run_scoped3A = tpu.sem_alloc : memref<!tpu.dma_semaphore, #tpu.memory_space<semaphore_mem>>
        %dma_start3A_83 = arith.constant 0 : i32
        %dma_start3A_84 = tpu.memref_slice %arg4[%add3A_74, %dma_start3A_83] : memref<163840x128xf32, #tpu.memory_space<hbm>> -> memref<128x128xf32, #tpu.memory_space<hbm>>
        %dma_start3A_85 = arith.constant 0 : i32
        %dma_start3A_86 = tpu.memref_slice %arg4[%add3A_74, %dma_start3A_85] : memref<163840x128xf32, #tpu.memory_space<hbm>> -> memref<128x128xf32, #tpu.memory_space<hbm>>
        tpu.enqueue_dma source(%arg7 : memref<128x128xf32, #tpu.memory_space<vmem>>) target(%dma_start3A_86 : memref<128x128xf32, #tpu.memory_space<hbm>>) target_semaphore(%run_scoped3A : memref<!tpu.dma_semaphore, #tpu.memory_space<semaphore_mem>>)
        %dma_wait3A_87 = arith.constant 0 : i32
        %dma_wait3A_88 = tpu.memref_slice %arg4[%add3A_74, %dma_wait3A_87] : memref<163840x128xf32, #tpu.memory_space<hbm>> -> memref<128x128xf32, #tpu.memory_space<hbm>>
        %dma_wait3A_89 = arith.constant 0 : i32
        %dma_wait3A_90 = tpu.memref_slice %arg4[%add3A_74, %dma_wait3A_89] : memref<163840x128xf32, #tpu.memory_space<hbm>> -> memref<128x128xf32, #tpu.memory_space<hbm>>
        tpu.wait_dma2 semaphore(%run_scoped3A : memref<!tpu.dma_semaphore, #tpu.memory_space<semaphore_mem>>) src(%arg7 : memref<128x128xf32, #tpu.memory_space<vmem>>) dst(%dma_wait3A_90 : memref<128x128xf32, #tpu.memory_space<hbm>>)
        tpu.yield
      }) : () -> ()
      %add3A_75 = arith.constant 3 : i32
      %add3A_76 = arith.addi %mul3A_46, %add3A_75 : i32
      %dma_start3A_77 = arith.constant 0 : i32
      %dma_start3A_78 = tpu.memref_slice %arg5[%add3A_76, %dma_start3A_77] : memref<40x128xi32, #tpu.memory_space<vmem>> -> memref<1x128xi32, #tpu.memory_space<vmem>>
      %dma_start3A_79 = tpu.memref_squeeze %dma_start3A_78 : memref<1x128xi32, #tpu.memory_space<vmem>> -> memref<128xi32, #tpu.memory_space<vmem>>
      %dma_start3A_80 = arith.constant 0 : i32
      %dma_start3A_81 = arith.constant 0 : i32
      %dma_start3A_82 = tpu.memref_slice %arg8[%dma_start3A_80, %dma_start3A_81] : memref<10240x128xf32, #tpu.memory_space<vmem_shared>> -> memref<10240x128xf32, #tpu.memory_space<vmem_shared>>
      tpu.enqueue_indirect_dma source(%dma_start3A_82 : memref<10240x128xf32, #tpu.memory_space<vmem_shared>>) target(%arg7 : memref<128x128xf32, #tpu.memory_space<vmem>>) offsets(%dma_start3A_79 : memref<128xi32, #tpu.memory_space<vmem>>) semaphore(%arg10 : memref<!tpu.dma_semaphore, #tpu.memory_space<semaphore_mem>>)
    }
    %scan3A_26 = arith.constant 19 : i32
    %dma_wait3A = arith.constant 38 : i32
    %dma_wait3A_27 = arith.constant 0 : i32
    %dma_wait3A_28 = tpu.memref_slice %arg5[%dma_wait3A, %dma_wait3A_27] : memref<40x128xi32, #tpu.memory_space<vmem>> -> memref<1x128xi32, #tpu.memory_space<vmem>>
    %dma_wait3A_29 = tpu.memref_squeeze %dma_wait3A_28 : memref<1x128xi32, #tpu.memory_space<vmem>> -> memref<128xi32, #tpu.memory_space<vmem>>
    %dma_wait3A_30 = arith.constant 0 : i32
    %dma_wait3A_31 = arith.constant 0 : i32
    %dma_wait3A_32 = tpu.memref_slice %arg8[%dma_wait3A_30, %dma_wait3A_31] : memref<10240x128xf32, #tpu.memory_space<vmem_shared>> -> memref<10240x128xf32, #tpu.memory_space<vmem_shared>>
    tpu.wait_indirect_dma semaphore(%arg9 : memref<!tpu.dma_semaphore, #tpu.memory_space<semaphore_mem>>) src(%dma_wait3A_32 : memref<10240x128xf32, #tpu.memory_space<vmem_shared>>) dst(%arg6 : memref<128x128xf32, #tpu.memory_space<vmem>>)
    %add3A_33 = arith.constant 4864 : i32
    %add3A_34 = arith.addi %mul3A_2, %add3A_33 : i32
    "tpu.region"() ({
      %run_scoped3A = tpu.sem_alloc : memref<!tpu.dma_semaphore, #tpu.memory_space<semaphore_mem>>
      %dma_start3A_44 = arith.constant 0 : i32
      %dma_start3A_45 = tpu.memref_slice %arg4[%add3A_34, %dma_start3A_44] : memref<163840x128xf32, #tpu.memory_space<hbm>> -> memref<128x128xf32, #tpu.memory_space<hbm>>
      %dma_start3A_46 = arith.constant 0 : i32
      %dma_start3A_47 = tpu.memref_slice %arg4[%add3A_34, %dma_start3A_46] : memref<163840x128xf32, #tpu.memory_space<hbm>> -> memref<128x128xf32, #tpu.memory_space<hbm>>
      tpu.enqueue_dma source(%arg6 : memref<128x128xf32, #tpu.memory_space<vmem>>) target(%dma_start3A_47 : memref<128x128xf32, #tpu.memory_space<hbm>>) target_semaphore(%run_scoped3A : memref<!tpu.dma_semaphore, #tpu.memory_space<semaphore_mem>>)
      %dma_wait3A_48 = arith.constant 0 : i32
      %dma_wait3A_49 = tpu.memref_slice %arg4[%add3A_34, %dma_wait3A_48] : memref<163840x128xf32, #tpu.memory_space<hbm>> -> memref<128x128xf32, #tpu.memory_space<hbm>>
      %dma_wait3A_50 = arith.constant 0 : i32
      %dma_wait3A_51 = tpu.memref_slice %arg4[%add3A_34, %dma_wait3A_50] : memref<163840x128xf32, #tpu.memory_space<hbm>> -> memref<128x128xf32, #tpu.memory_space<hbm>>
      tpu.wait_dma2 semaphore(%run_scoped3A : memref<!tpu.dma_semaphore, #tpu.memory_space<semaphore_mem>>) src(%arg6 : memref<128x128xf32, #tpu.memory_space<vmem>>) dst(%dma_wait3A_51 : memref<128x128xf32, #tpu.memory_space<hbm>>)
      tpu.yield
    }) : () -> ()
    %dma_wait3A_35 = arith.constant 39 : i32
    %dma_wait3A_36 = arith.constant 0 : i32
    %dma_wait3A_37 = tpu.memref_slice %arg5[%dma_wait3A_35, %dma_wait3A_36] : memref<40x128xi32, #tpu.memory_space<vmem>> -> memref<1x128xi32, #tpu.memory_space<vmem>>
    %dma_wait3A_38 = tpu.memref_squeeze %dma_wait3A_37 : memref<1x128xi32, #tpu.memory_space<vmem>> -> memref<128xi32, #tpu.memory_space<vmem>>
    %dma_wait3A_39 = arith.constant 0 : i32
    %dma_wait3A_40 = arith.constant 0 : i32
    %dma_wait3A_41 = tpu.memref_slice %arg8[%dma_wait3A_39, %dma_wait3A_40] : memref<10240x128xf32, #tpu.memory_space<vmem_shared>> -> memref<10240x128xf32, #tpu.memory_space<vmem_shared>>
    tpu.wait_indirect_dma semaphore(%arg10 : memref<!tpu.dma_semaphore, #tpu.memory_space<semaphore_mem>>) src(%dma_wait3A_41 : memref<10240x128xf32, #tpu.memory_space<vmem_shared>>) dst(%arg7 : memref<128x128xf32, #tpu.memory_space<vmem>>)
    %add3A_42 = arith.constant 4992 : i32
    %add3A_43 = arith.addi %mul3A_2, %add3A_42 : i32
    "tpu.region"() ({
      %run_scoped3A = tpu.sem_alloc : memref<!tpu.dma_semaphore, #tpu.memory_space<semaphore_mem>>
      %dma_start3A_44 = arith.constant 0 : i32
      %dma_start3A_45 = tpu.memref_slice %arg4[%add3A_43, %dma_start3A_44] : memref<163840x128xf32, #tpu.memory_space<hbm>> -> memref<128x128xf32, #tpu.memory_space<hbm>>
      %dma_start3A_46 = arith.constant 0 : i32
      %dma_start3A_47 = tpu.memref_slice %arg4[%add3A_43, %dma_start3A_46] : memref<163840x128xf32, #tpu.memory_space<hbm>> -> memref<128x128xf32, #tpu.memory_space<hbm>>
      tpu.enqueue_dma source(%arg7 : memref<128x128xf32, #tpu.memory_space<vmem>>) target(%dma_start3A_47 : memref<128x128xf32, #tpu.memory_space<hbm>>) target_semaphore(%run_scoped3A : memref<!tpu.dma_semaphore, #tpu.memory_space<semaphore_mem>>)
      %dma_wait3A_48 = arith.constant 0 : i32
      %dma_wait3A_49 = tpu.memref_slice %arg4[%add3A_43, %dma_wait3A_48] : memref<163840x128xf32, #tpu.memory_space<hbm>> -> memref<128x128xf32, #tpu.memory_space<hbm>>
      %dma_wait3A_50 = arith.constant 0 : i32
      %dma_wait3A_51 = tpu.memref_slice %arg4[%add3A_43, %dma_wait3A_50] : memref<163840x128xf32, #tpu.memory_space<hbm>> -> memref<128x128xf32, #tpu.memory_space<hbm>>
      tpu.wait_dma2 semaphore(%run_scoped3A : memref<!tpu.dma_semaphore, #tpu.memory_space<semaphore_mem>>) src(%arg7 : memref<128x128xf32, #tpu.memory_space<vmem>>) dst(%dma_wait3A_51 : memref<128x128xf32, #tpu.memory_space<hbm>>)
      tpu.yield
    }) : () -> ()
    return
  }
}

#map = affine_map<(d0, d1) -> (0, 0)>
#map1 = affine_map<(d0, d1) -> (0, 0, 0)>
module attributes {stable_mosaic.version = 14 : i64} {
  func.func @scatter(%arg0: i32, %arg1: i32, %arg2: memref<163840x128xf32, #tpu.memory_space<hbm>>, %arg3: memref<1280x128xi32, #tpu.memory_space<hbm>>, %arg4: memref<640x128xf32, #tpu.memory_space<hbm>>, %arg5: memref<2x10240x128xf32, #tpu.memory_space<hbm>>, %arg6: memref<40x128xi32, #tpu.memory_space<vmem>>, %arg7: memref<128x128xf32, #tpu.memory_space<vmem>>, %arg8: memref<128x128xf32, #tpu.memory_space<vmem>>, %arg9: memref<10240x128xf32, #tpu.memory_space<vmem_shared>>, %arg10: memref<!tpu.dma_semaphore, #tpu.memory_space<semaphore_mem>>, %arg11: memref<!tpu.dma_semaphore, #tpu.memory_space<semaphore_mem>>) attributes {dimension_semantics = [#tpu.dimension_semantics<core_parallel>, #tpu.dimension_semantics<subcore_parallel>], iteration_bounds = array<i64: 2, 16>, scalar_prefetch = 0 : i64, scratch_operands = 6 : i64, tpu.core_type = #tpu.core_type<sc_vector_subcore>, window_params = [{transform_indices = #map}, {transform_indices = #map}, {transform_indices = #map}, {transform_indices = #map1}]} {
    %mul3A = arith.constant 2 : i32
    %mul3A_0 = arith.muli %arg1, %mul3A : i32
    %add3A = arith.addi %mul3A_0, %arg0 : i32
    %mul3A_1 = arith.constant 5120 : i32
    %mul3A_2 = arith.muli %add3A, %mul3A_1 : i32
    %mul3A_3 = arith.constant 40 : i32
    %mul3A_4 = arith.muli %add3A, %mul3A_3 : i32
    "tpu.region"() ({
      %run_scoped3A_40 = tpu.sem_alloc : memref<!tpu.dma_semaphore, #tpu.memory_space<semaphore_mem>>
      %dma_start3A_41 = arith.constant 0 : i32
      %dma_start3A_42 = tpu.memref_slice %arg3[%mul3A_4, %dma_start3A_41] : memref<1280x128xi32, #tpu.memory_space<hbm>> -> memref<40x128xi32, #tpu.memory_space<hbm>>
      %dma_start3A_43 = arith.constant 0 : i32
      %dma_start3A_44 = tpu.memref_slice %arg3[%mul3A_4, %dma_start3A_43] : memref<1280x128xi32, #tpu.memory_space<hbm>> -> memref<40x128xi32, #tpu.memory_space<hbm>>
      tpu.enqueue_dma source(%dma_start3A_44 : memref<40x128xi32, #tpu.memory_space<hbm>>) target(%arg6 : memref<40x128xi32, #tpu.memory_space<vmem>>) target_semaphore(%run_scoped3A_40 : memref<!tpu.dma_semaphore, #tpu.memory_space<semaphore_mem>>)
      %dma_wait3A_45 = arith.constant 0 : i32
      %dma_wait3A_46 = tpu.memref_slice %arg3[%mul3A_4, %dma_wait3A_45] : memref<1280x128xi32, #tpu.memory_space<hbm>> -> memref<40x128xi32, #tpu.memory_space<hbm>>
      %dma_wait3A_47 = arith.constant 0 : i32
      %dma_wait3A_48 = tpu.memref_slice %arg3[%mul3A_4, %dma_wait3A_47] : memref<1280x128xi32, #tpu.memory_space<hbm>> -> memref<40x128xi32, #tpu.memory_space<hbm>>
      tpu.wait_dma2 semaphore(%run_scoped3A_40 : memref<!tpu.dma_semaphore, #tpu.memory_space<semaphore_mem>>) src(%dma_wait3A_48 : memref<40x128xi32, #tpu.memory_space<hbm>>) dst(%arg6 : memref<40x128xi32, #tpu.memory_space<vmem>>)
      tpu.yield
    }) : () -> ()
    %mul3A_5 = arith.constant 640 : i32
    %mul3A_6 = arith.muli %arg1, %mul3A_5 : i32
    "tpu.region"() ({
      %run_scoped3A_40 = tpu.sem_alloc : memref<!tpu.dma_semaphore, #tpu.memory_space<semaphore_mem>>
      %dma_start3A_41 = arith.constant 0 : i32
      %dma_start3A_42 = tpu.memref_slice %arg9[%mul3A_6, %dma_start3A_41] : memref<10240x128xf32, #tpu.memory_space<vmem_shared>> -> memref<640x128xf32, #tpu.memory_space<vmem_shared>>
      tpu.enqueue_dma source(%arg4 : memref<640x128xf32, #tpu.memory_space<hbm>>) target(%dma_start3A_42 : memref<640x128xf32, #tpu.memory_space<vmem_shared>>) target_semaphore(%run_scoped3A_40 : memref<!tpu.dma_semaphore, #tpu.memory_space<semaphore_mem>>)
      %dma_wait3A_43 = arith.constant 0 : i32
      %dma_wait3A_44 = tpu.memref_slice %arg9[%mul3A_6, %dma_wait3A_43] : memref<10240x128xf32, #tpu.memory_space<vmem_shared>> -> memref<640x128xf32, #tpu.memory_space<vmem_shared>>
      tpu.wait_dma2 semaphore(%run_scoped3A_40 : memref<!tpu.dma_semaphore, #tpu.memory_space<semaphore_mem>>) src(%arg4 : memref<640x128xf32, #tpu.memory_space<hbm>>) dst(%dma_wait3A_44 : memref<640x128xf32, #tpu.memory_space<vmem_shared>>)
      tpu.yield
    }) : () -> ()
    %barrier3A = arith.constant 0 : index
    tpu.barrier barrier_id(%barrier3A)
    %add3A_7 = arith.constant 0 : i32
    %add3A_8 = arith.addi %mul3A_2, %add3A_7 : i32
    %dma_start3A = arith.constant 0 : i32
    %dma_start3A_9 = tpu.memref_slice %arg2[%add3A_8, %dma_start3A] : memref<163840x128xf32, #tpu.memory_space<hbm>> -> memref<128x128xf32, #tpu.memory_space<hbm>>
    %dma_start3A_10 = arith.constant 0 : i32
    %dma_start3A_11 = tpu.memref_slice %arg2[%add3A_8, %dma_start3A_10] : memref<163840x128xf32, #tpu.memory_space<hbm>> -> memref<128x128xf32, #tpu.memory_space<hbm>>
    tpu.enqueue_dma source(%dma_start3A_11 : memref<128x128xf32, #tpu.memory_space<hbm>>) target(%arg7 : memref<128x128xf32, #tpu.memory_space<vmem>>) target_semaphore(%arg10 : memref<!tpu.dma_semaphore, #tpu.memory_space<semaphore_mem>>)
    %add3A_12 = arith.constant 128 : i32
    %add3A_13 = arith.addi %mul3A_2, %add3A_12 : i32
    %dma_start3A_14 = arith.constant 0 : i32
    %dma_start3A_15 = tpu.memref_slice %arg2[%add3A_13, %dma_start3A_14] : memref<163840x128xf32, #tpu.memory_space<hbm>> -> memref<128x128xf32, #tpu.memory_space<hbm>>
    %dma_start3A_16 = arith.constant 0 : i32
    %dma_start3A_17 = tpu.memref_slice %arg2[%add3A_13, %dma_start3A_16] : memref<163840x128xf32, #tpu.memory_space<hbm>> -> memref<128x128xf32, #tpu.memory_space<hbm>>
    tpu.enqueue_dma source(%dma_start3A_17 : memref<128x128xf32, #tpu.memory_space<hbm>>) target(%arg8 : memref<128x128xf32, #tpu.memory_space<vmem>>) target_semaphore(%arg11 : memref<!tpu.dma_semaphore, #tpu.memory_space<semaphore_mem>>)
    %scan3A = arith.constant 0 : i32
    %scan3A_18 = arith.constant 0 : i32
    %scan3A_19 = arith.constant 19 : i32
    %scan3A_20 = arith.addi %scan3A_18, %scan3A_19 : i32
    %scan3A_21 = arith.constant 1 : i32
    scf.for %scan3A_40 = %scan3A_18 to %scan3A_20 step %scan3A_21  : i32 {
      %mul3A_41 = arith.constant 2 : i32
      %mul3A_42 = arith.muli %mul3A_41, %scan3A_40 : i32
      %mul3A_43 = arith.constant 128 : i32
      %mul3A_44 = arith.muli %mul3A_42, %mul3A_43 : i32
      %add3A_45 = arith.addi %mul3A_2, %mul3A_44 : i32
      %dma_wait3A_46 = arith.constant 0 : i32
      %dma_wait3A_47 = tpu.memref_slice %arg2[%add3A_45, %dma_wait3A_46] : memref<163840x128xf32, #tpu.memory_space<hbm>> -> memref<128x128xf32, #tpu.memory_space<hbm>>
      %dma_wait3A_48 = arith.constant 0 : i32
      %dma_wait3A_49 = tpu.memref_slice %arg2[%add3A_45, %dma_wait3A_48] : memref<163840x128xf32, #tpu.memory_space<hbm>> -> memref<128x128xf32, #tpu.memory_space<hbm>>
      tpu.wait_dma2 semaphore(%arg10 : memref<!tpu.dma_semaphore, #tpu.memory_space<semaphore_mem>>) src(%dma_wait3A_49 : memref<128x128xf32, #tpu.memory_space<hbm>>) dst(%arg7 : memref<128x128xf32, #tpu.memory_space<vmem>>)
      "tpu.region"() ({
        %run_scoped3A_77 = tpu.sem_alloc : memref<!tpu.dma_semaphore, #tpu.memory_space<semaphore_mem>>
        %dma_start3A_78 = arith.constant 0 : i32
        %dma_start3A_79 = tpu.memref_slice %arg6[%mul3A_42, %dma_start3A_78] : memref<40x128xi32, #tpu.memory_space<vmem>> -> memref<1x128xi32, #tpu.memory_space<vmem>>
        %dma_start3A_80 = tpu.memref_squeeze %dma_start3A_79 : memref<1x128xi32, #tpu.memory_space<vmem>> -> memref<128xi32, #tpu.memory_space<vmem>>
        %dma_start3A_81 = arith.constant 0 : i32
        %dma_start3A_82 = arith.constant 0 : i32
        %dma_start3A_83 = tpu.memref_slice %arg9[%dma_start3A_81, %dma_start3A_82] : memref<10240x128xf32, #tpu.memory_space<vmem_shared>> -> memref<10240x128xf32, #tpu.memory_space<vmem_shared>>
        tpu.enqueue_indirect_dma source(%arg7 : memref<128x128xf32, #tpu.memory_space<vmem>>) target(%dma_start3A_83 : memref<10240x128xf32, #tpu.memory_space<vmem_shared>>) offsets(%dma_start3A_80 : memref<128xi32, #tpu.memory_space<vmem>>) semaphore(%run_scoped3A_77 : memref<!tpu.dma_semaphore, #tpu.memory_space<semaphore_mem>>) {add = true}
        %dma_wait3A_84 = arith.constant 0 : i32
        %dma_wait3A_85 = tpu.memref_slice %arg6[%mul3A_42, %dma_wait3A_84] : memref<40x128xi32, #tpu.memory_space<vmem>> -> memref<1x128xi32, #tpu.memory_space<vmem>>
        %dma_wait3A_86 = tpu.memref_squeeze %dma_wait3A_85 : memref<1x128xi32, #tpu.memory_space<vmem>> -> memref<128xi32, #tpu.memory_space<vmem>>
        %dma_wait3A_87 = arith.constant 0 : i32
        %dma_wait3A_88 = arith.constant 0 : i32
        %dma_wait3A_89 = tpu.memref_slice %arg9[%dma_wait3A_87, %dma_wait3A_88] : memref<10240x128xf32, #tpu.memory_space<vmem_shared>> -> memref<10240x128xf32, #tpu.memory_space<vmem_shared>>
        tpu.wait_indirect_dma semaphore(%run_scoped3A_77 : memref<!tpu.dma_semaphore, #tpu.memory_space<semaphore_mem>>) src(%arg7 : memref<128x128xf32, #tpu.memory_space<vmem>>) dst(%dma_wait3A_89 : memref<10240x128xf32, #tpu.memory_space<vmem_shared>>)
        tpu.yield
      }) : () -> ()
      %add3A_50 = arith.constant 2 : i32
      %add3A_51 = arith.addi %mul3A_42, %add3A_50 : i32
      %mul3A_52 = arith.constant 128 : i32
      %mul3A_53 = arith.muli %add3A_51, %mul3A_52 : i32
      %add3A_54 = arith.addi %mul3A_2, %mul3A_53 : i32
      %dma_start3A_55 = arith.constant 0 : i32
      %dma_start3A_56 = tpu.memref_slice %arg2[%add3A_54, %dma_start3A_55] : memref<163840x128xf32, #tpu.memory_space<hbm>> -> memref<128x128xf32, #tpu.memory_space<hbm>>
      %dma_start3A_57 = arith.constant 0 : i32
      %dma_start3A_58 = tpu.memref_slice %arg2[%add3A_54, %dma_start3A_57] : memref<163840x128xf32, #tpu.memory_space<hbm>> -> memref<128x128xf32, #tpu.memory_space<hbm>>
      tpu.enqueue_dma source(%dma_start3A_58 : memref<128x128xf32, #tpu.memory_space<hbm>>) target(%arg7 : memref<128x128xf32, #tpu.memory_space<vmem>>) target_semaphore(%arg10 : memref<!tpu.dma_semaphore, #tpu.memory_space<semaphore_mem>>)
      %add3A_59 = arith.constant 1 : i32
      %add3A_60 = arith.addi %mul3A_42, %add3A_59 : i32
      %mul3A_61 = arith.constant 128 : i32
      %mul3A_62 = arith.muli %add3A_60, %mul3A_61 : i32
      %add3A_63 = arith.addi %mul3A_2, %mul3A_62 : i32
      %dma_wait3A_64 = arith.constant 0 : i32
      %dma_wait3A_65 = tpu.memref_slice %arg2[%add3A_63, %dma_wait3A_64] : memref<163840x128xf32, #tpu.memory_space<hbm>> -> memref<128x128xf32, #tpu.memory_space<hbm>>
      %dma_wait3A_66 = arith.constant 0 : i32
      %dma_wait3A_67 = tpu.memref_slice %arg2[%add3A_63, %dma_wait3A_66] : memref<163840x128xf32, #tpu.memory_space<hbm>> -> memref<128x128xf32, #tpu.memory_space<hbm>>
      tpu.wait_dma2 semaphore(%arg11 : memref<!tpu.dma_semaphore, #tpu.memory_space<semaphore_mem>>) src(%dma_wait3A_67 : memref<128x128xf32, #tpu.memory_space<hbm>>) dst(%arg8 : memref<128x128xf32, #tpu.memory_space<vmem>>)
      "tpu.region"() ({
        %run_scoped3A_77 = tpu.sem_alloc : memref<!tpu.dma_semaphore, #tpu.memory_space<semaphore_mem>>
        %dma_start3A_78 = arith.constant 0 : i32
        %dma_start3A_79 = tpu.memref_slice %arg6[%add3A_60, %dma_start3A_78] : memref<40x128xi32, #tpu.memory_space<vmem>> -> memref<1x128xi32, #tpu.memory_space<vmem>>
        %dma_start3A_80 = tpu.memref_squeeze %dma_start3A_79 : memref<1x128xi32, #tpu.memory_space<vmem>> -> memref<128xi32, #tpu.memory_space<vmem>>
        %dma_start3A_81 = arith.constant 0 : i32
        %dma_start3A_82 = arith.constant 0 : i32
        %dma_start3A_83 = tpu.memref_slice %arg9[%dma_start3A_81, %dma_start3A_82] : memref<10240x128xf32, #tpu.memory_space<vmem_shared>> -> memref<10240x128xf32, #tpu.memory_space<vmem_shared>>
        tpu.enqueue_indirect_dma source(%arg8 : memref<128x128xf32, #tpu.memory_space<vmem>>) target(%dma_start3A_83 : memref<10240x128xf32, #tpu.memory_space<vmem_shared>>) offsets(%dma_start3A_80 : memref<128xi32, #tpu.memory_space<vmem>>) semaphore(%run_scoped3A_77 : memref<!tpu.dma_semaphore, #tpu.memory_space<semaphore_mem>>) {add = true}
        %dma_wait3A_84 = arith.constant 0 : i32
        %dma_wait3A_85 = tpu.memref_slice %arg6[%add3A_60, %dma_wait3A_84] : memref<40x128xi32, #tpu.memory_space<vmem>> -> memref<1x128xi32, #tpu.memory_space<vmem>>
        %dma_wait3A_86 = tpu.memref_squeeze %dma_wait3A_85 : memref<1x128xi32, #tpu.memory_space<vmem>> -> memref<128xi32, #tpu.memory_space<vmem>>
        %dma_wait3A_87 = arith.constant 0 : i32
        %dma_wait3A_88 = arith.constant 0 : i32
        %dma_wait3A_89 = tpu.memref_slice %arg9[%dma_wait3A_87, %dma_wait3A_88] : memref<10240x128xf32, #tpu.memory_space<vmem_shared>> -> memref<10240x128xf32, #tpu.memory_space<vmem_shared>>
        tpu.wait_indirect_dma semaphore(%run_scoped3A_77 : memref<!tpu.dma_semaphore, #tpu.memory_space<semaphore_mem>>) src(%arg8 : memref<128x128xf32, #tpu.memory_space<vmem>>) dst(%dma_wait3A_89 : memref<10240x128xf32, #tpu.memory_space<vmem_shared>>)
        tpu.yield
      }) : () -> ()
      %add3A_68 = arith.constant 3 : i32
      %add3A_69 = arith.addi %mul3A_42, %add3A_68 : i32
      %mul3A_70 = arith.constant 128 : i32
      %mul3A_71 = arith.muli %add3A_69, %mul3A_70 : i32
      %add3A_72 = arith.addi %mul3A_2, %mul3A_71 : i32
      %dma_start3A_73 = arith.constant 0 : i32
      %dma_start3A_74 = tpu.memref_slice %arg2[%add3A_72, %dma_start3A_73] : memref<163840x128xf32, #tpu.memory_space<hbm>> -> memref<128x128xf32, #tpu.memory_space<hbm>>
      %dma_start3A_75 = arith.constant 0 : i32
      %dma_start3A_76 = tpu.memref_slice %arg2[%add3A_72, %dma_start3A_75] : memref<163840x128xf32, #tpu.memory_space<hbm>> -> memref<128x128xf32, #tpu.memory_space<hbm>>
      tpu.enqueue_dma source(%dma_start3A_76 : memref<128x128xf32, #tpu.memory_space<hbm>>) target(%arg8 : memref<128x128xf32, #tpu.memory_space<vmem>>) target_semaphore(%arg11 : memref<!tpu.dma_semaphore, #tpu.memory_space<semaphore_mem>>)
    }
    %scan3A_22 = arith.constant 19 : i32
    %add3A_23 = arith.constant 4864 : i32
    %add3A_24 = arith.addi %mul3A_2, %add3A_23 : i32
    %dma_wait3A = arith.constant 0 : i32
    %dma_wait3A_25 = tpu.memref_slice %arg2[%add3A_24, %dma_wait3A] : memref<163840x128xf32, #tpu.memory_space<hbm>> -> memref<128x128xf32, #tpu.memory_space<hbm>>
    %dma_wait3A_26 = arith.constant 0 : i32
    %dma_wait3A_27 = tpu.memref_slice %arg2[%add3A_24, %dma_wait3A_26] : memref<163840x128xf32, #tpu.memory_space<hbm>> -> memref<128x128xf32, #tpu.memory_space<hbm>>
    tpu.wait_dma2 semaphore(%arg10 : memref<!tpu.dma_semaphore, #tpu.memory_space<semaphore_mem>>) src(%dma_wait3A_27 : memref<128x128xf32, #tpu.memory_space<hbm>>) dst(%arg7 : memref<128x128xf32, #tpu.memory_space<vmem>>)
    %run_scoped3A = arith.constant 38 : i32
    "tpu.region"() ({
      %run_scoped3A_40 = tpu.sem_alloc : memref<!tpu.dma_semaphore, #tpu.memory_space<semaphore_mem>>
      %dma_start3A_41 = arith.constant 0 : i32
      %dma_start3A_42 = tpu.memref_slice %arg6[%run_scoped3A, %dma_start3A_41] : memref<40x128xi32, #tpu.memory_space<vmem>> -> memref<1x128xi32, #tpu.memory_space<vmem>>
      %dma_start3A_43 = tpu.memref_squeeze %dma_start3A_42 : memref<1x128xi32, #tpu.memory_space<vmem>> -> memref<128xi32, #tpu.memory_space<vmem>>
      %dma_start3A_44 = arith.constant 0 : i32
      %dma_start3A_45 = arith.constant 0 : i32
      %dma_start3A_46 = tpu.memref_slice %arg9[%dma_start3A_44, %dma_start3A_45] : memref<10240x128xf32, #tpu.memory_space<vmem_shared>> -> memref<10240x128xf32, #tpu.memory_space<vmem_shared>>
      tpu.enqueue_indirect_dma source(%arg7 : memref<128x128xf32, #tpu.memory_space<vmem>>) target(%dma_start3A_46 : memref<10240x128xf32, #tpu.memory_space<vmem_shared>>) offsets(%dma_start3A_43 : memref<128xi32, #tpu.memory_space<vmem>>) semaphore(%run_scoped3A_40 : memref<!tpu.dma_semaphore, #tpu.memory_space<semaphore_mem>>) {add = true}
      %dma_wait3A_47 = arith.constant 0 : i32
      %dma_wait3A_48 = tpu.memref_slice %arg6[%run_scoped3A, %dma_wait3A_47] : memref<40x128xi32, #tpu.memory_space<vmem>> -> memref<1x128xi32, #tpu.memory_space<vmem>>
      %dma_wait3A_49 = tpu.memref_squeeze %dma_wait3A_48 : memref<1x128xi32, #tpu.memory_space<vmem>> -> memref<128xi32, #tpu.memory_space<vmem>>
      %dma_wait3A_50 = arith.constant 0 : i32
      %dma_wait3A_51 = arith.constant 0 : i32
      %dma_wait3A_52 = tpu.memref_slice %arg9[%dma_wait3A_50, %dma_wait3A_51] : memref<10240x128xf32, #tpu.memory_space<vmem_shared>> -> memref<10240x128xf32, #tpu.memory_space<vmem_shared>>
      tpu.wait_indirect_dma semaphore(%run_scoped3A_40 : memref<!tpu.dma_semaphore, #tpu.memory_space<semaphore_mem>>) src(%arg7 : memref<128x128xf32, #tpu.memory_space<vmem>>) dst(%dma_wait3A_52 : memref<10240x128xf32, #tpu.memory_space<vmem_shared>>)
      tpu.yield
    }) : () -> ()
    %add3A_28 = arith.constant 4992 : i32
    %add3A_29 = arith.addi %mul3A_2, %add3A_28 : i32
    %dma_wait3A_30 = arith.constant 0 : i32
    %dma_wait3A_31 = tpu.memref_slice %arg2[%add3A_29, %dma_wait3A_30] : memref<163840x128xf32, #tpu.memory_space<hbm>> -> memref<128x128xf32, #tpu.memory_space<hbm>>
    %dma_wait3A_32 = arith.constant 0 : i32
    %dma_wait3A_33 = tpu.memref_slice %arg2[%add3A_29, %dma_wait3A_32] : memref<163840x128xf32, #tpu.memory_space<hbm>> -> memref<128x128xf32, #tpu.memory_space<hbm>>
    tpu.wait_dma2 semaphore(%arg11 : memref<!tpu.dma_semaphore, #tpu.memory_space<semaphore_mem>>) src(%dma_wait3A_33 : memref<128x128xf32, #tpu.memory_space<hbm>>) dst(%arg8 : memref<128x128xf32, #tpu.memory_space<vmem>>)
    %run_scoped3A_34 = arith.constant 39 : i32
    "tpu.region"() ({
      %run_scoped3A_40 = tpu.sem_alloc : memref<!tpu.dma_semaphore, #tpu.memory_space<semaphore_mem>>
      %dma_start3A_41 = arith.constant 0 : i32
      %dma_start3A_42 = tpu.memref_slice %arg6[%run_scoped3A_34, %dma_start3A_41] : memref<40x128xi32, #tpu.memory_space<vmem>> -> memref<1x128xi32, #tpu.memory_space<vmem>>
      %dma_start3A_43 = tpu.memref_squeeze %dma_start3A_42 : memref<1x128xi32, #tpu.memory_space<vmem>> -> memref<128xi32, #tpu.memory_space<vmem>>
      %dma_start3A_44 = arith.constant 0 : i32
      %dma_start3A_45 = arith.constant 0 : i32
      %dma_start3A_46 = tpu.memref_slice %arg9[%dma_start3A_44, %dma_start3A_45] : memref<10240x128xf32, #tpu.memory_space<vmem_shared>> -> memref<10240x128xf32, #tpu.memory_space<vmem_shared>>
      tpu.enqueue_indirect_dma source(%arg8 : memref<128x128xf32, #tpu.memory_space<vmem>>) target(%dma_start3A_46 : memref<10240x128xf32, #tpu.memory_space<vmem_shared>>) offsets(%dma_start3A_43 : memref<128xi32, #tpu.memory_space<vmem>>) semaphore(%run_scoped3A_40 : memref<!tpu.dma_semaphore, #tpu.memory_space<semaphore_mem>>) {add = true}
      %dma_wait3A_47 = arith.constant 0 : i32
      %dma_wait3A_48 = tpu.memref_slice %arg6[%run_scoped3A_34, %dma_wait3A_47] : memref<40x128xi32, #tpu.memory_space<vmem>> -> memref<1x128xi32, #tpu.memory_space<vmem>>
      %dma_wait3A_49 = tpu.memref_squeeze %dma_wait3A_48 : memref<1x128xi32, #tpu.memory_space<vmem>> -> memref<128xi32, #tpu.memory_space<vmem>>
      %dma_wait3A_50 = arith.constant 0 : i32
      %dma_wait3A_51 = arith.constant 0 : i32
      %dma_wait3A_52 = tpu.memref_slice %arg9[%dma_wait3A_50, %dma_wait3A_51] : memref<10240x128xf32, #tpu.memory_space<vmem_shared>> -> memref<10240x128xf32, #tpu.memory_space<vmem_shared>>
      tpu.wait_indirect_dma semaphore(%run_scoped3A_40 : memref<!tpu.dma_semaphore, #tpu.memory_space<semaphore_mem>>) src(%arg8 : memref<128x128xf32, #tpu.memory_space<vmem>>) dst(%dma_wait3A_52 : memref<10240x128xf32, #tpu.memory_space<vmem_shared>>)
      tpu.yield
    }) : () -> ()
    %barrier3A_35 = arith.constant 0 : index
    tpu.barrier barrier_id(%barrier3A_35)
    %mul3A_36 = arith.constant 640 : i32
    %mul3A_37 = arith.muli %arg1, %mul3A_36 : i32
    %mul3A_38 = arith.constant 640 : i32
    %mul3A_39 = arith.muli %arg1, %mul3A_38 : i32
    "tpu.region"() ({
      %run_scoped3A_40 = tpu.sem_alloc : memref<!tpu.dma_semaphore, #tpu.memory_space<semaphore_mem>>
      %dma_start3A_41 = arith.constant 0 : i32
      %dma_start3A_42 = tpu.memref_slice %arg5[%arg0, %mul3A_39, %dma_start3A_41] : memref<2x10240x128xf32, #tpu.memory_space<hbm>> -> memref<1x640x128xf32, #tpu.memory_space<hbm>>
      %dma_start3A_43 = tpu.memref_squeeze %dma_start3A_42 : memref<1x640x128xf32, #tpu.memory_space<hbm>> -> memref<640x128xf32, #tpu.memory_space<hbm>>
      %dma_start3A_44 = arith.constant 0 : i32
      %dma_start3A_45 = tpu.memref_slice %arg9[%mul3A_37, %dma_start3A_44] : memref<10240x128xf32, #tpu.memory_space<vmem_shared>> -> memref<640x128xf32, #tpu.memory_space<vmem_shared>>
      tpu.enqueue_dma source(%dma_start3A_45 : memref<640x128xf32, #tpu.memory_space<vmem_shared>>) target(%dma_start3A_43 : memref<640x128xf32, #tpu.memory_space<hbm>>) target_semaphore(%run_scoped3A_40 : memref<!tpu.dma_semaphore, #tpu.memory_space<semaphore_mem>>)
      %dma_wait3A_46 = arith.constant 0 : i32
      %dma_wait3A_47 = tpu.memref_slice %arg5[%arg0, %mul3A_39, %dma_wait3A_46] : memref<2x10240x128xf32, #tpu.memory_space<hbm>> -> memref<1x640x128xf32, #tpu.memory_space<hbm>>
      %dma_wait3A_48 = tpu.memref_squeeze %dma_wait3A_47 : memref<1x640x128xf32, #tpu.memory_space<hbm>> -> memref<640x128xf32, #tpu.memory_space<hbm>>
      %dma_wait3A_49 = arith.constant 0 : i32
      %dma_wait3A_50 = tpu.memref_slice %arg9[%mul3A_37, %dma_wait3A_49] : memref<10240x128xf32, #tpu.memory_space<vmem_shared>> -> memref<640x128xf32, #tpu.memory_space<vmem_shared>>
      tpu.wait_dma2 semaphore(%run_scoped3A_40 : memref<!tpu.dma_semaphore, #tpu.memory_space<semaphore_mem>>) src(%dma_wait3A_50 : memref<640x128xf32, #tpu.memory_space<vmem_shared>>) dst(%dma_wait3A_48 : memref<640x128xf32, #tpu.memory_space<hbm>>)
      tpu.yield
    }) : () -> ()
    return
  }
}

#map = affine_map<(d0, d1) -> (0, 0)>
module attributes {stable_mosaic.version = 14 : i64} {
  func.func @gather1(%arg0: i32, %arg1: i32, %arg2: memref<10240x128xf32, #tpu.memory_space<hbm>>, %arg3: memref<1280x128xi32, #tpu.memory_space<hbm>>, %arg4: memref<163840x128xf32, #tpu.memory_space<hbm>>, %arg5: memref<40x128xi32, #tpu.memory_space<vmem>>, %arg6: memref<128x128xf32, #tpu.memory_space<vmem>>, %arg7: memref<128x128xf32, #tpu.memory_space<vmem>>, %arg8: memref<10240x128xf32, #tpu.memory_space<vmem_shared>>, %arg9: memref<!tpu.dma_semaphore, #tpu.memory_space<semaphore_mem>>, %arg10: memref<!tpu.dma_semaphore, #tpu.memory_space<semaphore_mem>>) attributes {dimension_semantics = [#tpu.dimension_semantics<core_parallel>, #tpu.dimension_semantics<subcore_parallel>], iteration_bounds = array<i64: 2, 16>, scalar_prefetch = 0 : i64, scratch_operands = 6 : i64, tpu.core_type = #tpu.core_type<sc_vector_subcore>, window_params = [{transform_indices = #map}, {transform_indices = #map}, {transform_indices = #map}]} {
    %mul3A = arith.constant 2 : i32
    %mul3A_0 = arith.muli %arg1, %mul3A : i32
    %add3A = arith.addi %mul3A_0, %arg0 : i32
    %mul3A_1 = arith.constant 5120 : i32
    %mul3A_2 = arith.muli %add3A, %mul3A_1 : i32
    %mul3A_3 = arith.constant 640 : i32
    %mul3A_4 = arith.muli %arg1, %mul3A_3 : i32
    %mul3A_5 = arith.constant 640 : i32
    %mul3A_6 = arith.muli %arg1, %mul3A_5 : i32
    "tpu.region"() ({
      %run_scoped3A = tpu.sem_alloc : memref<!tpu.dma_semaphore, #tpu.memory_space<semaphore_mem>>
      %dma_start3A_44 = arith.constant 0 : i32
      %dma_start3A_45 = tpu.memref_slice %arg8[%mul3A_6, %dma_start3A_44] : memref<10240x128xf32, #tpu.memory_space<vmem_shared>> -> memref<640x128xf32, #tpu.memory_space<vmem_shared>>
      %dma_start3A_46 = arith.constant 0 : i32
      %dma_start3A_47 = tpu.memref_slice %arg2[%mul3A_4, %dma_start3A_46] : memref<10240x128xf32, #tpu.memory_space<hbm>> -> memref<640x128xf32, #tpu.memory_space<hbm>>
      tpu.enqueue_dma source(%dma_start3A_47 : memref<640x128xf32, #tpu.memory_space<hbm>>) target(%dma_start3A_45 : memref<640x128xf32, #tpu.memory_space<vmem_shared>>) target_semaphore(%run_scoped3A : memref<!tpu.dma_semaphore, #tpu.memory_space<semaphore_mem>>)
      %dma_wait3A_48 = arith.constant 0 : i32
      %dma_wait3A_49 = tpu.memref_slice %arg8[%mul3A_6, %dma_wait3A_48] : memref<10240x128xf32, #tpu.memory_space<vmem_shared>> -> memref<640x128xf32, #tpu.memory_space<vmem_shared>>
      %dma_wait3A_50 = arith.constant 0 : i32
      %dma_wait3A_51 = tpu.memref_slice %arg2[%mul3A_4, %dma_wait3A_50] : memref<10240x128xf32, #tpu.memory_space<hbm>> -> memref<640x128xf32, #tpu.memory_space<hbm>>
      tpu.wait_dma2 semaphore(%run_scoped3A : memref<!tpu.dma_semaphore, #tpu.memory_space<semaphore_mem>>) src(%dma_wait3A_51 : memref<640x128xf32, #tpu.memory_space<hbm>>) dst(%dma_wait3A_49 : memref<640x128xf32, #tpu.memory_space<vmem_shared>>)
      tpu.yield
    }) : () -> ()
    %mul3A_7 = arith.constant 40 : i32
    %mul3A_8 = arith.muli %add3A, %mul3A_7 : i32
    "tpu.region"() ({
      %run_scoped3A = tpu.sem_alloc : memref<!tpu.dma_semaphore, #tpu.memory_space<semaphore_mem>>
      %dma_start3A_44 = arith.constant 0 : i32
      %dma_start3A_45 = tpu.memref_slice %arg3[%mul3A_8, %dma_start3A_44] : memref<1280x128xi32, #tpu.memory_space<hbm>> -> memref<40x128xi32, #tpu.memory_space<hbm>>
      %dma_start3A_46 = arith.constant 0 : i32
      %dma_start3A_47 = tpu.memref_slice %arg3[%mul3A_8, %dma_start3A_46] : memref<1280x128xi32, #tpu.memory_space<hbm>> -> memref<40x128xi32, #tpu.memory_space<hbm>>
      tpu.enqueue_dma source(%dma_start3A_47 : memref<40x128xi32, #tpu.memory_space<hbm>>) target(%arg5 : memref<40x128xi32, #tpu.memory_space<vmem>>) target_semaphore(%run_scoped3A : memref<!tpu.dma_semaphore, #tpu.memory_space<semaphore_mem>>)
      %dma_wait3A_48 = arith.constant 0 : i32
      %dma_wait3A_49 = tpu.memref_slice %arg3[%mul3A_8, %dma_wait3A_48] : memref<1280x128xi32, #tpu.memory_space<hbm>> -> memref<40x128xi32, #tpu.memory_space<hbm>>
      %dma_wait3A_50 = arith.constant 0 : i32
      %dma_wait3A_51 = tpu.memref_slice %arg3[%mul3A_8, %dma_wait3A_50] : memref<1280x128xi32, #tpu.memory_space<hbm>> -> memref<40x128xi32, #tpu.memory_space<hbm>>
      tpu.wait_dma2 semaphore(%run_scoped3A : memref<!tpu.dma_semaphore, #tpu.memory_space<semaphore_mem>>) src(%dma_wait3A_51 : memref<40x128xi32, #tpu.memory_space<hbm>>) dst(%arg5 : memref<40x128xi32, #tpu.memory_space<vmem>>)
      tpu.yield
    }) : () -> ()
    %barrier3A = arith.constant 0 : index
    tpu.barrier barrier_id(%barrier3A)
    %dma_start3A = arith.constant 0 : i32
    %dma_start3A_9 = arith.constant 0 : i32
    %dma_start3A_10 = tpu.memref_slice %arg5[%dma_start3A, %dma_start3A_9] : memref<40x128xi32, #tpu.memory_space<vmem>> -> memref<1x128xi32, #tpu.memory_space<vmem>>
    %dma_start3A_11 = tpu.memref_squeeze %dma_start3A_10 : memref<1x128xi32, #tpu.memory_space<vmem>> -> memref<128xi32, #tpu.memory_space<vmem>>
    %dma_start3A_12 = arith.constant 0 : i32
    %dma_start3A_13 = arith.constant 0 : i32
    %dma_start3A_14 = tpu.memref_slice %arg8[%dma_start3A_12, %dma_start3A_13] : memref<10240x128xf32, #tpu.memory_space<vmem_shared>> -> memref<10240x128xf32, #tpu.memory_space<vmem_shared>>
    tpu.enqueue_indirect_dma source(%dma_start3A_14 : memref<10240x128xf32, #tpu.memory_space<vmem_shared>>) target(%arg6 : memref<128x128xf32, #tpu.memory_space<vmem>>) offsets(%dma_start3A_11 : memref<128xi32, #tpu.memory_space<vmem>>) semaphore(%arg9 : memref<!tpu.dma_semaphore, #tpu.memory_space<semaphore_mem>>)
    %dma_start3A_15 = arith.constant 1 : i32
    %dma_start3A_16 = arith.constant 0 : i32
    %dma_start3A_17 = tpu.memref_slice %arg5[%dma_start3A_15, %dma_start3A_16] : memref<40x128xi32, #tpu.memory_space<vmem>> -> memref<1x128xi32, #tpu.memory_space<vmem>>
    %dma_start3A_18 = tpu.memref_squeeze %dma_start3A_17 : memref<1x128xi32, #tpu.memory_space<vmem>> -> memref<128xi32, #tpu.memory_space<vmem>>
    %dma_start3A_19 = arith.constant 0 : i32
    %dma_start3A_20 = arith.constant 0 : i32
    %dma_start3A_21 = tpu.memref_slice %arg8[%dma_start3A_19, %dma_start3A_20] : memref<10240x128xf32, #tpu.memory_space<vmem_shared>> -> memref<10240x128xf32, #tpu.memory_space<vmem_shared>>
    tpu.enqueue_indirect_dma source(%dma_start3A_21 : memref<10240x128xf32, #tpu.memory_space<vmem_shared>>) target(%arg7 : memref<128x128xf32, #tpu.memory_space<vmem>>) offsets(%dma_start3A_18 : memref<128xi32, #tpu.memory_space<vmem>>) semaphore(%arg10 : memref<!tpu.dma_semaphore, #tpu.memory_space<semaphore_mem>>)
    %scan3A = arith.constant 0 : i32
    %scan3A_22 = arith.constant 0 : i32
    %scan3A_23 = arith.constant 19 : i32
    %scan3A_24 = arith.addi %scan3A_22, %scan3A_23 : i32
    %scan3A_25 = arith.constant 1 : i32
    scf.for %scan3A_44 = %scan3A_22 to %scan3A_24 step %scan3A_25  : i32 {
      %mul3A_45 = arith.constant 2 : i32
      %mul3A_46 = arith.muli %mul3A_45, %scan3A_44 : i32
      %dma_wait3A_47 = arith.constant 0 : i32
      %dma_wait3A_48 = tpu.memref_slice %arg5[%mul3A_46, %dma_wait3A_47] : memref<40x128xi32, #tpu.memory_space<vmem>> -> memref<1x128xi32, #tpu.memory_space<vmem>>
      %dma_wait3A_49 = tpu.memref_squeeze %dma_wait3A_48 : memref<1x128xi32, #tpu.memory_space<vmem>> -> memref<128xi32, #tpu.memory_space<vmem>>
      %dma_wait3A_50 = arith.constant 0 : i32
      %dma_wait3A_51 = arith.constant 0 : i32
      %dma_wait3A_52 = tpu.memref_slice %arg8[%dma_wait3A_50, %dma_wait3A_51] : memref<10240x128xf32, #tpu.memory_space<vmem_shared>> -> memref<10240x128xf32, #tpu.memory_space<vmem_shared>>
      tpu.wait_indirect_dma semaphore(%arg9 : memref<!tpu.dma_semaphore, #tpu.memory_space<semaphore_mem>>) src(%dma_wait3A_52 : memref<10240x128xf32, #tpu.memory_space<vmem_shared>>) dst(%arg6 : memref<128x128xf32, #tpu.memory_space<vmem>>)
      %mul3A_53 = arith.constant 128 : i32
      %mul3A_54 = arith.muli %mul3A_46, %mul3A_53 : i32
      %add3A_55 = arith.addi %mul3A_2, %mul3A_54 : i32
      "tpu.region"() ({
        %run_scoped3A = tpu.sem_alloc : memref<!tpu.dma_semaphore, #tpu.memory_space<semaphore_mem>>
        %dma_start3A_83 = arith.constant 0 : i32
        %dma_start3A_84 = tpu.memref_slice %arg4[%add3A_55, %dma_start3A_83] : memref<163840x128xf32, #tpu.memory_space<hbm>> -> memref<128x128xf32, #tpu.memory_space<hbm>>
        %dma_start3A_85 = arith.constant 0 : i32
        %dma_start3A_86 = tpu.memref_slice %arg4[%add3A_55, %dma_start3A_85] : memref<163840x128xf32, #tpu.memory_space<hbm>> -> memref<128x128xf32, #tpu.memory_space<hbm>>
        tpu.enqueue_dma source(%arg6 : memref<128x128xf32, #tpu.memory_space<vmem>>) target(%dma_start3A_86 : memref<128x128xf32, #tpu.memory_space<hbm>>) target_semaphore(%run_scoped3A : memref<!tpu.dma_semaphore, #tpu.memory_space<semaphore_mem>>)
        %dma_wait3A_87 = arith.constant 0 : i32
        %dma_wait3A_88 = tpu.memref_slice %arg4[%add3A_55, %dma_wait3A_87] : memref<163840x128xf32, #tpu.memory_space<hbm>> -> memref<128x128xf32, #tpu.memory_space<hbm>>
        %dma_wait3A_89 = arith.constant 0 : i32
        %dma_wait3A_90 = tpu.memref_slice %arg4[%add3A_55, %dma_wait3A_89] : memref<163840x128xf32, #tpu.memory_space<hbm>> -> memref<128x128xf32, #tpu.memory_space<hbm>>
        tpu.wait_dma2 semaphore(%run_scoped3A : memref<!tpu.dma_semaphore, #tpu.memory_space<semaphore_mem>>) src(%arg6 : memref<128x128xf32, #tpu.memory_space<vmem>>) dst(%dma_wait3A_90 : memref<128x128xf32, #tpu.memory_space<hbm>>)
        tpu.yield
      }) : () -> ()
      %add3A_56 = arith.constant 2 : i32
      %add3A_57 = arith.addi %mul3A_46, %add3A_56 : i32
      %dma_start3A_58 = arith.constant 0 : i32
      %dma_start3A_59 = tpu.memref_slice %arg5[%add3A_57, %dma_start3A_58] : memref<40x128xi32, #tpu.memory_space<vmem>> -> memref<1x128xi32, #tpu.memory_space<vmem>>
      %dma_start3A_60 = tpu.memref_squeeze %dma_start3A_59 : memref<1x128xi32, #tpu.memory_space<vmem>> -> memref<128xi32, #tpu.memory_space<vmem>>
      %dma_start3A_61 = arith.constant 0 : i32
      %dma_start3A_62 = arith.constant 0 : i32
      %dma_start3A_63 = tpu.memref_slice %arg8[%dma_start3A_61, %dma_start3A_62] : memref<10240x128xf32, #tpu.memory_space<vmem_shared>> -> memref<10240x128xf32, #tpu.memory_space<vmem_shared>>
      tpu.enqueue_indirect_dma source(%dma_start3A_63 : memref<10240x128xf32, #tpu.memory_space<vmem_shared>>) target(%arg6 : memref<128x128xf32, #tpu.memory_space<vmem>>) offsets(%dma_start3A_60 : memref<128xi32, #tpu.memory_space<vmem>>) semaphore(%arg9 : memref<!tpu.dma_semaphore, #tpu.memory_space<semaphore_mem>>)
      %add3A_64 = arith.constant 1 : i32
      %add3A_65 = arith.addi %mul3A_46, %add3A_64 : i32
      %dma_wait3A_66 = arith.constant 0 : i32
      %dma_wait3A_67 = tpu.memref_slice %arg5[%add3A_65, %dma_wait3A_66] : memref<40x128xi32, #tpu.memory_space<vmem>> -> memref<1x128xi32, #tpu.memory_space<vmem>>
      %dma_wait3A_68 = tpu.memref_squeeze %dma_wait3A_67 : memref<1x128xi32, #tpu.memory_space<vmem>> -> memref<128xi32, #tpu.memory_space<vmem>>
      %dma_wait3A_69 = arith.constant 0 : i32
      %dma_wait3A_70 = arith.constant 0 : i32
      %dma_wait3A_71 = tpu.memref_slice %arg8[%dma_wait3A_69, %dma_wait3A_70] : memref<10240x128xf32, #tpu.memory_space<vmem_shared>> -> memref<10240x128xf32, #tpu.memory_space<vmem_shared>>
      tpu.wait_indirect_dma semaphore(%arg10 : memref<!tpu.dma_semaphore, #tpu.memory_space<semaphore_mem>>) src(%dma_wait3A_71 : memref<10240x128xf32, #tpu.memory_space<vmem_shared>>) dst(%arg7 : memref<128x128xf32, #tpu.memory_space<vmem>>)
      %mul3A_72 = arith.constant 128 : i32
      %mul3A_73 = arith.muli %add3A_65, %mul3A_72 : i32
      %add3A_74 = arith.addi %mul3A_2, %mul3A_73 : i32
      "tpu.region"() ({
        %run_scoped3A = tpu.sem_alloc : memref<!tpu.dma_semaphore, #tpu.memory_space<semaphore_mem>>
        %dma_start3A_83 = arith.constant 0 : i32
        %dma_start3A_84 = tpu.memref_slice %arg4[%add3A_74, %dma_start3A_83] : memref<163840x128xf32, #tpu.memory_space<hbm>> -> memref<128x128xf32, #tpu.memory_space<hbm>>
        %dma_start3A_85 = arith.constant 0 : i32
        %dma_start3A_86 = tpu.memref_slice %arg4[%add3A_74, %dma_start3A_85] : memref<163840x128xf32, #tpu.memory_space<hbm>> -> memref<128x128xf32, #tpu.memory_space<hbm>>
        tpu.enqueue_dma source(%arg7 : memref<128x128xf32, #tpu.memory_space<vmem>>) target(%dma_start3A_86 : memref<128x128xf32, #tpu.memory_space<hbm>>) target_semaphore(%run_scoped3A : memref<!tpu.dma_semaphore, #tpu.memory_space<semaphore_mem>>)
        %dma_wait3A_87 = arith.constant 0 : i32
        %dma_wait3A_88 = tpu.memref_slice %arg4[%add3A_74, %dma_wait3A_87] : memref<163840x128xf32, #tpu.memory_space<hbm>> -> memref<128x128xf32, #tpu.memory_space<hbm>>
        %dma_wait3A_89 = arith.constant 0 : i32
        %dma_wait3A_90 = tpu.memref_slice %arg4[%add3A_74, %dma_wait3A_89] : memref<163840x128xf32, #tpu.memory_space<hbm>> -> memref<128x128xf32, #tpu.memory_space<hbm>>
        tpu.wait_dma2 semaphore(%run_scoped3A : memref<!tpu.dma_semaphore, #tpu.memory_space<semaphore_mem>>) src(%arg7 : memref<128x128xf32, #tpu.memory_space<vmem>>) dst(%dma_wait3A_90 : memref<128x128xf32, #tpu.memory_space<hbm>>)
        tpu.yield
      }) : () -> ()
      %add3A_75 = arith.constant 3 : i32
      %add3A_76 = arith.addi %mul3A_46, %add3A_75 : i32
      %dma_start3A_77 = arith.constant 0 : i32
      %dma_start3A_78 = tpu.memref_slice %arg5[%add3A_76, %dma_start3A_77] : memref<40x128xi32, #tpu.memory_space<vmem>> -> memref<1x128xi32, #tpu.memory_space<vmem>>
      %dma_start3A_79 = tpu.memref_squeeze %dma_start3A_78 : memref<1x128xi32, #tpu.memory_space<vmem>> -> memref<128xi32, #tpu.memory_space<vmem>>
      %dma_start3A_80 = arith.constant 0 : i32
      %dma_start3A_81 = arith.constant 0 : i32
      %dma_start3A_82 = tpu.memref_slice %arg8[%dma_start3A_80, %dma_start3A_81] : memref<10240x128xf32, #tpu.memory_space<vmem_shared>> -> memref<10240x128xf32, #tpu.memory_space<vmem_shared>>
      tpu.enqueue_indirect_dma source(%dma_start3A_82 : memref<10240x128xf32, #tpu.memory_space<vmem_shared>>) target(%arg7 : memref<128x128xf32, #tpu.memory_space<vmem>>) offsets(%dma_start3A_79 : memref<128xi32, #tpu.memory_space<vmem>>) semaphore(%arg10 : memref<!tpu.dma_semaphore, #tpu.memory_space<semaphore_mem>>)
    }
    %scan3A_26 = arith.constant 19 : i32
    %dma_wait3A = arith.constant 38 : i32
    %dma_wait3A_27 = arith.constant 0 : i32
    %dma_wait3A_28 = tpu.memref_slice %arg5[%dma_wait3A, %dma_wait3A_27] : memref<40x128xi32, #tpu.memory_space<vmem>> -> memref<1x128xi32, #tpu.memory_space<vmem>>
    %dma_wait3A_29 = tpu.memref_squeeze %dma_wait3A_28 : memref<1x128xi32, #tpu.memory_space<vmem>> -> memref<128xi32, #tpu.memory_space<vmem>>
    %dma_wait3A_30 = arith.constant 0 : i32
    %dma_wait3A_31 = arith.constant 0 : i32
    %dma_wait3A_32 = tpu.memref_slice %arg8[%dma_wait3A_30, %dma_wait3A_31] : memref<10240x128xf32, #tpu.memory_space<vmem_shared>> -> memref<10240x128xf32, #tpu.memory_space<vmem_shared>>
    tpu.wait_indirect_dma semaphore(%arg9 : memref<!tpu.dma_semaphore, #tpu.memory_space<semaphore_mem>>) src(%dma_wait3A_32 : memref<10240x128xf32, #tpu.memory_space<vmem_shared>>) dst(%arg6 : memref<128x128xf32, #tpu.memory_space<vmem>>)
    %add3A_33 = arith.constant 4864 : i32
    %add3A_34 = arith.addi %mul3A_2, %add3A_33 : i32
    "tpu.region"() ({
      %run_scoped3A = tpu.sem_alloc : memref<!tpu.dma_semaphore, #tpu.memory_space<semaphore_mem>>
      %dma_start3A_44 = arith.constant 0 : i32
      %dma_start3A_45 = tpu.memref_slice %arg4[%add3A_34, %dma_start3A_44] : memref<163840x128xf32, #tpu.memory_space<hbm>> -> memref<128x128xf32, #tpu.memory_space<hbm>>
      %dma_start3A_46 = arith.constant 0 : i32
      %dma_start3A_47 = tpu.memref_slice %arg4[%add3A_34, %dma_start3A_46] : memref<163840x128xf32, #tpu.memory_space<hbm>> -> memref<128x128xf32, #tpu.memory_space<hbm>>
      tpu.enqueue_dma source(%arg6 : memref<128x128xf32, #tpu.memory_space<vmem>>) target(%dma_start3A_47 : memref<128x128xf32, #tpu.memory_space<hbm>>) target_semaphore(%run_scoped3A : memref<!tpu.dma_semaphore, #tpu.memory_space<semaphore_mem>>)
      %dma_wait3A_48 = arith.constant 0 : i32
      %dma_wait3A_49 = tpu.memref_slice %arg4[%add3A_34, %dma_wait3A_48] : memref<163840x128xf32, #tpu.memory_space<hbm>> -> memref<128x128xf32, #tpu.memory_space<hbm>>
      %dma_wait3A_50 = arith.constant 0 : i32
      %dma_wait3A_51 = tpu.memref_slice %arg4[%add3A_34, %dma_wait3A_50] : memref<163840x128xf32, #tpu.memory_space<hbm>> -> memref<128x128xf32, #tpu.memory_space<hbm>>
      tpu.wait_dma2 semaphore(%run_scoped3A : memref<!tpu.dma_semaphore, #tpu.memory_space<semaphore_mem>>) src(%arg6 : memref<128x128xf32, #tpu.memory_space<vmem>>) dst(%dma_wait3A_51 : memref<128x128xf32, #tpu.memory_space<hbm>>)
      tpu.yield
    }) : () -> ()
    %dma_wait3A_35 = arith.constant 39 : i32
    %dma_wait3A_36 = arith.constant 0 : i32
    %dma_wait3A_37 = tpu.memref_slice %arg5[%dma_wait3A_35, %dma_wait3A_36] : memref<40x128xi32, #tpu.memory_space<vmem>> -> memref<1x128xi32, #tpu.memory_space<vmem>>
    %dma_wait3A_38 = tpu.memref_squeeze %dma_wait3A_37 : memref<1x128xi32, #tpu.memory_space<vmem>> -> memref<128xi32, #tpu.memory_space<vmem>>
    %dma_wait3A_39 = arith.constant 0 : i32
    %dma_wait3A_40 = arith.constant 0 : i32
    %dma_wait3A_41 = tpu.memref_slice %arg8[%dma_wait3A_39, %dma_wait3A_40] : memref<10240x128xf32, #tpu.memory_space<vmem_shared>> -> memref<10240x128xf32, #tpu.memory_space<vmem_shared>>
    tpu.wait_indirect_dma semaphore(%arg10 : memref<!tpu.dma_semaphore, #tpu.memory_space<semaphore_mem>>) src(%dma_wait3A_41 : memref<10240x128xf32, #tpu.memory_space<vmem_shared>>) dst(%arg7 : memref<128x128xf32, #tpu.memory_space<vmem>>)
    %add3A_42 = arith.constant 4992 : i32
    %add3A_43 = arith.addi %mul3A_2, %add3A_42 : i32
    "tpu.region"() ({
      %run_scoped3A = tpu.sem_alloc : memref<!tpu.dma_semaphore, #tpu.memory_space<semaphore_mem>>
      %dma_start3A_44 = arith.constant 0 : i32
      %dma_start3A_45 = tpu.memref_slice %arg4[%add3A_43, %dma_start3A_44] : memref<163840x128xf32, #tpu.memory_space<hbm>> -> memref<128x128xf32, #tpu.memory_space<hbm>>
      %dma_start3A_46 = arith.constant 0 : i32
      %dma_start3A_47 = tpu.memref_slice %arg4[%add3A_43, %dma_start3A_46] : memref<163840x128xf32, #tpu.memory_space<hbm>> -> memref<128x128xf32, #tpu.memory_space<hbm>>
      tpu.enqueue_dma source(%arg7 : memref<128x128xf32, #tpu.memory_space<vmem>>) target(%dma_start3A_47 : memref<128x128xf32, #tpu.memory_space<hbm>>) target_semaphore(%run_scoped3A : memref<!tpu.dma_semaphore, #tpu.memory_space<semaphore_mem>>)
      %dma_wait3A_48 = arith.constant 0 : i32
      %dma_wait3A_49 = tpu.memref_slice %arg4[%add3A_43, %dma_wait3A_48] : memref<163840x128xf32, #tpu.memory_space<hbm>> -> memref<128x128xf32, #tpu.memory_space<hbm>>
      %dma_wait3A_50 = arith.constant 0 : i32
      %dma_wait3A_51 = tpu.memref_slice %arg4[%add3A_43, %dma_wait3A_50] : memref<163840x128xf32, #tpu.memory_space<hbm>> -> memref<128x128xf32, #tpu.memory_space<hbm>>
      tpu.wait_dma2 semaphore(%run_scoped3A : memref<!tpu.dma_semaphore, #tpu.memory_space<semaphore_mem>>) src(%arg7 : memref<128x128xf32, #tpu.memory_space<vmem>>) dst(%dma_wait3A_51 : memref<128x128xf32, #tpu.memory_space<hbm>>)
      tpu.yield
    }) : () -> ()
    return
  }
}

#map = affine_map<(d0, d1) -> (0, 0)>
#map1 = affine_map<(d0, d1) -> (0, 0, 0)>
module attributes {stable_mosaic.version = 14 : i64} {
  func.func @scatter(%arg0: i32, %arg1: i32, %arg2: memref<163840x128xf32, #tpu.memory_space<hbm>>, %arg3: memref<1280x128xi32, #tpu.memory_space<hbm>>, %arg4: memref<640x128xf32, #tpu.memory_space<hbm>>, %arg5: memref<2x10240x128xf32, #tpu.memory_space<hbm>>, %arg6: memref<40x128xi32, #tpu.memory_space<vmem>>, %arg7: memref<128x128xf32, #tpu.memory_space<vmem>>, %arg8: memref<128x128xf32, #tpu.memory_space<vmem>>, %arg9: memref<10240x128xf32, #tpu.memory_space<vmem_shared>>, %arg10: memref<!tpu.dma_semaphore, #tpu.memory_space<semaphore_mem>>, %arg11: memref<!tpu.dma_semaphore, #tpu.memory_space<semaphore_mem>>) attributes {dimension_semantics = [#tpu.dimension_semantics<core_parallel>, #tpu.dimension_semantics<subcore_parallel>], iteration_bounds = array<i64: 2, 16>, scalar_prefetch = 0 : i64, scratch_operands = 6 : i64, tpu.core_type = #tpu.core_type<sc_vector_subcore>, window_params = [{transform_indices = #map}, {transform_indices = #map}, {transform_indices = #map}, {transform_indices = #map1}]} {
    %mul3A = arith.constant 2 : i32
    %mul3A_0 = arith.muli %arg1, %mul3A : i32
    %add3A = arith.addi %mul3A_0, %arg0 : i32
    %mul3A_1 = arith.constant 5120 : i32
    %mul3A_2 = arith.muli %add3A, %mul3A_1 : i32
    %mul3A_3 = arith.constant 40 : i32
    %mul3A_4 = arith.muli %add3A, %mul3A_3 : i32
    "tpu.region"() ({
      %run_scoped3A_40 = tpu.sem_alloc : memref<!tpu.dma_semaphore, #tpu.memory_space<semaphore_mem>>
      %dma_start3A_41 = arith.constant 0 : i32
      %dma_start3A_42 = tpu.memref_slice %arg3[%mul3A_4, %dma_start3A_41] : memref<1280x128xi32, #tpu.memory_space<hbm>> -> memref<40x128xi32, #tpu.memory_space<hbm>>
      %dma_start3A_43 = arith.constant 0 : i32
      %dma_start3A_44 = tpu.memref_slice %arg3[%mul3A_4, %dma_start3A_43] : memref<1280x128xi32, #tpu.memory_space<hbm>> -> memref<40x128xi32, #tpu.memory_space<hbm>>
      tpu.enqueue_dma source(%dma_start3A_44 : memref<40x128xi32, #tpu.memory_space<hbm>>) target(%arg6 : memref<40x128xi32, #tpu.memory_space<vmem>>) target_semaphore(%run_scoped3A_40 : memref<!tpu.dma_semaphore, #tpu.memory_space<semaphore_mem>>)
      %dma_wait3A_45 = arith.constant 0 : i32
      %dma_wait3A_46 = tpu.memref_slice %arg3[%mul3A_4, %dma_wait3A_45] : memref<1280x128xi32, #tpu.memory_space<hbm>> -> memref<40x128xi32, #tpu.memory_space<hbm>>
      %dma_wait3A_47 = arith.constant 0 : i32
      %dma_wait3A_48 = tpu.memref_slice %arg3[%mul3A_4, %dma_wait3A_47] : memref<1280x128xi32, #tpu.memory_space<hbm>> -> memref<40x128xi32, #tpu.memory_space<hbm>>
      tpu.wait_dma2 semaphore(%run_scoped3A_40 : memref<!tpu.dma_semaphore, #tpu.memory_space<semaphore_mem>>) src(%dma_wait3A_48 : memref<40x128xi32, #tpu.memory_space<hbm>>) dst(%arg6 : memref<40x128xi32, #tpu.memory_space<vmem>>)
      tpu.yield
    }) : () -> ()
    %mul3A_5 = arith.constant 640 : i32
    %mul3A_6 = arith.muli %arg1, %mul3A_5 : i32
    "tpu.region"() ({
      %run_scoped3A_40 = tpu.sem_alloc : memref<!tpu.dma_semaphore, #tpu.memory_space<semaphore_mem>>
      %dma_start3A_41 = arith.constant 0 : i32
      %dma_start3A_42 = tpu.memref_slice %arg9[%mul3A_6, %dma_start3A_41] : memref<10240x128xf32, #tpu.memory_space<vmem_shared>> -> memref<640x128xf32, #tpu.memory_space<vmem_shared>>
      tpu.enqueue_dma source(%arg4 : memref<640x128xf32, #tpu.memory_space<hbm>>) target(%dma_start3A_42 : memref<640x128xf32, #tpu.memory_space<vmem_shared>>) target_semaphore(%run_scoped3A_40 : memref<!tpu.dma_semaphore, #tpu.memory_space<semaphore_mem>>)
      %dma_wait3A_43 = arith.constant 0 : i32
      %dma_wait3A_44 = tpu.memref_slice %arg9[%mul3A_6, %dma_wait3A_43] : memref<10240x128xf32, #tpu.memory_space<vmem_shared>> -> memref<640x128xf32, #tpu.memory_space<vmem_shared>>
      tpu.wait_dma2 semaphore(%run_scoped3A_40 : memref<!tpu.dma_semaphore, #tpu.memory_space<semaphore_mem>>) src(%arg4 : memref<640x128xf32, #tpu.memory_space<hbm>>) dst(%dma_wait3A_44 : memref<640x128xf32, #tpu.memory_space<vmem_shared>>)
      tpu.yield
    }) : () -> ()
    %barrier3A = arith.constant 0 : index
    tpu.barrier barrier_id(%barrier3A)
    %add3A_7 = arith.constant 0 : i32
    %add3A_8 = arith.addi %mul3A_2, %add3A_7 : i32
    %dma_start3A = arith.constant 0 : i32
    %dma_start3A_9 = tpu.memref_slice %arg2[%add3A_8, %dma_start3A] : memref<163840x128xf32, #tpu.memory_space<hbm>> -> memref<128x128xf32, #tpu.memory_space<hbm>>
    %dma_start3A_10 = arith.constant 0 : i32
    %dma_start3A_11 = tpu.memref_slice %arg2[%add3A_8, %dma_start3A_10] : memref<163840x128xf32, #tpu.memory_space<hbm>> -> memref<128x128xf32, #tpu.memory_space<hbm>>
    tpu.enqueue_dma source(%dma_start3A_11 : memref<128x128xf32, #tpu.memory_space<hbm>>) target(%arg7 : memref<128x128xf32, #tpu.memory_space<vmem>>) target_semaphore(%arg10 : memref<!tpu.dma_semaphore, #tpu.memory_space<semaphore_mem>>)
    %add3A_12 = arith.constant 128 : i32
    %add3A_13 = arith.addi %mul3A_2, %add3A_12 : i32
    %dma_start3A_14 = arith.constant 0 : i32
    %dma_start3A_15 = tpu.memref_slice %arg2[%add3A_13, %dma_start3A_14] : memref<163840x128xf32, #tpu.memory_space<hbm>> -> memref<128x128xf32, #tpu.memory_space<hbm>>
    %dma_start3A_16 = arith.constant 0 : i32
    %dma_start3A_17 = tpu.memref_slice %arg2[%add3A_13, %dma_start3A_16] : memref<163840x128xf32, #tpu.memory_space<hbm>> -> memref<128x128xf32, #tpu.memory_space<hbm>>
    tpu.enqueue_dma source(%dma_start3A_17 : memref<128x128xf32, #tpu.memory_space<hbm>>) target(%arg8 : memref<128x128xf32, #tpu.memory_space<vmem>>) target_semaphore(%arg11 : memref<!tpu.dma_semaphore, #tpu.memory_space<semaphore_mem>>)
    %scan3A = arith.constant 0 : i32
    %scan3A_18 = arith.constant 0 : i32
    %scan3A_19 = arith.constant 19 : i32
    %scan3A_20 = arith.addi %scan3A_18, %scan3A_19 : i32
    %scan3A_21 = arith.constant 1 : i32
    scf.for %scan3A_40 = %scan3A_18 to %scan3A_20 step %scan3A_21  : i32 {
      %mul3A_41 = arith.constant 2 : i32
      %mul3A_42 = arith.muli %mul3A_41, %scan3A_40 : i32
      %mul3A_43 = arith.constant 128 : i32
      %mul3A_44 = arith.muli %mul3A_42, %mul3A_43 : i32
      %add3A_45 = arith.addi %mul3A_2, %mul3A_44 : i32
      %dma_wait3A_46 = arith.constant 0 : i32
      %dma_wait3A_47 = tpu.memref_slice %arg2[%add3A_45, %dma_wait3A_46] : memref<163840x128xf32, #tpu.memory_space<hbm>> -> memref<128x128xf32, #tpu.memory_space<hbm>>
      %dma_wait3A_48 = arith.constant 0 : i32
      %dma_wait3A_49 = tpu.memref_slice %arg2[%add3A_45, %dma_wait3A_48] : memref<163840x128xf32, #tpu.memory_space<hbm>> -> memref<128x128xf32, #tpu.memory_space<hbm>>
      tpu.wait_dma2 semaphore(%arg10 : memref<!tpu.dma_semaphore, #tpu.memory_space<semaphore_mem>>) src(%dma_wait3A_49 : memref<128x128xf32, #tpu.memory_space<hbm>>) dst(%arg7 : memref<128x128xf32, #tpu.memory_space<vmem>>)
      "tpu.region"() ({
        %run_scoped3A_77 = tpu.sem_alloc : memref<!tpu.dma_semaphore, #tpu.memory_space<semaphore_mem>>
        %dma_start3A_78 = arith.constant 0 : i32
        %dma_start3A_79 = tpu.memref_slice %arg6[%mul3A_42, %dma_start3A_78] : memref<40x128xi32, #tpu.memory_space<vmem>> -> memref<1x128xi32, #tpu.memory_space<vmem>>
        %dma_start3A_80 = tpu.memref_squeeze %dma_start3A_79 : memref<1x128xi32, #tpu.memory_space<vmem>> -> memref<128xi32, #tpu.memory_space<vmem>>
        %dma_start3A_81 = arith.constant 0 : i32
        %dma_start3A_82 = arith.constant 0 : i32
        %dma_start3A_83 = tpu.memref_slice %arg9[%dma_start3A_81, %dma_start3A_82] : memref<10240x128xf32, #tpu.memory_space<vmem_shared>> -> memref<10240x128xf32, #tpu.memory_space<vmem_shared>>
        tpu.enqueue_indirect_dma source(%arg7 : memref<128x128xf32, #tpu.memory_space<vmem>>) target(%dma_start3A_83 : memref<10240x128xf32, #tpu.memory_space<vmem_shared>>) offsets(%dma_start3A_80 : memref<128xi32, #tpu.memory_space<vmem>>) semaphore(%run_scoped3A_77 : memref<!tpu.dma_semaphore, #tpu.memory_space<semaphore_mem>>) {add = true}
        %dma_wait3A_84 = arith.constant 0 : i32
        %dma_wait3A_85 = tpu.memref_slice %arg6[%mul3A_42, %dma_wait3A_84] : memref<40x128xi32, #tpu.memory_space<vmem>> -> memref<1x128xi32, #tpu.memory_space<vmem>>
        %dma_wait3A_86 = tpu.memref_squeeze %dma_wait3A_85 : memref<1x128xi32, #tpu.memory_space<vmem>> -> memref<128xi32, #tpu.memory_space<vmem>>
        %dma_wait3A_87 = arith.constant 0 : i32
        %dma_wait3A_88 = arith.constant 0 : i32
        %dma_wait3A_89 = tpu.memref_slice %arg9[%dma_wait3A_87, %dma_wait3A_88] : memref<10240x128xf32, #tpu.memory_space<vmem_shared>> -> memref<10240x128xf32, #tpu.memory_space<vmem_shared>>
        tpu.wait_indirect_dma semaphore(%run_scoped3A_77 : memref<!tpu.dma_semaphore, #tpu.memory_space<semaphore_mem>>) src(%arg7 : memref<128x128xf32, #tpu.memory_space<vmem>>) dst(%dma_wait3A_89 : memref<10240x128xf32, #tpu.memory_space<vmem_shared>>)
        tpu.yield
      }) : () -> ()
      %add3A_50 = arith.constant 2 : i32
      %add3A_51 = arith.addi %mul3A_42, %add3A_50 : i32
      %mul3A_52 = arith.constant 128 : i32
      %mul3A_53 = arith.muli %add3A_51, %mul3A_52 : i32
      %add3A_54 = arith.addi %mul3A_2, %mul3A_53 : i32
      %dma_start3A_55 = arith.constant 0 : i32
      %dma_start3A_56 = tpu.memref_slice %arg2[%add3A_54, %dma_start3A_55] : memref<163840x128xf32, #tpu.memory_space<hbm>> -> memref<128x128xf32, #tpu.memory_space<hbm>>
      %dma_start3A_57 = arith.constant 0 : i32
      %dma_start3A_58 = tpu.memref_slice %arg2[%add3A_54, %dma_start3A_57] : memref<163840x128xf32, #tpu.memory_space<hbm>> -> memref<128x128xf32, #tpu.memory_space<hbm>>
      tpu.enqueue_dma source(%dma_start3A_58 : memref<128x128xf32, #tpu.memory_space<hbm>>) target(%arg7 : memref<128x128xf32, #tpu.memory_space<vmem>>) target_semaphore(%arg10 : memref<!tpu.dma_semaphore, #tpu.memory_space<semaphore_mem>>)
      %add3A_59 = arith.constant 1 : i32
      %add3A_60 = arith.addi %mul3A_42, %add3A_59 : i32
      %mul3A_61 = arith.constant 128 : i32
      %mul3A_62 = arith.muli %add3A_60, %mul3A_61 : i32
      %add3A_63 = arith.addi %mul3A_2, %mul3A_62 : i32
      %dma_wait3A_64 = arith.constant 0 : i32
      %dma_wait3A_65 = tpu.memref_slice %arg2[%add3A_63, %dma_wait3A_64] : memref<163840x128xf32, #tpu.memory_space<hbm>> -> memref<128x128xf32, #tpu.memory_space<hbm>>
      %dma_wait3A_66 = arith.constant 0 : i32
      %dma_wait3A_67 = tpu.memref_slice %arg2[%add3A_63, %dma_wait3A_66] : memref<163840x128xf32, #tpu.memory_space<hbm>> -> memref<128x128xf32, #tpu.memory_space<hbm>>
      tpu.wait_dma2 semaphore(%arg11 : memref<!tpu.dma_semaphore, #tpu.memory_space<semaphore_mem>>) src(%dma_wait3A_67 : memref<128x128xf32, #tpu.memory_space<hbm>>) dst(%arg8 : memref<128x128xf32, #tpu.memory_space<vmem>>)
      "tpu.region"() ({
        %run_scoped3A_77 = tpu.sem_alloc : memref<!tpu.dma_semaphore, #tpu.memory_space<semaphore_mem>>
        %dma_start3A_78 = arith.constant 0 : i32
        %dma_start3A_79 = tpu.memref_slice %arg6[%add3A_60, %dma_start3A_78] : memref<40x128xi32, #tpu.memory_space<vmem>> -> memref<1x128xi32, #tpu.memory_space<vmem>>
        %dma_start3A_80 = tpu.memref_squeeze %dma_start3A_79 : memref<1x128xi32, #tpu.memory_space<vmem>> -> memref<128xi32, #tpu.memory_space<vmem>>
        %dma_start3A_81 = arith.constant 0 : i32
        %dma_start3A_82 = arith.constant 0 : i32
        %dma_start3A_83 = tpu.memref_slice %arg9[%dma_start3A_81, %dma_start3A_82] : memref<10240x128xf32, #tpu.memory_space<vmem_shared>> -> memref<10240x128xf32, #tpu.memory_space<vmem_shared>>
        tpu.enqueue_indirect_dma source(%arg8 : memref<128x128xf32, #tpu.memory_space<vmem>>) target(%dma_start3A_83 : memref<10240x128xf32, #tpu.memory_space<vmem_shared>>) offsets(%dma_start3A_80 : memref<128xi32, #tpu.memory_space<vmem>>) semaphore(%run_scoped3A_77 : memref<!tpu.dma_semaphore, #tpu.memory_space<semaphore_mem>>) {add = true}
        %dma_wait3A_84 = arith.constant 0 : i32
        %dma_wait3A_85 = tpu.memref_slice %arg6[%add3A_60, %dma_wait3A_84] : memref<40x128xi32, #tpu.memory_space<vmem>> -> memref<1x128xi32, #tpu.memory_space<vmem>>
        %dma_wait3A_86 = tpu.memref_squeeze %dma_wait3A_85 : memref<1x128xi32, #tpu.memory_space<vmem>> -> memref<128xi32, #tpu.memory_space<vmem>>
        %dma_wait3A_87 = arith.constant 0 : i32
        %dma_wait3A_88 = arith.constant 0 : i32
        %dma_wait3A_89 = tpu.memref_slice %arg9[%dma_wait3A_87, %dma_wait3A_88] : memref<10240x128xf32, #tpu.memory_space<vmem_shared>> -> memref<10240x128xf32, #tpu.memory_space<vmem_shared>>
        tpu.wait_indirect_dma semaphore(%run_scoped3A_77 : memref<!tpu.dma_semaphore, #tpu.memory_space<semaphore_mem>>) src(%arg8 : memref<128x128xf32, #tpu.memory_space<vmem>>) dst(%dma_wait3A_89 : memref<10240x128xf32, #tpu.memory_space<vmem_shared>>)
        tpu.yield
      }) : () -> ()
      %add3A_68 = arith.constant 3 : i32
      %add3A_69 = arith.addi %mul3A_42, %add3A_68 : i32
      %mul3A_70 = arith.constant 128 : i32
      %mul3A_71 = arith.muli %add3A_69, %mul3A_70 : i32
      %add3A_72 = arith.addi %mul3A_2, %mul3A_71 : i32
      %dma_start3A_73 = arith.constant 0 : i32
      %dma_start3A_74 = tpu.memref_slice %arg2[%add3A_72, %dma_start3A_73] : memref<163840x128xf32, #tpu.memory_space<hbm>> -> memref<128x128xf32, #tpu.memory_space<hbm>>
      %dma_start3A_75 = arith.constant 0 : i32
      %dma_start3A_76 = tpu.memref_slice %arg2[%add3A_72, %dma_start3A_75] : memref<163840x128xf32, #tpu.memory_space<hbm>> -> memref<128x128xf32, #tpu.memory_space<hbm>>
      tpu.enqueue_dma source(%dma_start3A_76 : memref<128x128xf32, #tpu.memory_space<hbm>>) target(%arg8 : memref<128x128xf32, #tpu.memory_space<vmem>>) target_semaphore(%arg11 : memref<!tpu.dma_semaphore, #tpu.memory_space<semaphore_mem>>)
    }
    %scan3A_22 = arith.constant 19 : i32
    %add3A_23 = arith.constant 4864 : i32
    %add3A_24 = arith.addi %mul3A_2, %add3A_23 : i32
    %dma_wait3A = arith.constant 0 : i32
    %dma_wait3A_25 = tpu.memref_slice %arg2[%add3A_24, %dma_wait3A] : memref<163840x128xf32, #tpu.memory_space<hbm>> -> memref<128x128xf32, #tpu.memory_space<hbm>>
    %dma_wait3A_26 = arith.constant 0 : i32
    %dma_wait3A_27 = tpu.memref_slice %arg2[%add3A_24, %dma_wait3A_26] : memref<163840x128xf32, #tpu.memory_space<hbm>> -> memref<128x128xf32, #tpu.memory_space<hbm>>
    tpu.wait_dma2 semaphore(%arg10 : memref<!tpu.dma_semaphore, #tpu.memory_space<semaphore_mem>>) src(%dma_wait3A_27 : memref<128x128xf32, #tpu.memory_space<hbm>>) dst(%arg7 : memref<128x128xf32, #tpu.memory_space<vmem>>)
    %run_scoped3A = arith.constant 38 : i32
    "tpu.region"() ({
      %run_scoped3A_40 = tpu.sem_alloc : memref<!tpu.dma_semaphore, #tpu.memory_space<semaphore_mem>>
      %dma_start3A_41 = arith.constant 0 : i32
      %dma_start3A_42 = tpu.memref_slice %arg6[%run_scoped3A, %dma_start3A_41] : memref<40x128xi32, #tpu.memory_space<vmem>> -> memref<1x128xi32, #tpu.memory_space<vmem>>
      %dma_start3A_43 = tpu.memref_squeeze %dma_start3A_42 : memref<1x128xi32, #tpu.memory_space<vmem>> -> memref<128xi32, #tpu.memory_space<vmem>>
      %dma_start3A_44 = arith.constant 0 : i32
      %dma_start3A_45 = arith.constant 0 : i32
      %dma_start3A_46 = tpu.memref_slice %arg9[%dma_start3A_44, %dma_start3A_45] : memref<10240x128xf32, #tpu.memory_space<vmem_shared>> -> memref<10240x128xf32, #tpu.memory_space<vmem_shared>>
      tpu.enqueue_indirect_dma source(%arg7 : memref<128x128xf32, #tpu.memory_space<vmem>>) target(%dma_start3A_46 : memref<10240x128xf32, #tpu.memory_space<vmem_shared>>) offsets(%dma_start3A_43 : memref<128xi32, #tpu.memory_space<vmem>>) semaphore(%run_scoped3A_40 : memref<!tpu.dma_semaphore, #tpu.memory_space<semaphore_mem>>) {add = true}
      %dma_wait3A_47 = arith.constant 0 : i32
      %dma_wait3A_48 = tpu.memref_slice %arg6[%run_scoped3A, %dma_wait3A_47] : memref<40x128xi32, #tpu.memory_space<vmem>> -> memref<1x128xi32, #tpu.memory_space<vmem>>
      %dma_wait3A_49 = tpu.memref_squeeze %dma_wait3A_48 : memref<1x128xi32, #tpu.memory_space<vmem>> -> memref<128xi32, #tpu.memory_space<vmem>>
      %dma_wait3A_50 = arith.constant 0 : i32
      %dma_wait3A_51 = arith.constant 0 : i32
      %dma_wait3A_52 = tpu.memref_slice %arg9[%dma_wait3A_50, %dma_wait3A_51] : memref<10240x128xf32, #tpu.memory_space<vmem_shared>> -> memref<10240x128xf32, #tpu.memory_space<vmem_shared>>
      tpu.wait_indirect_dma semaphore(%run_scoped3A_40 : memref<!tpu.dma_semaphore, #tpu.memory_space<semaphore_mem>>) src(%arg7 : memref<128x128xf32, #tpu.memory_space<vmem>>) dst(%dma_wait3A_52 : memref<10240x128xf32, #tpu.memory_space<vmem_shared>>)
      tpu.yield
    }) : () -> ()
    %add3A_28 = arith.constant 4992 : i32
    %add3A_29 = arith.addi %mul3A_2, %add3A_28 : i32
    %dma_wait3A_30 = arith.constant 0 : i32
    %dma_wait3A_31 = tpu.memref_slice %arg2[%add3A_29, %dma_wait3A_30] : memref<163840x128xf32, #tpu.memory_space<hbm>> -> memref<128x128xf32, #tpu.memory_space<hbm>>
    %dma_wait3A_32 = arith.constant 0 : i32
    %dma_wait3A_33 = tpu.memref_slice %arg2[%add3A_29, %dma_wait3A_32] : memref<163840x128xf32, #tpu.memory_space<hbm>> -> memref<128x128xf32, #tpu.memory_space<hbm>>
    tpu.wait_dma2 semaphore(%arg11 : memref<!tpu.dma_semaphore, #tpu.memory_space<semaphore_mem>>) src(%dma_wait3A_33 : memref<128x128xf32, #tpu.memory_space<hbm>>) dst(%arg8 : memref<128x128xf32, #tpu.memory_space<vmem>>)
    %run_scoped3A_34 = arith.constant 39 : i32
    "tpu.region"() ({
      %run_scoped3A_40 = tpu.sem_alloc : memref<!tpu.dma_semaphore, #tpu.memory_space<semaphore_mem>>
      %dma_start3A_41 = arith.constant 0 : i32
      %dma_start3A_42 = tpu.memref_slice %arg6[%run_scoped3A_34, %dma_start3A_41] : memref<40x128xi32, #tpu.memory_space<vmem>> -> memref<1x128xi32, #tpu.memory_space<vmem>>
      %dma_start3A_43 = tpu.memref_squeeze %dma_start3A_42 : memref<1x128xi32, #tpu.memory_space<vmem>> -> memref<128xi32, #tpu.memory_space<vmem>>
      %dma_start3A_44 = arith.constant 0 : i32
      %dma_start3A_45 = arith.constant 0 : i32
      %dma_start3A_46 = tpu.memref_slice %arg9[%dma_start3A_44, %dma_start3A_45] : memref<10240x128xf32, #tpu.memory_space<vmem_shared>> -> memref<10240x128xf32, #tpu.memory_space<vmem_shared>>
      tpu.enqueue_indirect_dma source(%arg8 : memref<128x128xf32, #tpu.memory_space<vmem>>) target(%dma_start3A_46 : memref<10240x128xf32, #tpu.memory_space<vmem_shared>>) offsets(%dma_start3A_43 : memref<128xi32, #tpu.memory_space<vmem>>) semaphore(%run_scoped3A_40 : memref<!tpu.dma_semaphore, #tpu.memory_space<semaphore_mem>>) {add = true}
      %dma_wait3A_47 = arith.constant 0 : i32
      %dma_wait3A_48 = tpu.memref_slice %arg6[%run_scoped3A_34, %dma_wait3A_47] : memref<40x128xi32, #tpu.memory_space<vmem>> -> memref<1x128xi32, #tpu.memory_space<vmem>>
      %dma_wait3A_49 = tpu.memref_squeeze %dma_wait3A_48 : memref<1x128xi32, #tpu.memory_space<vmem>> -> memref<128xi32, #tpu.memory_space<vmem>>
      %dma_wait3A_50 = arith.constant 0 : i32
      %dma_wait3A_51 = arith.constant 0 : i32
      %dma_wait3A_52 = tpu.memref_slice %arg9[%dma_wait3A_50, %dma_wait3A_51] : memref<10240x128xf32, #tpu.memory_space<vmem_shared>> -> memref<10240x128xf32, #tpu.memory_space<vmem_shared>>
      tpu.wait_indirect_dma semaphore(%run_scoped3A_40 : memref<!tpu.dma_semaphore, #tpu.memory_space<semaphore_mem>>) src(%arg8 : memref<128x128xf32, #tpu.memory_space<vmem>>) dst(%dma_wait3A_52 : memref<10240x128xf32, #tpu.memory_space<vmem_shared>>)
      tpu.yield
    }) : () -> ()
    %barrier3A_35 = arith.constant 0 : index
    tpu.barrier barrier_id(%barrier3A_35)
    %mul3A_36 = arith.constant 640 : i32
    %mul3A_37 = arith.muli %arg1, %mul3A_36 : i32
    %mul3A_38 = arith.constant 640 : i32
    %mul3A_39 = arith.muli %arg1, %mul3A_38 : i32
    "tpu.region"() ({
      %run_scoped3A_40 = tpu.sem_alloc : memref<!tpu.dma_semaphore, #tpu.memory_space<semaphore_mem>>
      %dma_start3A_41 = arith.constant 0 : i32
      %dma_start3A_42 = tpu.memref_slice %arg5[%arg0, %mul3A_39, %dma_start3A_41] : memref<2x10240x128xf32, #tpu.memory_space<hbm>> -> memref<1x640x128xf32, #tpu.memory_space<hbm>>
      %dma_start3A_43 = tpu.memref_squeeze %dma_start3A_42 : memref<1x640x128xf32, #tpu.memory_space<hbm>> -> memref<640x128xf32, #tpu.memory_space<hbm>>
      %dma_start3A_44 = arith.constant 0 : i32
      %dma_start3A_45 = tpu.memref_slice %arg9[%mul3A_37, %dma_start3A_44] : memref<10240x128xf32, #tpu.memory_space<vmem_shared>> -> memref<640x128xf32, #tpu.memory_space<vmem_shared>>
      tpu.enqueue_dma source(%dma_start3A_45 : memref<640x128xf32, #tpu.memory_space<vmem_shared>>) target(%dma_start3A_43 : memref<640x128xf32, #tpu.memory_space<hbm>>) target_semaphore(%run_scoped3A_40 : memref<!tpu.dma_semaphore, #tpu.memory_space<semaphore_mem>>)
      %dma_wait3A_46 = arith.constant 0 : i32
      %dma_wait3A_47 = tpu.memref_slice %arg5[%arg0, %mul3A_39, %dma_wait3A_46] : memref<2x10240x128xf32, #tpu.memory_space<hbm>> -> memref<1x640x128xf32, #tpu.memory_space<hbm>>
      %dma_wait3A_48 = tpu.memref_squeeze %dma_wait3A_47 : memref<1x640x128xf32, #tpu.memory_space<hbm>> -> memref<640x128xf32, #tpu.memory_space<hbm>>
      %dma_wait3A_49 = arith.constant 0 : i32
      %dma_wait3A_50 = tpu.memref_slice %arg9[%mul3A_37, %dma_wait3A_49] : memref<10240x128xf32, #tpu.memory_space<vmem_shared>> -> memref<640x128xf32, #tpu.memory_space<vmem_shared>>
      tpu.wait_dma2 semaphore(%run_scoped3A_40 : memref<!tpu.dma_semaphore, #tpu.memory_space<semaphore_mem>>) src(%dma_wait3A_50 : memref<640x128xf32, #tpu.memory_space<vmem_shared>>) dst(%dma_wait3A_48 : memref<640x128xf32, #tpu.memory_space<hbm>>)
      tpu.yield
    }) : () -> ()
    return
  }
}

module attributes {stable_mosaic.version = 14 : i64} {
  func.func @_embed_body(%arg0: i32, %arg1: memref<2048x128xf32, #tpu.memory_space<vmem>>, %arg2: memref<128x32xf32, #tpu.memory_space<vmem>>, %arg3: memref<1x32xf32, #tpu.memory_space<vmem>>, %arg4: memref<2048x128xf32, #tpu.memory_space<vmem>>) attributes {dimension_semantics = [#tpu.dimension_semantics<arbitrary>], iteration_bounds = array<i64: 5>, scalar_prefetch = 0 : i64, scratch_operands = 0 : i64, tpu.core_type = #tpu.core_type<tc>, window_params = [{transform_indices = @transform_0, window_bounds = array<i64: 2048, 128>}, {pipeline_mode = #tpu.pipeline_mode<synchronous>, transform_indices = @transform_1, window_bounds = array<i64: 128, 32>}, {pipeline_mode = #tpu.pipeline_mode<synchronous>, transform_indices = @transform_2, window_bounds = array<i64: 1, 32>}, {transform_indices = @transform_3, window_bounds = array<i64: 2048, 128>}]} {
    %get3A = arith.constant 0 : index
    %get3A_0 = arith.constant 0 : index
    %get3A_1 = vector.load %arg1[%get3A, %get3A_0] : memref<2048x128xf32, #tpu.memory_space<vmem>>, vector<2048x128xf32>
    %get3A_2 = arith.constant 0 : index
    %get3A_3 = arith.constant 0 : index
    %get3A_4 = vector.load %arg2[%get3A_2, %get3A_3] : memref<128x32xf32, #tpu.memory_space<vmem>>, vector<128x32xf32>
    %dot_general3A = arith.constant dense<0.000000e+00> : vector<2048x32xf32>
    %dot_general3A_5 = tpu.matmul %get3A_1, %get3A_4, %dot_general3A {dimension_numbers = #tpu.dot_dimension_numbers<[1], [0], [0], [1], [0, 0, 1, 1], [], []>, transpose_lhs_hint = false} : vector<2048x128xf32>, vector<128x32xf32>, vector<2048x32xf32> -> vector<2048x32xf32>
    %get3A_6 = arith.constant 0 : index
    %get3A_7 = arith.constant 0 : index
    %get3A_8 = vector.load %arg3[%get3A_6, %get3A_7] : memref<1x32xf32, #tpu.memory_space<vmem>>, vector<1x32xf32>
    %add3A = vector.broadcast %get3A_8 : vector<1x32xf32> to vector<2048x32xf32>
    %add3A_9 = arith.addf %dot_general3A_5, %add3A : vector<2048x32xf32>
    %jit3A = arith.constant 0 : i32
    %convert_element_type3A = arith.sitofp %jit3A : i32 to f32
    %pad3A = vector.broadcast %convert_element_type3A : f32 to vector<2048x96xf32>
    %pad3A_10 = tpu.concatenate %add3A_9, %pad3A in 1 : vector<2048x32xf32>, vector<2048x96xf32> -> vector<2048x128xf32>
    %swap3A = arith.constant 0 : index
    %swap3A_11 = arith.constant 0 : index
    %swap3A_12 = vector.load %arg4[%swap3A, %swap3A_11] : memref<2048x128xf32, #tpu.memory_space<vmem>>, vector<2048x128xf32>
    tpu.vector_store %arg4[%swap3A, %swap3A_11], %pad3A_10 {strides = array<i32>} : memref<2048x128xf32, #tpu.memory_space<vmem>>, vector<2048x128xf32>,
    return
  }
  func.func @transform_0(%arg0: i32) -> (i32, i32) {
    %c0_i32 = arith.constant 0 : i32
    %c0_i32_0 = arith.constant 0 : i32
    return %arg0, %c0_i32 : i32, i32
  }
  func.func @transform_1(%arg0: i32) -> (i32, i32) {
    %c0_i32 = arith.constant 0 : i32
    %c0_i32_0 = arith.constant 0 : i32
    %c0_i32_1 = arith.constant 0 : i32
    return %c0_i32, %c0_i32_0 : i32, i32
  }
  func.func @transform_2(%arg0: i32) -> (i32, i32) {
    %c0_i32 = arith.constant 0 : i32
    %c0_i32_0 = arith.constant 0 : i32
    %c0_i32_1 = arith.constant 0 : i32
    return %c0_i32, %c0_i32_0 : i32, i32
  }
  func.func @transform_3(%arg0: i32) -> (i32, i32) {
    %c0_i32 = arith.constant 0 : i32
    %c0_i32_0 = arith.constant 0 : i32
    return %arg0, %c0_i32 : i32, i32
  }
}

module attributes {stable_mosaic.version = 14 : i64} {
  func.func @_edgemsg_body(%arg0: i32, %arg1: memref<1024x128xf32, #tpu.memory_space<vmem>>, %arg2: memref<1024x128xf32, #tpu.memory_space<vmem>>, %arg3: memref<32x32xf32, #tpu.memory_space<vmem>>, %arg4: memref<1x32xf32, #tpu.memory_space<vmem>>, %arg5: memref<32x32xf32, #tpu.memory_space<vmem>>, %arg6: memref<1x32xf32, #tpu.memory_space<vmem>>, %arg7: memref<32x64xf32, #tpu.memory_space<vmem>>, %arg8: memref<1x64xf32, #tpu.memory_space<vmem>>, %arg9: memref<1024x64xbf16, #tpu.memory_space<vmem>>, %arg10: memref<1024x1xf32, #tpu.memory_space<vmem>>, %arg11: memref<64x1024xbf16, #tpu.memory_space<vmem>>, %arg12: memref<1024x128xf32, #tpu.memory_space<vmem>>) attributes {dimension_semantics = [#tpu.dimension_semantics<arbitrary>], iteration_bounds = array<i64: 160>, scalar_prefetch = 0 : i64, scratch_operands = 0 : i64, tpu.core_type = #tpu.core_type<tc>, window_params = [{transform_indices = @transform_0, window_bounds = array<i64: 1024, 128>}, {transform_indices = @transform_1, window_bounds = array<i64: 1024, 128>}, {pipeline_mode = #tpu.pipeline_mode<synchronous>, transform_indices = @transform_2, window_bounds = array<i64: 32, 32>}, {pipeline_mode = #tpu.pipeline_mode<synchronous>, transform_indices = @transform_3, window_bounds = array<i64: 1, 32>}, {pipeline_mode = #tpu.pipeline_mode<synchronous>, transform_indices = @transform_4, window_bounds = array<i64: 32, 32>}, {pipeline_mode = #tpu.pipeline_mode<synchronous>, transform_indices = @transform_5, window_bounds = array<i64: 1, 32>}, {pipeline_mode = #tpu.pipeline_mode<synchronous>, transform_indices = @transform_6, window_bounds = array<i64: 32, 64>}, {pipeline_mode = #tpu.pipeline_mode<synchronous>, transform_indices = @transform_7, window_bounds = array<i64: 1, 64>}, {pipeline_mode = #tpu.pipeline_mode<synchronous>, transform_indices = @transform_8, window_bounds = array<i64: 1024, 64>}, {pipeline_mode = #tpu.pipeline_mode<synchronous>, transform_indices = @transform_9, window_bounds = array<i64: 1024, 1>}, {transform_indices = @transform_10, window_bounds = array<i64: 64, 1024>}, {transform_indices = @transform_11, window_bounds = array<i64: 1024, 128>}]} {
    %get3A = arith.constant 0 : index
    %get3A_0 = arith.constant 0 : index
    %get3A_1 = vector.load %arg1[%get3A, %get3A_0] : memref<1024x128xf32, #tpu.memory_space<vmem>>, vector<1024x32xf32>
    %get3A_2 = arith.constant 0 : index
    %get3A_3 = arith.constant 0 : index
    %get3A_4 = vector.load %arg2[%get3A_2, %get3A_3] : memref<1024x128xf32, #tpu.memory_space<vmem>>, vector<1024x32xf32>
    %sub3A = arith.subf %get3A_4, %get3A_1 : vector<1024x32xf32>
    %get3A_5 = arith.constant 0 : index
    %get3A_6 = arith.constant 0 : index
    %get3A_7 = vector.load %arg3[%get3A_5, %get3A_6] : memref<32x32xf32, #tpu.memory_space<vmem>>, vector<32x32xf32>
    %dot_general3A = arith.constant dense<0.000000e+00> : vector<1024x32xf32>
    %dot_general3A_8 = tpu.matmul %sub3A, %get3A_7, %dot_general3A {dimension_numbers = #tpu.dot_dimension_numbers<[1], [0], [0], [1], [0, 0, 1, 1], [], []>, transpose_lhs_hint = false} : vector<1024x32xf32>, vector<32x32xf32>, vector<1024x32xf32> -> vector<1024x32xf32>
    %get3A_9 = arith.constant 0 : index
    %get3A_10 = arith.constant 0 : index
    %get3A_11 = vector.load %arg5[%get3A_9, %get3A_10] : memref<32x32xf32, #tpu.memory_space<vmem>>, vector<32x32xf32>
    %dot_general3A_12 = arith.constant dense<0.000000e+00> : vector<1024x32xf32>
    %dot_general3A_13 = tpu.matmul %get3A_1, %get3A_11, %dot_general3A_12 {dimension_numbers = #tpu.dot_dimension_numbers<[1], [0], [0], [1], [0, 0, 1, 1], [], []>, transpose_lhs_hint = false} : vector<1024x32xf32>, vector<32x32xf32>, vector<1024x32xf32> -> vector<1024x32xf32>
    %add3A = arith.addf %dot_general3A_8, %dot_general3A_13 : vector<1024x32xf32>
    %get3A_14 = arith.constant 0 : index
    %get3A_15 = arith.constant 0 : index
    %get3A_16 = vector.load %arg4[%get3A_14, %get3A_15] : memref<1x32xf32, #tpu.memory_space<vmem>>, vector<1x32xf32>
    %add3A_17 = vector.broadcast %get3A_16 : vector<1x32xf32> to vector<1024x32xf32>
    %add3A_18 = arith.addf %add3A, %add3A_17 : vector<1024x32xf32>
    %get3A_19 = arith.constant 0 : index
    %get3A_20 = arith.constant 0 : index
    %get3A_21 = vector.load %arg6[%get3A_19, %get3A_20] : memref<1x32xf32, #tpu.memory_space<vmem>>, vector<1x32xf32>
    %add3A_22 = vector.broadcast %get3A_21 : vector<1x32xf32> to vector<1024x32xf32>
    %add3A_23 = arith.addf %add3A_18, %add3A_22 : vector<1024x32xf32>
    %max3A = arith.constant 0.000000e+00 : f32
    %max3A_24 = vector.broadcast %max3A : f32 to vector<1024x32xf32>
    %max3A_25 = arith.maximumf %add3A_23, %max3A_24 : vector<1024x32xf32>
    %get3A_26 = arith.constant 0 : index
    %get3A_27 = arith.constant 0 : index
    %get3A_28 = vector.load %arg7[%get3A_26, %get3A_27] : memref<32x64xf32, #tpu.memory_space<vmem>>, vector<32x64xf32>
    %dot_general3A_29 = arith.constant dense<0.000000e+00> : vector<1024x64xf32>
    %dot_general3A_30 = tpu.matmul %max3A_25, %get3A_28, %dot_general3A_29 {dimension_numbers = #tpu.dot_dimension_numbers<[1], [0], [0], [1], [0, 0, 1, 1], [], []>, transpose_lhs_hint = false} : vector<1024x32xf32>, vector<32x64xf32>, vector<1024x64xf32> -> vector<1024x64xf32>
    %get3A_31 = arith.constant 0 : index
    %get3A_32 = arith.constant 0 : index
    %get3A_33 = vector.load %arg8[%get3A_31, %get3A_32] : memref<1x64xf32, #tpu.memory_space<vmem>>, vector<1x64xf32>
    %add3A_34 = vector.broadcast %get3A_33 : vector<1x64xf32> to vector<1024x64xf32>
    %add3A_35 = arith.addf %dot_general3A_30, %add3A_34 : vector<1024x64xf32>
    %max3A_36 = arith.constant 0.000000e+00 : f32
    %max3A_37 = vector.broadcast %max3A_36 : f32 to vector<1024x64xf32>
    %max3A_38 = arith.maximumf %add3A_35, %max3A_37 : vector<1024x64xf32>
    %transpose3A = tpu.transpose %max3A_38, [1, 0] : vector<1024x64xf32> -> vector<64x1024xf32>
    %convert_element_type3A = arith.truncf %transpose3A : vector<64x1024xf32> to vector<64x1024xbf16>
    %swap3A = arith.constant 0 : index
    %swap3A_39 = arith.constant 0 : index
    %swap3A_40 = vector.load %arg11[%swap3A, %swap3A_39] : memref<64x1024xbf16, #tpu.memory_space<vmem>>, vector<64x1024xbf16>
    tpu.vector_store %arg11[%swap3A, %swap3A_39], %convert_element_type3A {strides = array<i32>} : memref<64x1024xbf16, #tpu.memory_space<vmem>>, vector<64x1024xbf16>,
    %get3A_41 = arith.constant 0 : index
    %get3A_42 = arith.constant 0 : index
    %get3A_43 = vector.load %arg9[%get3A_41, %get3A_42] : memref<1024x64xbf16, #tpu.memory_space<vmem>>, vector<1024x64xbf16>
    %dot_general3A_44 = arith.constant dense<0.000000e+00> : vector<1024x1024xf32>
    %dot_general3A_45 = tpu.matmul %get3A_43, %convert_element_type3A, %dot_general3A_44 {dimension_numbers = #tpu.dot_dimension_numbers<[1], [0], [0], [1], [0, 0, 1, 1], [], []>, transpose_lhs_hint = false} : vector<1024x64xbf16>, vector<64x1024xbf16>, vector<1024x1024xf32> -> vector<1024x1024xf32>
    %get3A_46 = arith.constant 0 : index
    %get3A_47 = arith.constant 0 : index
    %get3A_48 = vector.load %arg10[%get3A_46, %get3A_47] : memref<1024x1xf32, #tpu.memory_space<vmem>>, vector<1024x1xf32>
    %add3A_49 = vector.broadcast %get3A_48 : vector<1024x1xf32> to vector<1024x1024xf32>
    %add3A_50 = arith.addf %dot_general3A_45, %add3A_49 : vector<1024x1024xf32>
    %convert_element_type3A_51 = arith.truncf %add3A_50 : vector<1024x1024xf32> to vector<1024x1024xbf16>
    %convert_element_type3A_52 = arith.extf %convert_element_type3A_51 : vector<1024x1024xbf16> to vector<1024x1024xf32>
    %transpose3A_53 = tpu.transpose %get3A_1, [1, 0] : vector<1024x32xf32> -> vector<32x1024xf32>
    %convert_element_type3A_54 = arith.truncf %transpose3A_53 : vector<32x1024xf32> to vector<32x1024xbf16>
    %convert_element_type3A_55 = arith.extf %convert_element_type3A_54 : vector<32x1024xbf16> to vector<32x1024xf32>
    %reshape3A = vector.shape_cast %convert_element_type3A_52 : vector<1024x1024xf32> to vector<32x32x1024xf32>
    %broadcast_in_dim3A = vector.shape_cast %convert_element_type3A_55 : vector<32x1024xf32> to vector<1x32x1024xf32>
    %mul3A = vector.broadcast %broadcast_in_dim3A : vector<1x32x1024xf32> to vector<32x32x1024xf32>
    %mul3A_56 = arith.mulf %reshape3A, %mul3A : vector<32x32x1024xf32>
    %reduce_sum3A = arith.constant dense<0.000000e+00> : vector<32x1024xf32>
    %reduce_sum3A_57 = vector.multi_reduction <add>, %mul3A_56, %reduce_sum3A [1] : vector<32x32x1024xf32> to vector<32x1024xf32>
    %transpose3A_58 = tpu.transpose %reduce_sum3A_57, [1, 0] : vector<32x1024xf32> -> vector<1024x32xf32>
    %jit3A = arith.constant 0 : i32
    %convert_element_type3A_59 = arith.sitofp %jit3A : i32 to f32
    %pad3A = vector.broadcast %convert_element_type3A_59 : f32 to vector<1024x96xf32>
    %pad3A_60 = tpu.concatenate %transpose3A_58, %pad3A in 1 : vector<1024x32xf32>, vector<1024x96xf32> -> vector<1024x128xf32>
    %swap3A_61 = arith.constant 0 : index
    %swap3A_62 = arith.constant 0 : index
    %swap3A_63 = vector.load %arg12[%swap3A_61, %swap3A_62] : memref<1024x128xf32, #tpu.memory_space<vmem>>, vector<1024x128xf32>
    tpu.vector_store %arg12[%swap3A_61, %swap3A_62], %pad3A_60 {strides = array<i32>} : memref<1024x128xf32, #tpu.memory_space<vmem>>, vector<1024x128xf32>,
    return
  }
  func.func @transform_0(%arg0: i32) -> (i32, i32) {
    %c0_i32 = arith.constant 0 : i32
    %c0_i32_0 = arith.constant 0 : i32
    return %arg0, %c0_i32 : i32, i32
  }
  func.func @transform_1(%arg0: i32) -> (i32, i32) {
    %c0_i32 = arith.constant 0 : i32
    %c0_i32_0 = arith.constant 0 : i32
    return %arg0, %c0_i32 : i32, i32
  }
  func.func @transform_2(%arg0: i32) -> (i32, i32) {
    %c0_i32 = arith.constant 0 : i32
    %c0_i32_0 = arith.constant 0 : i32
    %c0_i32_1 = arith.constant 0 : i32
    return %c0_i32, %c0_i32_0 : i32, i32
  }
  func.func @transform_3(%arg0: i32) -> (i32, i32) {
    %c0_i32 = arith.constant 0 : i32
    %c0_i32_0 = arith.constant 0 : i32
    %c0_i32_1 = arith.constant 0 : i32
    return %c0_i32, %c0_i32_0 : i32, i32
  }
  func.func @transform_4(%arg0: i32) -> (i32, i32) {
    %c0_i32 = arith.constant 0 : i32
    %c0_i32_0 = arith.constant 0 : i32
    %c0_i32_1 = arith.constant 0 : i32
    return %c0_i32, %c0_i32_0 : i32, i32
  }
  func.func @transform_5(%arg0: i32) -> (i32, i32) {
    %c0_i32 = arith.constant 0 : i32
    %c0_i32_0 = arith.constant 0 : i32
    %c0_i32_1 = arith.constant 0 : i32
    return %c0_i32, %c0_i32_0 : i32, i32
  }
  func.func @transform_6(%arg0: i32) -> (i32, i32) {
    %c0_i32 = arith.constant 0 : i32
    %c0_i32_0 = arith.constant 0 : i32
    %c0_i32_1 = arith.constant 0 : i32
    return %c0_i32, %c0_i32_0 : i32, i32
  }
  func.func @transform_7(%arg0: i32) -> (i32, i32) {
    %c0_i32 = arith.constant 0 : i32
    %c0_i32_0 = arith.constant 0 : i32
    %c0_i32_1 = arith.constant 0 : i32
    return %c0_i32, %c0_i32_0 : i32, i32
  }
  func.func @transform_8(%arg0: i32) -> (i32, i32) {
    %c0_i32 = arith.constant 0 : i32
    %c0_i32_0 = arith.constant 0 : i32
    %c0_i32_1 = arith.constant 0 : i32
    return %c0_i32, %c0_i32_0 : i32, i32
  }
  func.func @transform_9(%arg0: i32) -> (i32, i32) {
    %c0_i32 = arith.constant 0 : i32
    %c0_i32_0 = arith.constant 0 : i32
    %c0_i32_1 = arith.constant 0 : i32
    return %c0_i32, %c0_i32_0 : i32, i32
  }
  func.func @transform_10(%arg0: i32) -> (i32, i32) {
    %c0_i32 = arith.constant 0 : i32
    %c0_i32_0 = arith.constant 0 : i32
    return %c0_i32, %arg0 : i32, i32
  }
  func.func @transform_11(%arg0: i32) -> (i32, i32) {
    %c0_i32 = arith.constant 0 : i32
    %c0_i32_0 = arith.constant 0 : i32
    return %arg0, %c0_i32 : i32, i32
  }
}

module attributes {stable_mosaic.version = 14 : i64} {
  func.func @_gru_body(%arg0: i32, %arg1: memref<2048x128xf32, #tpu.memory_space<vmem>>, %arg2: memref<2048x128xf32, #tpu.memory_space<vmem>>, %arg3: memref<2048x128xf32, #tpu.memory_space<vmem>>, %arg4: memref<32x96xf32, #tpu.memory_space<vmem>>, %arg5: memref<1x96xf32, #tpu.memory_space<vmem>>, %arg6: memref<32x96xf32, #tpu.memory_space<vmem>>, %arg7: memref<1x96xf32, #tpu.memory_space<vmem>>, %arg8: memref<2048x128xf32, #tpu.memory_space<vmem>>) attributes {dimension_semantics = [#tpu.dimension_semantics<arbitrary>], iteration_bounds = array<i64: 5>, scalar_prefetch = 0 : i64, scratch_operands = 0 : i64, tpu.core_type = #tpu.core_type<tc>, window_params = [{transform_indices = @transform_0, window_bounds = array<i64: 2048, 128>}, {transform_indices = @transform_1, window_bounds = array<i64: 2048, 128>}, {transform_indices = @transform_2, window_bounds = array<i64: 2048, 128>}, {pipeline_mode = #tpu.pipeline_mode<synchronous>, transform_indices = @transform_3, window_bounds = array<i64: 32, 96>}, {pipeline_mode = #tpu.pipeline_mode<synchronous>, transform_indices = @transform_4, window_bounds = array<i64: 1, 96>}, {pipeline_mode = #tpu.pipeline_mode<synchronous>, transform_indices = @transform_5, window_bounds = array<i64: 32, 96>}, {pipeline_mode = #tpu.pipeline_mode<synchronous>, transform_indices = @transform_6, window_bounds = array<i64: 1, 96>}, {transform_indices = @transform_7, window_bounds = array<i64: 2048, 128>}]} {
    %get3A = arith.constant 0 : index
    %get3A_0 = arith.constant 0 : index
    %get3A_1 = vector.load %arg1[%get3A, %get3A_0] : memref<2048x128xf32, #tpu.memory_space<vmem>>, vector<2048x32xf32>
    %get3A_2 = arith.constant 0 : index
    %get3A_3 = arith.constant 0 : index
    %get3A_4 = vector.load %arg2[%get3A_2, %get3A_3] : memref<2048x128xf32, #tpu.memory_space<vmem>>, vector<2048x32xf32>
    %add3A = arith.addf %get3A_1, %get3A_4 : vector<2048x32xf32>
    %get3A_5 = arith.constant 0 : index
    %get3A_6 = arith.constant 0 : index
    %get3A_7 = vector.load %arg4[%get3A_5, %get3A_6] : memref<32x96xf32, #tpu.memory_space<vmem>>, vector<32x96xf32>
    %dot_general3A = arith.constant dense<0.000000e+00> : vector<2048x96xf32>
    %dot_general3A_8 = tpu.matmul %add3A, %get3A_7, %dot_general3A {dimension_numbers = #tpu.dot_dimension_numbers<[1], [0], [0], [1], [0, 0, 1, 1], [], []>, transpose_lhs_hint = false} : vector<2048x32xf32>, vector<32x96xf32>, vector<2048x96xf32> -> vector<2048x96xf32>
    %get3A_9 = arith.constant 0 : index
    %get3A_10 = arith.constant 0 : index
    %get3A_11 = vector.load %arg5[%get3A_9, %get3A_10] : memref<1x96xf32, #tpu.memory_space<vmem>>, vector<1x96xf32>
    %add3A_12 = vector.broadcast %get3A_11 : vector<1x96xf32> to vector<2048x96xf32>
    %add3A_13 = arith.addf %dot_general3A_8, %add3A_12 : vector<2048x96xf32>
    %get3A_14 = arith.constant 0 : index
    %get3A_15 = arith.constant 0 : index
    %get3A_16 = vector.load %arg3[%get3A_14, %get3A_15] : memref<2048x128xf32, #tpu.memory_space<vmem>>, vector<2048x32xf32>
    %get3A_17 = arith.constant 0 : index
    %get3A_18 = arith.constant 0 : index
    %get3A_19 = vector.load %arg6[%get3A_17, %get3A_18] : memref<32x96xf32, #tpu.memory_space<vmem>>, vector<32x96xf32>
    %dot_general3A_20 = arith.constant dense<0.000000e+00> : vector<2048x96xf32>
    %dot_general3A_21 = tpu.matmul %get3A_16, %get3A_19, %dot_general3A_20 {dimension_numbers = #tpu.dot_dimension_numbers<[1], [0], [0], [1], [0, 0, 1, 1], [], []>, transpose_lhs_hint = false} : vector<2048x32xf32>, vector<32x96xf32>, vector<2048x96xf32> -> vector<2048x96xf32>
    %get3A_22 = arith.constant 0 : index
    %get3A_23 = arith.constant 0 : index
    %get3A_24 = vector.load %arg7[%get3A_22, %get3A_23] : memref<1x96xf32, #tpu.memory_space<vmem>>, vector<1x96xf32>
    %add3A_25 = vector.broadcast %get3A_24 : vector<1x96xf32> to vector<2048x96xf32>
    %add3A_26 = arith.addf %dot_general3A_21, %add3A_25 : vector<2048x96xf32>
    %slice3A = vector.extract_strided_slice %add3A_13 {offsets = [0, 0], sizes = [2048, 32], strides = [1, 1]} : vector<2048x96xf32> to vector<2048x32xf32>
    %slice3A_27 = vector.extract_strided_slice %add3A_26 {offsets = [0, 0], sizes = [2048, 32], strides = [1, 1]} : vector<2048x96xf32> to vector<2048x32xf32>
    %add3A_28 = arith.addf %slice3A, %slice3A_27 : vector<2048x32xf32>
    %logistic3A = arith.negf %add3A_28 : vector<2048x32xf32>
    %logistic3A_29 = math.exp %logistic3A : vector<2048x32xf32>
    %logistic3A_30 = arith.constant 1.000000e+00 : f32
    %logistic3A_31 = vector.broadcast %logistic3A_30 : f32 to vector<2048x32xf32>
    %logistic3A_32 = arith.addf %logistic3A_31, %logistic3A_29 : vector<2048x32xf32>
    %logistic3A_33 = arith.divf %logistic3A_31, %logistic3A_32 : vector<2048x32xf32>
    %slice3A_34 = vector.extract_strided_slice %add3A_13 {offsets = [0, 32], sizes = [2048, 32], strides = [1, 1]} : vector<2048x96xf32> to vector<2048x32xf32>
    %slice3A_35 = vector.extract_strided_slice %add3A_26 {offsets = [0, 32], sizes = [2048, 32], strides = [1, 1]} : vector<2048x96xf32> to vector<2048x32xf32>
    %add3A_36 = arith.addf %slice3A_34, %slice3A_35 : vector<2048x32xf32>
    %logistic3A_37 = arith.negf %add3A_36 : vector<2048x32xf32>
    %logistic3A_38 = math.exp %logistic3A_37 : vector<2048x32xf32>
    %logistic3A_39 = arith.constant 1.000000e+00 : f32
    %logistic3A_40 = vector.broadcast %logistic3A_39 : f32 to vector<2048x32xf32>
    %logistic3A_41 = arith.addf %logistic3A_40, %logistic3A_38 : vector<2048x32xf32>
    %logistic3A_42 = arith.divf %logistic3A_40, %logistic3A_41 : vector<2048x32xf32>
    %slice3A_43 = vector.extract_strided_slice %add3A_13 {offsets = [0, 64], sizes = [2048, 32], strides = [1, 1]} : vector<2048x96xf32> to vector<2048x32xf32>
    %slice3A_44 = vector.extract_strided_slice %add3A_26 {offsets = [0, 64], sizes = [2048, 32], strides = [1, 1]} : vector<2048x96xf32> to vector<2048x32xf32>
    %mul3A = arith.mulf %logistic3A_33, %slice3A_44 : vector<2048x32xf32>
    %add3A_45 = arith.addf %slice3A_43, %mul3A : vector<2048x32xf32>
    %tanh3A = math.tanh %add3A_45 : vector<2048x32xf32>
    %sub3A = arith.constant 1.000000e+00 : f32
    %sub3A_46 = vector.broadcast %sub3A : f32 to vector<2048x32xf32>
    %sub3A_47 = arith.subf %sub3A_46, %logistic3A_42 : vector<2048x32xf32>
    %mul3A_48 = arith.mulf %sub3A_47, %tanh3A : vector<2048x32xf32>
    %mul3A_49 = arith.mulf %logistic3A_42, %get3A_16 : vector<2048x32xf32>
    %add3A_50 = arith.addf %mul3A_48, %mul3A_49 : vector<2048x32xf32>
    %jit3A = arith.constant 0 : i32
    %convert_element_type3A = arith.sitofp %jit3A : i32 to f32
    %pad3A = vector.broadcast %convert_element_type3A : f32 to vector<2048x96xf32>
    %pad3A_51 = tpu.concatenate %add3A_50, %pad3A in 1 : vector<2048x32xf32>, vector<2048x96xf32> -> vector<2048x128xf32>
    %swap3A = arith.constant 0 : index
    %swap3A_52 = arith.constant 0 : index
    %swap3A_53 = vector.load %arg8[%swap3A, %swap3A_52] : memref<2048x128xf32, #tpu.memory_space<vmem>>, vector<2048x128xf32>
    tpu.vector_store %arg8[%swap3A, %swap3A_52], %pad3A_51 {strides = array<i32>} : memref<2048x128xf32, #tpu.memory_space<vmem>>, vector<2048x128xf32>,
    return
  }
  func.func @transform_0(%arg0: i32) -> (i32, i32) {
    %c0_i32 = arith.constant 0 : i32
    %c0_i32_0 = arith.constant 0 : i32
    return %arg0, %c0_i32 : i32, i32
  }
  func.func @transform_1(%arg0: i32) -> (i32, i32) {
    %c0_i32 = arith.constant 0 : i32
    %c0_i32_0 = arith.constant 0 : i32
    return %arg0, %c0_i32 : i32, i32
  }
  func.func @transform_2(%arg0: i32) -> (i32, i32) {
    %c0_i32 = arith.constant 0 : i32
    %c0_i32_0 = arith.constant 0 : i32
    return %arg0, %c0_i32 : i32, i32
  }
  func.func @transform_3(%arg0: i32) -> (i32, i32) {
    %c0_i32 = arith.constant 0 : i32
    %c0_i32_0 = arith.constant 0 : i32
    %c0_i32_1 = arith.constant 0 : i32
    return %c0_i32, %c0_i32_0 : i32, i32
  }
  func.func @transform_4(%arg0: i32) -> (i32, i32) {
    %c0_i32 = arith.constant 0 : i32
    %c0_i32_0 = arith.constant 0 : i32
    %c0_i32_1 = arith.constant 0 : i32
    return %c0_i32, %c0_i32_0 : i32, i32
  }
  func.func @transform_5(%arg0: i32) -> (i32, i32) {
    %c0_i32 = arith.constant 0 : i32
    %c0_i32_0 = arith.constant 0 : i32
    %c0_i32_1 = arith.constant 0 : i32
    return %c0_i32, %c0_i32_0 : i32, i32
  }
  func.func @transform_6(%arg0: i32) -> (i32, i32) {
    %c0_i32 = arith.constant 0 : i32
    %c0_i32_0 = arith.constant 0 : i32
    %c0_i32_1 = arith.constant 0 : i32
    return %c0_i32, %c0_i32_0 : i32, i32
  }
  func.func @transform_7(%arg0: i32) -> (i32, i32) {
    %c0_i32 = arith.constant 0 : i32
    %c0_i32_0 = arith.constant 0 : i32
    return %arg0, %c0_i32 : i32, i32
  }
}

module attributes {stable_mosaic.version = 14 : i64} {
  func.func @_msg_body(%arg0: i32, %arg1: memref<64x1024xbf16, #tpu.memory_space<vmem>>, %arg2: memref<1024x128xf32, #tpu.memory_space<vmem>>, %arg3: memref<1024x64xbf16, #tpu.memory_space<vmem>>, %arg4: memref<1024x1xf32, #tpu.memory_space<vmem>>, %arg5: memref<1024x128xf32, #tpu.memory_space<vmem>>) attributes {dimension_semantics = [#tpu.dimension_semantics<arbitrary>], iteration_bounds = array<i64: 160>, scalar_prefetch = 0 : i64, scratch_operands = 0 : i64, tpu.core_type = #tpu.core_type<tc>, window_params = [{transform_indices = @transform_0, window_bounds = array<i64: 64, 1024>}, {transform_indices = @transform_1, window_bounds = array<i64: 1024, 128>}, {pipeline_mode = #tpu.pipeline_mode<synchronous>, transform_indices = @transform_2, window_bounds = array<i64: 1024, 64>}, {pipeline_mode = #tpu.pipeline_mode<synchronous>, transform_indices = @transform_3, window_bounds = array<i64: 1024, 1>}, {transform_indices = @transform_4, window_bounds = array<i64: 1024, 128>}]} {
    %get3A = arith.constant 0 : index
    %get3A_0 = arith.constant 0 : index
    %get3A_1 = vector.load %arg3[%get3A, %get3A_0] : memref<1024x64xbf16, #tpu.memory_space<vmem>>, vector<1024x64xbf16>
    %get3A_2 = arith.constant 0 : index
    %get3A_3 = arith.constant 0 : index
    %get3A_4 = vector.load %arg1[%get3A_2, %get3A_3] : memref<64x1024xbf16, #tpu.memory_space<vmem>>, vector<64x1024xbf16>
    %dot_general3A = arith.constant dense<0.000000e+00> : vector<1024x1024xf32>
    %dot_general3A_5 = tpu.matmul %get3A_1, %get3A_4, %dot_general3A {dimension_numbers = #tpu.dot_dimension_numbers<[1], [0], [0], [1], [0, 0, 1, 1], [], []>, transpose_lhs_hint = false} : vector<1024x64xbf16>, vector<64x1024xbf16>, vector<1024x1024xf32> -> vector<1024x1024xf32>
    %get3A_6 = arith.constant 0 : index
    %get3A_7 = arith.constant 0 : index
    %get3A_8 = vector.load %arg4[%get3A_6, %get3A_7] : memref<1024x1xf32, #tpu.memory_space<vmem>>, vector<1024x1xf32>
    %add3A = vector.broadcast %get3A_8 : vector<1024x1xf32> to vector<1024x1024xf32>
    %add3A_9 = arith.addf %dot_general3A_5, %add3A : vector<1024x1024xf32>
    %convert_element_type3A = arith.truncf %add3A_9 : vector<1024x1024xf32> to vector<1024x1024xbf16>
    %convert_element_type3A_10 = arith.extf %convert_element_type3A : vector<1024x1024xbf16> to vector<1024x1024xf32>
    %get3A_11 = arith.constant 0 : index
    %get3A_12 = arith.constant 0 : index
    %get3A_13 = vector.load %arg2[%get3A_11, %get3A_12] : memref<1024x128xf32, #tpu.memory_space<vmem>>, vector<1024x32xf32>
    %transpose3A = tpu.transpose %get3A_13, [1, 0] : vector<1024x32xf32> -> vector<32x1024xf32>
    %convert_element_type3A_14 = arith.truncf %transpose3A : vector<32x1024xf32> to vector<32x1024xbf16>
    %convert_element_type3A_15 = arith.extf %convert_element_type3A_14 : vector<32x1024xbf16> to vector<32x1024xf32>
    %reshape3A = vector.shape_cast %convert_element_type3A_10 : vector<1024x1024xf32> to vector<32x32x1024xf32>
    %broadcast_in_dim3A = vector.shape_cast %convert_element_type3A_15 : vector<32x1024xf32> to vector<1x32x1024xf32>
    %mul3A = vector.broadcast %broadcast_in_dim3A : vector<1x32x1024xf32> to vector<32x32x1024xf32>
    %mul3A_16 = arith.mulf %reshape3A, %mul3A : vector<32x32x1024xf32>
    %reduce_sum3A = arith.constant dense<0.000000e+00> : vector<32x1024xf32>
    %reduce_sum3A_17 = vector.multi_reduction <add>, %mul3A_16, %reduce_sum3A [1] : vector<32x32x1024xf32> to vector<32x1024xf32>
    %transpose3A_18 = tpu.transpose %reduce_sum3A_17, [1, 0] : vector<32x1024xf32> -> vector<1024x32xf32>
    %jit3A = arith.constant 0 : i32
    %convert_element_type3A_19 = arith.sitofp %jit3A : i32 to f32
    %pad3A = vector.broadcast %convert_element_type3A_19 : f32 to vector<1024x96xf32>
    %pad3A_20 = tpu.concatenate %transpose3A_18, %pad3A in 1 : vector<1024x32xf32>, vector<1024x96xf32> -> vector<1024x128xf32>
    %swap3A = arith.constant 0 : index
    %swap3A_21 = arith.constant 0 : index
    %swap3A_22 = vector.load %arg5[%swap3A, %swap3A_21] : memref<1024x128xf32, #tpu.memory_space<vmem>>, vector<1024x128xf32>
    tpu.vector_store %arg5[%swap3A, %swap3A_21], %pad3A_20 {strides = array<i32>} : memref<1024x128xf32, #tpu.memory_space<vmem>>, vector<1024x128xf32>,
    return
  }
  func.func @transform_0(%arg0: i32) -> (i32, i32) {
    %c0_i32 = arith.constant 0 : i32
    %c0_i32_0 = arith.constant 0 : i32
    return %c0_i32, %arg0 : i32, i32
  }
  func.func @transform_1(%arg0: i32) -> (i32, i32) {
    %c0_i32 = arith.constant 0 : i32
    %c0_i32_0 = arith.constant 0 : i32
    return %arg0, %c0_i32 : i32, i32
  }
  func.func @transform_2(%arg0: i32) -> (i32, i32) {
    %c0_i32 = arith.constant 0 : i32
    %c0_i32_0 = arith.constant 0 : i32
    %c0_i32_1 = arith.constant 0 : i32
    return %c0_i32, %c0_i32_0 : i32, i32
  }
  func.func @transform_3(%arg0: i32) -> (i32, i32) {
    %c0_i32 = arith.constant 0 : i32
    %c0_i32_0 = arith.constant 0 : i32
    %c0_i32_1 = arith.constant 0 : i32
    return %c0_i32, %c0_i32_0 : i32, i32
  }
  func.func @transform_4(%arg0: i32) -> (i32, i32) {
    %c0_i32 = arith.constant 0 : i32
    %c0_i32_0 = arith.constant 0 : i32
    return %arg0, %c0_i32 : i32, i32
  }
}

module attributes {stable_mosaic.version = 14 : i64} {
  func.func @_gru_proj_body(%arg0: i32, %arg1: memref<2048x128xf32, #tpu.memory_space<vmem>>, %arg2: memref<2048x128xf32, #tpu.memory_space<vmem>>, %arg3: memref<2048x128xf32, #tpu.memory_space<vmem>>, %arg4: memref<32x96xf32, #tpu.memory_space<vmem>>, %arg5: memref<1x96xf32, #tpu.memory_space<vmem>>, %arg6: memref<32x96xf32, #tpu.memory_space<vmem>>, %arg7: memref<1x96xf32, #tpu.memory_space<vmem>>, %arg8: memref<32x32xf32, #tpu.memory_space<vmem>>, %arg9: memref<1x32xf32, #tpu.memory_space<vmem>>, %arg10: memref<2048x32xf32, #tpu.memory_space<vmem>>) attributes {dimension_semantics = [#tpu.dimension_semantics<arbitrary>], iteration_bounds = array<i64: 5>, scalar_prefetch = 0 : i64, scratch_operands = 0 : i64, tpu.core_type = #tpu.core_type<tc>, window_params = [{transform_indices = @transform_0, window_bounds = array<i64: 2048, 128>}, {transform_indices = @transform_1, window_bounds = array<i64: 2048, 128>}, {transform_indices = @transform_2, window_bounds = array<i64: 2048, 128>}, {pipeline_mode = #tpu.pipeline_mode<synchronous>, transform_indices = @transform_3, window_bounds = array<i64: 32, 96>}, {pipeline_mode = #tpu.pipeline_mode<synchronous>, transform_indices = @transform_4, window_bounds = array<i64: 1, 96>}, {pipeline_mode = #tpu.pipeline_mode<synchronous>, transform_indices = @transform_5, window_bounds = array<i64: 32, 96>}, {pipeline_mode = #tpu.pipeline_mode<synchronous>, transform_indices = @transform_6, window_bounds = array<i64: 1, 96>}, {pipeline_mode = #tpu.pipeline_mode<synchronous>, transform_indices = @transform_7, window_bounds = array<i64: 32, 32>}, {pipeline_mode = #tpu.pipeline_mode<synchronous>, transform_indices = @transform_8, window_bounds = array<i64: 1, 32>}, {transform_indices = @transform_9, window_bounds = array<i64: 2048, 32>}]} {
    %get3A = arith.constant 0 : index
    %get3A_0 = arith.constant 0 : index
    %get3A_1 = vector.load %arg1[%get3A, %get3A_0] : memref<2048x128xf32, #tpu.memory_space<vmem>>, vector<2048x32xf32>
    %get3A_2 = arith.constant 0 : index
    %get3A_3 = arith.constant 0 : index
    %get3A_4 = vector.load %arg2[%get3A_2, %get3A_3] : memref<2048x128xf32, #tpu.memory_space<vmem>>, vector<2048x32xf32>
    %add3A = arith.addf %get3A_1, %get3A_4 : vector<2048x32xf32>
    %get3A_5 = arith.constant 0 : index
    %get3A_6 = arith.constant 0 : index
    %get3A_7 = vector.load %arg4[%get3A_5, %get3A_6] : memref<32x96xf32, #tpu.memory_space<vmem>>, vector<32x96xf32>
    %dot_general3A = arith.constant dense<0.000000e+00> : vector<2048x96xf32>
    %dot_general3A_8 = tpu.matmul %add3A, %get3A_7, %dot_general3A {dimension_numbers = #tpu.dot_dimension_numbers<[1], [0], [0], [1], [0, 0, 1, 1], [], []>, transpose_lhs_hint = false} : vector<2048x32xf32>, vector<32x96xf32>, vector<2048x96xf32> -> vector<2048x96xf32>
    %get3A_9 = arith.constant 0 : index
    %get3A_10 = arith.constant 0 : index
    %get3A_11 = vector.load %arg5[%get3A_9, %get3A_10] : memref<1x96xf32, #tpu.memory_space<vmem>>, vector<1x96xf32>
    %add3A_12 = vector.broadcast %get3A_11 : vector<1x96xf32> to vector<2048x96xf32>
    %add3A_13 = arith.addf %dot_general3A_8, %add3A_12 : vector<2048x96xf32>
    %get3A_14 = arith.constant 0 : index
    %get3A_15 = arith.constant 0 : index
    %get3A_16 = vector.load %arg3[%get3A_14, %get3A_15] : memref<2048x128xf32, #tpu.memory_space<vmem>>, vector<2048x32xf32>
    %get3A_17 = arith.constant 0 : index
    %get3A_18 = arith.constant 0 : index
    %get3A_19 = vector.load %arg6[%get3A_17, %get3A_18] : memref<32x96xf32, #tpu.memory_space<vmem>>, vector<32x96xf32>
    %dot_general3A_20 = arith.constant dense<0.000000e+00> : vector<2048x96xf32>
    %dot_general3A_21 = tpu.matmul %get3A_16, %get3A_19, %dot_general3A_20 {dimension_numbers = #tpu.dot_dimension_numbers<[1], [0], [0], [1], [0, 0, 1, 1], [], []>, transpose_lhs_hint = false} : vector<2048x32xf32>, vector<32x96xf32>, vector<2048x96xf32> -> vector<2048x96xf32>
    %get3A_22 = arith.constant 0 : index
    %get3A_23 = arith.constant 0 : index
    %get3A_24 = vector.load %arg7[%get3A_22, %get3A_23] : memref<1x96xf32, #tpu.memory_space<vmem>>, vector<1x96xf32>
    %add3A_25 = vector.broadcast %get3A_24 : vector<1x96xf32> to vector<2048x96xf32>
    %add3A_26 = arith.addf %dot_general3A_21, %add3A_25 : vector<2048x96xf32>
    %slice3A = vector.extract_strided_slice %add3A_13 {offsets = [0, 0], sizes = [2048, 32], strides = [1, 1]} : vector<2048x96xf32> to vector<2048x32xf32>
    %slice3A_27 = vector.extract_strided_slice %add3A_26 {offsets = [0, 0], sizes = [2048, 32], strides = [1, 1]} : vector<2048x96xf32> to vector<2048x32xf32>
    %add3A_28 = arith.addf %slice3A, %slice3A_27 : vector<2048x32xf32>
    %logistic3A = arith.negf %add3A_28 : vector<2048x32xf32>
    %logistic3A_29 = math.exp %logistic3A : vector<2048x32xf32>
    %logistic3A_30 = arith.constant 1.000000e+00 : f32
    %logistic3A_31 = vector.broadcast %logistic3A_30 : f32 to vector<2048x32xf32>
    %logistic3A_32 = arith.addf %logistic3A_31, %logistic3A_29 : vector<2048x32xf32>
    %logistic3A_33 = arith.divf %logistic3A_31, %logistic3A_32 : vector<2048x32xf32>
    %slice3A_34 = vector.extract_strided_slice %add3A_13 {offsets = [0, 32], sizes = [2048, 32], strides = [1, 1]} : vector<2048x96xf32> to vector<2048x32xf32>
    %slice3A_35 = vector.extract_strided_slice %add3A_26 {offsets = [0, 32], sizes = [2048, 32], strides = [1, 1]} : vector<2048x96xf32> to vector<2048x32xf32>
    %add3A_36 = arith.addf %slice3A_34, %slice3A_35 : vector<2048x32xf32>
    %logistic3A_37 = arith.negf %add3A_36 : vector<2048x32xf32>
    %logistic3A_38 = math.exp %logistic3A_37 : vector<2048x32xf32>
    %logistic3A_39 = arith.constant 1.000000e+00 : f32
    %logistic3A_40 = vector.broadcast %logistic3A_39 : f32 to vector<2048x32xf32>
    %logistic3A_41 = arith.addf %logistic3A_40, %logistic3A_38 : vector<2048x32xf32>
    %logistic3A_42 = arith.divf %logistic3A_40, %logistic3A_41 : vector<2048x32xf32>
    %slice3A_43 = vector.extract_strided_slice %add3A_13 {offsets = [0, 64], sizes = [2048, 32], strides = [1, 1]} : vector<2048x96xf32> to vector<2048x32xf32>
    %slice3A_44 = vector.extract_strided_slice %add3A_26 {offsets = [0, 64], sizes = [2048, 32], strides = [1, 1]} : vector<2048x96xf32> to vector<2048x32xf32>
    %mul3A = arith.mulf %logistic3A_33, %slice3A_44 : vector<2048x32xf32>
    %add3A_45 = arith.addf %slice3A_43, %mul3A : vector<2048x32xf32>
    %tanh3A = math.tanh %add3A_45 : vector<2048x32xf32>
    %sub3A = arith.constant 1.000000e+00 : f32
    %sub3A_46 = vector.broadcast %sub3A : f32 to vector<2048x32xf32>
    %sub3A_47 = arith.subf %sub3A_46, %logistic3A_42 : vector<2048x32xf32>
    %mul3A_48 = arith.mulf %sub3A_47, %tanh3A : vector<2048x32xf32>
    %mul3A_49 = arith.mulf %logistic3A_42, %get3A_16 : vector<2048x32xf32>
    %add3A_50 = arith.addf %mul3A_48, %mul3A_49 : vector<2048x32xf32>
    %get3A_51 = arith.constant 0 : index
    %get3A_52 = arith.constant 0 : index
    %get3A_53 = vector.load %arg8[%get3A_51, %get3A_52] : memref<32x32xf32, #tpu.memory_space<vmem>>, vector<32x32xf32>
    %dot_general3A_54 = arith.constant dense<0.000000e+00> : vector<2048x32xf32>
    %dot_general3A_55 = tpu.matmul %add3A_50, %get3A_53, %dot_general3A_54 {dimension_numbers = #tpu.dot_dimension_numbers<[1], [0], [0], [1], [0, 0, 1, 1], [], []>, transpose_lhs_hint = false} : vector<2048x32xf32>, vector<32x32xf32>, vector<2048x32xf32> -> vector<2048x32xf32>
    %get3A_56 = arith.constant 0 : index
    %get3A_57 = arith.constant 0 : index
    %get3A_58 = vector.load %arg9[%get3A_56, %get3A_57] : memref<1x32xf32, #tpu.memory_space<vmem>>, vector<1x32xf32>
    %add3A_59 = vector.broadcast %get3A_58 : vector<1x32xf32> to vector<2048x32xf32>
    %add3A_60 = arith.addf %dot_general3A_55, %add3A_59 : vector<2048x32xf32>
    %swap3A = arith.constant 0 : index
    %swap3A_61 = arith.constant 0 : index
    %swap3A_62 = vector.load %arg10[%swap3A, %swap3A_61] : memref<2048x32xf32, #tpu.memory_space<vmem>>, vector<2048x32xf32>
    tpu.vector_store %arg10[%swap3A, %swap3A_61], %add3A_60 {strides = array<i32>} : memref<2048x32xf32, #tpu.memory_space<vmem>>, vector<2048x32xf32>,
    return
  }
  func.func @transform_0(%arg0: i32) -> (i32, i32) {
    %c0_i32 = arith.constant 0 : i32
    %c0_i32_0 = arith.constant 0 : i32
    return %arg0, %c0_i32 : i32, i32
  }
  func.func @transform_1(%arg0: i32) -> (i32, i32) {
    %c0_i32 = arith.constant 0 : i32
    %c0_i32_0 = arith.constant 0 : i32
    return %arg0, %c0_i32 : i32, i32
  }
  func.func @transform_2(%arg0: i32) -> (i32, i32) {
    %c0_i32 = arith.constant 0 : i32
    %c0_i32_0 = arith.constant 0 : i32
    return %arg0, %c0_i32 : i32, i32
  }
  func.func @transform_3(%arg0: i32) -> (i32, i32) {
    %c0_i32 = arith.constant 0 : i32
    %c0_i32_0 = arith.constant 0 : i32
    %c0_i32_1 = arith.constant 0 : i32
    return %c0_i32, %c0_i32_0 : i32, i32
  }
  func.func @transform_4(%arg0: i32) -> (i32, i32) {
    %c0_i32 = arith.constant 0 : i32
    %c0_i32_0 = arith.constant 0 : i32
    %c0_i32_1 = arith.constant 0 : i32
    return %c0_i32, %c0_i32_0 : i32, i32
  }
  func.func @transform_5(%arg0: i32) -> (i32, i32) {
    %c0_i32 = arith.constant 0 : i32
    %c0_i32_0 = arith.constant 0 : i32
    %c0_i32_1 = arith.constant 0 : i32
    return %c0_i32, %c0_i32_0 : i32, i32
  }
  func.func @transform_6(%arg0: i32) -> (i32, i32) {
    %c0_i32 = arith.constant 0 : i32
    %c0_i32_0 = arith.constant 0 : i32
    %c0_i32_1 = arith.constant 0 : i32
    return %c0_i32, %c0_i32_0 : i32, i32
  }
  func.func @transform_7(%arg0: i32) -> (i32, i32) {
    %c0_i32 = arith.constant 0 : i32
    %c0_i32_0 = arith.constant 0 : i32
    %c0_i32_1 = arith.constant 0 : i32
    return %c0_i32, %c0_i32_0 : i32, i32
  }
  func.func @transform_8(%arg0: i32) -> (i32, i32) {
    %c0_i32 = arith.constant 0 : i32
    %c0_i32_0 = arith.constant 0 : i32
    %c0_i32_1 = arith.constant 0 : i32
    return %c0_i32, %c0_i32_0 : i32, i32
  }
  func.func @transform_9(%arg0: i32) -> (i32, i32) {
    %c0_i32 = arith.constant 0 : i32
    %c0_i32_0 = arith.constant 0 : i32
    return %arg0, %c0_i32 : i32, i32
  }
}

</mosaic_0001>

<sc_bundles>
// kernel: kernel.16.cloned.1.call-start
scs
__scs_entry_jumppad:
0x0: {  	(pc) =	sbr.rel $0x88, $3  }
0x1: {  	(tag) =	ssettag $0x0;
	lr =	simm.s32 $0x1  }
0x2: {  	[smem:$0x3F8F] =	sst lr;
	_ =	strace $0xD0000000  }
0x3: {  	_ = 	snop  }
0x4: {  	_ = 	snop  }
0x5: {  	_ = 	snop  }
0x6: {  	_ = 	snop  }
0x7: {  	_ = 	snop  }
__scs_overlays_trampoline_lowered:
0x8: {  	[smem:$0x3F9E] =	sst s0  }
0x9: {  	[smem:$0x3F9F] =	sst s1  }
0xa: {  	[smem:$0x3FA0] =	sst s2  }
0xb: {  	[smem:$0x3FA1] =	sst s3  }
0xc: {  	[smem:$0x3FA2] =	sst s4  }
0xd: {  	[smem:$0x3FA3] =	sst s5  }
0xe: {  	[smem:$0x3FA4] =	sst s6  }
0xf: {  	[smem:$0x3FA5] =	sst s7  }
0x10: {  	[smem:$0x3FA6] =	sst s8  }
0x11: {  	[smem:$0x3FA7] =	sst s9;
	s0 =	simm.s32 @!p0 $0x0  }
0x12: {  	s1 =	sld [smem:$0x3F8D];
	s0 =	simm.s32 @p0 $0x1  }
0x13: {  	[smem:$0x3FA8] =	sst s0;
	s0 =	simm.s32 @!p1 $0x0  }
0x14: {  	s2 =	sld [smem:$0x3F8C];
	s0 =	simm.s32 @p1 $0x1  }
0x15: {  	[smem:$0x3FA9] =	sst s0;
	s0 =	simm.s32 @!p2 $0x0  }
0x16: {  	s3 =	sld [smem:$0x3FDB];
	s0 =	simm.s32 @p2 $0x1  }
0x17: {  	s4 =	simm.s32 $0x1BF5;
	[smem:$0x3FAB] =	sst s0  }
0x18: {  	s0 =	sld [smem:$0x3F8E];
	_ =	swait.ge [sflag:s4], $0x0  }
0x19: {  	s7 =	sld [smem:$0x3F8F]  }
0x1a: {  	s8 =	sadd.s32 $0xFFFFE003, lr  }
0x1b: {  	s9 =	sadd.s32 $0xFFFFFEF7, lr;
	s5 =	simm.s32 $0xFFFFFFFF;
	p2 =	slt.u32 s8, $0xFFFFF086  }
0x1c: {  	p1 =	slt.u32 s9, $0xF7A;
	s5 =	simm.s32 @!p2 $0x0  }
0x1d: {  	s5 =	simm.s32 @p1 $0x1;
	p0 =	seq.s32 s7, s2  }
0x1e: {  	s7 =	smul.u32 @!p0 $0xF7A, s2;
	p2 =	seq.s32 @!p0 s5, $0x0  }
0x1f: {  	s9 =	smul.u32 $0xF7A, s1;
	s8 =	simm.s32 @!p0 $0x1BF5;
	p2 =	por !p2, p0  }
0x20: {  	[sflag:s8] =	ssyncset.s32 @!p0 $0xFFFFF086;
	s6 =	sadd.s32 @!p0 s3, s7;
	s7 =	simm.s32 @!p0 $0x108  }
0x21: {  	s3 =	sadd.s32 s3, s9;
	s6 =	sadd.s32 @!p0 $0x88, s6;
	s7 =	simm.s32 @p2 $0x1082  }
0x22: {  	[simem:s7], [sflag:s8] =	dma.local @!p0 [hbm:s6], $0xF7A  }
0x23: {  	s9 =	sor.u32 $0xD0000000, s2;
	s6 =	simm.s32 $0x108;
	_ =	swait.ge @!p0 [sflag:s8], $0x0  }
0x24: {  	s3 =	sadd.s32 $0x88, s3;
	s6 =	simm.s32 @!p1 $0x1082;
	[sflag:s4] =	ssyncset.s32 $0xFFFFF086  }
0x25: {  	[simem:s6], [sflag:s4] =	dma.local [hbm:s3], $0xF7A  }
0x26: {  	[smem:$0x3F8F] =	sst s1;
	(tag) =	ssettag s2;
	_ =	strace s9  }
0x27: {  	s1 =	sld [smem:$0x3F9F]  }
0x28: {  	s2 =	sld [smem:$0x3FA0]  }
0x29: {  	s4 =	sld [smem:$0x3FA2]  }
0x2a: {  	p0 =	seq.s32 s5, $0x0;
	s5 =	sld [smem:$0x3FA3]  }
0x2b: {  	s6 =	sld [smem:$0x3FA4]  }
0x2c: {  	s7 =	sld [smem:$0x3FA5]  }
0x2d: {  	s3 =	simm.s32 $0x108;
	s8 =	sld [smem:$0x3FA6]  }
0x2e: {  	s3 =	simm.s32 @!p0 $0x1082;
	s9 =	sld [smem:$0x3FA7]  }
0x2f: {  	lr =	sadd.s32 s0, s3;
	s0 =	sld [smem:$0x3F9E]  }
0x30: {  	s3 =	sld [smem:$0x3FA1]  }
0x31: {  	[smem:$0x3FAA] =	sst s10  }
0x32: {  	s10 =	sld [smem:$0x3FA8];
	_ =	sdelay $0x3  }
0x33: {  	p0 =	seq.s32 s10, $0x1;
	s10 =	sld [smem:$0x3FAA];
	_ =	sdelay $0x3  }
0x34: {  	[smem:$0x3FAA] =	sst s10  }
0x35: {  	s10 =	sld [smem:$0x3FA9];
	_ =	sdelay $0x3  }
0x36: {  	p1 =	seq.s32 s10, $0x1;
	s10 =	sld [smem:$0x3FAA];
	_ =	sdelay $0x3  }
0x37: {  	[smem:$0x3FAA] =	sst s10  }
0x38: {  	s10 =	sld [smem:$0x3FAB]  }
0x39: {  	_ = 	snop;
	(pc) =	sbr.ind lr, $3  }
0x3a: {  	_ = 	snop  }
0x3b: {  	_ = 	snop  }
0x3c: {  	p2 =	seq.s32 s10, $0x1;
	s10 =	sld [smem:$0x3FAA]  }
0x3d: {  	_ =	shalt  }
0x3e: {  	_ =	shalt  }
0x3f: {  	_ =	shalt  }
0x40: {  	_ =	shalt  }
0x41: {  	_ =	shalt  }
0x42: {  	_ =	shalt  }
0x43: {  	_ =	shalt  }
0x44: {  	_ =	shalt  }
0x45: {  	_ =	shalt  }
0x46: {  	_ =	shalt  }
0x47: {  	_ =	shalt  }
0x48: {  	_ =	shalt  }
0x49: {  	_ =	shalt  }
0x4a: {  	_ =	shalt  }
0x4b: {  	_ =	shalt  }
0x4c: {  	_ =	shalt  }
0x4d: {  	_ =	shalt  }
0x4e: {  	_ =	shalt  }
0x4f: {  	_ =	shalt  }
0x50: {  	_ =	shalt  }
0x51: {  	_ =	shalt  }
0x52: {  	_ =	shalt  }
0x53: {  	_ =	shalt  }
0x54: {  	_ =	shalt  }
0x55: {  	_ =	shalt  }
0x56: {  	_ =	shalt  }
0x57: {  	_ =	shalt  }
0x58: {  	_ =	shalt  }
0x59: {  	_ =	shalt  }
0x5a: {  	_ =	shalt  }
0x5b: {  	_ =	shalt  }
0x5c: {  	_ =	shalt  }
0x5d: {  	_ =	shalt  }
0x5e: {  	_ =	shalt  }
0x5f: {  	_ =	shalt  }
0x60: {  	_ =	shalt  }
0x61: {  	_ =	shalt  }
0x62: {  	_ =	shalt  }
0x63: {  	_ =	shalt  }
0x64: {  	_ =	shalt  }
0x65: {  	_ =	shalt  }
0x66: {  	_ =	shalt  }
0x67: {  	_ =	shalt  }
0x68: {  	_ =	shalt  }
0x69: {  	_ =	shalt  }
0x6a: {  	_ =	shalt  }
0x6b: {  	_ =	shalt  }
0x6c: {  	_ =	shalt  }
0x6d: {  	_ =	shalt  }
0x6e: {  	_ =	shalt  }
0x6f: {  	_ =	shalt  }
0x70: {  	_ =	shalt  }
0x71: {  	_ =	shalt  }
0x72: {  	_ =	shalt  }
0x73: {  	_ =	shalt  }
0x74: {  	_ =	shalt  }
0x75: {  	_ =	shalt  }
0x76: {  	_ =	shalt  }
0x77: {  	_ =	shalt  }
0x78: {  	_ =	shalt  }
0x79: {  	_ =	shalt  }
0x7a: {  	_ =	shalt  }
0x7b: {  	_ =	shalt  }
0x7c: {  	_ =	shalt  }
0x7d: {  	_ =	shalt  }
0x7e: {  	_ =	shalt  }
0x7f: {  	_ =	shalt  }
0x80: {  	_ =	shalt  }
0x81: {  	_ =	shalt  }
0x82: {  	_ =	shalt  }
0x83: {  	_ =	shalt  }
0x84: {  	_ =	shalt  }
0x85: {  	_ =	shalt  }
0x86: {  	_ =	shalt  }
0x87: {  	_ =	shalt  }
.Lfunc_end0:
.L_simem_size_0:
called_computation_lowered:
.L_overlay_start_0:
0x88: {  	s2 =	sld [smem:$0x3FD9]  }
0x89: {  	s3 =	sld [smem:$0x3FFE];
	_ =	sdelay $0x1  }
0x8a: {  	s1 =	srdreg.scid  }
0x8b: {  	s0 =	sand.u32 $0x1, s1  }
0x8c: {  	s17 =	sshll.u32 s0, $0xA;
	s2 =	sadd.s32 s3, s2  }
0x8d: {  	s2 =	sadd.s32 s2, s17  }
0x8e: {  	[smem:$0x3FB6] =	sst s2  }
0x8f: {  	_ = 	snop  }
0x90: {  	(tm) =	ssettm $0x1  }
0x91: {  	s18 =	sld [smem:$0x3FFB];
	_ =	sdelay $0x3  }
0x92: {  	_ =	strace s18  }
0x93: {  	s2 =	sld [smem:$0x3FFC];
	_ =	sdelay $0x3  }
0x94: {  	_ =	strace s2  }
0x95: {  	s2 =	sld [smem:$0x3FFD];
	_ =	sdelay $0x3  }
0x96: {  	_ =	strace s2  }
0x97: {  	_ =	strace $0x8FFFFFFF  }
0x98: {  	s19 =	sld [smem:$0x3FDB];
	_ =	sdelay $0x1  }
0x99: {  	s20 =	simm.s32 $_scs_section_size  }
0x9a: {  	s4 =	simm.s32 $_size__tile_overlayer_lowered;
	s5 =	simm.s32 $_tile_overlayer_lowered  }
0x9b: {  	s6 =	simm.s32 $0x1BFF;
	s21 =	sshll.u32 s5, $0x1;
	s3 =	sadd.s32 s20, s19  }
0x9c: {  	s22 =	simm.s32 $0x0;
	s4 =	sshll.u32 s4, $0x1;
	s5 =	sadd.s32 s21, s3  }
0x9d: {  	[timem:s22], [sflag:s6] =	dma.local [hbm:s5], s4  }
0x9e: {  	_ =	swait.ge [sflag:s6], s4  }
0x9f: {  	s4 =	ssub.s32 $0x0, s4;
	[sflag:s6] =	ssyncset.done $0x0  }
0xa0: {  	[sflag:s6] =	ssyncadd.s32 s4;
	_ =	sdelay $0x1  }
0xa1: {  	s23 =	simm.s32 $0x1B8B  }
0xa2: {  	_ =	swait.ge [sflag:s23], $0x1  }
0xa3: {  	[sflag:s23] =	ssyncset.done $0x0  }
0xa4: {  	[sflag:s23] =	ssyncadd.s32 $0xFFFFFFFF  }
0xa5: {  	s4 =	sld [smem:$0x0]  }
0xa6: {  	s5 =	sand.u32 $0xFFFFFFFE, s1  }
0xa7: {  	p0 =	sne.s32 s1, s5  }
0xa8: {  	s5 =	sshll.u32 @p0 s5, $0xE  }
0xa9: {  	s5 =	sadd.s32 @p0 $0x11B8D, s5;
	s6 =	sshll.u32 @p0 s4, $0x11  }
0xaa: {  	s5 =	sor.u32 @p0 s6, s5  }
0xab: {  	[sflag:s5] =	ssyncadd.remote.s32 @p0 $0x1;
	_ =	sdelay $0x1  }
0xac: {  	s5 =	simm.s32 @p0 $0x1B8D  }
0xad: {  	_ =	swait.eq @p0 [sflag:s5], $0x1  }
0xae: {  	[sflag:s5] =	ssyncadd.s32 @p0 $0xFFFFFFFF  }
0xaf: {  	s6 =	sshll.u32 @!p0 s1, $0xE  }
0xb0: {  	s6 =	sor.u32 @!p0 $0x4000, s6;
	s5 =	simm.s32 @!p0 $0x1B8D  }
0xb1: {  	s4 =	sshll.u32 @!p0 s4, $0x11;
	s6 =	sadd.s32 @!p0 $0x11B8D, s6;
	_ =	swait.eq @!p0 [sflag:s5], $0x1  }
0xb2: {  	s4 =	sor.u32 @!p0 s4, s6;
	[sflag:s5] =	ssyncadd.s32 @!p0 $0xFFFFFFFF  }
0xb3: {  	s25 =	simm.s32 $0x1B8E;
	s24 =	sld [smem:$0x3FFE];
	[sflag:s4] =	ssyncadd.remote.s32 @!p0 $0x1  }
0xb4: {  	s26 =	simm.s32 $execute0_lowered;
	[smem:$0x3FD2] =	sst s25  }
0xb5: {  	s5 =	sshll.u32 s26, $0x1;
	_ =	strace $0x80000049;
	[dreg:$0x1] =	wrdreg $0xFFFFFFFF  }
0xb6: {  	s28 =	simm.s32 $_size_execute0_lowered;
	s3 =	sadd.s32 s3, s5;
	[dreg:$0x0] =	wrdreg $0x0  }
0xb7: {  	s5 =	sshll.u32 s28, $0x1;
	[dreg:$0x2] =	wrdreg s3  }
0xb8: {  	[dreg:$0x3] =	wrdreg s5  }
0xb9: {  	[dreg:$0x4] =	wrdreg $0xC0  }
0xba: {  	_ =	task [dreg:s22], $0x5FFFF  }
0xbb: {  	[dreg:$0x1] =	wrdreg $0xFFFFFFFF  }
0xbc: {  	[dreg:$0x0] =	wrdreg $0x60  }
0xbd: {  	[dreg:$0x2] =	wrdreg s24  }
0xbe: {  	[dreg:$0x3] =	wrdreg $0x94000  }
0xbf: {  	[dreg:$0x4] =	wrdreg $0x9  }
0xc0: {  	_ =	task.clear_ibuf [dreg:s22], $0x5FFFF;
	_ =	strace $0x90000049  }
0xc1: {  	s29 =	simm.s32 $0x9;
	_ =	strace $0x8000004B  }
0xc2: {  	_ =	swait.ge [sflag:s29], $0x1  }
0xc3: {  	[sflag:s29] =	ssyncadd.s32 $0xFFFFFFFF  }
0xc4: {  	_ =	strace $0x9000004B  }
0xc5: {  	_ =	sfence  }
0xc6: {  	s30 =	sld [smem:$0x0];
	_ =	sdelay $0x2  }
0xc7: {  	s31 =	sshll.u32 s1, $0xD;
	s1 =	sshrl.u32 s1, $0x2  }
0xc8: {  	s4 =	sand.u32 $0x4000, s31;
	s1 =	sadd.s32 s1, s30  }
0xc9: {  	s0 =	sor.u32 s4, s0;
	s1 =	sshll.u32 s1, $0x11  }
0xca: {  	s0 =	sor.u32 s1, s0  }
0xcb: {  	s0 =	sadd.s32 $0x8F2B, s0  }
0xcc: {  	[sflag:s0] =	ssyncadd.remote.s32 $0x1  }
0xcd: {  	_ =	sfence.sel $0xFFFF  }
0xce: {  	[dreg:$0x0] =	wrdreg $0xFFFFFFFF;
	(pc) =	sbr.abs _section_cstart, $3  }
0xcf: {  	[dreg:$0x1] =	wrdreg $0xFFFFFFFF  }
0xd0: {  	_ =	task.clear_ibuf [dreg:s22], $0x2FFFF;
	_ =	strace $0x9FFFFFFF  }
0xd1: {  	(tm) =	ssettm $0x7FFFFFFF  }
tec
execute0_lowered:
.L_overlay_start_1:
0x0: {  	(tag) =	ssettag $0x1  }
0x1: {  	s4 =	rddreg [dreg:$0x0]  }
0x2: {  	s2 =	rddreg [dreg:$0x1];
	s1 =	stileid.u32  }
0x3: {  	s3 =	srdreg.scid;
	s7 =	smul.u32 $0x2800, s1  }
0x4: {  	s0 =	rddreg [dreg:$0x2];
	s17 =	simm.s32 $0x1;
	s10 =	smul.u32 $0x50000, s1  }
0x5: {  	s18 =	simm.s32 $0x2;
	s19 =	simm.s32 $0x0;
	s29 =	smul.u32 $0x28000, s1  }
0x6: {  	s6 =	sand.u32 $0x1, s3;
	s5 =	sshll.u32 s1, $0x1;
	s15 =	smul.u32 $0x140000, s1  }
0x7: {  	s3 =	simm.s32 $0x0;
	s11 =	sadd.s32 $0x2B7200, s4;
	s13 =	smul.u32 $0x14000, s6  }
0x8: {  	s30 =	sshll.u32 s1, $0x6;
	s5 =	sor.u32 s6, s5;
	s16 =	smul.u32 $0xA0000, s6  }
0x9: {  	[smem:$0x7FF] =	sst s3;
	s9 =	ssub.s32 $0x2, s6;
	s8 =	smul.u32 $0x280, s5  }
0xa: {  	_ =	strace $0x8000004A;
	s7 =	sadd.s32 s7, s4;
	s26 =	sshrl.u32 s9, $0x1  }
0xb: {  	s5 =	smul.u32 $0xA0000, s5;
	s28 =	sshrl.u32 s10, $0x2;
	s10 =	sadd.s32 s29, s11  }
0xc: {  	s9 =	ssub.s32 s9, s26;
	s12 =	sadd.s32 s28, s2;
	s10 =	sadd.s32 s13, s10  }
0xd: {  	s31 =	sadd.s32 s16, s15;
	s15 =	simm.s32 $0x1400;
	s16 =	simm.s32 $0x5400  }
0xe: {  	s8 =	sadd.s32 s8, s4;
	s4 =	sadd.s32 $0xF200, s7;
	s14 =	sshrl.u32 s5, $0x3  }
0xf: {  	s5 =	sor.u32 $0x1C03, s30;
	s9 =	smax.u32 s9, $0x1;
	s10 =	sadd.s32 $0x800, s10  }
0x10: {  	s13 =	sshrl.u32 s31, $0x3;
	s12 =	sshrl.u32 s12, $0x3;
	s14 =	sadd.s32 s11, s14  }
0x11: {  	s6 =	sadd.s32 $0xA200, s8;
	s11 =	sadd.s32 s13, s11;
	s13 =	simm.s32 $0x3  }
0x12: {  	s7 =	sadd.s32 $0x13000, s14;
	s8 =	sadd.s32 $0x13800, s14;
	s14 =	simm.s32 $0x80  }
.LBB2_1:
0x13: {  	[spmem:s12], [sflag:s5] =	dma.local [hbm:s4], $0x2800  }
0x14: {  	_ =	swait.ge [sflag:s13], $0x2800  }
0x15: {  	[sflag:s13] =	ssyncset.done $0x0  }
0x16: {  	[sflag:s13] =	ssyncadd.s32 $0xFFFFD800  }
0x17: {  	[tilespmem:s3], [sflag:$0x3] =	stream.linear.gather [hbm4b:s6+s3], $0x1400, $0x38;
	[tilespmem:$0x1D400] =	vst v63  }
0x18: {  	_ =	swait.ge [sflag:s13], $0x1400  }
0x19: {  	[sflag:s13] =	ssyncset.done $0x0  }
0x1a: {  	[sflag:s13] =	ssyncadd.s32 $0xFFFFEC00  }
0x1b: {  	[bflag:$0x0] =	sbarrier.arrive $0xFFFF  }
0x1c: {  	[tilespmem:s15], [sflag:$0x1] =	stream.indirect.gather [spmem:s2], $0x80, s3, s14, $0xb8;
	[tilespmem:$0x1D400] =	vst v63  }
0x1d: {  	_ = 	snop  }
0x1e: {  	[tilespmem:s16], [sflag:$0x2] =	stream.indirect.gather [spmem:s2], $0x80, s14, s14, $0xb8;
	[tilespmem:$0x1D400] =	vst v63  }
0x1f: {  	_ =	swait.ge [sflag:s17], $0x4000  }
0x20: {  	[sflag:s17] =	ssyncset.done $0x0  }
0x21: {  	s20 =	sadd.s32 $0x0, s11;
	[sflag:s17] =	ssyncadd.s32 $0xFFFFC000  }
0x22: {  	[hbm4b:s20+s3] =	stream.linear.scatter [tilespmem:s15], [sflag:$0x3], $0x4000, $0x38;
	[tilespmem:$0x1D400] =	vst v63  }
0x23: {  	_ =	swait.ge [sflag:s13], $0x4000  }
0x24: {  	[sflag:s13] =	ssyncset.done $0x0  }
0x25: {  	s30 =	simm.s32 $0x100;
	[sflag:s13] =	ssyncadd.s32 $0xFFFFC000  }
0x26: {  	[tilespmem:s15], [sflag:$0x1] =	stream.indirect.gather [spmem:s2], $0x80, s30, s14, $0xb8;
	[tilespmem:$0x1D400] =	vst v63  }
0x27: {  	_ =	swait.ge [sflag:s18], $0x4000  }
0x28: {  	[sflag:s18] =	ssyncset.done $0x0  }
0x29: {  	s31 =	sadd.s32 $0x0, s10;
	[sflag:s18] =	ssyncadd.s32 $0xFFFFC000  }
0x2a: {  	[hbm4b:s31+s3] =	stream.linear.scatter [tilespmem:s16], [sflag:$0x3], $0x4000, $0x38;
	[tilespmem:$0x1D400] =	vst v63  }
0x2b: {  	_ =	swait.ge [sflag:s13], $0x4000  }
0x2c: {  	s21 =	simm.s32 $0x1000;
	[sflag:s13] =	ssyncset.done $0x0  }
0x2d: {  	s22 =	simm.s32 $0x280;
	s20 =	simm.s32 $0x180;
	[sflag:s13] =	ssyncadd.s32 $0xFFFFC000  }
.LBB2_2:
0x2e: {  	[tilespmem:s16], [sflag:$0x2] =	stream.indirect.gather [spmem:s2], $0x80, s20, s14, $0xb8;
	[tilespmem:$0x1D400] =	vst v63  }
0x2f: {  	s23 =	smov.u32 s21;
	s20 =	smov.u32 s22  }
0x30: {  	p0 =	sne.s32 s21, $0x12000;
	s21 =	sadd.s32 $0x1000, s21;
	_ =	swait.ge [sflag:s17], $0x4000  }
0x31: {  	[sflag:s17] =	ssyncset.done $0x0  }
0x32: {  	s24 =	sadd.s32 s23, s11;
	[sflag:s17] =	ssyncadd.s32 $0xFFFFC000  }
0x33: {  	[hbm4b:s24+s3] =	stream.linear.scatter [tilespmem:s15], [sflag:$0x3], $0x4000, $0x38;
	[tilespmem:$0x1D400] =	vst v63  }
0x34: {  	_ =	swait.ge [sflag:s13], $0x4000  }
0x35: {  	[sflag:s13] =	ssyncset.done $0x0  }
0x36: {  	s24 =	sadd.s32 $0xFFFFFF80, s22;
	[sflag:s13] =	ssyncadd.s32 $0xFFFFC000  }
0x37: {  	[tilespmem:s15], [sflag:$0x1] =	stream.indirect.gather [spmem:s2], $0x80, s24, s14, $0xb8;
	[tilespmem:$0x1D400] =	vst v63  }
0x38: {  	_ =	swait.ge [sflag:s18], $0x4000  }
0x39: {  	[sflag:s18] =	ssyncset.done $0x0  }
.Ltmp0:
0x3a: {  	s23 =	sadd.s32 s23, s10;
	[sflag:s18] =	ssyncadd.s32 $0xFFFFC000;
	(pc) =	sbr.rel @p0 .LBB2_2-.Ltmp0, $4  }
0x3b: {  	[hbm4b:s23+s3] =	stream.linear.scatter [tilespmem:s16], [sflag:$0x3], $0x4000, $0x38;
	[tilespmem:$0x1D400] =	vst v63  }
0x3c: {  	_ =	swait.ge [sflag:s13], $0x4000  }
0x3d: {  	[sflag:s13] =	ssyncset.done $0x0  }
0x3e: {  	s22 =	sadd.s32 $0x100, s22;
	[sflag:s13] =	ssyncadd.s32 $0xFFFFC000  }
0x3f: {  	[tilespmem:s16], [sflag:$0x2] =	stream.indirect.gather [spmem:s2], $0x80, s20, s14, $0xb8;
	[tilespmem:$0x1D400] =	vst v63  }
0x40: {  	_ =	swait.ge [sflag:s17], $0x4000  }
0x41: {  	[sflag:s17] =	ssyncset.done $0x0  }
0x42: {  	[sflag:s17] =	ssyncadd.s32 $0xFFFFC000  }
0x43: {  	[hbm4b:s7+s3] =	stream.linear.scatter [tilespmem:s15], [sflag:$0x3], $0x4000, $0x38;
	[tilespmem:$0x1D400] =	vst v63  }
0x44: {  	_ =	swait.ge [sflag:s13], $0x4000  }
0x45: {  	[sflag:s13] =	ssyncset.done $0x0  }
0x46: {  	[sflag:s13] =	ssyncadd.s32 $0xFFFFC000  }
0x47: {  	s19 =	sadd.s32 $0x1, s19;
	_ =	swait.ge [sflag:s18], $0x4000  }
0x48: {  	p0 =	sne.s32 s19, s9;
	[sflag:s18] =	ssyncset.done $0x0  }
.Ltmp1:
0x49: {  	[sflag:s18] =	ssyncadd.s32 $0xFFFFC000;
	(pc) =	sbr.rel @p0 .LBB2_1-.Ltmp1, $4  }
0x4a: {  	[hbm4b:s8+s3] =	stream.linear.scatter [tilespmem:s16], [sflag:$0x3], $0x4000, $0x38;
	[tilespmem:$0x1D400] =	vst v63  }
0x4b: {  	_ =	swait.ge [sflag:s13], $0x4000  }
0x4c: {  	[sflag:s13] =	ssyncset.done $0x0  }
0x4d: {  	[sflag:s13] =	ssyncadd.s32 $0xFFFFC000  }
0x4e: {  	_ =	sfence.sel $0x180000  }
0x4f: {  	[bflag:$0x0] =	sbarrier.arrive $0xFFFF  }
0x50: {  	p0 =	sne.s32 s1, $0x0;
	_ =	strace $0x9000004A  }
0x51: {  	s0 =	sadd.s32 @!p0 $0x100000, s0;
	[bflag:$0x2] =	sbarrier.arrive $0xFFFF  }
0x52: {  	[sflag:s0] =	ssyncadd.tile.s32 @!p0 $0x1;
	_ =	shalt  }
.Lfunc_end2:
_tile_overlayer_lowered:
.L_overlay_start_2:
0x53: {  	(tag) =	ssettag $0x2  }
0x54: {  	s0 =	rddreg [dreg:$0x0];
	s2 =	stileid.u32  }
0x55: {  	s1 =	rddreg [dreg:$0x1];
	p0 =	sne.s32 s2, $0x0  }
0x56: {  	s3 =	rddreg [dreg:$0x2];
	[bflag:$0x3] =	sbarrier.arrive $0xFFFF;
	s2 =	simm.s32 @!p0 $0x1C03  }
0x57: {  	[timem:s3], [sflag:s2] =	dma.local @!p0 [hbm:s0], s1  }
0x58: {  	s0 =	simm.s32 @!p0 $0x3  }
0x59: {  	_ =	swait.ge @!p0 [sflag:s0], s1  }
0x5a: {  	s1 =	ssub.s32 @!p0 $0x0, s1;
	[sflag:s0] =	ssyncset.done @!p0 $0x0  }
0x5b: {  	[sflag:s0] =	ssyncadd.s32 @!p0 s1  }
0x5c: {  	[bflag:$0x3] =	sbarrier.arrive $0xFFFF  }
0x5d: {  	_ =	shalt  }

// kernel: kernel.19.cloned.1.call-start
scs
__scs_entry_jumppad:
0x0: {  	(pc) =	sbr.rel $0x88, $3  }
0x1: {  	(tag) =	ssettag $0x0;
	lr =	simm.s32 $0x1  }
0x2: {  	[smem:$0x3F8F] =	sst lr;
	_ =	strace $0xD0000000  }
0x3: {  	_ = 	snop  }
0x4: {  	_ = 	snop  }
0x5: {  	_ = 	snop  }
0x6: {  	_ = 	snop  }
0x7: {  	_ = 	snop  }
__scs_overlays_trampoline_lowered:
0x8: {  	[smem:$0x3F9E] =	sst s0  }
0x9: {  	[smem:$0x3F9F] =	sst s1  }
0xa: {  	[smem:$0x3FA0] =	sst s2  }
0xb: {  	[smem:$0x3FA1] =	sst s3  }
0xc: {  	[smem:$0x3FA2] =	sst s4  }
0xd: {  	[smem:$0x3FA3] =	sst s5  }
0xe: {  	[smem:$0x3FA4] =	sst s6  }
0xf: {  	[smem:$0x3FA5] =	sst s7  }
0x10: {  	[smem:$0x3FA6] =	sst s8  }
0x11: {  	[smem:$0x3FA7] =	sst s9;
	s0 =	simm.s32 @!p0 $0x0  }
0x12: {  	s1 =	sld [smem:$0x3F8D];
	s0 =	simm.s32 @p0 $0x1  }
0x13: {  	[smem:$0x3FA8] =	sst s0;
	s0 =	simm.s32 @!p1 $0x0  }
0x14: {  	s2 =	sld [smem:$0x3F8C];
	s0 =	simm.s32 @p1 $0x1  }
0x15: {  	[smem:$0x3FA9] =	sst s0;
	s0 =	simm.s32 @!p2 $0x0  }
0x16: {  	s3 =	sld [smem:$0x3FDB];
	s0 =	simm.s32 @p2 $0x1  }
0x17: {  	s4 =	simm.s32 $0x1BF5;
	[smem:$0x3FAB] =	sst s0  }
0x18: {  	s0 =	sld [smem:$0x3F8E];
	_ =	swait.ge [sflag:s4], $0x0  }
0x19: {  	s7 =	sld [smem:$0x3F8F]  }
0x1a: {  	s8 =	sadd.s32 $0xFFFFE003, lr  }
0x1b: {  	s9 =	sadd.s32 $0xFFFFFEF7, lr;
	s5 =	simm.s32 $0xFFFFFFFF;
	p2 =	slt.u32 s8, $0xFFFFF086  }
0x1c: {  	p1 =	slt.u32 s9, $0xF7A;
	s5 =	simm.s32 @!p2 $0x0  }
0x1d: {  	s5 =	simm.s32 @p1 $0x1;
	p0 =	seq.s32 s7, s2  }
0x1e: {  	s7 =	smul.u32 @!p0 $0xF7A, s2;
	p2 =	seq.s32 @!p0 s5, $0x0  }
0x1f: {  	s9 =	smul.u32 $0xF7A, s1;
	s8 =	simm.s32 @!p0 $0x1BF5;
	p2 =	por !p2, p0  }
0x20: {  	[sflag:s8] =	ssyncset.s32 @!p0 $0xFFFFF086;
	s6 =	sadd.s32 @!p0 s3, s7;
	s7 =	simm.s32 @!p0 $0x108  }
0x21: {  	s3 =	sadd.s32 s3, s9;
	s6 =	sadd.s32 @!p0 $0x88, s6;
	s7 =	simm.s32 @p2 $0x1082  }
0x22: {  	[simem:s7], [sflag:s8] =	dma.local @!p0 [hbm:s6], $0xF7A  }
0x23: {  	s9 =	sor.u32 $0xD0000000, s2;
	s6 =	simm.s32 $0x108;
	_ =	swait.ge @!p0 [sflag:s8], $0x0  }
0x24: {  	s3 =	sadd.s32 $0x88, s3;
	s6 =	simm.s32 @!p1 $0x1082;
	[sflag:s4] =	ssyncset.s32 $0xFFFFF086  }
0x25: {  	[simem:s6], [sflag:s4] =	dma.local [hbm:s3], $0xF7A  }
0x26: {  	[smem:$0x3F8F] =	sst s1;
	(tag) =	ssettag s2;
	_ =	strace s9  }
0x27: {  	s1 =	sld [smem:$0x3F9F]  }
0x28: {  	s2 =	sld [smem:$0x3FA0]  }
0x29: {  	s4 =	sld [smem:$0x3FA2]  }
0x2a: {  	p0 =	seq.s32 s5, $0x0;
	s5 =	sld [smem:$0x3FA3]  }
0x2b: {  	s6 =	sld [smem:$0x3FA4]  }
0x2c: {  	s7 =	sld [smem:$0x3FA5]  }
0x2d: {  	s3 =	simm.s32 $0x108;
	s8 =	sld [smem:$0x3FA6]  }
0x2e: {  	s3 =	simm.s32 @!p0 $0x1082;
	s9 =	sld [smem:$0x3FA7]  }
0x2f: {  	lr =	sadd.s32 s0, s3;
	s0 =	sld [smem:$0x3F9E]  }
0x30: {  	s3 =	sld [smem:$0x3FA1]  }
0x31: {  	[smem:$0x3FAA] =	sst s10  }
0x32: {  	s10 =	sld [smem:$0x3FA8];
	_ =	sdelay $0x3  }
0x33: {  	p0 =	seq.s32 s10, $0x1;
	s10 =	sld [smem:$0x3FAA];
	_ =	sdelay $0x3  }
0x34: {  	[smem:$0x3FAA] =	sst s10  }
0x35: {  	s10 =	sld [smem:$0x3FA9];
	_ =	sdelay $0x3  }
0x36: {  	p1 =	seq.s32 s10, $0x1;
	s10 =	sld [smem:$0x3FAA];
	_ =	sdelay $0x3  }
0x37: {  	[smem:$0x3FAA] =	sst s10  }
0x38: {  	s10 =	sld [smem:$0x3FAB]  }
0x39: {  	_ = 	snop;
	(pc) =	sbr.ind lr, $3  }
0x3a: {  	_ = 	snop  }
0x3b: {  	_ = 	snop  }
0x3c: {  	p2 =	seq.s32 s10, $0x1;
	s10 =	sld [smem:$0x3FAA]  }
0x3d: {  	_ =	shalt  }
0x3e: {  	_ =	shalt  }
0x3f: {  	_ =	shalt  }
0x40: {  	_ =	shalt  }
0x41: {  	_ =	shalt  }
0x42: {  	_ =	shalt  }
0x43: {  	_ =	shalt  }
0x44: {  	_ =	shalt  }
0x45: {  	_ =	shalt  }
0x46: {  	_ =	shalt  }
0x47: {  	_ =	shalt  }
0x48: {  	_ =	shalt  }
0x49: {  	_ =	shalt  }
0x4a: {  	_ =	shalt  }
0x4b: {  	_ =	shalt  }
0x4c: {  	_ =	shalt  }
0x4d: {  	_ =	shalt  }
0x4e: {  	_ =	shalt  }
0x4f: {  	_ =	shalt  }
0x50: {  	_ =	shalt  }
0x51: {  	_ =	shalt  }
0x52: {  	_ =	shalt  }
0x53: {  	_ =	shalt  }
0x54: {  	_ =	shalt  }
0x55: {  	_ =	shalt  }
0x56: {  	_ =	shalt  }
0x57: {  	_ =	shalt  }
0x58: {  	_ =	shalt  }
0x59: {  	_ =	shalt  }
0x5a: {  	_ =	shalt  }
0x5b: {  	_ =	shalt  }
0x5c: {  	_ =	shalt  }
0x5d: {  	_ =	shalt  }
0x5e: {  	_ =	shalt  }
0x5f: {  	_ =	shalt  }
0x60: {  	_ =	shalt  }
0x61: {  	_ =	shalt  }
0x62: {  	_ =	shalt  }
0x63: {  	_ =	shalt  }
0x64: {  	_ =	shalt  }
0x65: {  	_ =	shalt  }
0x66: {  	_ =	shalt  }
0x67: {  	_ =	shalt  }
0x68: {  	_ =	shalt  }
0x69: {  	_ =	shalt  }
0x6a: {  	_ =	shalt  }
0x6b: {  	_ =	shalt  }
0x6c: {  	_ =	shalt  }
0x6d: {  	_ =	shalt  }
0x6e: {  	_ =	shalt  }
0x6f: {  	_ =	shalt  }
0x70: {  	_ =	shalt  }
0x71: {  	_ =	shalt  }
0x72: {  	_ =	shalt  }
0x73: {  	_ =	shalt  }
0x74: {  	_ =	shalt  }
0x75: {  	_ =	shalt  }
0x76: {  	_ =	shalt  }
0x77: {  	_ =	shalt  }
0x78: {  	_ =	shalt  }
0x79: {  	_ =	shalt  }
0x7a: {  	_ =	shalt  }
0x7b: {  	_ =	shalt  }
0x7c: {  	_ =	shalt  }
0x7d: {  	_ =	shalt  }
0x7e: {  	_ =	shalt  }
0x7f: {  	_ =	shalt  }
0x80: {  	_ =	shalt  }
0x81: {  	_ =	shalt  }
0x82: {  	_ =	shalt  }
0x83: {  	_ =	shalt  }
0x84: {  	_ =	shalt  }
0x85: {  	_ =	shalt  }
0x86: {  	_ =	shalt  }
0x87: {  	_ =	shalt  }
.Lfunc_end0:
.L_simem_size_0:
called_computation.1_lowered:
.L_overlay_start_0:
0x88: {  	s2 =	sld [smem:$0x3FD9]  }
0x89: {  	s3 =	sld [smem:$0x3FFE];
	_ =	sdelay $0x1  }
0x8a: {  	s1 =	srdreg.scid  }
0x8b: {  	s0 =	sand.u32 $0x1, s1  }
0x8c: {  	s17 =	sshll.u32 s0, $0xA;
	s2 =	sadd.s32 s3, s2  }
0x8d: {  	s2 =	sadd.s32 s2, s17  }
0x8e: {  	[smem:$0x3FB6] =	sst s2  }
0x8f: {  	_ = 	snop  }
0x90: {  	s2 =	sld [smem:$0x3FD0];
	(tm) =	ssettm $0x1  }
0x91: {  	s18 =	sld [smem:$0x3FFB];
	_ =	sdelay $0x3  }
0x92: {  	_ =	strace s18  }
0x93: {  	s3 =	sld [smem:$0x3FFC];
	_ =	sdelay $0x3  }
0x94: {  	_ =	strace s3  }
0x95: {  	s3 =	sld [smem:$0x3FFD];
	_ =	sdelay $0x3  }
0x96: {  	_ =	strace s3  }
0x97: {  	_ =	strace $0x8FFFFFFF  }
0x98: {  	s19 =	sld [smem:$0x3FDB];
	_ =	sdelay $0x1  }
0x99: {  	s4 =	simm.s32 $_scs_section_size  }
0x9a: {  	s5 =	simm.s32 $_size__tile_overlayer_lowered;
	s6 =	simm.s32 $_tile_overlayer_lowered  }
0x9b: {  	s22 =	simm.s32 $0x1BFF;
	s21 =	sshll.u32 s6, $0x1;
	s3 =	sadd.s32 s4, s19  }
0x9c: {  	s7 =	simm.s32 $0x0;
	s20 =	sshll.u32 s5, $0x1;
	s5 =	sadd.s32 s21, s3  }
0x9d: {  	[timem:s7], [sflag:s22] =	dma.local [hbm:s5], s20  }
0x9e: {  	_ =	swait.ge [sflag:s22], s20  }
0x9f: {  	s4 =	ssub.s32 $0x0, s20;
	[sflag:s22] =	ssyncset.done $0x0  }
0xa0: {  	[sflag:s22] =	ssyncadd.s32 s4;
	_ =	sdelay $0x1  }
0xa1: {  	s23 =	simm.s32 $0x1B8B  }
0xa2: {  	_ =	swait.ge [sflag:s23], $0x1  }
0xa3: {  	[sflag:s23] =	ssyncset.done $0x0  }
0xa4: {  	s25 =	simm.s32 $0x1B8E;
	s24 =	sld [smem:$0x3FFE];
	[sflag:s23] =	ssyncadd.s32 $0xFFFFFFFF  }
0xa5: {  	s26 =	simm.s32 $execute0_lowered;
	[smem:$0x3FD2] =	sst s25  }
0xa6: {  	s5 =	sshll.u32 s26, $0x1;
	_ =	strace $0x80000046;
	[dreg:$0x1] =	wrdreg $0xFFFFFFFF  }
0xa7: {  	s28 =	simm.s32 $_size_execute0_lowered;
	s3 =	sadd.s32 s3, s5;
	[dreg:$0x0] =	wrdreg $0x0  }
0xa8: {  	s5 =	sshll.u32 s28, $0x1;
	[dreg:$0x2] =	wrdreg s3  }
0xa9: {  	[dreg:$0x3] =	wrdreg s5  }
0xaa: {  	[dreg:$0x4] =	wrdreg $0xC0  }
0xab: {  	_ =	task [dreg:s7], $0x5FFFF  }
0xac: {  	[dreg:$0x1] =	wrdreg $0xFFFFFFFF  }
0xad: {  	[dreg:$0x0] =	wrdreg $0x60  }
0xae: {  	[dreg:$0x2] =	wrdreg s24  }
0xaf: {  	[dreg:$0x3] =	wrdreg s2  }
0xb0: {  	[dreg:$0x4] =	wrdreg $0x94000  }
0xb1: {  	[dreg:$0x5] =	wrdreg $0xA  }
0xb2: {  	_ =	task.clear_ibuf [dreg:s7], $0x6FFFF;
	_ =	strace $0x90000046  }
0xb3: {  	s29 =	simm.s32 $0xA;
	_ =	strace $0x80000048  }
0xb4: {  	_ =	swait.ge [sflag:s29], $0x1  }
0xb5: {  	[sflag:s29] =	ssyncadd.s32 $0xFFFFFFFF  }
0xb6: {  	_ =	strace $0x90000048  }
0xb7: {  	_ =	sfence  }
0xb8: {  	s30 =	sld [smem:$0x0];
	_ =	sdelay $0x2  }
0xb9: {  	s31 =	sshll.u32 s1, $0xD;
	s1 =	sshrl.u32 s1, $0x2  }
0xba: {  	s3 =	sand.u32 $0x4000, s31;
	s1 =	sadd.s32 s1, s30  }
0xbb: {  	s0 =	sor.u32 s3, s0;
	s1 =	sshll.u32 s1, $0x11  }
0xbc: {  	s0 =	sor.u32 s1, s0  }
0xbd: {  	s0 =	sadd.s32 $0x8F2B, s0  }
0xbe: {  	[sflag:s0] =	ssyncadd.remote.s32 $0x1  }
0xbf: {  	_ =	sfence.sel $0xFFFF  }
0xc0: {  	[dreg:$0x0] =	wrdreg $0xFFFFFFFF;
	(pc) =	sbr.abs _section_cstart, $3  }
0xc1: {  	[dreg:$0x1] =	wrdreg $0xFFFFFFFF  }
0xc2: {  	_ =	task.clear_ibuf [dreg:s7], $0x2FFFF;
	_ =	strace $0x9FFFFFFF  }
0xc3: {  	(tm) =	ssettm $0x7FFFFFFF  }
tec
execute0_lowered:
.L_overlay_start_1:
0x0: {  	(tag) =	ssettag $0x1  }
0x1: {  	s4 =	rddreg [dreg:$0x0]  }
0x2: {  	s6 =	rddreg [dreg:$0x1]  }
0x3: {  	s2 =	rddreg [dreg:$0x2]  }
0x4: {  	s0 =	rddreg [dreg:$0x3];
	s1 =	stileid.u32  }
0x5: {  	s3 =	simm.s32 $0x0;
	s5 =	srdreg.scid;
	s7 =	smul.u32 $0x2800, s1  }
0x6: {  	s18 =	simm.s32 $0x2;
	s19 =	simm.s32 $0x0;
	s9 =	smul.u32 $0x50000, s1  }
0x7: {  	[smem:$0x7FF] =	sst s3;
	s8 =	sand.u32 $0x1, s5;
	s26 =	smul.u32 $0x28000, s1  }
0x8: {  	s23 =	sshll.u32 s1, $0x1;
	s12 =	sadd.s32 $0x37200, s4;
	s16 =	smul.u32 $0x140000, s1  }
0x9: {  	s28 =	sshll.u32 s1, $0x6;
	_ =	strace $0x80000047;
	s14 =	smul.u32 $0x14000, s8  }
0xa: {  	s5 =	sor.u32 s8, s23;
	s10 =	ssub.s32 $0x2, s8;
	s17 =	smul.u32 $0xA0000, s8  }
0xb: {  	s7 =	sadd.s32 s7, s4;
	s11 =	smul.u32 $0x280, s5;
	s24 =	sshrl.u32 s10, $0x1  }
0xc: {  	s5 =	smul.u32 $0xA0000, s5;
	s25 =	sshrl.u32 s9, $0x2;
	s9 =	sadd.s32 s26, s12  }
0xd: {  	s10 =	ssub.s32 s10, s24;
	s13 =	sadd.s32 s25, s2;
	s4 =	sadd.s32 $0xF200, s7  }
0xe: {  	s29 =	sadd.s32 s14, s9;
	s30 =	sadd.s32 s17, s16;
	s14 =	simm.s32 $0x80  }
0xf: {  	s16 =	simm.s32 $0x5400;
	s17 =	simm.s32 $0x1;
	s15 =	sshrl.u32 s5, $0x3  }
0x10: {  	s5 =	sor.u32 $0x1C03, s28;
	s6 =	sadd.s32 s6, s11;
	s9 =	smax.u32 s10, $0x1  }
0x11: {  	s10 =	sadd.s32 $0x800, s29;
	s31 =	sshrl.u32 s30, $0x3;
	s15 =	sadd.s32 s12, s15  }
0x12: {  	s11 =	sadd.s32 s31, s12;
	s12 =	sshrl.u32 s13, $0x3;
	s13 =	simm.s32 $0x3  }
0x13: {  	s7 =	sadd.s32 $0x13000, s15;
	s8 =	sadd.s32 $0x13800, s15;
	s15 =	simm.s32 $0x1400  }
.LBB2_1:
0x14: {  	[spmem:s12], [sflag:s5] =	dma.local [hbm:s4], $0x2800  }
0x15: {  	_ =	swait.ge [sflag:s13], $0x2800  }
0x16: {  	[sflag:s13] =	ssyncset.done $0x0  }
0x17: {  	[sflag:s13] =	ssyncadd.s32 $0xFFFFD800  }
0x18: {  	[tilespmem:s3], [sflag:$0x3] =	stream.linear.gather [hbm4b:s6+s3], $0x1400, $0x38;
	[tilespmem:$0x1D400] =	vst v63  }
0x19: {  	_ =	swait.ge [sflag:s13], $0x1400  }
0x1a: {  	[sflag:s13] =	ssyncset.done $0x0  }
0x1b: {  	[sflag:s13] =	ssyncadd.s32 $0xFFFFEC00  }
0x1c: {  	[bflag:$0x0] =	sbarrier.arrive $0xFFFF  }
0x1d: {  	[tilespmem:s15], [sflag:$0x1] =	stream.indirect.gather [spmem:s2], $0x80, s3, s14, $0xb8;
	[tilespmem:$0x1D400] =	vst v63  }
0x1e: {  	_ = 	snop  }
0x1f: {  	[tilespmem:s16], [sflag:$0x2] =	stream.indirect.gather [spmem:s2], $0x80, s14, s14, $0xb8;
	[tilespmem:$0x1D400] =	vst v63  }
0x20: {  	_ =	swait.ge [sflag:s17], $0x4000  }
0x21: {  	[sflag:s17] =	ssyncset.done $0x0  }
0x22: {  	s20 =	sadd.s32 $0x0, s11;
	[sflag:s17] =	ssyncadd.s32 $0xFFFFC000  }
0x23: {  	[hbm4b:s20+s3] =	stream.linear.scatter [tilespmem:s15], [sflag:$0x3], $0x4000, $0x38;
	[tilespmem:$0x1D400] =	vst v63  }
0x24: {  	_ =	swait.ge [sflag:s13], $0x4000  }
0x25: {  	[sflag:s13] =	ssyncset.done $0x0  }
0x26: {  	s30 =	simm.s32 $0x100;
	[sflag:s13] =	ssyncadd.s32 $0xFFFFC000  }
0x27: {  	[tilespmem:s15], [sflag:$0x1] =	stream.indirect.gather [spmem:s2], $0x80, s30, s14, $0xb8;
	[tilespmem:$0x1D400] =	vst v63  }
0x28: {  	_ =	swait.ge [sflag:s18], $0x4000  }
0x29: {  	[sflag:s18] =	ssyncset.done $0x0  }
0x2a: {  	s31 =	sadd.s32 $0x0, s10;
	[sflag:s18] =	ssyncadd.s32 $0xFFFFC000  }
0x2b: {  	[hbm4b:s31+s3] =	stream.linear.scatter [tilespmem:s16], [sflag:$0x3], $0x4000, $0x38;
	[tilespmem:$0x1D400] =	vst v63  }
0x2c: {  	_ =	swait.ge [sflag:s13], $0x4000  }
0x2d: {  	s21 =	simm.s32 $0x1000;
	[sflag:s13] =	ssyncset.done $0x0  }
0x2e: {  	s22 =	simm.s32 $0x280;
	s20 =	simm.s32 $0x180;
	[sflag:s13] =	ssyncadd.s32 $0xFFFFC000  }
.LBB2_2:
0x2f: {  	[tilespmem:s16], [sflag:$0x2] =	stream.indirect.gather [spmem:s2], $0x80, s20, s14, $0xb8;
	[tilespmem:$0x1D400] =	vst v63  }
0x30: {  	s23 =	smov.u32 s21;
	s20 =	smov.u32 s22  }
0x31: {  	p0 =	sne.s32 s21, $0x12000;
	s21 =	sadd.s32 $0x1000, s21;
	_ =	swait.ge [sflag:s17], $0x4000  }
0x32: {  	[sflag:s17] =	ssyncset.done $0x0  }
0x33: {  	s24 =	sadd.s32 s23, s11;
	[sflag:s17] =	ssyncadd.s32 $0xFFFFC000  }
0x34: {  	[hbm4b:s24+s3] =	stream.linear.scatter [tilespmem:s15], [sflag:$0x3], $0x4000, $0x38;
	[tilespmem:$0x1D400] =	vst v63  }
0x35: {  	_ =	swait.ge [sflag:s13], $0x4000  }
0x36: {  	[sflag:s13] =	ssyncset.done $0x0  }
0x37: {  	s24 =	sadd.s32 $0xFFFFFF80, s22;
	[sflag:s13] =	ssyncadd.s32 $0xFFFFC000  }
0x38: {  	[tilespmem:s15], [sflag:$0x1] =	stream.indirect.gather [spmem:s2], $0x80, s24, s14, $0xb8;
	[tilespmem:$0x1D400] =	vst v63  }
0x39: {  	_ =	swait.ge [sflag:s18], $0x4000  }
0x3a: {  	[sflag:s18] =	ssyncset.done $0x0  }
.Ltmp0:
0x3b: {  	s23 =	sadd.s32 s23, s10;
	[sflag:s18] =	ssyncadd.s32 $0xFFFFC000;
	(pc) =	sbr.rel @p0 .LBB2_2-.Ltmp0, $4  }
0x3c: {  	[hbm4b:s23+s3] =	stream.linear.scatter [tilespmem:s16], [sflag:$0x3], $0x4000, $0x38;
	[tilespmem:$0x1D400] =	vst v63  }
0x3d: {  	_ =	swait.ge [sflag:s13], $0x4000  }
0x3e: {  	[sflag:s13] =	ssyncset.done $0x0  }
0x3f: {  	s22 =	sadd.s32 $0x100, s22;
	[sflag:s13] =	ssyncadd.s32 $0xFFFFC000  }
0x40: {  	[tilespmem:s16], [sflag:$0x2] =	stream.indirect.gather [spmem:s2], $0x80, s20, s14, $0xb8;
	[tilespmem:$0x1D400] =	vst v63  }
0x41: {  	_ =	swait.ge [sflag:s17], $0x4000  }
0x42: {  	[sflag:s17] =	ssyncset.done $0x0  }
0x43: {  	[sflag:s17] =	ssyncadd.s32 $0xFFFFC000  }
0x44: {  	[hbm4b:s7+s3] =	stream.linear.scatter [tilespmem:s15], [sflag:$0x3], $0x4000, $0x38;
	[tilespmem:$0x1D400] =	vst v63  }
0x45: {  	_ =	swait.ge [sflag:s13], $0x4000  }
0x46: {  	[sflag:s13] =	ssyncset.done $0x0  }
0x47: {  	[sflag:s13] =	ssyncadd.s32 $0xFFFFC000  }
0x48: {  	s19 =	sadd.s32 $0x1, s19;
	_ =	swait.ge [sflag:s18], $0x4000  }
0x49: {  	p0 =	sne.s32 s19, s9;
	[sflag:s18] =	ssyncset.done $0x0  }
.Ltmp1:
0x4a: {  	[sflag:s18] =	ssyncadd.s32 $0xFFFFC000;
	(pc) =	sbr.rel @p0 .LBB2_1-.Ltmp1, $4  }
0x4b: {  	[hbm4b:s8+s3] =	stream.linear.scatter [tilespmem:s16], [sflag:$0x3], $0x4000, $0x38;
	[tilespmem:$0x1D400] =	vst v63  }
0x4c: {  	_ =	swait.ge [sflag:s13], $0x4000  }
0x4d: {  	[sflag:s13] =	ssyncset.done $0x0  }
0x4e: {  	[sflag:s13] =	ssyncadd.s32 $0xFFFFC000  }
0x4f: {  	_ =	sfence.sel $0x180000  }
0x50: {  	[bflag:$0x0] =	sbarrier.arrive $0xFFFF  }
0x51: {  	p0 =	sne.s32 s1, $0x0;
	_ =	strace $0x90000047  }
0x52: {  	s0 =	sadd.s32 @!p0 $0x100000, s0;
	[bflag:$0x2] =	sbarrier.arrive $0xFFFF  }
0x53: {  	[sflag:s0] =	ssyncadd.tile.s32 @!p0 $0x1;
	_ =	shalt  }
.Lfunc_end2:
_tile_overlayer_lowered:
.L_overlay_start_2:
0x54: {  	(tag) =	ssettag $0x2  }
0x55: {  	s0 =	rddreg [dreg:$0x0];
	s2 =	stileid.u32  }
0x56: {  	s1 =	rddreg [dreg:$0x1];
	p0 =	sne.s32 s2, $0x0  }
0x57: {  	s3 =	rddreg [dreg:$0x2];
	[bflag:$0x3] =	sbarrier.arrive $0xFFFF;
	s2 =	simm.s32 @!p0 $0x1C03  }
0x58: {  	[timem:s3], [sflag:s2] =	dma.local @!p0 [hbm:s0], s1  }
0x59: {  	s0 =	simm.s32 @!p0 $0x3  }
0x5a: {  	_ =	swait.ge @!p0 [sflag:s0], s1  }
0x5b: {  	s1 =	ssub.s32 @!p0 $0x0, s1;
	[sflag:s0] =	ssyncset.done @!p0 $0x0  }
0x5c: {  	[sflag:s0] =	ssyncadd.s32 @!p0 s1  }
0x5d: {  	[bflag:$0x3] =	sbarrier.arrive $0xFFFF  }
0x5e: {  	_ =	shalt  }

// kernel: kernel.22.cloned.1.call-start
scs
__scs_entry_jumppad:
0x0: {  	(pc) =	sbr.rel $0x88, $3  }
0x1: {  	(tag) =	ssettag $0x0;
	lr =	simm.s32 $0x1  }
0x2: {  	[smem:$0x3F8F] =	sst lr;
	_ =	strace $0xD0000000  }
0x3: {  	_ = 	snop  }
0x4: {  	_ = 	snop  }
0x5: {  	_ = 	snop  }
0x6: {  	_ = 	snop  }
0x7: {  	_ = 	snop  }
__scs_overlays_trampoline_lowered:
0x8: {  	[smem:$0x3F9E] =	sst s0  }
0x9: {  	[smem:$0x3F9F] =	sst s1  }
0xa: {  	[smem:$0x3FA0] =	sst s2  }
0xb: {  	[smem:$0x3FA1] =	sst s3  }
0xc: {  	[smem:$0x3FA2] =	sst s4  }
0xd: {  	[smem:$0x3FA3] =	sst s5  }
0xe: {  	[smem:$0x3FA4] =	sst s6  }
0xf: {  	[smem:$0x3FA5] =	sst s7  }
0x10: {  	[smem:$0x3FA6] =	sst s8  }
0x11: {  	[smem:$0x3FA7] =	sst s9;
	s0 =	simm.s32 @!p0 $0x0  }
0x12: {  	s1 =	sld [smem:$0x3F8D];
	s0 =	simm.s32 @p0 $0x1  }
0x13: {  	[smem:$0x3FA8] =	sst s0;
	s0 =	simm.s32 @!p1 $0x0  }
0x14: {  	s2 =	sld [smem:$0x3F8C];
	s0 =	simm.s32 @p1 $0x1  }
0x15: {  	[smem:$0x3FA9] =	sst s0;
	s0 =	simm.s32 @!p2 $0x0  }
0x16: {  	s3 =	sld [smem:$0x3FDB];
	s0 =	simm.s32 @p2 $0x1  }
0x17: {  	s4 =	simm.s32 $0x1BF5;
	[smem:$0x3FAB] =	sst s0  }
0x18: {  	s0 =	sld [smem:$0x3F8E];
	_ =	swait.ge [sflag:s4], $0x0  }
0x19: {  	s7 =	sld [smem:$0x3F8F]  }
0x1a: {  	s8 =	sadd.s32 $0xFFFFE003, lr  }
0x1b: {  	s9 =	sadd.s32 $0xFFFFFEF7, lr;
	s5 =	simm.s32 $0xFFFFFFFF;
	p2 =	slt.u32 s8, $0xFFFFF086  }
0x1c: {  	p1 =	slt.u32 s9, $0xF7A;
	s5 =	simm.s32 @!p2 $0x0  }
0x1d: {  	s5 =	simm.s32 @p1 $0x1;
	p0 =	seq.s32 s7, s2  }
0x1e: {  	s7 =	smul.u32 @!p0 $0xF7A, s2;
	p2 =	seq.s32 @!p0 s5, $0x0  }
0x1f: {  	s9 =	smul.u32 $0xF7A, s1;
	s8 =	simm.s32 @!p0 $0x1BF5;
	p2 =	por !p2, p0  }
0x20: {  	[sflag:s8] =	ssyncset.s32 @!p0 $0xFFFFF086;
	s6 =	sadd.s32 @!p0 s3, s7;
	s7 =	simm.s32 @!p0 $0x108  }
0x21: {  	s3 =	sadd.s32 s3, s9;
	s6 =	sadd.s32 @!p0 $0x88, s6;
	s7 =	simm.s32 @p2 $0x1082  }
0x22: {  	[simem:s7], [sflag:s8] =	dma.local @!p0 [hbm:s6], $0xF7A  }
0x23: {  	s9 =	sor.u32 $0xD0000000, s2;
	s6 =	simm.s32 $0x108;
	_ =	swait.ge @!p0 [sflag:s8], $0x0  }
0x24: {  	s3 =	sadd.s32 $0x88, s3;
	s6 =	simm.s32 @!p1 $0x1082;
	[sflag:s4] =	ssyncset.s32 $0xFFFFF086  }
0x25: {  	[simem:s6], [sflag:s4] =	dma.local [hbm:s3], $0xF7A  }
0x26: {  	[smem:$0x3F8F] =	sst s1;
	(tag) =	ssettag s2;
	_ =	strace s9  }
0x27: {  	s1 =	sld [smem:$0x3F9F]  }
0x28: {  	s2 =	sld [smem:$0x3FA0]  }
0x29: {  	s4 =	sld [smem:$0x3FA2]  }
0x2a: {  	p0 =	seq.s32 s5, $0x0;
	s5 =	sld [smem:$0x3FA3]  }
0x2b: {  	s6 =	sld [smem:$0x3FA4]  }
0x2c: {  	s7 =	sld [smem:$0x3FA5]  }
0x2d: {  	s3 =	simm.s32 $0x108;
	s8 =	sld [smem:$0x3FA6]  }
0x2e: {  	s3 =	simm.s32 @!p0 $0x1082;
	s9 =	sld [smem:$0x3FA7]  }
0x2f: {  	lr =	sadd.s32 s0, s3;
	s0 =	sld [smem:$0x3F9E]  }
0x30: {  	s3 =	sld [smem:$0x3FA1]  }
0x31: {  	[smem:$0x3FAA] =	sst s10  }
0x32: {  	s10 =	sld [smem:$0x3FA8];
	_ =	sdelay $0x3  }
0x33: {  	p0 =	seq.s32 s10, $0x1;
	s10 =	sld [smem:$0x3FAA];
	_ =	sdelay $0x3  }
0x34: {  	[smem:$0x3FAA] =	sst s10  }
0x35: {  	s10 =	sld [smem:$0x3FA9];
	_ =	sdelay $0x3  }
0x36: {  	p1 =	seq.s32 s10, $0x1;
	s10 =	sld [smem:$0x3FAA];
	_ =	sdelay $0x3  }
0x37: {  	[smem:$0x3FAA] =	sst s10  }
0x38: {  	s10 =	sld [smem:$0x3FAB]  }
0x39: {  	_ = 	snop;
	(pc) =	sbr.ind lr, $3  }
0x3a: {  	_ = 	snop  }
0x3b: {  	_ = 	snop  }
0x3c: {  	p2 =	seq.s32 s10, $0x1;
	s10 =	sld [smem:$0x3FAA]  }
0x3d: {  	_ =	shalt  }
0x3e: {  	_ =	shalt  }
0x3f: {  	_ =	shalt  }
0x40: {  	_ =	shalt  }
0x41: {  	_ =	shalt  }
0x42: {  	_ =	shalt  }
0x43: {  	_ =	shalt  }
0x44: {  	_ =	shalt  }
0x45: {  	_ =	shalt  }
0x46: {  	_ =	shalt  }
0x47: {  	_ =	shalt  }
0x48: {  	_ =	shalt  }
0x49: {  	_ =	shalt  }
0x4a: {  	_ =	shalt  }
0x4b: {  	_ =	shalt  }
0x4c: {  	_ =	shalt  }
0x4d: {  	_ =	shalt  }
0x4e: {  	_ =	shalt  }
0x4f: {  	_ =	shalt  }
0x50: {  	_ =	shalt  }
0x51: {  	_ =	shalt  }
0x52: {  	_ =	shalt  }
0x53: {  	_ =	shalt  }
0x54: {  	_ =	shalt  }
0x55: {  	_ =	shalt  }
0x56: {  	_ =	shalt  }
0x57: {  	_ =	shalt  }
0x58: {  	_ =	shalt  }
0x59: {  	_ =	shalt  }
0x5a: {  	_ =	shalt  }
0x5b: {  	_ =	shalt  }
0x5c: {  	_ =	shalt  }
0x5d: {  	_ =	shalt  }
0x5e: {  	_ =	shalt  }
0x5f: {  	_ =	shalt  }
0x60: {  	_ =	shalt  }
0x61: {  	_ =	shalt  }
0x62: {  	_ =	shalt  }
0x63: {  	_ =	shalt  }
0x64: {  	_ =	shalt  }
0x65: {  	_ =	shalt  }
0x66: {  	_ =	shalt  }
0x67: {  	_ =	shalt  }
0x68: {  	_ =	shalt  }
0x69: {  	_ =	shalt  }
0x6a: {  	_ =	shalt  }
0x6b: {  	_ =	shalt  }
0x6c: {  	_ =	shalt  }
0x6d: {  	_ =	shalt  }
0x6e: {  	_ =	shalt  }
0x6f: {  	_ =	shalt  }
0x70: {  	_ =	shalt  }
0x71: {  	_ =	shalt  }
0x72: {  	_ =	shalt  }
0x73: {  	_ =	shalt  }
0x74: {  	_ =	shalt  }
0x75: {  	_ =	shalt  }
0x76: {  	_ =	shalt  }
0x77: {  	_ =	shalt  }
0x78: {  	_ =	shalt  }
0x79: {  	_ =	shalt  }
0x7a: {  	_ =	shalt  }
0x7b: {  	_ =	shalt  }
0x7c: {  	_ =	shalt  }
0x7d: {  	_ =	shalt  }
0x7e: {  	_ =	shalt  }
0x7f: {  	_ =	shalt  }
0x80: {  	_ =	shalt  }
0x81: {  	_ =	shalt  }
0x82: {  	_ =	shalt  }
0x83: {  	_ =	shalt  }
0x84: {  	_ =	shalt  }
0x85: {  	_ =	shalt  }
0x86: {  	_ =	shalt  }
0x87: {  	_ =	shalt  }
.Lfunc_end0:
.L_simem_size_0:
called_computation.2_lowered:
.L_overlay_start_0:
0x88: {  	s2 =	sld [smem:$0x3FD9]  }
0x89: {  	s3 =	sld [smem:$0x3FFE];
	_ =	sdelay $0x1  }
0x8a: {  	s1 =	srdreg.scid  }
0x8b: {  	s0 =	sand.u32 $0x1, s1  }
0x8c: {  	s17 =	sshll.u32 s0, $0xA;
	s2 =	sadd.s32 s3, s2  }
0x8d: {  	s2 =	sadd.s32 s2, s17  }
0x8e: {  	[smem:$0x3FB6] =	sst s2  }
0x8f: {  	_ = 	snop  }
0x90: {  	s2 =	sld [smem:$0x3FD0];
	(tm) =	ssettm $0x1  }
0x91: {  	s18 =	sld [smem:$0x3FFB];
	_ =	sdelay $0x3  }
0x92: {  	_ =	strace s18  }
0x93: {  	s3 =	sld [smem:$0x3FFC];
	_ =	sdelay $0x3  }
0x94: {  	_ =	strace s3  }
0x95: {  	s3 =	sld [smem:$0x3FFD];
	_ =	sdelay $0x3  }
0x96: {  	_ =	strace s3  }
0x97: {  	_ =	strace $0x8FFFFFFF  }
0x98: {  	s19 =	sld [smem:$0x3FDB];
	_ =	sdelay $0x1  }
0x99: {  	s4 =	simm.s32 $_scs_section_size  }
0x9a: {  	s5 =	simm.s32 $_size__tile_overlayer_lowered;
	s6 =	simm.s32 $_tile_overlayer_lowered  }
0x9b: {  	s22 =	simm.s32 $0x1BFF;
	s21 =	sshll.u32 s6, $0x1;
	s3 =	sadd.s32 s4, s19  }
0x9c: {  	s7 =	simm.s32 $0x0;
	s20 =	sshll.u32 s5, $0x1;
	s5 =	sadd.s32 s21, s3  }
0x9d: {  	[timem:s7], [sflag:s22] =	dma.local [hbm:s5], s20  }
0x9e: {  	_ =	swait.ge [sflag:s22], s20  }
0x9f: {  	s4 =	ssub.s32 $0x0, s20;
	[sflag:s22] =	ssyncset.done $0x0  }
0xa0: {  	[sflag:s22] =	ssyncadd.s32 s4;
	_ =	sdelay $0x1  }
0xa1: {  	s23 =	simm.s32 $0x1B8B  }
0xa2: {  	_ =	swait.ge [sflag:s23], $0x1  }
0xa3: {  	[sflag:s23] =	ssyncset.done $0x0  }
0xa4: {  	s25 =	simm.s32 $0x1B8E;
	s24 =	sld [smem:$0x3FFE];
	[sflag:s23] =	ssyncadd.s32 $0xFFFFFFFF  }
0xa5: {  	s26 =	simm.s32 $execute0_lowered;
	[smem:$0x3FD2] =	sst s25  }
0xa6: {  	s5 =	sshll.u32 s26, $0x1;
	_ =	strace $0x8000004C;
	[dreg:$0x1] =	wrdreg $0xFFFFFFFF  }
0xa7: {  	s28 =	simm.s32 $_size_execute0_lowered;
	s3 =	sadd.s32 s3, s5;
	[dreg:$0x0] =	wrdreg $0x0  }
0xa8: {  	s5 =	sshll.u32 s28, $0x1;
	[dreg:$0x2] =	wrdreg s3  }
0xa9: {  	[dreg:$0x3] =	wrdreg s5  }
0xaa: {  	[dreg:$0x4] =	wrdreg $0xC0  }
0xab: {  	_ =	task [dreg:s7], $0x5FFFF  }
0xac: {  	[dreg:$0x1] =	wrdreg $0xFFFFFFFF  }
0xad: {  	[dreg:$0x0] =	wrdreg $0x60  }
0xae: {  	[dreg:$0x2] =	wrdreg s24  }
0xaf: {  	[dreg:$0x3] =	wrdreg s2  }
0xb0: {  	[dreg:$0x4] =	wrdreg $0x94000  }
0xb1: {  	[dreg:$0x5] =	wrdreg $0x9  }
0xb2: {  	_ =	task.clear_ibuf [dreg:s7], $0x6FFFF;
	_ =	strace $0x9000004C  }
0xb3: {  	s29 =	simm.s32 $0x9;
	_ =	strace $0x8000004E  }
0xb4: {  	_ =	swait.ge [sflag:s29], $0x1  }
0xb5: {  	[sflag:s29] =	ssyncadd.s32 $0xFFFFFFFF  }
0xb6: {  	_ =	strace $0x9000004E  }
0xb7: {  	_ =	sfence  }
0xb8: {  	s30 =	sld [smem:$0x0];
	_ =	sdelay $0x2  }
0xb9: {  	s31 =	sshll.u32 s1, $0xD;
	s1 =	sshrl.u32 s1, $0x2  }
0xba: {  	s3 =	sand.u32 $0x4000, s31;
	s1 =	sadd.s32 s1, s30  }
0xbb: {  	s0 =	sor.u32 s3, s0;
	s1 =	sshll.u32 s1, $0x11  }
0xbc: {  	s0 =	sor.u32 s1, s0  }
0xbd: {  	s0 =	sadd.s32 $0x8F2B, s0  }
0xbe: {  	[sflag:s0] =	ssyncadd.remote.s32 $0x1  }
0xbf: {  	_ =	sfence.sel $0xFFFF  }
0xc0: {  	[dreg:$0x0] =	wrdreg $0xFFFFFFFF;
	(pc) =	sbr.abs _section_cstart, $3  }
0xc1: {  	[dreg:$0x1] =	wrdreg $0xFFFFFFFF  }
0xc2: {  	_ =	task.clear_ibuf [dreg:s7], $0x2FFFF;
	_ =	strace $0x9FFFFFFF  }
0xc3: {  	(tm) =	ssettm $0x7FFFFFFF  }
tec
execute0_lowered:
.L_overlay_start_1:
0x0: {  	(tag) =	ssettag $0x1  }
0x1: {  	s5 =	rddreg [dreg:$0x0]  }
0x2: {  	s6 =	rddreg [dreg:$0x1]  }
0x3: {  	s1 =	rddreg [dreg:$0x2]  }
0x4: {  	s0 =	rddreg [dreg:$0x3]  }
0x5: {  	s3 =	simm.s32 $0x0;
	s2 =	srdreg.scid;
	s15 =	simm.s32 $0x5400  }
0x6: {  	s16 =	simm.s32 $0x1;
	s17 =	simm.s32 $0x80;
	s18 =	simm.s32 $0x2  }
0x7: {  	s19 =	simm.s32 $0x1300;
	s20 =	simm.s32 $0x1380;
	s7 =	sand.u32 $0x1, s2  }
0x8: {  	s21 =	simm.s32 $0x0;
	s2 =	stileid.u32;
	s8 =	smul.u32 $0x140000, s7  }
0x9: {  	[smem:$0x7FF] =	sst s3;
	s11 =	sadd.s32 $0x53D200, s5;
	s9 =	smul.u32 $0x14000, s2  }
0xa: {  	s4 =	sadd.s32 $0xD7200, s5;
	_ =	strace $0x8000004D;
	s14 =	smul.u32 $0x50000, s2  }
0xb: {  	s10 =	sshll.u32 s2, $0x1;
	s25 =	ssub.s32 $0x2, s7;
	s28 =	smul.u32 $0x28000, s2  }
0xc: {  	s30 =	smul.u32 $0x14000, s7;
	s31 =	sshll.u32 s2, $0x6;
	s10 =	sor.u32 s7, s10  }
0xd: {  	s13 =	sshrl.u32 s25, $0x1;
	s8 =	sadd.s32 s9, s8;
	s12 =	smul.u32 $0x280, s10  }
0xe: {  	s9 =	ssub.s32 s25, s13;
	s10 =	smul.u32 $0x14000, s10;
	s26 =	sshrl.u32 s14, $0x2  }
0xf: {  	s14 =	simm.s32 $0x1400;
	s8 =	sshrl.u32 s8, $0x3;
	s29 =	sadd.s32 s26, s1  }
0x10: {  	s9 =	smax.u32 s9, $0x1;
	s8 =	sadd.s32 s8, s5;
	s5 =	sadd.s32 s6, s12  }
0x11: {  	s6 =	sadd.s32 s11, s10;
	s11 =	sadd.s32 s28, s11;
	s12 =	sor.u32 $0x1C03, s31  }
0x12: {  	s13 =	sshrl.u32 s29, $0x3;
	s7 =	sadd.s32 $0x800, s6;
	s10 =	sadd.s32 s30, s11  }
0x13: {  	s8 =	sadd.s32 $0xD9A00, s8;
	s11 =	simm.s32 $0x3;
	s10 =	sadd.s32 $0x1800, s10  }
.LBB2_1:
0x14: {  	[tilespmem:s3], [sflag:$0x3] =	stream.linear.gather [hbm4b:s5+s3], $0x1400, $0x38;
	[tilespmem:$0x1D400] =	vst v63  }
0x15: {  	_ =	swait.ge [sflag:s11], $0x1400  }
0x16: {  	[sflag:s11] =	ssyncset.done $0x0  }
0x17: {  	[sflag:s11] =	ssyncadd.s32 $0xFFFFEC00  }
0x18: {  	[spmem:s13], [sflag:s12] =	dma.local [hbm:s4], $0x2800  }
0x19: {  	_ =	swait.ge [sflag:s11], $0x2800  }
0x1a: {  	[sflag:s11] =	ssyncset.done $0x0  }
0x1b: {  	[sflag:s11] =	ssyncadd.s32 $0xFFFFD800  }
0x1c: {  	[bflag:$0x0] =	sbarrier.arrive $0xFFFF  }
0x1d: {  	[tilespmem:s14], [sflag:$0x1] =	stream.linear.gather [hbm4b:s6+s3], $0x4000, $0x38;
	[tilespmem:$0x1D400] =	vst v63  }
0x1e: {  	_ = 	snop  }
0x1f: {  	[tilespmem:s15], [sflag:$0x2] =	stream.linear.gather [hbm4b:s7+s3], $0x4000, $0x38;
	[tilespmem:$0x1D400] =	vst v63  }
0x20: {  	_ =	swait.ge [sflag:s16], $0x4000  }
0x21: {  	[sflag:s16] =	ssyncset.done $0x0  }
0x22: {  	s22 =	simm.s32 $0x0;
	[sflag:s16] =	ssyncadd.s32 $0xFFFFC000  }
0x23: {  	[spmem:s1] =	stream.indirect.scatter.add.f32 [tilespmem:s14], [sflag:$0x3], $0x80, s22, s17, $0xb8;
	[tilespmem:$0x1D400] =	vst v63  }
0x24: {  	_ =	swait.ge [sflag:s11], $0x4000  }
0x25: {  	[sflag:s11] =	ssyncset.done $0x0  }
0x26: {  	s30 =	sadd.s32 $0xFFFFF800, s10;
	[sflag:s11] =	ssyncadd.s32 $0xFFFFC000  }
0x27: {  	[tilespmem:s14], [sflag:$0x1] =	stream.linear.gather [hbm4b:s30+s3], $0x4000, $0x38;
	[tilespmem:$0x1D400] =	vst v63  }
0x28: {  	_ =	swait.ge [sflag:s18], $0x4000  }
0x29: {  	[sflag:s18] =	ssyncset.done $0x0  }
0x2a: {  	s31 =	simm.s32 $0x80;
	[sflag:s18] =	ssyncadd.s32 $0xFFFFC000  }
0x2b: {  	[spmem:s1] =	stream.indirect.scatter.add.f32 [tilespmem:s15], [sflag:$0x3], $0x80, s31, s17, $0xb8;
	[tilespmem:$0x1D400] =	vst v63  }
0x2c: {  	_ =	swait.ge [sflag:s11], $0x4000  }
0x2d: {  	s23 =	sadd.s32 $0x1000, s10;
	[sflag:s11] =	ssyncset.done $0x0  }
0x2e: {  	s24 =	smov.u32 s10;
	s22 =	simm.s32 $0x400;
	[sflag:s11] =	ssyncadd.s32 $0xFFFFC000  }
.LBB2_2:
0x2f: {  	[tilespmem:s15], [sflag:$0x2] =	stream.linear.gather [hbm4b:s24+s3], $0x4000, $0x38;
	[tilespmem:$0x1D400] =	vst v63  }
0x30: {  	s25 =	smov.u32 s22;
	s24 =	smov.u32 s23  }
0x31: {  	p0 =	sne.s32 s22, $0x4800;
	s22 =	sadd.s32 $0x400, s22;
	_ =	swait.ge [sflag:s16], $0x4000  }
0x32: {  	[sflag:s16] =	ssyncset.done $0x0  }
0x33: {  	s25 =	sshra.s32 s25, $0x2;
	[sflag:s16] =	ssyncadd.s32 $0xFFFFC000  }
0x34: {  	[spmem:s1] =	stream.indirect.scatter.add.f32 [tilespmem:s14], [sflag:$0x3], $0x80, s25, s17, $0xb8;
	[tilespmem:$0x1D400] =	vst v63  }
0x35: {  	_ =	swait.ge [sflag:s11], $0x4000  }
0x36: {  	[sflag:s11] =	ssyncset.done $0x0  }
0x37: {  	s26 =	sadd.s32 $0xFFFFF800, s23;
	[sflag:s11] =	ssyncadd.s32 $0xFFFFC000  }
0x38: {  	[tilespmem:s14], [sflag:$0x1] =	stream.linear.gather [hbm4b:s26+s3], $0x4000, $0x38;
	[tilespmem:$0x1D400] =	vst v63  }
0x39: {  	_ =	swait.ge [sflag:s18], $0x4000  }
0x3a: {  	[sflag:s18] =	ssyncset.done $0x0  }
.Ltmp0:
0x3b: {  	s25 =	sadd.s32 $0x80, s25;
	[sflag:s18] =	ssyncadd.s32 $0xFFFFC000;
	(pc) =	sbr.rel @p0 .LBB2_2-.Ltmp0, $4  }
0x3c: {  	[spmem:s1] =	stream.indirect.scatter.add.f32 [tilespmem:s15], [sflag:$0x3], $0x80, s25, s17, $0xb8;
	[tilespmem:$0x1D400] =	vst v63  }
0x3d: {  	_ =	swait.ge [sflag:s11], $0x4000  }
0x3e: {  	[sflag:s11] =	ssyncset.done $0x0  }
0x3f: {  	s23 =	sadd.s32 $0x1000, s23;
	[sflag:s11] =	ssyncadd.s32 $0xFFFFC000  }
0x40: {  	[tilespmem:s15], [sflag:$0x2] =	stream.linear.gather [hbm4b:s24+s3], $0x4000, $0x38;
	[tilespmem:$0x1D400] =	vst v63  }
0x41: {  	_ =	swait.ge [sflag:s16], $0x4000  }
0x42: {  	[sflag:s16] =	ssyncset.done $0x0  }
0x43: {  	[sflag:s16] =	ssyncadd.s32 $0xFFFFC000  }
0x44: {  	[spmem:s1] =	stream.indirect.scatter.add.f32 [tilespmem:s14], [sflag:$0x3], $0x80, s19, s17, $0xb8;
	[tilespmem:$0x1D400] =	vst v63  }
0x45: {  	_ =	swait.ge [sflag:s11], $0x4000  }
0x46: {  	[sflag:s11] =	ssyncset.done $0x0  }
0x47: {  	[sflag:s11] =	ssyncadd.s32 $0xFFFFC000  }
0x48: {  	_ =	swait.ge [sflag:s18], $0x4000  }
0x49: {  	[sflag:s18] =	ssyncset.done $0x0  }
0x4a: {  	[sflag:s18] =	ssyncadd.s32 $0xFFFFC000  }
0x4b: {  	[spmem:s1] =	stream.indirect.scatter.add.f32 [tilespmem:s15], [sflag:$0x3], $0x80, s20, s17, $0xb8;
	[tilespmem:$0x1D400] =	vst v63  }
0x4c: {  	_ =	swait.ge [sflag:s11], $0x4000  }
0x4d: {  	s21 =	sadd.s32 $0x1, s21;
	[sflag:s11] =	ssyncset.done $0x0  }
0x4e: {  	p0 =	sne.s32 s21, s9;
	[sflag:s11] =	ssyncadd.s32 $0xFFFFC000  }
.Ltmp1:
0x4f: {  	[bflag:$0x0] =	sbarrier.arrive $0xFFFF;
	(pc) =	sbr.rel @p0 .LBB2_1-.Ltmp1, $4  }
0x50: {  	[hbm:s8], [sflag:s12] =	dma.local [spmem:s13], $0x2800  }
0x51: {  	_ =	swait.ge [sflag:s11], $0x2800  }
0x52: {  	[sflag:s11] =	ssyncset.done $0x0  }
0x53: {  	[sflag:s11] =	ssyncadd.s32 $0xFFFFD800  }
0x54: {  	_ =	sfence.sel $0x180000  }
0x55: {  	[bflag:$0x0] =	sbarrier.arrive $0xFFFF  }
0x56: {  	p0 =	sne.s32 s2, $0x0;
	_ =	strace $0x9000004D  }
0x57: {  	s0 =	sadd.s32 @!p0 $0x100000, s0;
	[bflag:$0x2] =	sbarrier.arrive $0xFFFF  }
0x58: {  	[sflag:s0] =	ssyncadd.tile.s32 @!p0 $0x1;
	_ =	shalt  }
.Lfunc_end2:
_tile_overlayer_lowered:
.L_overlay_start_2:
0x59: {  	(tag) =	ssettag $0x2  }
0x5a: {  	s0 =	rddreg [dreg:$0x0];
	s2 =	stileid.u32  }
0x5b: {  	s1 =	rddreg [dreg:$0x1];
	p0 =	sne.s32 s2, $0x0  }
0x5c: {  	s3 =	rddreg [dreg:$0x2];
	[bflag:$0x3] =	sbarrier.arrive $0xFFFF;
	s2 =	simm.s32 @!p0 $0x1C03  }
0x5d: {  	[timem:s3], [sflag:s2] =	dma.local @!p0 [hbm:s0], s1  }
0x5e: {  	s0 =	simm.s32 @!p0 $0x3  }
0x5f: {  	_ =	swait.ge @!p0 [sflag:s0], s1  }
0x60: {  	s1 =	ssub.s32 @!p0 $0x0, s1;
	[sflag:s0] =	ssyncset.done @!p0 $0x0  }
0x61: {  	[sflag:s0] =	ssyncadd.s32 @!p0 s1  }
0x62: {  	[bflag:$0x3] =	sbarrier.arrive $0xFFFF  }
0x63: {  	_ =	shalt  }

// kernel: kernel.25.cloned.1.call-start
scs
__scs_entry_jumppad:
0x0: {  	(pc) =	sbr.rel $0x88, $3  }
0x1: {  	(tag) =	ssettag $0x0;
	lr =	simm.s32 $0x1  }
0x2: {  	[smem:$0x3F8F] =	sst lr;
	_ =	strace $0xD0000000  }
0x3: {  	_ = 	snop  }
0x4: {  	_ = 	snop  }
0x5: {  	_ = 	snop  }
0x6: {  	_ = 	snop  }
0x7: {  	_ = 	snop  }
__scs_overlays_trampoline_lowered:
0x8: {  	[smem:$0x3F9E] =	sst s0  }
0x9: {  	[smem:$0x3F9F] =	sst s1  }
0xa: {  	[smem:$0x3FA0] =	sst s2  }
0xb: {  	[smem:$0x3FA1] =	sst s3  }
0xc: {  	[smem:$0x3FA2] =	sst s4  }
0xd: {  	[smem:$0x3FA3] =	sst s5  }
0xe: {  	[smem:$0x3FA4] =	sst s6  }
0xf: {  	[smem:$0x3FA5] =	sst s7  }
0x10: {  	[smem:$0x3FA6] =	sst s8  }
0x11: {  	[smem:$0x3FA7] =	sst s9;
	s0 =	simm.s32 @!p0 $0x0  }
0x12: {  	s1 =	sld [smem:$0x3F8D];
	s0 =	simm.s32 @p0 $0x1  }
0x13: {  	[smem:$0x3FA8] =	sst s0;
	s0 =	simm.s32 @!p1 $0x0  }
0x14: {  	s2 =	sld [smem:$0x3F8C];
	s0 =	simm.s32 @p1 $0x1  }
0x15: {  	[smem:$0x3FA9] =	sst s0;
	s0 =	simm.s32 @!p2 $0x0  }
0x16: {  	s3 =	sld [smem:$0x3FDB];
	s0 =	simm.s32 @p2 $0x1  }
0x17: {  	s4 =	simm.s32 $0x1BF5;
	[smem:$0x3FAB] =	sst s0  }
0x18: {  	s0 =	sld [smem:$0x3F8E];
	_ =	swait.ge [sflag:s4], $0x0  }
0x19: {  	s7 =	sld [smem:$0x3F8F]  }
0x1a: {  	s8 =	sadd.s32 $0xFFFFE003, lr  }
0x1b: {  	s9 =	sadd.s32 $0xFFFFFEF7, lr;
	s5 =	simm.s32 $0xFFFFFFFF;
	p2 =	slt.u32 s8, $0xFFFFF086  }
0x1c: {  	p1 =	slt.u32 s9, $0xF7A;
	s5 =	simm.s32 @!p2 $0x0  }
0x1d: {  	s5 =	simm.s32 @p1 $0x1;
	p0 =	seq.s32 s7, s2  }
0x1e: {  	s7 =	smul.u32 @!p0 $0xF7A, s2;
	p2 =	seq.s32 @!p0 s5, $0x0  }
0x1f: {  	s9 =	smul.u32 $0xF7A, s1;
	s8 =	simm.s32 @!p0 $0x1BF5;
	p2 =	por !p2, p0  }
0x20: {  	[sflag:s8] =	ssyncset.s32 @!p0 $0xFFFFF086;
	s6 =	sadd.s32 @!p0 s3, s7;
	s7 =	simm.s32 @!p0 $0x108  }
0x21: {  	s3 =	sadd.s32 s3, s9;
	s6 =	sadd.s32 @!p0 $0x88, s6;
	s7 =	simm.s32 @p2 $0x1082  }
0x22: {  	[simem:s7], [sflag:s8] =	dma.local @!p0 [hbm:s6], $0xF7A  }
0x23: {  	s9 =	sor.u32 $0xD0000000, s2;
	s6 =	simm.s32 $0x108;
	_ =	swait.ge @!p0 [sflag:s8], $0x0  }
0x24: {  	s3 =	sadd.s32 $0x88, s3;
	s6 =	simm.s32 @!p1 $0x1082;
	[sflag:s4] =	ssyncset.s32 $0xFFFFF086  }
0x25: {  	[simem:s6], [sflag:s4] =	dma.local [hbm:s3], $0xF7A  }
0x26: {  	[smem:$0x3F8F] =	sst s1;
	(tag) =	ssettag s2;
	_ =	strace s9  }
0x27: {  	s1 =	sld [smem:$0x3F9F]  }
0x28: {  	s2 =	sld [smem:$0x3FA0]  }
0x29: {  	s4 =	sld [smem:$0x3FA2]  }
0x2a: {  	p0 =	seq.s32 s5, $0x0;
	s5 =	sld [smem:$0x3FA3]  }
0x2b: {  	s6 =	sld [smem:$0x3FA4]  }
0x2c: {  	s7 =	sld [smem:$0x3FA5]  }
0x2d: {  	s3 =	simm.s32 $0x108;
	s8 =	sld [smem:$0x3FA6]  }
0x2e: {  	s3 =	simm.s32 @!p0 $0x1082;
	s9 =	sld [smem:$0x3FA7]  }
0x2f: {  	lr =	sadd.s32 s0, s3;
	s0 =	sld [smem:$0x3F9E]  }
0x30: {  	s3 =	sld [smem:$0x3FA1]  }
0x31: {  	[smem:$0x3FAA] =	sst s10  }
0x32: {  	s10 =	sld [smem:$0x3FA8];
	_ =	sdelay $0x3  }
0x33: {  	p0 =	seq.s32 s10, $0x1;
	s10 =	sld [smem:$0x3FAA];
	_ =	sdelay $0x3  }
0x34: {  	[smem:$0x3FAA] =	sst s10  }
0x35: {  	s10 =	sld [smem:$0x3FA9];
	_ =	sdelay $0x3  }
0x36: {  	p1 =	seq.s32 s10, $0x1;
	s10 =	sld [smem:$0x3FAA];
	_ =	sdelay $0x3  }
0x37: {  	[smem:$0x3FAA] =	sst s10  }
0x38: {  	s10 =	sld [smem:$0x3FAB]  }
0x39: {  	_ = 	snop;
	(pc) =	sbr.ind lr, $3  }
0x3a: {  	_ = 	snop  }
0x3b: {  	_ = 	snop  }
0x3c: {  	p2 =	seq.s32 s10, $0x1;
	s10 =	sld [smem:$0x3FAA]  }
0x3d: {  	_ =	shalt  }
0x3e: {  	_ =	shalt  }
0x3f: {  	_ =	shalt  }
0x40: {  	_ =	shalt  }
0x41: {  	_ =	shalt  }
0x42: {  	_ =	shalt  }
0x43: {  	_ =	shalt  }
0x44: {  	_ =	shalt  }
0x45: {  	_ =	shalt  }
0x46: {  	_ =	shalt  }
0x47: {  	_ =	shalt  }
0x48: {  	_ =	shalt  }
0x49: {  	_ =	shalt  }
0x4a: {  	_ =	shalt  }
0x4b: {  	_ =	shalt  }
0x4c: {  	_ =	shalt  }
0x4d: {  	_ =	shalt  }
0x4e: {  	_ =	shalt  }
0x4f: {  	_ =	shalt  }
0x50: {  	_ =	shalt  }
0x51: {  	_ =	shalt  }
0x52: {  	_ =	shalt  }
0x53: {  	_ =	shalt  }
0x54: {  	_ =	shalt  }
0x55: {  	_ =	shalt  }
0x56: {  	_ =	shalt  }
0x57: {  	_ =	shalt  }
0x58: {  	_ =	shalt  }
0x59: {  	_ =	shalt  }
0x5a: {  	_ =	shalt  }
0x5b: {  	_ =	shalt  }
0x5c: {  	_ =	shalt  }
0x5d: {  	_ =	shalt  }
0x5e: {  	_ =	shalt  }
0x5f: {  	_ =	shalt  }
0x60: {  	_ =	shalt  }
0x61: {  	_ =	shalt  }
0x62: {  	_ =	shalt  }
0x63: {  	_ =	shalt  }
0x64: {  	_ =	shalt  }
0x65: {  	_ =	shalt  }
0x66: {  	_ =	shalt  }
0x67: {  	_ =	shalt  }
0x68: {  	_ =	shalt  }
0x69: {  	_ =	shalt  }
0x6a: {  	_ =	shalt  }
0x6b: {  	_ =	shalt  }
0x6c: {  	_ =	shalt  }
0x6d: {  	_ =	shalt  }
0x6e: {  	_ =	shalt  }
0x6f: {  	_ =	shalt  }
0x70: {  	_ =	shalt  }
0x71: {  	_ =	shalt  }
0x72: {  	_ =	shalt  }
0x73: {  	_ =	shalt  }
0x74: {  	_ =	shalt  }
0x75: {  	_ =	shalt  }
0x76: {  	_ =	shalt  }
0x77: {  	_ =	shalt  }
0x78: {  	_ =	shalt  }
0x79: {  	_ =	shalt  }
0x7a: {  	_ =	shalt  }
0x7b: {  	_ =	shalt  }
0x7c: {  	_ =	shalt  }
0x7d: {  	_ =	shalt  }
0x7e: {  	_ =	shalt  }
0x7f: {  	_ =	shalt  }
0x80: {  	_ =	shalt  }
0x81: {  	_ =	shalt  }
0x82: {  	_ =	shalt  }
0x83: {  	_ =	shalt  }
0x84: {  	_ =	shalt  }
0x85: {  	_ =	shalt  }
0x86: {  	_ =	shalt  }
0x87: {  	_ =	shalt  }
.Lfunc_end0:
.L_simem_size_0:
called_computation.3_lowered:
.L_overlay_start_0:
0x88: {  	s2 =	sld [smem:$0x3FD9]  }
0x89: {  	s3 =	sld [smem:$0x3FFE];
	_ =	sdelay $0x1  }
0x8a: {  	s1 =	srdreg.scid  }
0x8b: {  	s0 =	sand.u32 $0x1, s1  }
0x8c: {  	s16 =	sshll.u32 s0, $0xA;
	s2 =	sadd.s32 s3, s2  }
0x8d: {  	s2 =	sadd.s32 s2, s16  }
0x8e: {  	[smem:$0x3FB6] =	sst s2  }
0x8f: {  	_ = 	snop  }
0x90: {  	(tm) =	ssettm $0x1  }
0x91: {  	s17 =	sld [smem:$0x3FFB];
	_ =	sdelay $0x3  }
0x92: {  	_ =	strace s17  }
0x93: {  	s2 =	sld [smem:$0x3FFC];
	_ =	sdelay $0x3  }
0x94: {  	_ =	strace s2  }
0x95: {  	s2 =	sld [smem:$0x3FFD];
	_ =	sdelay $0x3  }
0x96: {  	_ =	strace s2  }
0x97: {  	_ =	strace $0x8FFFFFFF  }
0x98: {  	s18 =	sld [smem:$0x3FDB];
	_ =	sdelay $0x1  }
0x99: {  	s19 =	simm.s32 $_scs_section_size  }
0x9a: {  	s4 =	simm.s32 $_size__tile_overlayer_lowered;
	s5 =	simm.s32 $_tile_overlayer_lowered  }
0x9b: {  	s22 =	simm.s32 $0x1BFF;
	s21 =	sshll.u32 s5, $0x1;
	s2 =	sadd.s32 s19, s18  }
0x9c: {  	s6 =	simm.s32 $0x0;
	s20 =	sshll.u32 s4, $0x1;
	s4 =	sadd.s32 s21, s2  }
0x9d: {  	[timem:s6], [sflag:s22] =	dma.local [hbm:s4], s20  }
0x9e: {  	_ =	swait.ge [sflag:s22], s20  }
0x9f: {  	s3 =	ssub.s32 $0x0, s20;
	[sflag:s22] =	ssyncset.done $0x0  }
0xa0: {  	[sflag:s22] =	ssyncadd.s32 s3;
	_ =	sdelay $0x1  }
0xa1: {  	s23 =	simm.s32 $0x1B8B  }
0xa2: {  	_ =	swait.ge [sflag:s23], $0x1  }
0xa3: {  	[sflag:s23] =	ssyncset.done $0x0  }
0xa4: {  	s25 =	simm.s32 $0x1B8E;
	s24 =	sld [smem:$0x3FFE];
	[sflag:s23] =	ssyncadd.s32 $0xFFFFFFFF  }
0xa5: {  	s26 =	simm.s32 $execute0_lowered;
	[smem:$0x3FD2] =	sst s25  }
0xa6: {  	s4 =	sshll.u32 s26, $0x1;
	_ =	strace $0x8000004F;
	[dreg:$0x1] =	wrdreg $0xFFFFFFFF  }
0xa7: {  	s28 =	simm.s32 $_size_execute0_lowered;
	s2 =	sadd.s32 s2, s4;
	[dreg:$0x0] =	wrdreg $0x0  }
0xa8: {  	s4 =	sshll.u32 s28, $0x1;
	[dreg:$0x2] =	wrdreg s2  }
0xa9: {  	[dreg:$0x3] =	wrdreg s4  }
0xaa: {  	[dreg:$0x4] =	wrdreg $0xC0  }
0xab: {  	_ =	task [dreg:s6], $0x5FFFF  }
0xac: {  	[dreg:$0x1] =	wrdreg $0xFFFFFFFF  }
0xad: {  	[dreg:$0x0] =	wrdreg $0x60  }
0xae: {  	[dreg:$0x2] =	wrdreg s24  }
0xaf: {  	[dreg:$0x3] =	wrdreg $0x94000  }
0xb0: {  	[dreg:$0x4] =	wrdreg $0x9  }
0xb1: {  	_ =	task.clear_ibuf [dreg:s6], $0x5FFFF;
	_ =	strace $0x9000004F  }
0xb2: {  	s29 =	simm.s32 $0x9;
	_ =	strace $0x80000051  }
0xb3: {  	_ =	swait.ge [sflag:s29], $0x1  }
0xb4: {  	[sflag:s29] =	ssyncadd.s32 $0xFFFFFFFF  }
0xb5: {  	_ =	strace $0x90000051  }
0xb6: {  	_ =	sfence  }
0xb7: {  	s30 =	sld [smem:$0x0];
	_ =	sdelay $0x2  }
0xb8: {  	s31 =	sshll.u32 s1, $0xD;
	s1 =	sshrl.u32 s1, $0x2  }
0xb9: {  	s3 =	sand.u32 $0x4000, s31;
	s1 =	sadd.s32 s1, s30  }
0xba: {  	s0 =	sor.u32 s3, s0;
	s1 =	sshll.u32 s1, $0x11  }
0xbb: {  	s0 =	sor.u32 s1, s0  }
0xbc: {  	s0 =	sadd.s32 $0x8F2B, s0  }
0xbd: {  	[sflag:s0] =	ssyncadd.remote.s32 $0x1  }
0xbe: {  	_ =	sfence.sel $0xFFFF  }
0xbf: {  	[dreg:$0x0] =	wrdreg $0xFFFFFFFF;
	(pc) =	sbr.abs _section_cstart, $3  }
0xc0: {  	[dreg:$0x1] =	wrdreg $0xFFFFFFFF  }
0xc1: {  	_ =	task.clear_ibuf [dreg:s6], $0x2FFFF;
	_ =	strace $0x9FFFFFFF  }
0xc2: {  	(tm) =	ssettm $0x7FFFFFFF  }
0xc3: {  	_ =	shalt  }
tec
execute0_lowered:
.L_overlay_start_1:
0x0: {  	(tag) =	ssettag $0x1  }
0x1: {  	s4 =	rddreg [dreg:$0x0]  }
0x2: {  	s2 =	rddreg [dreg:$0x1];
	s1 =	stileid.u32  }
0x3: {  	s3 =	srdreg.scid;
	s7 =	smul.u32 $0x2800, s1  }
0x4: {  	s0 =	rddreg [dreg:$0x2];
	s17 =	simm.s32 $0x1;
	s10 =	smul.u32 $0x50000, s1  }
0x5: {  	s18 =	simm.s32 $0x2;
	s19 =	simm.s32 $0x0;
	s29 =	smul.u32 $0x28000, s1  }
0x6: {  	s6 =	sand.u32 $0x1, s3;
	s5 =	sshll.u32 s1, $0x1;
	s15 =	smul.u32 $0x140000, s1  }
0x7: {  	s3 =	simm.s32 $0x0;
	s11 =	sadd.s32 $0xD9A00, s4;
	s13 =	smul.u32 $0x14000, s6  }
0x8: {  	s30 =	sshll.u32 s1, $0x6;
	s5 =	sor.u32 s6, s5;
	s16 =	smul.u32 $0xA0000, s6  }
0x9: {  	[smem:$0x7FF] =	sst s3;
	s9 =	ssub.s32 $0x2, s6;
	s8 =	smul.u32 $0x280, s5  }
0xa: {  	_ =	strace $0x80000050;
	s7 =	sadd.s32 s7, s4;
	s26 =	sshrl.u32 s9, $0x1  }
0xb: {  	s5 =	smul.u32 $0xA0000, s5;
	s28 =	sshrl.u32 s10, $0x2;
	s10 =	sadd.s32 s29, s11  }
0xc: {  	s9 =	ssub.s32 s9, s26;
	s12 =	sadd.s32 s28, s2;
	s10 =	sadd.s32 s13, s10  }
0xd: {  	s31 =	sadd.s32 s16, s15;
	s15 =	simm.s32 $0x1400;
	s16 =	simm.s32 $0x5400  }
0xe: {  	s8 =	sadd.s32 s8, s4;
	s4 =	sadd.s32 $0xF200, s7;
	s14 =	sshrl.u32 s5, $0x3  }
0xf: {  	s5 =	sor.u32 $0x1C03, s30;
	s9 =	smax.u32 s9, $0x1;
	s10 =	sadd.s32 $0x800, s10  }
0x10: {  	s13 =	sshrl.u32 s31, $0x3;
	s12 =	sshrl.u32 s12, $0x3;
	s14 =	sadd.s32 s11, s14  }
0x11: {  	s6 =	sadd.s32 $0xA200, s8;
	s11 =	sadd.s32 s13, s11;
	s13 =	simm.s32 $0x3  }
0x12: {  	s7 =	sadd.s32 $0x13000, s14;
	s8 =	sadd.s32 $0x13800, s14;
	s14 =	simm.s32 $0x80  }
.LBB2_1:
0x13: {  	[spmem:s12], [sflag:s5] =	dma.local [hbm:s4], $0x2800  }
0x14: {  	_ =	swait.ge [sflag:s13], $0x2800  }
0x15: {  	[sflag:s13] =	ssyncset.done $0x0  }
0x16: {  	[sflag:s13] =	ssyncadd.s32 $0xFFFFD800  }
0x17: {  	[tilespmem:s3], [sflag:$0x3] =	stream.linear.gather [hbm4b:s6+s3], $0x1400, $0x38;
	[tilespmem:$0x1D400] =	vst v63  }
0x18: {  	_ =	swait.ge [sflag:s13], $0x1400  }
0x19: {  	[sflag:s13] =	ssyncset.done $0x0  }
0x1a: {  	[sflag:s13] =	ssyncadd.s32 $0xFFFFEC00  }
0x1b: {  	[bflag:$0x0] =	sbarrier.arrive $0xFFFF  }
0x1c: {  	[tilespmem:s15], [sflag:$0x1] =	stream.indirect.gather [spmem:s2], $0x80, s3, s14, $0xb8;
	[tilespmem:$0x1D400] =	vst v63  }
0x1d: {  	_ = 	snop  }
0x1e: {  	[tilespmem:s16], [sflag:$0x2] =	stream.indirect.gather [spmem:s2], $0x80, s14, s14, $0xb8;
	[tilespmem:$0x1D400] =	vst v63  }
0x1f: {  	_ =	swait.ge [sflag:s17], $0x4000  }
0x20: {  	[sflag:s17] =	ssyncset.done $0x0  }
0x21: {  	s20 =	sadd.s32 $0x0, s11;
	[sflag:s17] =	ssyncadd.s32 $0xFFFFC000  }
0x22: {  	[hbm4b:s20+s3] =	stream.linear.scatter [tilespmem:s15], [sflag:$0x3], $0x4000, $0x38;
	[tilespmem:$0x1D400] =	vst v63  }
0x23: {  	_ =	swait.ge [sflag:s13], $0x4000  }
0x24: {  	[sflag:s13] =	ssyncset.done $0x0  }
0x25: {  	s30 =	simm.s32 $0x100;
	[sflag:s13] =	ssyncadd.s32 $0xFFFFC000  }
0x26: {  	[tilespmem:s15], [sflag:$0x1] =	stream.indirect.gather [spmem:s2], $0x80, s30, s14, $0xb8;
	[tilespmem:$0x1D400] =	vst v63  }
0x27: {  	_ =	swait.ge [sflag:s18], $0x4000  }
0x28: {  	[sflag:s18] =	ssyncset.done $0x0  }
0x29: {  	s31 =	sadd.s32 $0x0, s10;
	[sflag:s18] =	ssyncadd.s32 $0xFFFFC000  }
0x2a: {  	[hbm4b:s31+s3] =	stream.linear.scatter [tilespmem:s16], [sflag:$0x3], $0x4000, $0x38;
	[tilespmem:$0x1D400] =	vst v63  }
0x2b: {  	_ =	swait.ge [sflag:s13], $0x4000  }
0x2c: {  	s21 =	simm.s32 $0x1000;
	[sflag:s13] =	ssyncset.done $0x0  }
0x2d: {  	s22 =	simm.s32 $0x280;
	s20 =	simm.s32 $0x180;
	[sflag:s13] =	ssyncadd.s32 $0xFFFFC000  }
.LBB2_2:
0x2e: {  	[tilespmem:s16], [sflag:$0x2] =	stream.indirect.gather [spmem:s2], $0x80, s20, s14, $0xb8;
	[tilespmem:$0x1D400] =	vst v63  }
0x2f: {  	s23 =	smov.u32 s21;
	s20 =	smov.u32 s22  }
0x30: {  	p0 =	sne.s32 s21, $0x12000;
	s21 =	sadd.s32 $0x1000, s21;
	_ =	swait.ge [sflag:s17], $0x4000  }
0x31: {  	[sflag:s17] =	ssyncset.done $0x0  }
0x32: {  	s24 =	sadd.s32 s23, s11;
	[sflag:s17] =	ssyncadd.s32 $0xFFFFC000  }
0x33: {  	[hbm4b:s24+s3] =	stream.linear.scatter [tilespmem:s15], [sflag:$0x3], $0x4000, $0x38;
	[tilespmem:$0x1D400] =	vst v63  }
0x34: {  	_ =	swait.ge [sflag:s13], $0x4000  }
0x35: {  	[sflag:s13] =	ssyncset.done $0x0  }
0x36: {  	s24 =	sadd.s32 $0xFFFFFF80, s22;
	[sflag:s13] =	ssyncadd.s32 $0xFFFFC000  }
0x37: {  	[tilespmem:s15], [sflag:$0x1] =	stream.indirect.gather [spmem:s2], $0x80, s24, s14, $0xb8;
	[tilespmem:$0x1D400] =	vst v63  }
0x38: {  	_ =	swait.ge [sflag:s18], $0x4000  }
0x39: {  	[sflag:s18] =	ssyncset.done $0x0  }
.Ltmp0:
0x3a: {  	s23 =	sadd.s32 s23, s10;
	[sflag:s18] =	ssyncadd.s32 $0xFFFFC000;
	(pc) =	sbr.rel @p0 .LBB2_2-.Ltmp0, $4  }
0x3b: {  	[hbm4b:s23+s3] =	stream.linear.scatter [tilespmem:s16], [sflag:$0x3], $0x4000, $0x38;
	[tilespmem:$0x1D400] =	vst v63  }
0x3c: {  	_ =	swait.ge [sflag:s13], $0x4000  }
0x3d: {  	[sflag:s13] =	ssyncset.done $0x0  }
0x3e: {  	s22 =	sadd.s32 $0x100, s22;
	[sflag:s13] =	ssyncadd.s32 $0xFFFFC000  }
0x3f: {  	[tilespmem:s16], [sflag:$0x2] =	stream.indirect.gather [spmem:s2], $0x80, s20, s14, $0xb8;
	[tilespmem:$0x1D400] =	vst v63  }
0x40: {  	_ =	swait.ge [sflag:s17], $0x4000  }
0x41: {  	[sflag:s17] =	ssyncset.done $0x0  }
0x42: {  	[sflag:s17] =	ssyncadd.s32 $0xFFFFC000  }
0x43: {  	[hbm4b:s7+s3] =	stream.linear.scatter [tilespmem:s15], [sflag:$0x3], $0x4000, $0x38;
	[tilespmem:$0x1D400] =	vst v63  }
0x44: {  	_ =	swait.ge [sflag:s13], $0x4000  }
0x45: {  	[sflag:s13] =	ssyncset.done $0x0  }
0x46: {  	[sflag:s13] =	ssyncadd.s32 $0xFFFFC000  }
0x47: {  	s19 =	sadd.s32 $0x1, s19;
	_ =	swait.ge [sflag:s18], $0x4000  }
0x48: {  	p0 =	sne.s32 s19, s9;
	[sflag:s18] =	ssyncset.done $0x0  }
.Ltmp1:
0x49: {  	[sflag:s18] =	ssyncadd.s32 $0xFFFFC000;
	(pc) =	sbr.rel @p0 .LBB2_1-.Ltmp1, $4  }
0x4a: {  	[hbm4b:s8+s3] =	stream.linear.scatter [tilespmem:s16], [sflag:$0x3], $0x4000, $0x38;
	[tilespmem:$0x1D400] =	vst v63  }
0x4b: {  	_ =	swait.ge [sflag:s13], $0x4000  }
0x4c: {  	[sflag:s13] =	ssyncset.done $0x0  }
0x4d: {  	[sflag:s13] =	ssyncadd.s32 $0xFFFFC000  }
0x4e: {  	_ =	sfence.sel $0x180000  }
0x4f: {  	[bflag:$0x0] =	sbarrier.arrive $0xFFFF  }
0x50: {  	p0 =	sne.s32 s1, $0x0;
	_ =	strace $0x90000050  }
0x51: {  	s0 =	sadd.s32 @!p0 $0x100000, s0;
	[bflag:$0x2] =	sbarrier.arrive $0xFFFF  }
0x52: {  	[sflag:s0] =	ssyncadd.tile.s32 @!p0 $0x1;
	_ =	shalt  }
.Lfunc_end2:
_tile_overlayer_lowered:
.L_overlay_start_2:
0x53: {  	(tag) =	ssettag $0x2  }
0x54: {  	s0 =	rddreg [dreg:$0x0];
	s2 =	stileid.u32  }
0x55: {  	s1 =	rddreg [dreg:$0x1];
	p0 =	sne.s32 s2, $0x0  }
0x56: {  	s3 =	rddreg [dreg:$0x2];
	[bflag:$0x3] =	sbarrier.arrive $0xFFFF;
	s2 =	simm.s32 @!p0 $0x1C03  }
0x57: {  	[timem:s3], [sflag:s2] =	dma.local @!p0 [hbm:s0], s1  }
0x58: {  	s0 =	simm.s32 @!p0 $0x3  }
0x59: {  	_ =	swait.ge @!p0 [sflag:s0], s1  }
0x5a: {  	s1 =	ssub.s32 @!p0 $0x0, s1;
	[sflag:s0] =	ssyncset.done @!p0 $0x0  }
0x5b: {  	[sflag:s0] =	ssyncadd.s32 @!p0 s1  }
0x5c: {  	[bflag:$0x3] =	sbarrier.arrive $0xFFFF  }
0x5d: {  	_ =	shalt  }

// kernel: kernel.28.cloned.1.call-start
scs
__scs_entry_jumppad:
0x0: {  	(pc) =	sbr.rel $0x88, $3  }
0x1: {  	(tag) =	ssettag $0x0;
	lr =	simm.s32 $0x1  }
0x2: {  	[smem:$0x3F8F] =	sst lr;
	_ =	strace $0xD0000000  }
0x3: {  	_ = 	snop  }
0x4: {  	_ = 	snop  }
0x5: {  	_ = 	snop  }
0x6: {  	_ = 	snop  }
0x7: {  	_ = 	snop  }
__scs_overlays_trampoline_lowered:
0x8: {  	[smem:$0x3F9E] =	sst s0  }
0x9: {  	[smem:$0x3F9F] =	sst s1  }
0xa: {  	[smem:$0x3FA0] =	sst s2  }
0xb: {  	[smem:$0x3FA1] =	sst s3  }
0xc: {  	[smem:$0x3FA2] =	sst s4  }
0xd: {  	[smem:$0x3FA3] =	sst s5  }
0xe: {  	[smem:$0x3FA4] =	sst s6  }
0xf: {  	[smem:$0x3FA5] =	sst s7  }
0x10: {  	[smem:$0x3FA6] =	sst s8  }
0x11: {  	[smem:$0x3FA7] =	sst s9;
	s0 =	simm.s32 @!p0 $0x0  }
0x12: {  	s1 =	sld [smem:$0x3F8D];
	s0 =	simm.s32 @p0 $0x1  }
0x13: {  	[smem:$0x3FA8] =	sst s0;
	s0 =	simm.s32 @!p1 $0x0  }
0x14: {  	s2 =	sld [smem:$0x3F8C];
	s0 =	simm.s32 @p1 $0x1  }
0x15: {  	[smem:$0x3FA9] =	sst s0;
	s0 =	simm.s32 @!p2 $0x0  }
0x16: {  	s3 =	sld [smem:$0x3FDB];
	s0 =	simm.s32 @p2 $0x1  }
0x17: {  	s4 =	simm.s32 $0x1BF5;
	[smem:$0x3FAB] =	sst s0  }
0x18: {  	s0 =	sld [smem:$0x3F8E];
	_ =	swait.ge [sflag:s4], $0x0  }
0x19: {  	s7 =	sld [smem:$0x3F8F]  }
0x1a: {  	s8 =	sadd.s32 $0xFFFFE003, lr  }
0x1b: {  	s9 =	sadd.s32 $0xFFFFFEF7, lr;
	s5 =	simm.s32 $0xFFFFFFFF;
	p2 =	slt.u32 s8, $0xFFFFF086  }
0x1c: {  	p1 =	slt.u32 s9, $0xF7A;
	s5 =	simm.s32 @!p2 $0x0  }
0x1d: {  	s5 =	simm.s32 @p1 $0x1;
	p0 =	seq.s32 s7, s2  }
0x1e: {  	s7 =	smul.u32 @!p0 $0xF7A, s2;
	p2 =	seq.s32 @!p0 s5, $0x0  }
0x1f: {  	s9 =	smul.u32 $0xF7A, s1;
	s8 =	simm.s32 @!p0 $0x1BF5;
	p2 =	por !p2, p0  }
0x20: {  	[sflag:s8] =	ssyncset.s32 @!p0 $0xFFFFF086;
	s6 =	sadd.s32 @!p0 s3, s7;
	s7 =	simm.s32 @!p0 $0x108  }
0x21: {  	s3 =	sadd.s32 s3, s9;
	s6 =	sadd.s32 @!p0 $0x88, s6;
	s7 =	simm.s32 @p2 $0x1082  }
0x22: {  	[simem:s7], [sflag:s8] =	dma.local @!p0 [hbm:s6], $0xF7A  }
0x23: {  	s9 =	sor.u32 $0xD0000000, s2;
	s6 =	simm.s32 $0x108;
	_ =	swait.ge @!p0 [sflag:s8], $0x0  }
0x24: {  	s3 =	sadd.s32 $0x88, s3;
	s6 =	simm.s32 @!p1 $0x1082;
	[sflag:s4] =	ssyncset.s32 $0xFFFFF086  }
0x25: {  	[simem:s6], [sflag:s4] =	dma.local [hbm:s3], $0xF7A  }
0x26: {  	[smem:$0x3F8F] =	sst s1;
	(tag) =	ssettag s2;
	_ =	strace s9  }
0x27: {  	s1 =	sld [smem:$0x3F9F]  }
0x28: {  	s2 =	sld [smem:$0x3FA0]  }
0x29: {  	s4 =	sld [smem:$0x3FA2]  }
0x2a: {  	p0 =	seq.s32 s5, $0x0;
	s5 =	sld [smem:$0x3FA3]  }
0x2b: {  	s6 =	sld [smem:$0x3FA4]  }
0x2c: {  	s7 =	sld [smem:$0x3FA5]  }
0x2d: {  	s3 =	simm.s32 $0x108;
	s8 =	sld [smem:$0x3FA6]  }
0x2e: {  	s3 =	simm.s32 @!p0 $0x1082;
	s9 =	sld [smem:$0x3FA7]  }
0x2f: {  	lr =	sadd.s32 s0, s3;
	s0 =	sld [smem:$0x3F9E]  }
0x30: {  	s3 =	sld [smem:$0x3FA1]  }
0x31: {  	[smem:$0x3FAA] =	sst s10  }
0x32: {  	s10 =	sld [smem:$0x3FA8];
	_ =	sdelay $0x3  }
0x33: {  	p0 =	seq.s32 s10, $0x1;
	s10 =	sld [smem:$0x3FAA];
	_ =	sdelay $0x3  }
0x34: {  	[smem:$0x3FAA] =	sst s10  }
0x35: {  	s10 =	sld [smem:$0x3FA9];
	_ =	sdelay $0x3  }
0x36: {  	p1 =	seq.s32 s10, $0x1;
	s10 =	sld [smem:$0x3FAA];
	_ =	sdelay $0x3  }
0x37: {  	[smem:$0x3FAA] =	sst s10  }
0x38: {  	s10 =	sld [smem:$0x3FAB]  }
0x39: {  	_ = 	snop;
	(pc) =	sbr.ind lr, $3  }
0x3a: {  	_ = 	snop  }
0x3b: {  	_ = 	snop  }
0x3c: {  	p2 =	seq.s32 s10, $0x1;
	s10 =	sld [smem:$0x3FAA]  }
0x3d: {  	_ =	shalt  }
0x3e: {  	_ =	shalt  }
0x3f: {  	_ =	shalt  }
0x40: {  	_ =	shalt  }
0x41: {  	_ =	shalt  }
0x42: {  	_ =	shalt  }
0x43: {  	_ =	shalt  }
0x44: {  	_ =	shalt  }
0x45: {  	_ =	shalt  }
0x46: {  	_ =	shalt  }
0x47: {  	_ =	shalt  }
0x48: {  	_ =	shalt  }
0x49: {  	_ =	shalt  }
0x4a: {  	_ =	shalt  }
0x4b: {  	_ =	shalt  }
0x4c: {  	_ =	shalt  }
0x4d: {  	_ =	shalt  }
0x4e: {  	_ =	shalt  }
0x4f: {  	_ =	shalt  }
0x50: {  	_ =	shalt  }
0x51: {  	_ =	shalt  }
0x52: {  	_ =	shalt  }
0x53: {  	_ =	shalt  }
0x54: {  	_ =	shalt  }
0x55: {  	_ =	shalt  }
0x56: {  	_ =	shalt  }
0x57: {  	_ =	shalt  }
0x58: {  	_ =	shalt  }
0x59: {  	_ =	shalt  }
0x5a: {  	_ =	shalt  }
0x5b: {  	_ =	shalt  }
0x5c: {  	_ =	shalt  }
0x5d: {  	_ =	shalt  }
0x5e: {  	_ =	shalt  }
0x5f: {  	_ =	shalt  }
0x60: {  	_ =	shalt  }
0x61: {  	_ =	shalt  }
0x62: {  	_ =	shalt  }
0x63: {  	_ =	shalt  }
0x64: {  	_ =	shalt  }
0x65: {  	_ =	shalt  }
0x66: {  	_ =	shalt  }
0x67: {  	_ =	shalt  }
0x68: {  	_ =	shalt  }
0x69: {  	_ =	shalt  }
0x6a: {  	_ =	shalt  }
0x6b: {  	_ =	shalt  }
0x6c: {  	_ =	shalt  }
0x6d: {  	_ =	shalt  }
0x6e: {  	_ =	shalt  }
0x6f: {  	_ =	shalt  }
0x70: {  	_ =	shalt  }
0x71: {  	_ =	shalt  }
0x72: {  	_ =	shalt  }
0x73: {  	_ =	shalt  }
0x74: {  	_ =	shalt  }
0x75: {  	_ =	shalt  }
0x76: {  	_ =	shalt  }
0x77: {  	_ =	shalt  }
0x78: {  	_ =	shalt  }
0x79: {  	_ =	shalt  }
0x7a: {  	_ =	shalt  }
0x7b: {  	_ =	shalt  }
0x7c: {  	_ =	shalt  }
0x7d: {  	_ =	shalt  }
0x7e: {  	_ =	shalt  }
0x7f: {  	_ =	shalt  }
0x80: {  	_ =	shalt  }
0x81: {  	_ =	shalt  }
0x82: {  	_ =	shalt  }
0x83: {  	_ =	shalt  }
0x84: {  	_ =	shalt  }
0x85: {  	_ =	shalt  }
0x86: {  	_ =	shalt  }
0x87: {  	_ =	shalt  }
.Lfunc_end0:
.L_simem_size_0:
called_computation.4_lowered:
.L_overlay_start_0:
0x88: {  	s2 =	sld [smem:$0x3FD9]  }
0x89: {  	s3 =	sld [smem:$0x3FFE];
	_ =	sdelay $0x1  }
0x8a: {  	s1 =	srdreg.scid  }
0x8b: {  	s0 =	sand.u32 $0x1, s1  }
0x8c: {  	s17 =	sshll.u32 s0, $0xA;
	s2 =	sadd.s32 s3, s2  }
0x8d: {  	s2 =	sadd.s32 s2, s17  }
0x8e: {  	[smem:$0x3FB6] =	sst s2  }
0x8f: {  	_ = 	snop  }
0x90: {  	s2 =	sld [smem:$0x3FD0];
	(tm) =	ssettm $0x1  }
0x91: {  	s18 =	sld [smem:$0x3FFB];
	_ =	sdelay $0x3  }
0x92: {  	_ =	strace s18  }
0x93: {  	s3 =	sld [smem:$0x3FFC];
	_ =	sdelay $0x3  }
0x94: {  	_ =	strace s3  }
0x95: {  	s3 =	sld [smem:$0x3FFD];
	_ =	sdelay $0x3  }
0x96: {  	_ =	strace s3  }
0x97: {  	_ =	strace $0x8FFFFFFF  }
0x98: {  	s19 =	sld [smem:$0x3FDB];
	_ =	sdelay $0x1  }
0x99: {  	s4 =	simm.s32 $_scs_section_size  }
0x9a: {  	s5 =	simm.s32 $_size__tile_overlayer_lowered;
	s6 =	simm.s32 $_tile_overlayer_lowered  }
0x9b: {  	s22 =	simm.s32 $0x1BFF;
	s21 =	sshll.u32 s6, $0x1;
	s3 =	sadd.s32 s4, s19  }
0x9c: {  	s7 =	simm.s32 $0x0;
	s20 =	sshll.u32 s5, $0x1;
	s5 =	sadd.s32 s21, s3  }
0x9d: {  	[timem:s7], [sflag:s22] =	dma.local [hbm:s5], s20  }
0x9e: {  	_ =	swait.ge [sflag:s22], s20  }
0x9f: {  	s4 =	ssub.s32 $0x0, s20;
	[sflag:s22] =	ssyncset.done $0x0  }
0xa0: {  	[sflag:s22] =	ssyncadd.s32 s4;
	_ =	sdelay $0x1  }
0xa1: {  	s23 =	simm.s32 $0x1B8B  }
0xa2: {  	_ =	swait.ge [sflag:s23], $0x1  }
0xa3: {  	[sflag:s23] =	ssyncset.done $0x0  }
0xa4: {  	s25 =	simm.s32 $0x1B8E;
	s24 =	sld [smem:$0x3FFE];
	[sflag:s23] =	ssyncadd.s32 $0xFFFFFFFF  }
0xa5: {  	s26 =	simm.s32 $execute0_lowered;
	[smem:$0x3FD2] =	sst s25  }
0xa6: {  	s5 =	sshll.u32 s26, $0x1;
	_ =	strace $0x80000052;
	[dreg:$0x1] =	wrdreg $0xFFFFFFFF  }
0xa7: {  	s28 =	simm.s32 $_size_execute0_lowered;
	s3 =	sadd.s32 s3, s5;
	[dreg:$0x0] =	wrdreg $0x0  }
0xa8: {  	s5 =	sshll.u32 s28, $0x1;
	[dreg:$0x2] =	wrdreg s3  }
0xa9: {  	[dreg:$0x3] =	wrdreg s5  }
0xaa: {  	[dreg:$0x4] =	wrdreg $0xC0  }
0xab: {  	_ =	task [dreg:s7], $0x5FFFF  }
0xac: {  	[dreg:$0x1] =	wrdreg $0xFFFFFFFF  }
0xad: {  	[dreg:$0x0] =	wrdreg $0x60  }
0xae: {  	[dreg:$0x2] =	wrdreg s24  }
0xaf: {  	[dreg:$0x3] =	wrdreg s2  }
0xb0: {  	[dreg:$0x4] =	wrdreg $0x94000  }
0xb1: {  	[dreg:$0x5] =	wrdreg $0x9  }
0xb2: {  	_ =	task.clear_ibuf [dreg:s7], $0x6FFFF;
	_ =	strace $0x90000052  }
0xb3: {  	s29 =	simm.s32 $0x9;
	_ =	strace $0x80000054  }
0xb4: {  	_ =	swait.ge [sflag:s29], $0x1  }
0xb5: {  	[sflag:s29] =	ssyncadd.s32 $0xFFFFFFFF  }
0xb6: {  	_ =	strace $0x90000054  }
0xb7: {  	_ =	sfence  }
0xb8: {  	s30 =	sld [smem:$0x0];
	_ =	sdelay $0x2  }
0xb9: {  	s31 =	sshll.u32 s1, $0xD;
	s1 =	sshrl.u32 s1, $0x2  }
0xba: {  	s3 =	sand.u32 $0x4000, s31;
	s1 =	sadd.s32 s1, s30  }
0xbb: {  	s0 =	sor.u32 s3, s0;
	s1 =	sshll.u32 s1, $0x11  }
0xbc: {  	s0 =	sor.u32 s1, s0  }
0xbd: {  	s0 =	sadd.s32 $0x8F2B, s0  }
0xbe: {  	[sflag:s0] =	ssyncadd.remote.s32 $0x1  }
0xbf: {  	_ =	sfence.sel $0xFFFF  }
0xc0: {  	[dreg:$0x0] =	wrdreg $0xFFFFFFFF;
	(pc) =	sbr.abs _section_cstart, $3  }
0xc1: {  	[dreg:$0x1] =	wrdreg $0xFFFFFFFF  }
0xc2: {  	_ =	task.clear_ibuf [dreg:s7], $0x2FFFF;
	_ =	strace $0x9FFFFFFF  }
0xc3: {  	(tm) =	ssettm $0x7FFFFFFF  }
tec
execute0_lowered:
.L_overlay_start_1:
0x0: {  	(tag) =	ssettag $0x1  }
0x1: {  	s5 =	rddreg [dreg:$0x0]  }
0x2: {  	s6 =	rddreg [dreg:$0x1]  }
0x3: {  	s1 =	rddreg [dreg:$0x2]  }
0x4: {  	s0 =	rddreg [dreg:$0x3]  }
0x5: {  	s3 =	simm.s32 $0x0;
	s2 =	srdreg.scid;
	s15 =	simm.s32 $0x5400  }
0x6: {  	s16 =	simm.s32 $0x1;
	s17 =	simm.s32 $0x80;
	s18 =	simm.s32 $0x2  }
0x7: {  	s19 =	simm.s32 $0x1300;
	s20 =	simm.s32 $0x1380;
	s7 =	sand.u32 $0x1, s2  }
0x8: {  	s21 =	simm.s32 $0x0;
	s2 =	stileid.u32;
	s8 =	smul.u32 $0x140000, s7  }
0x9: {  	[smem:$0x7FF] =	sst s3;
	s11 =	sadd.s32 $0x53D200, s5;
	s9 =	smul.u32 $0x14000, s2  }
0xa: {  	s4 =	sadd.s32 $0xD7200, s5;
	_ =	strace $0x80000053;
	s14 =	smul.u32 $0x50000, s2  }
0xb: {  	s10 =	sshll.u32 s2, $0x1;
	s25 =	ssub.s32 $0x2, s7;
	s28 =	smul.u32 $0x28000, s2  }
0xc: {  	s30 =	smul.u32 $0x14000, s7;
	s31 =	sshll.u32 s2, $0x6;
	s10 =	sor.u32 s7, s10  }
0xd: {  	s13 =	sshrl.u32 s25, $0x1;
	s8 =	sadd.s32 s9, s8;
	s12 =	smul.u32 $0x280, s10  }
0xe: {  	s9 =	ssub.s32 s25, s13;
	s10 =	smul.u32 $0x14000, s10;
	s26 =	sshrl.u32 s14, $0x2  }
0xf: {  	s14 =	simm.s32 $0x1400;
	s8 =	sshrl.u32 s8, $0x3;
	s29 =	sadd.s32 s26, s1  }
0x10: {  	s9 =	smax.u32 s9, $0x1;
	s8 =	sadd.s32 s8, s5;
	s5 =	sadd.s32 s6, s12  }
0x11: {  	s6 =	sadd.s32 s11, s10;
	s11 =	sadd.s32 s28, s11;
	s12 =	sor.u32 $0x1C03, s31  }
0x12: {  	s13 =	sshrl.u32 s29, $0x3;
	s7 =	sadd.s32 $0x800, s6;
	s10 =	sadd.s32 s30, s11  }
0x13: {  	s8 =	sadd.s32 $0xD9A00, s8;
	s11 =	simm.s32 $0x3;
	s10 =	sadd.s32 $0x1800, s10  }
.LBB2_1:
0x14: {  	[tilespmem:s3], [sflag:$0x3] =	stream.linear.gather [hbm4b:s5+s3], $0x1400, $0x38;
	[tilespmem:$0x1D400] =	vst v63  }
0x15: {  	_ =	swait.ge [sflag:s11], $0x1400  }
0x16: {  	[sflag:s11] =	ssyncset.done $0x0  }
0x17: {  	[sflag:s11] =	ssyncadd.s32 $0xFFFFEC00  }
0x18: {  	[spmem:s13], [sflag:s12] =	dma.local [hbm:s4], $0x2800  }
0x19: {  	_ =	swait.ge [sflag:s11], $0x2800  }
0x1a: {  	[sflag:s11] =	ssyncset.done $0x0  }
0x1b: {  	[sflag:s11] =	ssyncadd.s32 $0xFFFFD800  }
0x1c: {  	[bflag:$0x0] =	sbarrier.arrive $0xFFFF  }
0x1d: {  	[tilespmem:s14], [sflag:$0x1] =	stream.linear.gather [hbm4b:s6+s3], $0x4000, $0x38;
	[tilespmem:$0x1D400] =	vst v63  }
0x1e: {  	_ = 	snop  }
0x1f: {  	[tilespmem:s15], [sflag:$0x2] =	stream.linear.gather [hbm4b:s7+s3], $0x4000, $0x38;
	[tilespmem:$0x1D400] =	vst v63  }
0x20: {  	_ =	swait.ge [sflag:s16], $0x4000  }
0x21: {  	[sflag:s16] =	ssyncset.done $0x0  }
0x22: {  	s22 =	simm.s32 $0x0;
	[sflag:s16] =	ssyncadd.s32 $0xFFFFC000  }
0x23: {  	[spmem:s1] =	stream.indirect.scatter.add.f32 [tilespmem:s14], [sflag:$0x3], $0x80, s22, s17, $0xb8;
	[tilespmem:$0x1D400] =	vst v63  }
0x24: {  	_ =	swait.ge [sflag:s11], $0x4000  }
0x25: {  	[sflag:s11] =	ssyncset.done $0x0  }
0x26: {  	s30 =	sadd.s32 $0xFFFFF800, s10;
	[sflag:s11] =	ssyncadd.s32 $0xFFFFC000  }
0x27: {  	[tilespmem:s14], [sflag:$0x1] =	stream.linear.gather [hbm4b:s30+s3], $0x4000, $0x38;
	[tilespmem:$0x1D400] =	vst v63  }
0x28: {  	_ =	swait.ge [sflag:s18], $0x4000  }
0x29: {  	[sflag:s18] =	ssyncset.done $0x0  }
0x2a: {  	s31 =	simm.s32 $0x80;
	[sflag:s18] =	ssyncadd.s32 $0xFFFFC000  }
0x2b: {  	[spmem:s1] =	stream.indirect.scatter.add.f32 [tilespmem:s15], [sflag:$0x3], $0x80, s31, s17, $0xb8;
	[tilespmem:$0x1D400] =	vst v63  }
0x2c: {  	_ =	swait.ge [sflag:s11], $0x4000  }
0x2d: {  	s23 =	sadd.s32 $0x1000, s10;
	[sflag:s11] =	ssyncset.done $0x0  }
0x2e: {  	s24 =	smov.u32 s10;
	s22 =	simm.s32 $0x400;
	[sflag:s11] =	ssyncadd.s32 $0xFFFFC000  }
.LBB2_2:
0x2f: {  	[tilespmem:s15], [sflag:$0x2] =	stream.linear.gather [hbm4b:s24+s3], $0x4000, $0x38;
	[tilespmem:$0x1D400] =	vst v63  }
0x30: {  	s25 =	smov.u32 s22;
	s24 =	smov.u32 s23  }
0x31: {  	p0 =	sne.s32 s22, $0x4800;
	s22 =	sadd.s32 $0x400, s22;
	_ =	swait.ge [sflag:s16], $0x4000  }
0x32: {  	[sflag:s16] =	ssyncset.done $0x0  }
0x33: {  	s25 =	sshra.s32 s25, $0x2;
	[sflag:s16] =	ssyncadd.s32 $0xFFFFC000  }
0x34: {  	[spmem:s1] =	stream.indirect.scatter.add.f32 [tilespmem:s14], [sflag:$0x3], $0x80, s25, s17, $0xb8;
	[tilespmem:$0x1D400] =	vst v63  }
0x35: {  	_ =	swait.ge [sflag:s11], $0x4000  }
0x36: {  	[sflag:s11] =	ssyncset.done $0x0  }
0x37: {  	s26 =	sadd.s32 $0xFFFFF800, s23;
	[sflag:s11] =	ssyncadd.s32 $0xFFFFC000  }
0x38: {  	[tilespmem:s14], [sflag:$0x1] =	stream.linear.gather [hbm4b:s26+s3], $0x4000, $0x38;
	[tilespmem:$0x1D400] =	vst v63  }
0x39: {  	_ =	swait.ge [sflag:s18], $0x4000  }
0x3a: {  	[sflag:s18] =	ssyncset.done $0x0  }
.Ltmp0:
0x3b: {  	s25 =	sadd.s32 $0x80, s25;
	[sflag:s18] =	ssyncadd.s32 $0xFFFFC000;
	(pc) =	sbr.rel @p0 .LBB2_2-.Ltmp0, $4  }
0x3c: {  	[spmem:s1] =	stream.indirect.scatter.add.f32 [tilespmem:s15], [sflag:$0x3], $0x80, s25, s17, $0xb8;
	[tilespmem:$0x1D400] =	vst v63  }
0x3d: {  	_ =	swait.ge [sflag:s11], $0x4000  }
0x3e: {  	[sflag:s11] =	ssyncset.done $0x0  }
0x3f: {  	s23 =	sadd.s32 $0x1000, s23;
	[sflag:s11] =	ssyncadd.s32 $0xFFFFC000  }
0x40: {  	[tilespmem:s15], [sflag:$0x2] =	stream.linear.gather [hbm4b:s24+s3], $0x4000, $0x38;
	[tilespmem:$0x1D400] =	vst v63  }
0x41: {  	_ =	swait.ge [sflag:s16], $0x4000  }
0x42: {  	[sflag:s16] =	ssyncset.done $0x0  }
0x43: {  	[sflag:s16] =	ssyncadd.s32 $0xFFFFC000  }
0x44: {  	[spmem:s1] =	stream.indirect.scatter.add.f32 [tilespmem:s14], [sflag:$0x3], $0x80, s19, s17, $0xb8;
	[tilespmem:$0x1D400] =	vst v63  }
0x45: {  	_ =	swait.ge [sflag:s11], $0x4000  }
0x46: {  	[sflag:s11] =	ssyncset.done $0x0  }
0x47: {  	[sflag:s11] =	ssyncadd.s32 $0xFFFFC000  }
0x48: {  	_ =	swait.ge [sflag:s18], $0x4000  }
0x49: {  	[sflag:s18] =	ssyncset.done $0x0  }
0x4a: {  	[sflag:s18] =	ssyncadd.s32 $0xFFFFC000  }
0x4b: {  	[spmem:s1] =	stream.indirect.scatter.add.f32 [tilespmem:s15], [sflag:$0x3], $0x80, s20, s17, $0xb8;
	[tilespmem:$0x1D400] =	vst v63  }
0x4c: {  	_ =	swait.ge [sflag:s11], $0x4000  }
0x4d: {  	s21 =	sadd.s32 $0x1, s21;
	[sflag:s11] =	ssyncset.done $0x0  }
0x4e: {  	p0 =	sne.s32 s21, s9;
	[sflag:s11] =	ssyncadd.s32 $0xFFFFC000  }
.Ltmp1:
0x4f: {  	[bflag:$0x0] =	sbarrier.arrive $0xFFFF;
	(pc) =	sbr.rel @p0 .LBB2_1-.Ltmp1, $4  }
0x50: {  	[hbm:s8], [sflag:s12] =	dma.local [spmem:s13], $0x2800  }
0x51: {  	_ =	swait.ge [sflag:s11], $0x2800  }
0x52: {  	[sflag:s11] =	ssyncset.done $0x0  }
0x53: {  	[sflag:s11] =	ssyncadd.s32 $0xFFFFD800  }
0x54: {  	_ =	sfence.sel $0x180000  }
0x55: {  	[bflag:$0x0] =	sbarrier.arrive $0xFFFF  }
0x56: {  	p0 =	sne.s32 s2, $0x0;
	_ =	strace $0x90000053  }
0x57: {  	s0 =	sadd.s32 @!p0 $0x100000, s0;
	[bflag:$0x2] =	sbarrier.arrive $0xFFFF  }
0x58: {  	[sflag:s0] =	ssyncadd.tile.s32 @!p0 $0x1;
	_ =	shalt  }
.Lfunc_end2:
_tile_overlayer_lowered:
.L_overlay_start_2:
0x59: {  	(tag) =	ssettag $0x2  }
0x5a: {  	s0 =	rddreg [dreg:$0x0];
	s2 =	stileid.u32  }
0x5b: {  	s1 =	rddreg [dreg:$0x1];
	p0 =	sne.s32 s2, $0x0  }
0x5c: {  	s3 =	rddreg [dreg:$0x2];
	[bflag:$0x3] =	sbarrier.arrive $0xFFFF;
	s2 =	simm.s32 @!p0 $0x1C03  }
0x5d: {  	[timem:s3], [sflag:s2] =	dma.local @!p0 [hbm:s0], s1  }
0x5e: {  	s0 =	simm.s32 @!p0 $0x3  }
0x5f: {  	_ =	swait.ge @!p0 [sflag:s0], s1  }
0x60: {  	s1 =	ssub.s32 @!p0 $0x0, s1;
	[sflag:s0] =	ssyncset.done @!p0 $0x0  }
0x61: {  	[sflag:s0] =	ssyncadd.s32 @!p0 s1  }
0x62: {  	[bflag:$0x3] =	sbarrier.arrive $0xFFFF  }
0x63: {  	_ =	shalt  }

// kernel: kernel.31.cloned.1.call-start
scs
__scs_entry_jumppad:
0x0: {  	(pc) =	sbr.rel $0x88, $3  }
0x1: {  	(tag) =	ssettag $0x0;
	lr =	simm.s32 $0x1  }
0x2: {  	[smem:$0x3F8F] =	sst lr;
	_ =	strace $0xD0000000  }
0x3: {  	_ = 	snop  }
0x4: {  	_ = 	snop  }
0x5: {  	_ = 	snop  }
0x6: {  	_ = 	snop  }
0x7: {  	_ = 	snop  }
__scs_overlays_trampoline_lowered:
0x8: {  	[smem:$0x3F9E] =	sst s0  }
0x9: {  	[smem:$0x3F9F] =	sst s1  }
0xa: {  	[smem:$0x3FA0] =	sst s2  }
0xb: {  	[smem:$0x3FA1] =	sst s3  }
0xc: {  	[smem:$0x3FA2] =	sst s4  }
0xd: {  	[smem:$0x3FA3] =	sst s5  }
0xe: {  	[smem:$0x3FA4] =	sst s6  }
0xf: {  	[smem:$0x3FA5] =	sst s7  }
0x10: {  	[smem:$0x3FA6] =	sst s8  }
0x11: {  	[smem:$0x3FA7] =	sst s9;
	s0 =	simm.s32 @!p0 $0x0  }
0x12: {  	s1 =	sld [smem:$0x3F8D];
	s0 =	simm.s32 @p0 $0x1  }
0x13: {  	[smem:$0x3FA8] =	sst s0;
	s0 =	simm.s32 @!p1 $0x0  }
0x14: {  	s2 =	sld [smem:$0x3F8C];
	s0 =	simm.s32 @p1 $0x1  }
0x15: {  	[smem:$0x3FA9] =	sst s0;
	s0 =	simm.s32 @!p2 $0x0  }
0x16: {  	s3 =	sld [smem:$0x3FDB];
	s0 =	simm.s32 @p2 $0x1  }
0x17: {  	s4 =	simm.s32 $0x1BF5;
	[smem:$0x3FAB] =	sst s0  }
0x18: {  	s0 =	sld [smem:$0x3F8E];
	_ =	swait.ge [sflag:s4], $0x0  }
0x19: {  	s7 =	sld [smem:$0x3F8F]  }
0x1a: {  	s8 =	sadd.s32 $0xFFFFE003, lr  }
0x1b: {  	s9 =	sadd.s32 $0xFFFFFEF7, lr;
	s5 =	simm.s32 $0xFFFFFFFF;
	p2 =	slt.u32 s8, $0xFFFFF086  }
0x1c: {  	p1 =	slt.u32 s9, $0xF7A;
	s5 =	simm.s32 @!p2 $0x0  }
0x1d: {  	s5 =	simm.s32 @p1 $0x1;
	p0 =	seq.s32 s7, s2  }
0x1e: {  	s7 =	smul.u32 @!p0 $0xF7A, s2;
	p2 =	seq.s32 @!p0 s5, $0x0  }
0x1f: {  	s9 =	smul.u32 $0xF7A, s1;
	s8 =	simm.s32 @!p0 $0x1BF5;
	p2 =	por !p2, p0  }
0x20: {  	[sflag:s8] =	ssyncset.s32 @!p0 $0xFFFFF086;
	s6 =	sadd.s32 @!p0 s3, s7;
	s7 =	simm.s32 @!p0 $0x108  }
0x21: {  	s3 =	sadd.s32 s3, s9;
	s6 =	sadd.s32 @!p0 $0x88, s6;
	s7 =	simm.s32 @p2 $0x1082  }
0x22: {  	[simem:s7], [sflag:s8] =	dma.local @!p0 [hbm:s6], $0xF7A  }
0x23: {  	s9 =	sor.u32 $0xD0000000, s2;
	s6 =	simm.s32 $0x108;
	_ =	swait.ge @!p0 [sflag:s8], $0x0  }
0x24: {  	s3 =	sadd.s32 $0x88, s3;
	s6 =	simm.s32 @!p1 $0x1082;
	[sflag:s4] =	ssyncset.s32 $0xFFFFF086  }
0x25: {  	[simem:s6], [sflag:s4] =	dma.local [hbm:s3], $0xF7A  }
0x26: {  	[smem:$0x3F8F] =	sst s1;
	(tag) =	ssettag s2;
	_ =	strace s9  }
0x27: {  	s1 =	sld [smem:$0x3F9F]  }
0x28: {  	s2 =	sld [smem:$0x3FA0]  }
0x29: {  	s4 =	sld [smem:$0x3FA2]  }
0x2a: {  	p0 =	seq.s32 s5, $0x0;
	s5 =	sld [smem:$0x3FA3]  }
0x2b: {  	s6 =	sld [smem:$0x3FA4]  }
0x2c: {  	s7 =	sld [smem:$0x3FA5]  }
0x2d: {  	s3 =	simm.s32 $0x108;
	s8 =	sld [smem:$0x3FA6]  }
0x2e: {  	s3 =	simm.s32 @!p0 $0x1082;
	s9 =	sld [smem:$0x3FA7]  }
0x2f: {  	lr =	sadd.s32 s0, s3;
	s0 =	sld [smem:$0x3F9E]  }
0x30: {  	s3 =	sld [smem:$0x3FA1]  }
0x31: {  	[smem:$0x3FAA] =	sst s10  }
0x32: {  	s10 =	sld [smem:$0x3FA8];
	_ =	sdelay $0x3  }
0x33: {  	p0 =	seq.s32 s10, $0x1;
	s10 =	sld [smem:$0x3FAA];
	_ =	sdelay $0x3  }
0x34: {  	[smem:$0x3FAA] =	sst s10  }
0x35: {  	s10 =	sld [smem:$0x3FA9];
	_ =	sdelay $0x3  }
0x36: {  	p1 =	seq.s32 s10, $0x1;
	s10 =	sld [smem:$0x3FAA];
	_ =	sdelay $0x3  }
0x37: {  	[smem:$0x3FAA] =	sst s10  }
0x38: {  	s10 =	sld [smem:$0x3FAB]  }
0x39: {  	_ = 	snop;
	(pc) =	sbr.ind lr, $3  }
0x3a: {  	_ = 	snop  }
0x3b: {  	_ = 	snop  }
0x3c: {  	p2 =	seq.s32 s10, $0x1;
	s10 =	sld [smem:$0x3FAA]  }
0x3d: {  	_ =	shalt  }
0x3e: {  	_ =	shalt  }
0x3f: {  	_ =	shalt  }
0x40: {  	_ =	shalt  }
0x41: {  	_ =	shalt  }
0x42: {  	_ =	shalt  }
0x43: {  	_ =	shalt  }
0x44: {  	_ =	shalt  }
0x45: {  	_ =	shalt  }
0x46: {  	_ =	shalt  }
0x47: {  	_ =	shalt  }
0x48: {  	_ =	shalt  }
0x49: {  	_ =	shalt  }
0x4a: {  	_ =	shalt  }
0x4b: {  	_ =	shalt  }
0x4c: {  	_ =	shalt  }
0x4d: {  	_ =	shalt  }
0x4e: {  	_ =	shalt  }
0x4f: {  	_ =	shalt  }
0x50: {  	_ =	shalt  }
0x51: {  	_ =	shalt  }
0x52: {  	_ =	shalt  }
0x53: {  	_ =	shalt  }
0x54: {  	_ =	shalt  }
0x55: {  	_ =	shalt  }
0x56: {  	_ =	shalt  }
0x57: {  	_ =	shalt  }
0x58: {  	_ =	shalt  }
0x59: {  	_ =	shalt  }
0x5a: {  	_ =	shalt  }
0x5b: {  	_ =	shalt  }
0x5c: {  	_ =	shalt  }
0x5d: {  	_ =	shalt  }
0x5e: {  	_ =	shalt  }
0x5f: {  	_ =	shalt  }
0x60: {  	_ =	shalt  }
0x61: {  	_ =	shalt  }
0x62: {  	_ =	shalt  }
0x63: {  	_ =	shalt  }
0x64: {  	_ =	shalt  }
0x65: {  	_ =	shalt  }
0x66: {  	_ =	shalt  }
0x67: {  	_ =	shalt  }
0x68: {  	_ =	shalt  }
0x69: {  	_ =	shalt  }
0x6a: {  	_ =	shalt  }
0x6b: {  	_ =	shalt  }
0x6c: {  	_ =	shalt  }
0x6d: {  	_ =	shalt  }
0x6e: {  	_ =	shalt  }
0x6f: {  	_ =	shalt  }
0x70: {  	_ =	shalt  }
0x71: {  	_ =	shalt  }
0x72: {  	_ =	shalt  }
0x73: {  	_ =	shalt  }
0x74: {  	_ =	shalt  }
0x75: {  	_ =	shalt  }
0x76: {  	_ =	shalt  }
0x77: {  	_ =	shalt  }
0x78: {  	_ =	shalt  }
0x79: {  	_ =	shalt  }
0x7a: {  	_ =	shalt  }
0x7b: {  	_ =	shalt  }
0x7c: {  	_ =	shalt  }
0x7d: {  	_ =	shalt  }
0x7e: {  	_ =	shalt  }
0x7f: {  	_ =	shalt  }
0x80: {  	_ =	shalt  }
0x81: {  	_ =	shalt  }
0x82: {  	_ =	shalt  }
0x83: {  	_ =	shalt  }
0x84: {  	_ =	shalt  }
0x85: {  	_ =	shalt  }
0x86: {  	_ =	shalt  }
0x87: {  	_ =	shalt  }
.Lfunc_end0:
.L_simem_size_0:
called_computation.5_lowered:
.L_overlay_start_0:
0x88: {  	s2 =	sld [smem:$0x3FD9]  }
0x89: {  	s3 =	sld [smem:$0x3FFE];
	_ =	sdelay $0x1  }
0x8a: {  	s1 =	srdreg.scid  }
0x8b: {  	s0 =	sand.u32 $0x1, s1  }
0x8c: {  	s16 =	sshll.u32 s0, $0xA;
	s2 =	sadd.s32 s3, s2  }
0x8d: {  	s2 =	sadd.s32 s2, s16  }
0x8e: {  	[smem:$0x3FB6] =	sst s2  }
0x8f: {  	_ = 	snop  }
0x90: {  	(tm) =	ssettm $0x1  }
0x91: {  	s17 =	sld [smem:$0x3FFB];
	_ =	sdelay $0x3  }
0x92: {  	_ =	strace s17  }
0x93: {  	s2 =	sld [smem:$0x3FFC];
	_ =	sdelay $0x3  }
0x94: {  	_ =	strace s2  }
0x95: {  	s2 =	sld [smem:$0x3FFD];
	_ =	sdelay $0x3  }
0x96: {  	_ =	strace s2  }
0x97: {  	_ =	strace $0x8FFFFFFF  }
0x98: {  	s18 =	sld [smem:$0x3FDB];
	_ =	sdelay $0x1  }
0x99: {  	s19 =	simm.s32 $_scs_section_size  }
0x9a: {  	s4 =	simm.s32 $_size__tile_overlayer_lowered;
	s5 =	simm.s32 $_tile_overlayer_lowered  }
0x9b: {  	s22 =	simm.s32 $0x1BFF;
	s21 =	sshll.u32 s5, $0x1;
	s2 =	sadd.s32 s19, s18  }
0x9c: {  	s6 =	simm.s32 $0x0;
	s20 =	sshll.u32 s4, $0x1;
	s4 =	sadd.s32 s21, s2  }
0x9d: {  	[timem:s6], [sflag:s22] =	dma.local [hbm:s4], s20  }
0x9e: {  	_ =	swait.ge [sflag:s22], s20  }
0x9f: {  	s3 =	ssub.s32 $0x0, s20;
	[sflag:s22] =	ssyncset.done $0x0  }
0xa0: {  	[sflag:s22] =	ssyncadd.s32 s3;
	_ =	sdelay $0x1  }
0xa1: {  	s23 =	simm.s32 $0x1B8B  }
0xa2: {  	_ =	swait.ge [sflag:s23], $0x1  }
0xa3: {  	[sflag:s23] =	ssyncset.done $0x0  }
0xa4: {  	s25 =	simm.s32 $0x1B8E;
	s24 =	sld [smem:$0x3FFE];
	[sflag:s23] =	ssyncadd.s32 $0xFFFFFFFF  }
0xa5: {  	s26 =	simm.s32 $execute0_lowered;
	[smem:$0x3FD2] =	sst s25  }
0xa6: {  	s4 =	sshll.u32 s26, $0x1;
	_ =	strace $0x80000055;
	[dreg:$0x1] =	wrdreg $0xFFFFFFFF  }
0xa7: {  	s28 =	simm.s32 $_size_execute0_lowered;
	s2 =	sadd.s32 s2, s4;
	[dreg:$0x0] =	wrdreg $0x0  }
0xa8: {  	s4 =	sshll.u32 s28, $0x1;
	[dreg:$0x2] =	wrdreg s2  }
0xa9: {  	[dreg:$0x3] =	wrdreg s4  }
0xaa: {  	[dreg:$0x4] =	wrdreg $0xC0  }
0xab: {  	_ =	task [dreg:s6], $0x5FFFF  }
0xac: {  	[dreg:$0x1] =	wrdreg $0xFFFFFFFF  }
0xad: {  	[dreg:$0x0] =	wrdreg $0x60  }
0xae: {  	[dreg:$0x2] =	wrdreg s24  }
0xaf: {  	[dreg:$0x3] =	wrdreg $0x94000  }
0xb0: {  	[dreg:$0x4] =	wrdreg $0x9  }
0xb1: {  	_ =	task.clear_ibuf [dreg:s6], $0x5FFFF;
	_ =	strace $0x90000055  }
0xb2: {  	s29 =	simm.s32 $0x9;
	_ =	strace $0x80000057  }
0xb3: {  	_ =	swait.ge [sflag:s29], $0x1  }
0xb4: {  	[sflag:s29] =	ssyncadd.s32 $0xFFFFFFFF  }
0xb5: {  	_ =	strace $0x90000057  }
0xb6: {  	_ =	sfence  }
0xb7: {  	s30 =	sld [smem:$0x0];
	_ =	sdelay $0x2  }
0xb8: {  	s31 =	sshll.u32 s1, $0xD;
	s1 =	sshrl.u32 s1, $0x2  }
0xb9: {  	s3 =	sand.u32 $0x4000, s31;
	s1 =	sadd.s32 s1, s30  }
0xba: {  	s0 =	sor.u32 s3, s0;
	s1 =	sshll.u32 s1, $0x11  }
0xbb: {  	s0 =	sor.u32 s1, s0  }
0xbc: {  	s0 =	sadd.s32 $0x8F2B, s0  }
0xbd: {  	[sflag:s0] =	ssyncadd.remote.s32 $0x1  }
0xbe: {  	_ =	sfence.sel $0xFFFF  }
0xbf: {  	[dreg:$0x0] =	wrdreg $0xFFFFFFFF;
	(pc) =	sbr.abs _section_cstart, $3  }
0xc0: {  	[dreg:$0x1] =	wrdreg $0xFFFFFFFF  }
0xc1: {  	_ =	task.clear_ibuf [dreg:s6], $0x2FFFF;
	_ =	strace $0x9FFFFFFF  }
0xc2: {  	(tm) =	ssettm $0x7FFFFFFF  }
0xc3: {  	_ =	shalt  }
tec
execute0_lowered:
.L_overlay_start_1:
0x0: {  	(tag) =	ssettag $0x1  }
0x1: {  	s4 =	rddreg [dreg:$0x0]  }
0x2: {  	s2 =	rddreg [dreg:$0x1];
	s1 =	stileid.u32  }
0x3: {  	s3 =	srdreg.scid;
	s7 =	smul.u32 $0x2800, s1  }
0x4: {  	s0 =	rddreg [dreg:$0x2];
	s17 =	simm.s32 $0x1;
	s10 =	smul.u32 $0x50000, s1  }
0x5: {  	s18 =	simm.s32 $0x2;
	s19 =	simm.s32 $0x0;
	s29 =	smul.u32 $0x28000, s1  }
0x6: {  	s6 =	sand.u32 $0x1, s3;
	s5 =	sshll.u32 s1, $0x1;
	s15 =	smul.u32 $0x140000, s1  }
0x7: {  	s3 =	simm.s32 $0x0;
	s11 =	sadd.s32 $0xD9A00, s4;
	s13 =	smul.u32 $0x14000, s6  }
0x8: {  	s30 =	sshll.u32 s1, $0x6;
	s5 =	sor.u32 s6, s5;
	s16 =	smul.u32 $0xA0000, s6  }
0x9: {  	[smem:$0x7FF] =	sst s3;
	s9 =	ssub.s32 $0x2, s6;
	s8 =	smul.u32 $0x280, s5  }
0xa: {  	_ =	strace $0x80000056;
	s7 =	sadd.s32 s7, s4;
	s26 =	sshrl.u32 s9, $0x1  }
0xb: {  	s5 =	smul.u32 $0xA0000, s5;
	s28 =	sshrl.u32 s10, $0x2;
	s10 =	sadd.s32 s29, s11  }
0xc: {  	s9 =	ssub.s32 s9, s26;
	s12 =	sadd.s32 s28, s2;
	s10 =	sadd.s32 s13, s10  }
0xd: {  	s31 =	sadd.s32 s16, s15;
	s15 =	simm.s32 $0x1400;
	s16 =	simm.s32 $0x5400  }
0xe: {  	s8 =	sadd.s32 s8, s4;
	s4 =	sadd.s32 $0xF200, s7;
	s14 =	sshrl.u32 s5, $0x3  }
0xf: {  	s5 =	sor.u32 $0x1C03, s30;
	s9 =	smax.u32 s9, $0x1;
	s10 =	sadd.s32 $0x800, s10  }
0x10: {  	s13 =	sshrl.u32 s31, $0x3;
	s12 =	sshrl.u32 s12, $0x3;
	s14 =	sadd.s32 s11, s14  }
0x11: {  	s6 =	sadd.s32 $0xA200, s8;
	s11 =	sadd.s32 s13, s11;
	s13 =	simm.s32 $0x3  }
0x12: {  	s7 =	sadd.s32 $0x13000, s14;
	s8 =	sadd.s32 $0x13800, s14;
	s14 =	simm.s32 $0x80  }
.LBB2_1:
0x13: {  	[spmem:s12], [sflag:s5] =	dma.local [hbm:s4], $0x2800  }
0x14: {  	_ =	swait.ge [sflag:s13], $0x2800  }
0x15: {  	[sflag:s13] =	ssyncset.done $0x0  }
0x16: {  	[sflag:s13] =	ssyncadd.s32 $0xFFFFD800  }
0x17: {  	[tilespmem:s3], [sflag:$0x3] =	stream.linear.gather [hbm4b:s6+s3], $0x1400, $0x38;
	[tilespmem:$0x1D400] =	vst v63  }
0x18: {  	_ =	swait.ge [sflag:s13], $0x1400  }
0x19: {  	[sflag:s13] =	ssyncset.done $0x0  }
0x1a: {  	[sflag:s13] =	ssyncadd.s32 $0xFFFFEC00  }
0x1b: {  	[bflag:$0x0] =	sbarrier.arrive $0xFFFF  }
0x1c: {  	[tilespmem:s15], [sflag:$0x1] =	stream.indirect.gather [spmem:s2], $0x80, s3, s14, $0xb8;
	[tilespmem:$0x1D400] =	vst v63  }
0x1d: {  	_ = 	snop  }
0x1e: {  	[tilespmem:s16], [sflag:$0x2] =	stream.indirect.gather [spmem:s2], $0x80, s14, s14, $0xb8;
	[tilespmem:$0x1D400] =	vst v63  }
0x1f: {  	_ =	swait.ge [sflag:s17], $0x4000  }
0x20: {  	[sflag:s17] =	ssyncset.done $0x0  }
0x21: {  	s20 =	sadd.s32 $0x0, s11;
	[sflag:s17] =	ssyncadd.s32 $0xFFFFC000  }
0x22: {  	[hbm4b:s20+s3] =	stream.linear.scatter [tilespmem:s15], [sflag:$0x3], $0x4000, $0x38;
	[tilespmem:$0x1D400] =	vst v63  }
0x23: {  	_ =	swait.ge [sflag:s13], $0x4000  }
0x24: {  	[sflag:s13] =	ssyncset.done $0x0  }
0x25: {  	s30 =	simm.s32 $0x100;
	[sflag:s13] =	ssyncadd.s32 $0xFFFFC000  }
0x26: {  	[tilespmem:s15], [sflag:$0x1] =	stream.indirect.gather [spmem:s2], $0x80, s30, s14, $0xb8;
	[tilespmem:$0x1D400] =	vst v63  }
0x27: {  	_ =	swait.ge [sflag:s18], $0x4000  }
0x28: {  	[sflag:s18] =	ssyncset.done $0x0  }
0x29: {  	s31 =	sadd.s32 $0x0, s10;
	[sflag:s18] =	ssyncadd.s32 $0xFFFFC000  }
0x2a: {  	[hbm4b:s31+s3] =	stream.linear.scatter [tilespmem:s16], [sflag:$0x3], $0x4000, $0x38;
	[tilespmem:$0x1D400] =	vst v63  }
0x2b: {  	_ =	swait.ge [sflag:s13], $0x4000  }
0x2c: {  	s21 =	simm.s32 $0x1000;
	[sflag:s13] =	ssyncset.done $0x0  }
0x2d: {  	s22 =	simm.s32 $0x280;
	s20 =	simm.s32 $0x180;
	[sflag:s13] =	ssyncadd.s32 $0xFFFFC000  }
.LBB2_2:
0x2e: {  	[tilespmem:s16], [sflag:$0x2] =	stream.indirect.gather [spmem:s2], $0x80, s20, s14, $0xb8;
	[tilespmem:$0x1D400] =	vst v63  }
0x2f: {  	s23 =	smov.u32 s21;
	s20 =	smov.u32 s22  }
0x30: {  	p0 =	sne.s32 s21, $0x12000;
	s21 =	sadd.s32 $0x1000, s21;
	_ =	swait.ge [sflag:s17], $0x4000  }
0x31: {  	[sflag:s17] =	ssyncset.done $0x0  }
0x32: {  	s24 =	sadd.s32 s23, s11;
	[sflag:s17] =	ssyncadd.s32 $0xFFFFC000  }
0x33: {  	[hbm4b:s24+s3] =	stream.linear.scatter [tilespmem:s15], [sflag:$0x3], $0x4000, $0x38;
	[tilespmem:$0x1D400] =	vst v63  }
0x34: {  	_ =	swait.ge [sflag:s13], $0x4000  }
0x35: {  	[sflag:s13] =	ssyncset.done $0x0  }
0x36: {  	s24 =	sadd.s32 $0xFFFFFF80, s22;
	[sflag:s13] =	ssyncadd.s32 $0xFFFFC000  }
0x37: {  	[tilespmem:s15], [sflag:$0x1] =	stream.indirect.gather [spmem:s2], $0x80, s24, s14, $0xb8;
	[tilespmem:$0x1D400] =	vst v63  }
0x38: {  	_ =	swait.ge [sflag:s18], $0x4000  }
0x39: {  	[sflag:s18] =	ssyncset.done $0x0  }
.Ltmp0:
0x3a: {  	s23 =	sadd.s32 s23, s10;
	[sflag:s18] =	ssyncadd.s32 $0xFFFFC000;
	(pc) =	sbr.rel @p0 .LBB2_2-.Ltmp0, $4  }
0x3b: {  	[hbm4b:s23+s3] =	stream.linear.scatter [tilespmem:s16], [sflag:$0x3], $0x4000, $0x38;
	[tilespmem:$0x1D400] =	vst v63  }
0x3c: {  	_ =	swait.ge [sflag:s13], $0x4000  }
0x3d: {  	[sflag:s13] =	ssyncset.done $0x0  }
0x3e: {  	s22 =	sadd.s32 $0x100, s22;
	[sflag:s13] =	ssyncadd.s32 $0xFFFFC000  }
0x3f: {  	[tilespmem:s16], [sflag:$0x2] =	stream.indirect.gather [spmem:s2], $0x80, s20, s14, $0xb8;
	[tilespmem:$0x1D400] =	vst v63  }
0x40: {  	_ =	swait.ge [sflag:s17], $0x4000  }
0x41: {  	[sflag:s17] =	ssyncset.done $0x0  }
0x42: {  	[sflag:s17] =	ssyncadd.s32 $0xFFFFC000  }
0x43: {  	[hbm4b:s7+s3] =	stream.linear.scatter [tilespmem:s15], [sflag:$0x3], $0x4000, $0x38;
	[tilespmem:$0x1D400] =	vst v63  }
0x44: {  	_ =	swait.ge [sflag:s13], $0x4000  }
0x45: {  	[sflag:s13] =	ssyncset.done $0x0  }
0x46: {  	[sflag:s13] =	ssyncadd.s32 $0xFFFFC000  }
0x47: {  	s19 =	sadd.s32 $0x1, s19;
	_ =	swait.ge [sflag:s18], $0x4000  }
0x48: {  	p0 =	sne.s32 s19, s9;
	[sflag:s18] =	ssyncset.done $0x0  }
.Ltmp1:
0x49: {  	[sflag:s18] =	ssyncadd.s32 $0xFFFFC000;
	(pc) =	sbr.rel @p0 .LBB2_1-.Ltmp1, $4  }
0x4a: {  	[hbm4b:s8+s3] =	stream.linear.scatter [tilespmem:s16], [sflag:$0x3], $0x4000, $0x38;
	[tilespmem:$0x1D400] =	vst v63  }
0x4b: {  	_ =	swait.ge [sflag:s13], $0x4000  }
0x4c: {  	[sflag:s13] =	ssyncset.done $0x0  }
0x4d: {  	[sflag:s13] =	ssyncadd.s32 $0xFFFFC000  }
0x4e: {  	_ =	sfence.sel $0x180000  }
0x4f: {  	[bflag:$0x0] =	sbarrier.arrive $0xFFFF  }
0x50: {  	p0 =	sne.s32 s1, $0x0;
	_ =	strace $0x90000056  }
0x51: {  	s0 =	sadd.s32 @!p0 $0x100000, s0;
	[bflag:$0x2] =	sbarrier.arrive $0xFFFF  }
0x52: {  	[sflag:s0] =	ssyncadd.tile.s32 @!p0 $0x1;
	_ =	shalt  }
.Lfunc_end2:
_tile_overlayer_lowered:
.L_overlay_start_2:
0x53: {  	(tag) =	ssettag $0x2  }
0x54: {  	s0 =	rddreg [dreg:$0x0];
	s2 =	stileid.u32  }
0x55: {  	s1 =	rddreg [dreg:$0x1];
	p0 =	sne.s32 s2, $0x0  }
0x56: {  	s3 =	rddreg [dreg:$0x2];
	[bflag:$0x3] =	sbarrier.arrive $0xFFFF;
	s2 =	simm.s32 @!p0 $0x1C03  }
0x57: {  	[timem:s3], [sflag:s2] =	dma.local @!p0 [hbm:s0], s1  }
0x58: {  	s0 =	simm.s32 @!p0 $0x3  }
0x59: {  	_ =	swait.ge @!p0 [sflag:s0], s1  }
0x5a: {  	s1 =	ssub.s32 @!p0 $0x0, s1;
	[sflag:s0] =	ssyncset.done @!p0 $0x0  }
0x5b: {  	[sflag:s0] =	ssyncadd.s32 @!p0 s1  }
0x5c: {  	[bflag:$0x3] =	sbarrier.arrive $0xFFFF  }
0x5d: {  	_ =	shalt  }

// kernel: kernel.34.cloned.1.call-start
scs
__scs_entry_jumppad:
0x0: {  	(pc) =	sbr.rel $0x88, $3  }
0x1: {  	(tag) =	ssettag $0x0;
	lr =	simm.s32 $0x1  }
0x2: {  	[smem:$0x3F8F] =	sst lr;
	_ =	strace $0xD0000000  }
0x3: {  	_ = 	snop  }
0x4: {  	_ = 	snop  }
0x5: {  	_ = 	snop  }
0x6: {  	_ = 	snop  }
0x7: {  	_ = 	snop  }
__scs_overlays_trampoline_lowered:
0x8: {  	[smem:$0x3F9E] =	sst s0  }
0x9: {  	[smem:$0x3F9F] =	sst s1  }
0xa: {  	[smem:$0x3FA0] =	sst s2  }
0xb: {  	[smem:$0x3FA1] =	sst s3  }
0xc: {  	[smem:$0x3FA2] =	sst s4  }
0xd: {  	[smem:$0x3FA3] =	sst s5  }
0xe: {  	[smem:$0x3FA4] =	sst s6  }
0xf: {  	[smem:$0x3FA5] =	sst s7  }
0x10: {  	[smem:$0x3FA6] =	sst s8  }
0x11: {  	[smem:$0x3FA7] =	sst s9;
	s0 =	simm.s32 @!p0 $0x0  }
0x12: {  	s1 =	sld [smem:$0x3F8D];
	s0 =	simm.s32 @p0 $0x1  }
0x13: {  	[smem:$0x3FA8] =	sst s0;
	s0 =	simm.s32 @!p1 $0x0  }
0x14: {  	s2 =	sld [smem:$0x3F8C];
	s0 =	simm.s32 @p1 $0x1  }
0x15: {  	[smem:$0x3FA9] =	sst s0;
	s0 =	simm.s32 @!p2 $0x0  }
0x16: {  	s3 =	sld [smem:$0x3FDB];
	s0 =	simm.s32 @p2 $0x1  }
0x17: {  	s4 =	simm.s32 $0x1BF5;
	[smem:$0x3FAB] =	sst s0  }
0x18: {  	s0 =	sld [smem:$0x3F8E];
	_ =	swait.ge [sflag:s4], $0x0  }
0x19: {  	s7 =	sld [smem:$0x3F8F]  }
0x1a: {  	s8 =	sadd.s32 $0xFFFFE003, lr  }
0x1b: {  	s9 =	sadd.s32 $0xFFFFFEF7, lr;
	s5 =	simm.s32 $0xFFFFFFFF;
	p2 =	slt.u32 s8, $0xFFFFF086  }
0x1c: {  	p1 =	slt.u32 s9, $0xF7A;
	s5 =	simm.s32 @!p2 $0x0  }
0x1d: {  	s5 =	simm.s32 @p1 $0x1;
	p0 =	seq.s32 s7, s2  }
0x1e: {  	s7 =	smul.u32 @!p0 $0xF7A, s2;
	p2 =	seq.s32 @!p0 s5, $0x0  }
0x1f: {  	s9 =	smul.u32 $0xF7A, s1;
	s8 =	simm.s32 @!p0 $0x1BF5;
	p2 =	por !p2, p0  }
0x20: {  	[sflag:s8] =	ssyncset.s32 @!p0 $0xFFFFF086;
	s6 =	sadd.s32 @!p0 s3, s7;
	s7 =	simm.s32 @!p0 $0x108  }
0x21: {  	s3 =	sadd.s32 s3, s9;
	s6 =	sadd.s32 @!p0 $0x88, s6;
	s7 =	simm.s32 @p2 $0x1082  }
0x22: {  	[simem:s7], [sflag:s8] =	dma.local @!p0 [hbm:s6], $0xF7A  }
0x23: {  	s9 =	sor.u32 $0xD0000000, s2;
	s6 =	simm.s32 $0x108;
	_ =	swait.ge @!p0 [sflag:s8], $0x0  }
0x24: {  	s3 =	sadd.s32 $0x88, s3;
	s6 =	simm.s32 @!p1 $0x1082;
	[sflag:s4] =	ssyncset.s32 $0xFFFFF086  }
0x25: {  	[simem:s6], [sflag:s4] =	dma.local [hbm:s3], $0xF7A  }
0x26: {  	[smem:$0x3F8F] =	sst s1;
	(tag) =	ssettag s2;
	_ =	strace s9  }
0x27: {  	s1 =	sld [smem:$0x3F9F]  }
0x28: {  	s2 =	sld [smem:$0x3FA0]  }
0x29: {  	s4 =	sld [smem:$0x3FA2]  }
0x2a: {  	p0 =	seq.s32 s5, $0x0;
	s5 =	sld [smem:$0x3FA3]  }
0x2b: {  	s6 =	sld [smem:$0x3FA4]  }
0x2c: {  	s7 =	sld [smem:$0x3FA5]  }
0x2d: {  	s3 =	simm.s32 $0x108;
	s8 =	sld [smem:$0x3FA6]  }
0x2e: {  	s3 =	simm.s32 @!p0 $0x1082;
	s9 =	sld [smem:$0x3FA7]  }
0x2f: {  	lr =	sadd.s32 s0, s3;
	s0 =	sld [smem:$0x3F9E]  }
0x30: {  	s3 =	sld [smem:$0x3FA1]  }
0x31: {  	[smem:$0x3FAA] =	sst s10  }
0x32: {  	s10 =	sld [smem:$0x3FA8];
	_ =	sdelay $0x3  }
0x33: {  	p0 =	seq.s32 s10, $0x1;
	s10 =	sld [smem:$0x3FAA];
	_ =	sdelay $0x3  }
0x34: {  	[smem:$0x3FAA] =	sst s10  }
0x35: {  	s10 =	sld [smem:$0x3FA9];
	_ =	sdelay $0x3  }
0x36: {  	p1 =	seq.s32 s10, $0x1;
	s10 =	sld [smem:$0x3FAA];
	_ =	sdelay $0x3  }
0x37: {  	[smem:$0x3FAA] =	sst s10  }
0x38: {  	s10 =	sld [smem:$0x3FAB]  }
0x39: {  	_ = 	snop;
	(pc) =	sbr.ind lr, $3  }
0x3a: {  	_ = 	snop  }
0x3b: {  	_ = 	snop  }
0x3c: {  	p2 =	seq.s32 s10, $0x1;
	s10 =	sld [smem:$0x3FAA]  }
0x3d: {  	_ =	shalt  }
0x3e: {  	_ =	shalt  }
0x3f: {  	_ =	shalt  }
0x40: {  	_ =	shalt  }
0x41: {  	_ =	shalt  }
0x42: {  	_ =	shalt  }
0x43: {  	_ =	shalt  }
0x44: {  	_ =	shalt  }
0x45: {  	_ =	shalt  }
0x46: {  	_ =	shalt  }
0x47: {  	_ =	shalt  }
0x48: {  	_ =	shalt  }
0x49: {  	_ =	shalt  }
0x4a: {  	_ =	shalt  }
0x4b: {  	_ =	shalt  }
0x4c: {  	_ =	shalt  }
0x4d: {  	_ =	shalt  }
0x4e: {  	_ =	shalt  }
0x4f: {  	_ =	shalt  }
0x50: {  	_ =	shalt  }
0x51: {  	_ =	shalt  }
0x52: {  	_ =	shalt  }
0x53: {  	_ =	shalt  }
0x54: {  	_ =	shalt  }
0x55: {  	_ =	shalt  }
0x56: {  	_ =	shalt  }
0x57: {  	_ =	shalt  }
0x58: {  	_ =	shalt  }
0x59: {  	_ =	shalt  }
0x5a: {  	_ =	shalt  }
0x5b: {  	_ =	shalt  }
0x5c: {  	_ =	shalt  }
0x5d: {  	_ =	shalt  }
0x5e: {  	_ =	shalt  }
0x5f: {  	_ =	shalt  }
0x60: {  	_ =	shalt  }
0x61: {  	_ =	shalt  }
0x62: {  	_ =	shalt  }
0x63: {  	_ =	shalt  }
0x64: {  	_ =	shalt  }
0x65: {  	_ =	shalt  }
0x66: {  	_ =	shalt  }
0x67: {  	_ =	shalt  }
0x68: {  	_ =	shalt  }
0x69: {  	_ =	shalt  }
0x6a: {  	_ =	shalt  }
0x6b: {  	_ =	shalt  }
0x6c: {  	_ =	shalt  }
0x6d: {  	_ =	shalt  }
0x6e: {  	_ =	shalt  }
0x6f: {  	_ =	shalt  }
0x70: {  	_ =	shalt  }
0x71: {  	_ =	shalt  }
0x72: {  	_ =	shalt  }
0x73: {  	_ =	shalt  }
0x74: {  	_ =	shalt  }
0x75: {  	_ =	shalt  }
0x76: {  	_ =	shalt  }
0x77: {  	_ =	shalt  }
0x78: {  	_ =	shalt  }
0x79: {  	_ =	shalt  }
0x7a: {  	_ =	shalt  }
0x7b: {  	_ =	shalt  }
0x7c: {  	_ =	shalt  }
0x7d: {  	_ =	shalt  }
0x7e: {  	_ =	shalt  }
0x7f: {  	_ =	shalt  }
0x80: {  	_ =	shalt  }
0x81: {  	_ =	shalt  }
0x82: {  	_ =	shalt  }
0x83: {  	_ =	shalt  }
0x84: {  	_ =	shalt  }
0x85: {  	_ =	shalt  }
0x86: {  	_ =	shalt  }
0x87: {  	_ =	shalt  }
.Lfunc_end0:
.L_simem_size_0:
called_computation.6_lowered:
.L_overlay_start_0:
0x88: {  	s2 =	sld [smem:$0x3FD9]  }
0x89: {  	s3 =	sld [smem:$0x3FFE];
	_ =	sdelay $0x1  }
0x8a: {  	s1 =	srdreg.scid  }
0x8b: {  	s0 =	sand.u32 $0x1, s1  }
0x8c: {  	s17 =	sshll.u32 s0, $0xA;
	s2 =	sadd.s32 s3, s2  }
0x8d: {  	s2 =	sadd.s32 s2, s17  }
0x8e: {  	[smem:$0x3FB6] =	sst s2  }
0x8f: {  	_ = 	snop  }
0x90: {  	s2 =	sld [smem:$0x3FD0];
	(tm) =	ssettm $0x1  }
0x91: {  	s18 =	sld [smem:$0x3FFB];
	_ =	sdelay $0x3  }
0x92: {  	_ =	strace s18  }
0x93: {  	s3 =	sld [smem:$0x3FFC];
	_ =	sdelay $0x3  }
0x94: {  	_ =	strace s3  }
0x95: {  	s3 =	sld [smem:$0x3FFD];
	_ =	sdelay $0x3  }
0x96: {  	_ =	strace s3  }
0x97: {  	_ =	strace $0x8FFFFFFF  }
0x98: {  	s19 =	sld [smem:$0x3FDB];
	_ =	sdelay $0x1  }
0x99: {  	s4 =	simm.s32 $_scs_section_size  }
0x9a: {  	s5 =	simm.s32 $_size__tile_overlayer_lowered;
	s6 =	simm.s32 $_tile_overlayer_lowered  }
0x9b: {  	s22 =	simm.s32 $0x1BFF;
	s21 =	sshll.u32 s6, $0x1;
	s3 =	sadd.s32 s4, s19  }
0x9c: {  	s7 =	simm.s32 $0x0;
	s20 =	sshll.u32 s5, $0x1;
	s5 =	sadd.s32 s21, s3  }
0x9d: {  	[timem:s7], [sflag:s22] =	dma.local [hbm:s5], s20  }
0x9e: {  	_ =	swait.ge [sflag:s22], s20  }
0x9f: {  	s4 =	ssub.s32 $0x0, s20;
	[sflag:s22] =	ssyncset.done $0x0  }
0xa0: {  	[sflag:s22] =	ssyncadd.s32 s4;
	_ =	sdelay $0x1  }
0xa1: {  	s23 =	simm.s32 $0x1B8B  }
0xa2: {  	_ =	swait.ge [sflag:s23], $0x1  }
0xa3: {  	[sflag:s23] =	ssyncset.done $0x0  }
0xa4: {  	s25 =	simm.s32 $0x1B8E;
	s24 =	sld [smem:$0x3FFE];
	[sflag:s23] =	ssyncadd.s32 $0xFFFFFFFF  }
0xa5: {  	s26 =	simm.s32 $execute0_lowered;
	[smem:$0x3FD2] =	sst s25  }
0xa6: {  	s5 =	sshll.u32 s26, $0x1;
	_ =	strace $0x80000058;
	[dreg:$0x1] =	wrdreg $0xFFFFFFFF  }
0xa7: {  	s28 =	simm.s32 $_size_execute0_lowered;
	s3 =	sadd.s32 s3, s5;
	[dreg:$0x0] =	wrdreg $0x0  }
0xa8: {  	s5 =	sshll.u32 s28, $0x1;
	[dreg:$0x2] =	wrdreg s3  }
0xa9: {  	[dreg:$0x3] =	wrdreg s5  }
0xaa: {  	[dreg:$0x4] =	wrdreg $0xC0  }
0xab: {  	_ =	task [dreg:s7], $0x5FFFF  }
0xac: {  	[dreg:$0x1] =	wrdreg $0xFFFFFFFF  }
0xad: {  	[dreg:$0x0] =	wrdreg $0x60  }
0xae: {  	[dreg:$0x2] =	wrdreg s24  }
0xaf: {  	[dreg:$0x3] =	wrdreg s2  }
0xb0: {  	[dreg:$0x4] =	wrdreg $0x94000  }
0xb1: {  	[dreg:$0x5] =	wrdreg $0x9  }
0xb2: {  	_ =	task.clear_ibuf [dreg:s7], $0x6FFFF;
	_ =	strace $0x90000058  }
0xb3: {  	s29 =	simm.s32 $0x9;
	_ =	strace $0x8000005A  }
0xb4: {  	_ =	swait.ge [sflag:s29], $0x1  }
0xb5: {  	[sflag:s29] =	ssyncadd.s32 $0xFFFFFFFF  }
0xb6: {  	_ =	strace $0x9000005A  }
0xb7: {  	_ =	sfence  }
0xb8: {  	s30 =	sld [smem:$0x0];
	_ =	sdelay $0x2  }
0xb9: {  	s31 =	sshll.u32 s1, $0xD;
	s1 =	sshrl.u32 s1, $0x2  }
0xba: {  	s3 =	sand.u32 $0x4000, s31;
	s1 =	sadd.s32 s1, s30  }
0xbb: {  	s0 =	sor.u32 s3, s0;
	s1 =	sshll.u32 s1, $0x11  }
0xbc: {  	s0 =	sor.u32 s1, s0  }
0xbd: {  	s0 =	sadd.s32 $0x8F2B, s0  }
0xbe: {  	[sflag:s0] =	ssyncadd.remote.s32 $0x1  }
0xbf: {  	_ =	sfence.sel $0xFFFF  }
0xc0: {  	[dreg:$0x0] =	wrdreg $0xFFFFFFFF;
	(pc) =	sbr.abs _section_cstart, $3  }
0xc1: {  	[dreg:$0x1] =	wrdreg $0xFFFFFFFF  }
0xc2: {  	_ =	task.clear_ibuf [dreg:s7], $0x2FFFF;
	_ =	strace $0x9FFFFFFF  }
0xc3: {  	(tm) =	ssettm $0x7FFFFFFF  }
tec
execute0_lowered:
.L_overlay_start_1:
0x0: {  	(tag) =	ssettag $0x1  }
0x1: {  	s5 =	rddreg [dreg:$0x0]  }
0x2: {  	s6 =	rddreg [dreg:$0x1]  }
0x3: {  	s1 =	rddreg [dreg:$0x2]  }
0x4: {  	s0 =	rddreg [dreg:$0x3]  }
0x5: {  	s3 =	simm.s32 $0x0;
	s2 =	srdreg.scid;
	s15 =	simm.s32 $0x5400  }
0x6: {  	s16 =	simm.s32 $0x1;
	s17 =	simm.s32 $0x80;
	s18 =	simm.s32 $0x2  }
0x7: {  	s19 =	simm.s32 $0x1300;
	s20 =	simm.s32 $0x1380;
	s7 =	sand.u32 $0x1, s2  }
0x8: {  	s21 =	simm.s32 $0x0;
	s2 =	stileid.u32;
	s8 =	smul.u32 $0x140000, s7  }
0x9: {  	[smem:$0x7FF] =	sst s3;
	s11 =	sadd.s32 $0x359A00, s5;
	s9 =	smul.u32 $0x14000, s2  }
0xa: {  	s4 =	sadd.s32 $0xD7200, s5;
	_ =	strace $0x80000059;
	s14 =	smul.u32 $0x50000, s2  }
0xb: {  	s10 =	sshll.u32 s2, $0x1;
	s25 =	ssub.s32 $0x2, s7;
	s28 =	smul.u32 $0x28000, s2  }
0xc: {  	s30 =	smul.u32 $0x14000, s7;
	s31 =	sshll.u32 s2, $0x6;
	s10 =	sor.u32 s7, s10  }
0xd: {  	s13 =	sshrl.u32 s25, $0x1;
	s8 =	sadd.s32 s9, s8;
	s12 =	smul.u32 $0x280, s10  }
0xe: {  	s9 =	ssub.s32 s25, s13;
	s10 =	smul.u32 $0x14000, s10;
	s26 =	sshrl.u32 s14, $0x2  }
0xf: {  	s14 =	simm.s32 $0x1400;
	s8 =	sshrl.u32 s8, $0x3;
	s29 =	sadd.s32 s26, s1  }
0x10: {  	s9 =	smax.u32 s9, $0x1;
	s8 =	sadd.s32 s8, s5;
	s5 =	sadd.s32 s6, s12  }
0x11: {  	s6 =	sadd.s32 s11, s10;
	s11 =	sadd.s32 s28, s11;
	s12 =	sor.u32 $0x1C03, s31  }
0x12: {  	s13 =	sshrl.u32 s29, $0x3;
	s7 =	sadd.s32 $0x800, s6;
	s10 =	sadd.s32 s30, s11  }
0x13: {  	s8 =	sadd.s32 $0x37200, s8;
	s11 =	simm.s32 $0x3;
	s10 =	sadd.s32 $0x1800, s10  }
.LBB2_1:
0x14: {  	[tilespmem:s3], [sflag:$0x3] =	stream.linear.gather [hbm4b:s5+s3], $0x1400, $0x38;
	[tilespmem:$0x1D400] =	vst v63  }
0x15: {  	_ =	swait.ge [sflag:s11], $0x1400  }
0x16: {  	[sflag:s11] =	ssyncset.done $0x0  }
0x17: {  	[sflag:s11] =	ssyncadd.s32 $0xFFFFEC00  }
0x18: {  	[spmem:s13], [sflag:s12] =	dma.local [hbm:s4], $0x2800  }
0x19: {  	_ =	swait.ge [sflag:s11], $0x2800  }
0x1a: {  	[sflag:s11] =	ssyncset.done $0x0  }
0x1b: {  	[sflag:s11] =	ssyncadd.s32 $0xFFFFD800  }
0x1c: {  	[bflag:$0x0] =	sbarrier.arrive $0xFFFF  }
0x1d: {  	[tilespmem:s14], [sflag:$0x1] =	stream.linear.gather [hbm4b:s6+s3], $0x4000, $0x38;
	[tilespmem:$0x1D400] =	vst v63  }
0x1e: {  	_ = 	snop  }
0x1f: {  	[tilespmem:s15], [sflag:$0x2] =	stream.linear.gather [hbm4b:s7+s3], $0x4000, $0x38;
	[tilespmem:$0x1D400] =	vst v63  }
0x20: {  	_ =	swait.ge [sflag:s16], $0x4000  }
0x21: {  	[sflag:s16] =	ssyncset.done $0x0  }
0x22: {  	s22 =	simm.s32 $0x0;
	[sflag:s16] =	ssyncadd.s32 $0xFFFFC000  }
0x23: {  	[spmem:s1] =	stream.indirect.scatter.add.f32 [tilespmem:s14], [sflag:$0x3], $0x80, s22, s17, $0xb8;
	[tilespmem:$0x1D400] =	vst v63  }
0x24: {  	_ =	swait.ge [sflag:s11], $0x4000  }
0x25: {  	[sflag:s11] =	ssyncset.done $0x0  }
0x26: {  	s30 =	sadd.s32 $0xFFFFF800, s10;
	[sflag:s11] =	ssyncadd.s32 $0xFFFFC000  }
0x27: {  	[tilespmem:s14], [sflag:$0x1] =	stream.linear.gather [hbm4b:s30+s3], $0x4000, $0x38;
	[tilespmem:$0x1D400] =	vst v63  }
0x28: {  	_ =	swait.ge [sflag:s18], $0x4000  }
0x29: {  	[sflag:s18] =	ssyncset.done $0x0  }
0x2a: {  	s31 =	simm.s32 $0x80;
	[sflag:s18] =	ssyncadd.s32 $0xFFFFC000  }
0x2b: {  	[spmem:s1] =	stream.indirect.scatter.add.f32 [tilespmem:s15], [sflag:$0x3], $0x80, s31, s17, $0xb8;
	[tilespmem:$0x1D400] =	vst v63  }
0x2c: {  	_ =	swait.ge [sflag:s11], $0x4000  }
0x2d: {  	s23 =	sadd.s32 $0x1000, s10;
	[sflag:s11] =	ssyncset.done $0x0  }
0x2e: {  	s24 =	smov.u32 s10;
	s22 =	simm.s32 $0x400;
	[sflag:s11] =	ssyncadd.s32 $0xFFFFC000  }
.LBB2_2:
0x2f: {  	[tilespmem:s15], [sflag:$0x2] =	stream.linear.gather [hbm4b:s24+s3], $0x4000, $0x38;
	[tilespmem:$0x1D400] =	vst v63  }
0x30: {  	s25 =	smov.u32 s22;
	s24 =	smov.u32 s23  }
0x31: {  	p0 =	sne.s32 s22, $0x4800;
	s22 =	sadd.s32 $0x400, s22;
	_ =	swait.ge [sflag:s16], $0x4000  }
0x32: {  	[sflag:s16] =	ssyncset.done $0x0  }
0x33: {  	s25 =	sshra.s32 s25, $0x2;
	[sflag:s16] =	ssyncadd.s32 $0xFFFFC000  }
0x34: {  	[spmem:s1] =	stream.indirect.scatter.add.f32 [tilespmem:s14], [sflag:$0x3], $0x80, s25, s17, $0xb8;
	[tilespmem:$0x1D400] =	vst v63  }
0x35: {  	_ =	swait.ge [sflag:s11], $0x4000  }
0x36: {  	[sflag:s11] =	ssyncset.done $0x0  }
0x37: {  	s26 =	sadd.s32 $0xFFFFF800, s23;
	[sflag:s11] =	ssyncadd.s32 $0xFFFFC000  }
0x38: {  	[tilespmem:s14], [sflag:$0x1] =	stream.linear.gather [hbm4b:s26+s3], $0x4000, $0x38;
	[tilespmem:$0x1D400] =	vst v63  }
0x39: {  	_ =	swait.ge [sflag:s18], $0x4000  }
0x3a: {  	[sflag:s18] =	ssyncset.done $0x0  }
.Ltmp0:
0x3b: {  	s25 =	sadd.s32 $0x80, s25;
	[sflag:s18] =	ssyncadd.s32 $0xFFFFC000;
	(pc) =	sbr.rel @p0 .LBB2_2-.Ltmp0, $4  }
0x3c: {  	[spmem:s1] =	stream.indirect.scatter.add.f32 [tilespmem:s15], [sflag:$0x3], $0x80, s25, s17, $0xb8;
	[tilespmem:$0x1D400] =	vst v63  }
0x3d: {  	_ =	swait.ge [sflag:s11], $0x4000  }
0x3e: {  	[sflag:s11] =	ssyncset.done $0x0  }
0x3f: {  	s23 =	sadd.s32 $0x1000, s23;
	[sflag:s11] =	ssyncadd.s32 $0xFFFFC000  }
0x40: {  	[tilespmem:s15], [sflag:$0x2] =	stream.linear.gather [hbm4b:s24+s3], $0x4000, $0x38;
	[tilespmem:$0x1D400] =	vst v63  }
0x41: {  	_ =	swait.ge [sflag:s16], $0x4000  }
0x42: {  	[sflag:s16] =	ssyncset.done $0x0  }
0x43: {  	[sflag:s16] =	ssyncadd.s32 $0xFFFFC000  }
0x44: {  	[spmem:s1] =	stream.indirect.scatter.add.f32 [tilespmem:s14], [sflag:$0x3], $0x80, s19, s17, $0xb8;
	[tilespmem:$0x1D400] =	vst v63  }
0x45: {  	_ =	swait.ge [sflag:s11], $0x4000  }
0x46: {  	[sflag:s11] =	ssyncset.done $0x0  }
0x47: {  	[sflag:s11] =	ssyncadd.s32 $0xFFFFC000  }
0x48: {  	_ =	swait.ge [sflag:s18], $0x4000  }
0x49: {  	[sflag:s18] =	ssyncset.done $0x0  }
0x4a: {  	[sflag:s18] =	ssyncadd.s32 $0xFFFFC000  }
0x4b: {  	[spmem:s1] =	stream.indirect.scatter.add.f32 [tilespmem:s15], [sflag:$0x3], $0x80, s20, s17, $0xb8;
	[tilespmem:$0x1D400] =	vst v63  }
0x4c: {  	_ =	swait.ge [sflag:s11], $0x4000  }
0x4d: {  	s21 =	sadd.s32 $0x1, s21;
	[sflag:s11] =	ssyncset.done $0x0  }
0x4e: {  	p0 =	sne.s32 s21, s9;
	[sflag:s11] =	ssyncadd.s32 $0xFFFFC000  }
.Ltmp1:
0x4f: {  	[bflag:$0x0] =	sbarrier.arrive $0xFFFF;
	(pc) =	sbr.rel @p0 .LBB2_1-.Ltmp1, $4  }
0x50: {  	[hbm:s8], [sflag:s12] =	dma.local [spmem:s13], $0x2800  }
0x51: {  	_ =	swait.ge [sflag:s11], $0x2800  }
0x52: {  	[sflag:s11] =	ssyncset.done $0x0  }
0x53: {  	[sflag:s11] =	ssyncadd.s32 $0xFFFFD800  }
0x54: {  	_ =	sfence.sel $0x180000  }
0x55: {  	[bflag:$0x0] =	sbarrier.arrive $0xFFFF  }
0x56: {  	p0 =	sne.s32 s2, $0x0;
	_ =	strace $0x90000059  }
0x57: {  	s0 =	sadd.s32 @!p0 $0x100000, s0;
	[bflag:$0x2] =	sbarrier.arrive $0xFFFF  }
0x58: {  	[sflag:s0] =	ssyncadd.tile.s32 @!p0 $0x1;
	_ =	shalt  }
.Lfunc_end2:
_tile_overlayer_lowered:
.L_overlay_start_2:
0x59: {  	(tag) =	ssettag $0x2  }
0x5a: {  	s0 =	rddreg [dreg:$0x0];
	s2 =	stileid.u32  }
0x5b: {  	s1 =	rddreg [dreg:$0x1];
	p0 =	sne.s32 s2, $0x0  }
0x5c: {  	s3 =	rddreg [dreg:$0x2];
	[bflag:$0x3] =	sbarrier.arrive $0xFFFF;
	s2 =	simm.s32 @!p0 $0x1C03  }
0x5d: {  	[timem:s3], [sflag:s2] =	dma.local @!p0 [hbm:s0], s1  }
0x5e: {  	s0 =	simm.s32 @!p0 $0x3  }
0x5f: {  	_ =	swait.ge @!p0 [sflag:s0], s1  }
0x60: {  	s1 =	ssub.s32 @!p0 $0x0, s1;
	[sflag:s0] =	ssyncset.done @!p0 $0x0  }
0x61: {  	[sflag:s0] =	ssyncadd.s32 @!p0 s1  }
0x62: {  	[bflag:$0x3] =	sbarrier.arrive $0xFFFF  }
0x63: {  	_ =	shalt  }

</sc_bundles>
